<compile_context>
chip_gen: v7x
topology: tpu7x:2x2x1
jax: 0.10.2.dev20260603
libtpu: 0.0.44.dev20260713+nightly
codegen_flags: <defaults>
</compile_context>

<pallas_src>
import functools

import jax
import jax.numpy as jnp
from jax import lax
from jax.experimental import pallas as pl
from jax.experimental.pallas import tpu as pltpu
from jax.experimental.pallas import tpu_sc as plsc

N_NODES = 10000
N_EDGES = 320000
D_FEAT = 128
D_HALF = 64
N_CLASSES = 40
C_PAD = 48
C_STRIDE = 48
D_STRIDE = 64

NC = 2
NS = 16
NW = NC * NS
L = 16
K = 160
NBUF = 4
NBI = 8
N_PAD = 10240
ROWS_PER_TILE = N_PAD // NS
ZSIZES = (160, 160, 160, 160)

NCH1 = -(-N_EDGES // (NS * K))
E1_PAD = NS * K * NCH1
NCH2 = -(-N_EDGES // (NW * K))
E2_PAD = NW * K * NCH2


def _make_edge_aggregate(d, nch, col_split, nsv):
    mesh = plsc.VectorSubcoreMesh(core_axis_name="c", subcore_axis_name="s")

    @functools.partial(
        pl.kernel,
        out_type=jax.ShapeDtypeStruct((NC, N_PAD, d), jnp.float32),
        mesh=mesh,
        scratch_types=[
            pltpu.VMEM((NBI, K), jnp.int32),
            pltpu.VMEM((NBI, K), jnp.int32),
            pltpu.VMEM((NBI, K), jnp.float32),
            pltpu.VMEM((NBUF, K, d), jnp.float32),
            pltpu.VMEM_SHARED((N_PAD, d), jnp.float32),
            pltpu.VMEM_SHARED((N_PAD, d), jnp.float32),
            pltpu.SemaphoreType.DMA,
            pltpu.SemaphoreType.DMA,
            pltpu.SemaphoreType.DMA,
        ],
        compiler_params=pltpu.CompilerParams(
            needs_layout_passes=False,
            use_tc_tiling_on_sc=False,
        ),
    )
    def body(feat_hbm, src_hbm, dst_hbm, w_hbm, out_hbm,
             srcv, dstv, wv, rows, table, acc, gsem, ssem, isem):
        cid = lax.axis_index("c")
        sid = lax.axis_index("s")
        widx = sid if col_split else sid * NC + cid
        tbase = sid * ROWS_PER_TILE
        zero16 = jnp.zeros((L,), jnp.float32)

        def fetch_idx(i, slot):
            pltpu.async_copy(src_hbm.at[widx, i], srcv.at[slot], isem)
            pltpu.async_copy(dst_hbm.at[widx, i], dstv.at[slot], isem)
            pltpu.async_copy(w_hbm.at[widx, i], wv.at[slot], isem)

        def wait_idx(i, slot):
            pltpu.make_async_copy(src_hbm.at[widx, i], srcv.at[slot],
                                  isem).wait()
            pltpu.make_async_copy(dst_hbm.at[widx, i], dstv.at[slot],
                                  isem).wait()
            pltpu.make_async_copy(w_hbm.at[widx, i], wv.at[slot],
                                  isem).wait()

        fetch_idx(0, 0)
        fetch_idx(1, 1)
        fetch_idx(2, 2)

        if col_split:
            pltpu.sync_copy(feat_hbm.at[cid, pl.ds(tbase, ROWS_PER_TILE)],
                            table.at[pl.ds(tbase, ROWS_PER_TILE)])
        else:
            pltpu.sync_copy(feat_hbm.at[pl.ds(tbase, ROWS_PER_TILE)],
                            table.at[pl.ds(tbase, ROWS_PER_TILE)])

        def zbody(j, _):
            for t in range(d // L):
                rows[0, j, pl.ds(t * L, L)] = zero16
            return 0
        lax.fori_loop(0, K, zbody, 0)
        off = 0
        for z in ZSIZES:
            pltpu.sync_copy(rows.at[0, pl.ds(0, z)],
                            acc.at[pl.ds(tbase + off, z)])
            off += z
        plsc.subcore_barrier()

        def chunk(t, _):
            i = t - 1

            @pl.when(jnp.logical_and(i >= 3, i - 3 < nch))
            def _():
                pltpu.make_async_copy(rows.at[lax.rem(i - 3, NBUF)],
                                      acc.at[dstv.at[lax.rem(i - 3, NBI)]],
                                      ssem).wait()

            @pl.when(i + 1 < nch)
            def _():
                g = i + 1
                gslot = lax.rem(g, NBI)
                wait_idx(g, gslot)
                pltpu.async_copy(table.at[srcv.at[gslot]],
                                 rows.at[lax.rem(g, NBUF)], gsem)

            @pl.when(i + 4 < nch)
            def _():
                fetch_idx(i + 4, lax.rem(i + 4, NBI))

            @pl.when(jnp.logical_and(i >= 1, i - 1 < nch))
            def _():
                j = i - 1
                pslot = lax.rem(j, NBI)
                pbuf = lax.rem(j, NBUF)
                pltpu.make_async_copy(table.at[srcv.at[pslot]],
                                      rows.at[pbuf], gsem).wait()

                def gbody(gg, _):
                    base = gg * L
                    for jj in range(L):
                        e = base + jj
                        ws = plsc.load_gather(
                            wv, [jnp.full((L,), pslot, jnp.int32),
                                 jnp.full((L,), e, jnp.int32)])
                        for tt in range(nsv):
                            rows[pbuf, e, pl.ds(tt * L, L)] = (
                                rows[pbuf, e, pl.ds(tt * L, L)] * ws)
                    return 0
                lax.fori_loop(0, K // L, gbody, 0)

                pltpu.async_copy(rows.at[pbuf], acc.at[dstv.at[pslot]], ssem,
                                 add=True)
            return 0
        lax.fori_loop(0, nch + 2, chunk, 0)
        for jj in (nch - 2, nch - 1):
            pltpu.make_async_copy(rows.at[jj % NBUF],
                                  acc.at[dstv.at[jj % NBI]], ssem).wait()

        plsc.subcore_barrier()
        off = 0
        for z in ZSIZES:
            pltpu.sync_copy(acc.at[pl.ds(tbase + off, z)],
                            out_hbm.at[cid, pl.ds(tbase + off, z)])
            off += z

    return body


_agg1 = _make_edge_aggregate(D_STRIDE, NCH1, col_split=True, nsv=D_HALF // L)
_agg2 = _make_edge_aggregate(C_STRIDE, NCH2, col_split=False, nsv=C_PAD // L)


def _mm1(xp, w1s):
    def body(x_ref, w_ref, o_ref):
        o_ref[0] = jnp.dot(x_ref[...], w_ref[0],
                           preferred_element_type=jnp.float32)
    return pl.pallas_call(
        body,
        grid=(2, 8),
        in_specs=[pl.BlockSpec((1280, D_FEAT), lambda c, i: (i, 0)),
                  pl.BlockSpec((1, D_FEAT, D_STRIDE), lambda c, i: (c, 0, 0))],
        out_specs=pl.BlockSpec((1, 1280, D_STRIDE), lambda c, i: (c, i, 0)),
        out_shape=jax.ShapeDtypeStruct((NC, N_PAD, D_STRIDE), jnp.float32),
    )(xp, w1s)


def _relu_mm(p, b1e, w2e):
    def body(p_ref, b_ref, w_ref, o_ref):
        h = jnp.concatenate([p_ref[0], p_ref[1]], axis=-1)
        h = jnp.maximum(h + b_ref[...], 0.0)
        o_ref[...] = jnp.dot(h, w_ref[...], preferred_element_type=jnp.float32)
    return pl.pallas_call(
        body,
        grid=(8,),
        in_specs=[pl.BlockSpec((2, 1280, D_STRIDE), lambda i: (0, i, 0)),
                  pl.BlockSpec((1, 2 * D_STRIDE), lambda i: (0, 0)),
                  pl.BlockSpec((2 * D_STRIDE, C_STRIDE), lambda i: (0, 0))],
        out_specs=pl.BlockSpec((1280, C_STRIDE), lambda i: (i, 0)),
        out_shape=jax.ShapeDtypeStruct((N_PAD, C_STRIDE), jnp.float32),
    )(p, b1e.reshape(1, 2 * D_STRIDE), w2e)


def _lsm(q, b2p):
    def body(q_ref, b_ref, o_ref):
        z = q_ref[0] + q_ref[1] + b_ref[...]
        m = jnp.max(z, axis=1, keepdims=True)
        e = jnp.exp(z - m)
        o_ref[...] = z - m - jnp.log(jnp.sum(e, axis=1, keepdims=True))
    return pl.pallas_call(
        body,
        grid=(8,),
        in_specs=[pl.BlockSpec((2, 1280, C_STRIDE), lambda i: (0, i, 0)),
                  pl.BlockSpec((1, C_STRIDE), lambda i: (0, 0))],
        out_specs=pl.BlockSpec((1280, C_STRIDE), lambda i: (i, 0)),
        out_shape=jax.ShapeDtypeStruct((N_PAD, C_STRIDE), jnp.float32),
    )(q, b2p.reshape(1, C_STRIDE))


def kernel(x, edge_index, edge_weight, W1, b1, W2, b2):
    src = edge_index[0].astype(jnp.int32)
    dst = edge_index[1].astype(jnp.int32)
    w = edge_weight.astype(jnp.float32)

    src1 = jnp.pad(src, (0, E1_PAD - N_EDGES)).reshape(NS, NCH1, K)
    dst1 = jnp.pad(dst, (0, E1_PAD - N_EDGES)).reshape(NS, NCH1, K)
    w1e = jnp.pad(w, (0, E1_PAD - N_EDGES)).reshape(NS, NCH1, K)
    src2 = jnp.pad(src, (0, E2_PAD - N_EDGES)).reshape(NW, NCH2, K)
    dst2 = jnp.pad(dst, (0, E2_PAD - N_EDGES)).reshape(NW, NCH2, K)
    w2e = jnp.pad(w, (0, E2_PAD - N_EDGES)).reshape(NW, NCH2, K)

    xp = jnp.pad(x, ((0, N_PAD - N_NODES), (0, 0)))
    w1s = W1.reshape(D_FEAT, NC, D_HALF).transpose(1, 0, 2)
    w1s = jnp.pad(w1s, ((0, 0), (0, 0), (0, D_STRIDE - D_HALF)))
    t1 = _mm1(xp, w1s)
    p = _agg1(t1, src1, dst1, w1e)
    w2c = jnp.pad(W2, ((0, 0), (0, C_STRIDE - N_CLASSES)))
    w2x = jnp.zeros((2 * D_STRIDE, C_STRIDE), jnp.float32)
    w2x = w2x.at[0:D_HALF].set(w2c[0:D_HALF])
    w2x = w2x.at[D_STRIDE:D_STRIDE + D_HALF].set(w2c[D_HALF:D_FEAT])
    b1e = jnp.zeros((2 * D_STRIDE,), jnp.float32)
    b1e = b1e.at[0:D_HALF].set(b1[0:D_HALF])
    b1e = b1e.at[D_STRIDE:D_STRIDE + D_HALF].set(b1[D_HALF:D_FEAT])
    t2 = _relu_mm(p, b1e, w2x)
    q = _agg2(t2, src2, dst2, w2e)
    b2p = jnp.pad(b2, (0, C_STRIDE - N_CLASSES), constant_values=-1e30)
    out = _lsm(q, b2p)
    return out[:N_NODES, :N_CLASSES]

# --- scband reference (transcript-rebuilt; emitter-appended) ---
"""Pipeline reference for scband-base-gnn-3238405341614 (READ-ONLY COPY).

The authoritative reference and input builder live on the scoring server;
editing this copy changes nothing except your own understanding.
"""

import jax, jax.numpy as jnp
import numpy as np

N_NODES = 10000
N_EDGES = 320000
D_FEAT = 128
D_HID = 128
N_CLASSES = 40


def setup_inputs(seed: int = 0) -> dict:
    key = jax.random.key(seed)
    k1, k2, k3, k4, k5, k6, k7 = jax.random.split(key, 7)
    x = jax.random.normal(k1, (N_NODES, D_FEAT), dtype=jnp.float32)
    edge_index = jax.random.randint(k2, (2, N_EDGES), 0, N_NODES, dtype=jnp.int64)
    edge_weight = jax.random.uniform(k3, (N_EDGES,), dtype=jnp.float32)
    s1 = 1.0 / np.sqrt(D_FEAT)
    s2 = 1.0 / np.sqrt(D_HID)
    W1 = jax.random.uniform(k4, (D_FEAT, D_HID), dtype=jnp.float32, minval=-s1, maxval=s1)
    b1 = jax.random.uniform(k5, (D_HID,), dtype=jnp.float32, minval=-s1, maxval=s1)
    W2 = jax.random.uniform(k6, (D_HID, N_CLASSES), dtype=jnp.float32, minval=-s2, maxval=s2)
    b2 = jax.random.uniform(k7, (N_CLASSES,), dtype=jnp.float32, minval=-s2, maxval=s2)
    return {"x": x, "edge_index": edge_index, "edge_weight": edge_weight,
            "W1": W1, "b1": b1, "W2": W2, "b2": b2}


def _gcn_layer(h, src, dst, edge_weight, W, b, n_nodes):
    # message = edge_weight * h[src]; aggregate by scatter-add onto dst; then linear
    m = h[src] * edge_weight[:, None]
    agg = jax.ops.segment_sum(m, dst, num_segments=n_nodes)
    return agg @ W + b


def reference(x, edge_index, edge_weight, W1, b1, W2, b2):
    # BaseGNN.forward_full with nlayers=2 GCN-style conv layers, eval mode
    # (dropout p acts as identity in eval), relu between layers,
    # followed by F.log_softmax(out, dim=1) as in BaseGNN.forward.
    src = edge_index[0]
    dst = edge_index[1]
    n_nodes = x.shape[0]
    h = x  # F.dropout(x, training=False) -> identity
    h = _gcn_layer(h, src, dst, edge_weight, W1, b1, n_nodes)
    h = jax.nn.relu(h)  # activation between layers (dropout identity in eval)
    h = _gcn_layer(h, src, dst, edge_weight, W2, b2, n_nodes)
    return jax.nn.log_softmax(h, axis=1)

if __name__ == "__main__":
    import jax
    _d = setup_inputs()
    print(jax.jit(kernel)(*tuple(_d.values())))

</pallas_src>

<mosaic_0001>
#map = affine_map<(d0, d1) -> (0, 0, 0)>
module attributes {stable_mosaic.version = 14 : i64} {
  func.func @body(%arg0: i32, %arg1: i32, %arg2: memref<2x10240x64xf32, #tpu.memory_space<hbm>>, %arg3: memref<16x125x160xi32, #tpu.memory_space<hbm>>, %arg4: memref<16x125x160xi32, #tpu.memory_space<hbm>>, %arg5: memref<16x125x160xf32, #tpu.memory_space<hbm>>, %arg6: memref<2x10240x64xf32, #tpu.memory_space<hbm>>, %arg7: memref<8x160xi32, #tpu.memory_space<vmem>>, %arg8: memref<8x160xi32, #tpu.memory_space<vmem>>, %arg9: memref<8x160xf32, #tpu.memory_space<vmem>>, %arg10: memref<4x160x64xf32, #tpu.memory_space<vmem>>, %arg11: memref<10240x64xf32, #tpu.memory_space<vmem_shared>>, %arg12: memref<10240x64xf32, #tpu.memory_space<vmem_shared>>, %arg13: memref<!tpu.dma_semaphore, #tpu.memory_space<semaphore_mem>>, %arg14: memref<!tpu.dma_semaphore, #tpu.memory_space<semaphore_mem>>, %arg15: memref<!tpu.dma_semaphore, #tpu.memory_space<semaphore_mem>>) attributes {dimension_semantics = [#tpu.dimension_semantics<core_parallel>, #tpu.dimension_semantics<subcore_parallel>], iteration_bounds = array<i64: 2, 16>, scalar_prefetch = 0 : i64, scratch_operands = 9 : i64, tpu.core_type = #tpu.core_type<sc_vector_subcore>, window_params = [{transform_indices = #map}, {transform_indices = #map}, {transform_indices = #map}, {transform_indices = #map}, {transform_indices = #map}]} {
    %mul3A = arith.constant 640 : i32
    %mul3A_0 = arith.muli %arg1, %mul3A : i32
    %broadcast_in_dim3A = arith.constant 0.000000e+00 : f32
    %broadcast_in_dim3A_1 = vector.broadcast %broadcast_in_dim3A : f32 to vector<16xf32>
    %dma_start3A = arith.constant 0 : i32
    %dma_start3A_2 = arith.constant 0 : i32
    %dma_start3A_3 = arith.constant 0 : i32
    %dma_start3A_4 = tpu.memref_slice %arg7[%dma_start3A_2, %dma_start3A_3] : memref<8x160xi32, #tpu.memory_space<vmem>> -> memref<1x160xi32, #tpu.memory_space<vmem>>
    %dma_start3A_5 = tpu.memref_squeeze %dma_start3A_4 : memref<1x160xi32, #tpu.memory_space<vmem>> -> memref<160xi32, #tpu.memory_space<vmem>>
    %dma_start3A_6 = arith.constant 0 : i32
    %dma_start3A_7 = tpu.memref_slice %arg3[%arg1, %dma_start3A, %dma_start3A_6] : memref<16x125x160xi32, #tpu.memory_space<hbm>> -> memref<1x1x160xi32, #tpu.memory_space<hbm>>
    %dma_start3A_8 = tpu.memref_squeeze %dma_start3A_7 : memref<1x1x160xi32, #tpu.memory_space<hbm>> -> memref<160xi32, #tpu.memory_space<hbm>>
    %dma_start3A_9 = arith.constant 0 : i32
    %dma_start3A_10 = tpu.memref_slice %arg7[%dma_start3A_2, %dma_start3A_9] : memref<8x160xi32, #tpu.memory_space<vmem>> -> memref<1x160xi32, #tpu.memory_space<vmem>>
    %dma_start3A_11 = tpu.memref_squeeze %dma_start3A_10 : memref<1x160xi32, #tpu.memory_space<vmem>> -> memref<160xi32, #tpu.memory_space<vmem>>
    %dma_start3A_12 = arith.constant 0 : i32
    %dma_start3A_13 = tpu.memref_slice %arg3[%arg1, %dma_start3A, %dma_start3A_12] : memref<16x125x160xi32, #tpu.memory_space<hbm>> -> memref<1x1x160xi32, #tpu.memory_space<hbm>>
    %dma_start3A_14 = tpu.memref_squeeze %dma_start3A_13 : memref<1x1x160xi32, #tpu.memory_space<hbm>> -> memref<160xi32, #tpu.memory_space<hbm>>
    tpu.enqueue_dma source(%dma_start3A_14 : memref<160xi32, #tpu.memory_space<hbm>>) target(%dma_start3A_11 : memref<160xi32, #tpu.memory_space<vmem>>) target_semaphore(%arg15 : memref<!tpu.dma_semaphore, #tpu.memory_space<semaphore_mem>>)
    %dma_start3A_15 = arith.constant 0 : i32
    %dma_start3A_16 = arith.constant 0 : i32
    %dma_start3A_17 = arith.constant 0 : i32
    %dma_start3A_18 = tpu.memref_slice %arg8[%dma_start3A_16, %dma_start3A_17] : memref<8x160xi32, #tpu.memory_space<vmem>> -> memref<1x160xi32, #tpu.memory_space<vmem>>
    %dma_start3A_19 = tpu.memref_squeeze %dma_start3A_18 : memref<1x160xi32, #tpu.memory_space<vmem>> -> memref<160xi32, #tpu.memory_space<vmem>>
    %dma_start3A_20 = arith.constant 0 : i32
    %dma_start3A_21 = tpu.memref_slice %arg4[%arg1, %dma_start3A_15, %dma_start3A_20] : memref<16x125x160xi32, #tpu.memory_space<hbm>> -> memref<1x1x160xi32, #tpu.memory_space<hbm>>
    %dma_start3A_22 = tpu.memref_squeeze %dma_start3A_21 : memref<1x1x160xi32, #tpu.memory_space<hbm>> -> memref<160xi32, #tpu.memory_space<hbm>>
    %dma_start3A_23 = arith.constant 0 : i32
    %dma_start3A_24 = tpu.memref_slice %arg8[%dma_start3A_16, %dma_start3A_23] : memref<8x160xi32, #tpu.memory_space<vmem>> -> memref<1x160xi32, #tpu.memory_space<vmem>>
    %dma_start3A_25 = tpu.memref_squeeze %dma_start3A_24 : memref<1x160xi32, #tpu.memory_space<vmem>> -> memref<160xi32, #tpu.memory_space<vmem>>
    %dma_start3A_26 = arith.constant 0 : i32
    %dma_start3A_27 = tpu.memref_slice %arg4[%arg1, %dma_start3A_15, %dma_start3A_26] : memref<16x125x160xi32, #tpu.memory_space<hbm>> -> memref<1x1x160xi32, #tpu.memory_space<hbm>>
    %dma_start3A_28 = tpu.memref_squeeze %dma_start3A_27 : memref<1x1x160xi32, #tpu.memory_space<hbm>> -> memref<160xi32, #tpu.memory_space<hbm>>
    tpu.enqueue_dma source(%dma_start3A_28 : memref<160xi32, #tpu.memory_space<hbm>>) target(%dma_start3A_25 : memref<160xi32, #tpu.memory_space<vmem>>) target_semaphore(%arg15 : memref<!tpu.dma_semaphore, #tpu.memory_space<semaphore_mem>>)
    %dma_start3A_29 = arith.constant 0 : i32
    %dma_start3A_30 = arith.constant 0 : i32
    %dma_start3A_31 = arith.constant 0 : i32
    %dma_start3A_32 = tpu.memref_slice %arg9[%dma_start3A_30, %dma_start3A_31] : memref<8x160xf32, #tpu.memory_space<vmem>> -> memref<1x160xf32, #tpu.memory_space<vmem>>
    %dma_start3A_33 = tpu.memref_squeeze %dma_start3A_32 : memref<1x160xf32, #tpu.memory_space<vmem>> -> memref<160xf32, #tpu.memory_space<vmem>>
    %dma_start3A_34 = arith.constant 0 : i32
    %dma_start3A_35 = tpu.memref_slice %arg5[%arg1, %dma_start3A_29, %dma_start3A_34] : memref<16x125x160xf32, #tpu.memory_space<hbm>> -> memref<1x1x160xf32, #tpu.memory_space<hbm>>
    %dma_start3A_36 = tpu.memref_squeeze %dma_start3A_35 : memref<1x1x160xf32, #tpu.memory_space<hbm>> -> memref<160xf32, #tpu.memory_space<hbm>>
    %dma_start3A_37 = arith.constant 0 : i32
    %dma_start3A_38 = tpu.memref_slice %arg9[%dma_start3A_30, %dma_start3A_37] : memref<8x160xf32, #tpu.memory_space<vmem>> -> memref<1x160xf32, #tpu.memory_space<vmem>>
    %dma_start3A_39 = tpu.memref_squeeze %dma_start3A_38 : memref<1x160xf32, #tpu.memory_space<vmem>> -> memref<160xf32, #tpu.memory_space<vmem>>
    %dma_start3A_40 = arith.constant 0 : i32
    %dma_start3A_41 = tpu.memref_slice %arg5[%arg1, %dma_start3A_29, %dma_start3A_40] : memref<16x125x160xf32, #tpu.memory_space<hbm>> -> memref<1x1x160xf32, #tpu.memory_space<hbm>>
    %dma_start3A_42 = tpu.memref_squeeze %dma_start3A_41 : memref<1x1x160xf32, #tpu.memory_space<hbm>> -> memref<160xf32, #tpu.memory_space<hbm>>
    tpu.enqueue_dma source(%dma_start3A_42 : memref<160xf32, #tpu.memory_space<hbm>>) target(%dma_start3A_39 : memref<160xf32, #tpu.memory_space<vmem>>) target_semaphore(%arg15 : memref<!tpu.dma_semaphore, #tpu.memory_space<semaphore_mem>>)
    %dma_start3A_43 = arith.constant 1 : i32
    %dma_start3A_44 = arith.constant 1 : i32
    %dma_start3A_45 = arith.constant 0 : i32
    %dma_start3A_46 = tpu.memref_slice %arg7[%dma_start3A_44, %dma_start3A_45] : memref<8x160xi32, #tpu.memory_space<vmem>> -> memref<1x160xi32, #tpu.memory_space<vmem>>
    %dma_start3A_47 = tpu.memref_squeeze %dma_start3A_46 : memref<1x160xi32, #tpu.memory_space<vmem>> -> memref<160xi32, #tpu.memory_space<vmem>>
    %dma_start3A_48 = arith.constant 0 : i32
    %dma_start3A_49 = tpu.memref_slice %arg3[%arg1, %dma_start3A_43, %dma_start3A_48] : memref<16x125x160xi32, #tpu.memory_space<hbm>> -> memref<1x1x160xi32, #tpu.memory_space<hbm>>
    %dma_start3A_50 = tpu.memref_squeeze %dma_start3A_49 : memref<1x1x160xi32, #tpu.memory_space<hbm>> -> memref<160xi32, #tpu.memory_space<hbm>>
    %dma_start3A_51 = arith.constant 0 : i32
    %dma_start3A_52 = tpu.memref_slice %arg7[%dma_start3A_44, %dma_start3A_51] : memref<8x160xi32, #tpu.memory_space<vmem>> -> memref<1x160xi32, #tpu.memory_space<vmem>>
    %dma_start3A_53 = tpu.memref_squeeze %dma_start3A_52 : memref<1x160xi32, #tpu.memory_space<vmem>> -> memref<160xi32, #tpu.memory_space<vmem>>
    %dma_start3A_54 = arith.constant 0 : i32
    %dma_start3A_55 = tpu.memref_slice %arg3[%arg1, %dma_start3A_43, %dma_start3A_54] : memref<16x125x160xi32, #tpu.memory_space<hbm>> -> memref<1x1x160xi32, #tpu.memory_space<hbm>>
    %dma_start3A_56 = tpu.memref_squeeze %dma_start3A_55 : memref<1x1x160xi32, #tpu.memory_space<hbm>> -> memref<160xi32, #tpu.memory_space<hbm>>
    tpu.enqueue_dma source(%dma_start3A_56 : memref<160xi32, #tpu.memory_space<hbm>>) target(%dma_start3A_53 : memref<160xi32, #tpu.memory_space<vmem>>) target_semaphore(%arg15 : memref<!tpu.dma_semaphore, #tpu.memory_space<semaphore_mem>>)
    %dma_start3A_57 = arith.constant 1 : i32
    %dma_start3A_58 = arith.constant 1 : i32
    %dma_start3A_59 = arith.constant 0 : i32
    %dma_start3A_60 = tpu.memref_slice %arg8[%dma_start3A_58, %dma_start3A_59] : memref<8x160xi32, #tpu.memory_space<vmem>> -> memref<1x160xi32, #tpu.memory_space<vmem>>
    %dma_start3A_61 = tpu.memref_squeeze %dma_start3A_60 : memref<1x160xi32, #tpu.memory_space<vmem>> -> memref<160xi32, #tpu.memory_space<vmem>>
    %dma_start3A_62 = arith.constant 0 : i32
    %dma_start3A_63 = tpu.memref_slice %arg4[%arg1, %dma_start3A_57, %dma_start3A_62] : memref<16x125x160xi32, #tpu.memory_space<hbm>> -> memref<1x1x160xi32, #tpu.memory_space<hbm>>
    %dma_start3A_64 = tpu.memref_squeeze %dma_start3A_63 : memref<1x1x160xi32, #tpu.memory_space<hbm>> -> memref<160xi32, #tpu.memory_space<hbm>>
    %dma_start3A_65 = arith.constant 0 : i32
    %dma_start3A_66 = tpu.memref_slice %arg8[%dma_start3A_58, %dma_start3A_65] : memref<8x160xi32, #tpu.memory_space<vmem>> -> memref<1x160xi32, #tpu.memory_space<vmem>>
    %dma_start3A_67 = tpu.memref_squeeze %dma_start3A_66 : memref<1x160xi32, #tpu.memory_space<vmem>> -> memref<160xi32, #tpu.memory_space<vmem>>
    %dma_start3A_68 = arith.constant 0 : i32
    %dma_start3A_69 = tpu.memref_slice %arg4[%arg1, %dma_start3A_57, %dma_start3A_68] : memref<16x125x160xi32, #tpu.memory_space<hbm>> -> memref<1x1x160xi32, #tpu.memory_space<hbm>>
    %dma_start3A_70 = tpu.memref_squeeze %dma_start3A_69 : memref<1x1x160xi32, #tpu.memory_space<hbm>> -> memref<160xi32, #tpu.memory_space<hbm>>
    tpu.enqueue_dma source(%dma_start3A_70 : memref<160xi32, #tpu.memory_space<hbm>>) target(%dma_start3A_67 : memref<160xi32, #tpu.memory_space<vmem>>) target_semaphore(%arg15 : memref<!tpu.dma_semaphore, #tpu.memory_space<semaphore_mem>>)
    %dma_start3A_71 = arith.constant 1 : i32
    %dma_start3A_72 = arith.constant 1 : i32
    %dma_start3A_73 = arith.constant 0 : i32
    %dma_start3A_74 = tpu.memref_slice %arg9[%dma_start3A_72, %dma_start3A_73] : memref<8x160xf32, #tpu.memory_space<vmem>> -> memref<1x160xf32, #tpu.memory_space<vmem>>
    %dma_start3A_75 = tpu.memref_squeeze %dma_start3A_74 : memref<1x160xf32, #tpu.memory_space<vmem>> -> memref<160xf32, #tpu.memory_space<vmem>>
    %dma_start3A_76 = arith.constant 0 : i32
    %dma_start3A_77 = tpu.memref_slice %arg5[%arg1, %dma_start3A_71, %dma_start3A_76] : memref<16x125x160xf32, #tpu.memory_space<hbm>> -> memref<1x1x160xf32, #tpu.memory_space<hbm>>
    %dma_start3A_78 = tpu.memref_squeeze %dma_start3A_77 : memref<1x1x160xf32, #tpu.memory_space<hbm>> -> memref<160xf32, #tpu.memory_space<hbm>>
    %dma_start3A_79 = arith.constant 0 : i32
    %dma_start3A_80 = tpu.memref_slice %arg9[%dma_start3A_72, %dma_start3A_79] : memref<8x160xf32, #tpu.memory_space<vmem>> -> memref<1x160xf32, #tpu.memory_space<vmem>>
    %dma_start3A_81 = tpu.memref_squeeze %dma_start3A_80 : memref<1x160xf32, #tpu.memory_space<vmem>> -> memref<160xf32, #tpu.memory_space<vmem>>
    %dma_start3A_82 = arith.constant 0 : i32
    %dma_start3A_83 = tpu.memref_slice %arg5[%arg1, %dma_start3A_71, %dma_start3A_82] : memref<16x125x160xf32, #tpu.memory_space<hbm>> -> memref<1x1x160xf32, #tpu.memory_space<hbm>>
    %dma_start3A_84 = tpu.memref_squeeze %dma_start3A_83 : memref<1x1x160xf32, #tpu.memory_space<hbm>> -> memref<160xf32, #tpu.memory_space<hbm>>
    tpu.enqueue_dma source(%dma_start3A_84 : memref<160xf32, #tpu.memory_space<hbm>>) target(%dma_start3A_81 : memref<160xf32, #tpu.memory_space<vmem>>) target_semaphore(%arg15 : memref<!tpu.dma_semaphore, #tpu.memory_space<semaphore_mem>>)
    %dma_start3A_85 = arith.constant 2 : i32
    %dma_start3A_86 = arith.constant 2 : i32
    %dma_start3A_87 = arith.constant 0 : i32
    %dma_start3A_88 = tpu.memref_slice %arg7[%dma_start3A_86, %dma_start3A_87] : memref<8x160xi32, #tpu.memory_space<vmem>> -> memref<1x160xi32, #tpu.memory_space<vmem>>
    %dma_start3A_89 = tpu.memref_squeeze %dma_start3A_88 : memref<1x160xi32, #tpu.memory_space<vmem>> -> memref<160xi32, #tpu.memory_space<vmem>>
    %dma_start3A_90 = arith.constant 0 : i32
    %dma_start3A_91 = tpu.memref_slice %arg3[%arg1, %dma_start3A_85, %dma_start3A_90] : memref<16x125x160xi32, #tpu.memory_space<hbm>> -> memref<1x1x160xi32, #tpu.memory_space<hbm>>
    %dma_start3A_92 = tpu.memref_squeeze %dma_start3A_91 : memref<1x1x160xi32, #tpu.memory_space<hbm>> -> memref<160xi32, #tpu.memory_space<hbm>>
    %dma_start3A_93 = arith.constant 0 : i32
    %dma_start3A_94 = tpu.memref_slice %arg7[%dma_start3A_86, %dma_start3A_93] : memref<8x160xi32, #tpu.memory_space<vmem>> -> memref<1x160xi32, #tpu.memory_space<vmem>>
    %dma_start3A_95 = tpu.memref_squeeze %dma_start3A_94 : memref<1x160xi32, #tpu.memory_space<vmem>> -> memref<160xi32, #tpu.memory_space<vmem>>
    %dma_start3A_96 = arith.constant 0 : i32
    %dma_start3A_97 = tpu.memref_slice %arg3[%arg1, %dma_start3A_85, %dma_start3A_96] : memref<16x125x160xi32, #tpu.memory_space<hbm>> -> memref<1x1x160xi32, #tpu.memory_space<hbm>>
    %dma_start3A_98 = tpu.memref_squeeze %dma_start3A_97 : memref<1x1x160xi32, #tpu.memory_space<hbm>> -> memref<160xi32, #tpu.memory_space<hbm>>
    tpu.enqueue_dma source(%dma_start3A_98 : memref<160xi32, #tpu.memory_space<hbm>>) target(%dma_start3A_95 : memref<160xi32, #tpu.memory_space<vmem>>) target_semaphore(%arg15 : memref<!tpu.dma_semaphore, #tpu.memory_space<semaphore_mem>>)
    %dma_start3A_99 = arith.constant 2 : i32
    %dma_start3A_100 = arith.constant 2 : i32
    %dma_start3A_101 = arith.constant 0 : i32
    %dma_start3A_102 = tpu.memref_slice %arg8[%dma_start3A_100, %dma_start3A_101] : memref<8x160xi32, #tpu.memory_space<vmem>> -> memref<1x160xi32, #tpu.memory_space<vmem>>
    %dma_start3A_103 = tpu.memref_squeeze %dma_start3A_102 : memref<1x160xi32, #tpu.memory_space<vmem>> -> memref<160xi32, #tpu.memory_space<vmem>>
    %dma_start3A_104 = arith.constant 0 : i32
    %dma_start3A_105 = tpu.memref_slice %arg4[%arg1, %dma_start3A_99, %dma_start3A_104] : memref<16x125x160xi32, #tpu.memory_space<hbm>> -> memref<1x1x160xi32, #tpu.memory_space<hbm>>
    %dma_start3A_106 = tpu.memref_squeeze %dma_start3A_105 : memref<1x1x160xi32, #tpu.memory_space<hbm>> -> memref<160xi32, #tpu.memory_space<hbm>>
    %dma_start3A_107 = arith.constant 0 : i32
    %dma_start3A_108 = tpu.memref_slice %arg8[%dma_start3A_100, %dma_start3A_107] : memref<8x160xi32, #tpu.memory_space<vmem>> -> memref<1x160xi32, #tpu.memory_space<vmem>>
    %dma_start3A_109 = tpu.memref_squeeze %dma_start3A_108 : memref<1x160xi32, #tpu.memory_space<vmem>> -> memref<160xi32, #tpu.memory_space<vmem>>
    %dma_start3A_110 = arith.constant 0 : i32
    %dma_start3A_111 = tpu.memref_slice %arg4[%arg1, %dma_start3A_99, %dma_start3A_110] : memref<16x125x160xi32, #tpu.memory_space<hbm>> -> memref<1x1x160xi32, #tpu.memory_space<hbm>>
    %dma_start3A_112 = tpu.memref_squeeze %dma_start3A_111 : memref<1x1x160xi32, #tpu.memory_space<hbm>> -> memref<160xi32, #tpu.memory_space<hbm>>
    tpu.enqueue_dma source(%dma_start3A_112 : memref<160xi32, #tpu.memory_space<hbm>>) target(%dma_start3A_109 : memref<160xi32, #tpu.memory_space<vmem>>) target_semaphore(%arg15 : memref<!tpu.dma_semaphore, #tpu.memory_space<semaphore_mem>>)
    %dma_start3A_113 = arith.constant 2 : i32
    %dma_start3A_114 = arith.constant 2 : i32
    %dma_start3A_115 = arith.constant 0 : i32
    %dma_start3A_116 = tpu.memref_slice %arg9[%dma_start3A_114, %dma_start3A_115] : memref<8x160xf32, #tpu.memory_space<vmem>> -> memref<1x160xf32, #tpu.memory_space<vmem>>
    %dma_start3A_117 = tpu.memref_squeeze %dma_start3A_116 : memref<1x160xf32, #tpu.memory_space<vmem>> -> memref<160xf32, #tpu.memory_space<vmem>>
    %dma_start3A_118 = arith.constant 0 : i32
    %dma_start3A_119 = tpu.memref_slice %arg5[%arg1, %dma_start3A_113, %dma_start3A_118] : memref<16x125x160xf32, #tpu.memory_space<hbm>> -> memref<1x1x160xf32, #tpu.memory_space<hbm>>
    %dma_start3A_120 = tpu.memref_squeeze %dma_start3A_119 : memref<1x1x160xf32, #tpu.memory_space<hbm>> -> memref<160xf32, #tpu.memory_space<hbm>>
    %dma_start3A_121 = arith.constant 0 : i32
    %dma_start3A_122 = tpu.memref_slice %arg9[%dma_start3A_114, %dma_start3A_121] : memref<8x160xf32, #tpu.memory_space<vmem>> -> memref<1x160xf32, #tpu.memory_space<vmem>>
    %dma_start3A_123 = tpu.memref_squeeze %dma_start3A_122 : memref<1x160xf32, #tpu.memory_space<vmem>> -> memref<160xf32, #tpu.memory_space<vmem>>
    %dma_start3A_124 = arith.constant 0 : i32
    %dma_start3A_125 = tpu.memref_slice %arg5[%arg1, %dma_start3A_113, %dma_start3A_124] : memref<16x125x160xf32, #tpu.memory_space<hbm>> -> memref<1x1x160xf32, #tpu.memory_space<hbm>>
    %dma_start3A_126 = tpu.memref_squeeze %dma_start3A_125 : memref<1x1x160xf32, #tpu.memory_space<hbm>> -> memref<160xf32, #tpu.memory_space<hbm>>
    tpu.enqueue_dma source(%dma_start3A_126 : memref<160xf32, #tpu.memory_space<hbm>>) target(%dma_start3A_123 : memref<160xf32, #tpu.memory_space<vmem>>) target_semaphore(%arg15 : memref<!tpu.dma_semaphore, #tpu.memory_space<semaphore_mem>>)
    "tpu.region"() ({
      %run_scoped3A_190 = tpu.sem_alloc : memref<!tpu.dma_semaphore, #tpu.memory_space<semaphore_mem>>
      %dma_start3A_191 = arith.constant 0 : i32
      %dma_start3A_192 = tpu.memref_slice %arg11[%mul3A_0, %dma_start3A_191] : memref<10240x64xf32, #tpu.memory_space<vmem_shared>> -> memref<640x64xf32, #tpu.memory_space<vmem_shared>>
      %dma_start3A_193 = arith.constant 0 : i32
      %dma_start3A_194 = tpu.memref_slice %arg2[%arg0, %mul3A_0, %dma_start3A_193] : memref<2x10240x64xf32, #tpu.memory_space<hbm>> -> memref<1x640x64xf32, #tpu.memory_space<hbm>>
      %dma_start3A_195 = tpu.memref_squeeze %dma_start3A_194 : memref<1x640x64xf32, #tpu.memory_space<hbm>> -> memref<640x64xf32, #tpu.memory_space<hbm>>
      tpu.enqueue_dma source(%dma_start3A_195 : memref<640x64xf32, #tpu.memory_space<hbm>>) target(%dma_start3A_192 : memref<640x64xf32, #tpu.memory_space<vmem_shared>>) target_semaphore(%run_scoped3A_190 : memref<!tpu.dma_semaphore, #tpu.memory_space<semaphore_mem>>)
      %dma_wait3A_196 = arith.constant 0 : i32
      %dma_wait3A_197 = tpu.memref_slice %arg11[%mul3A_0, %dma_wait3A_196] : memref<10240x64xf32, #tpu.memory_space<vmem_shared>> -> memref<640x64xf32, #tpu.memory_space<vmem_shared>>
      %dma_wait3A_198 = arith.constant 0 : i32
      %dma_wait3A_199 = tpu.memref_slice %arg2[%arg0, %mul3A_0, %dma_wait3A_198] : memref<2x10240x64xf32, #tpu.memory_space<hbm>> -> memref<1x640x64xf32, #tpu.memory_space<hbm>>
      %dma_wait3A_200 = tpu.memref_squeeze %dma_wait3A_199 : memref<1x640x64xf32, #tpu.memory_space<hbm>> -> memref<640x64xf32, #tpu.memory_space<hbm>>
      tpu.wait_dma2 semaphore(%run_scoped3A_190 : memref<!tpu.dma_semaphore, #tpu.memory_space<semaphore_mem>>) src(%dma_wait3A_200 : memref<640x64xf32, #tpu.memory_space<hbm>>) dst(%dma_wait3A_197 : memref<640x64xf32, #tpu.memory_space<vmem_shared>>)
      tpu.yield
    }) : () -> ()
    %scan3A = arith.constant 0 : i32
    %scan3A_127 = arith.constant 0 : i32
    %scan3A_128 = arith.constant 160 : i32
    %scan3A_129 = arith.addi %scan3A_127, %scan3A_128 : i32
    %scan3A_130 = arith.constant 1 : i32
    %scan3A_131 = scf.for %scan3A_190 = %scan3A_127 to %scan3A_129 step %scan3A_130 iter_args(%scan3A_191 = %scan3A) -> (i32)  : i32 {
      %swap3A = arith.constant 0 : i32
      %swap3A_192 = arith.index_cast %swap3A : i32 to index
      %swap3A_193 = arith.index_cast %scan3A_190 : i32 to index
      %swap3A_194 = arith.constant 0 : index
      %swap3A_195 = tpu.vector_load %arg10[%swap3A_192, %swap3A_193, %swap3A_194] {strides = array<i32>} : memref<4x160x64xf32, #tpu.memory_space<vmem>>, vector<16xf32>,
      tpu.vector_store %arg10[%swap3A_192, %swap3A_193, %swap3A_194], %broadcast_in_dim3A_1 {strides = array<i32>} : memref<4x160x64xf32, #tpu.memory_space<vmem>>, vector<16xf32>,
      %swap3A_196 = arith.constant 0 : i32
      %swap3A_197 = arith.index_cast %swap3A_196 : i32 to index
      %swap3A_198 = arith.index_cast %scan3A_190 : i32 to index
      %swap3A_199 = arith.constant 16 : index
      %swap3A_200 = tpu.vector_load %arg10[%swap3A_197, %swap3A_198, %swap3A_199] {strides = array<i32>} : memref<4x160x64xf32, #tpu.memory_space<vmem>>, vector<16xf32>,
      tpu.vector_store %arg10[%swap3A_197, %swap3A_198, %swap3A_199], %broadcast_in_dim3A_1 {strides = array<i32>} : memref<4x160x64xf32, #tpu.memory_space<vmem>>, vector<16xf32>,
      %swap3A_201 = arith.constant 0 : i32
      %swap3A_202 = arith.index_cast %swap3A_201 : i32 to index
      %swap3A_203 = arith.index_cast %scan3A_190 : i32 to index
      %swap3A_204 = arith.constant 32 : index
      %swap3A_205 = tpu.vector_load %arg10[%swap3A_202, %swap3A_203, %swap3A_204] {strides = array<i32>} : memref<4x160x64xf32, #tpu.memory_space<vmem>>, vector<16xf32>,
      tpu.vector_store %arg10[%swap3A_202, %swap3A_203, %swap3A_204], %broadcast_in_dim3A_1 {strides = array<i32>} : memref<4x160x64xf32, #tpu.memory_space<vmem>>, vector<16xf32>,
      %swap3A_206 = arith.constant 0 : i32
      %swap3A_207 = arith.index_cast %swap3A_206 : i32 to index
      %swap3A_208 = arith.index_cast %scan3A_190 : i32 to index
      %swap3A_209 = arith.constant 48 : index
      %swap3A_210 = tpu.vector_load %arg10[%swap3A_207, %swap3A_208, %swap3A_209] {strides = array<i32>} : memref<4x160x64xf32, #tpu.memory_space<vmem>>, vector<16xf32>,
      tpu.vector_store %arg10[%swap3A_207, %swap3A_208, %swap3A_209], %broadcast_in_dim3A_1 {strides = array<i32>} : memref<4x160x64xf32, #tpu.memory_space<vmem>>, vector<16xf32>,
      %scan3A_211 = arith.constant 0 : i32
      scf.yield %scan3A_211 : i32
    }
    %scan3A_132 = arith.constant 160 : i32
    %add3A = arith.constant 0 : i32
    %add3A_133 = arith.addi %mul3A_0, %add3A : i32
    %run_scoped3A = arith.constant 0 : i32
    "tpu.region"() ({
      %run_scoped3A_190 = tpu.sem_alloc : memref<!tpu.dma_semaphore, #tpu.memory_space<semaphore_mem>>
      %dma_start3A_191 = arith.constant 0 : i32
      %dma_start3A_192 = arith.constant 0 : i32
      %dma_start3A_193 = tpu.memref_slice %arg10[%run_scoped3A, %dma_start3A_191, %dma_start3A_192] : memref<4x160x64xf32, #tpu.memory_space<vmem>> -> memref<1x160x64xf32, #tpu.memory_space<vmem>>
      %dma_start3A_194 = tpu.memref_squeeze %dma_start3A_193 : memref<1x160x64xf32, #tpu.memory_space<vmem>> -> memref<160x64xf32, #tpu.memory_space<vmem>>
      %dma_start3A_195 = arith.constant 0 : i32
      %dma_start3A_196 = tpu.memref_slice %arg12[%add3A_133, %dma_start3A_195] : memref<10240x64xf32, #tpu.memory_space<vmem_shared>> -> memref<160x64xf32, #tpu.memory_space<vmem_shared>>
      %dma_start3A_197 = arith.constant 0 : i32
      %dma_start3A_198 = tpu.memref_slice %arg12[%add3A_133, %dma_start3A_197] : memref<10240x64xf32, #tpu.memory_space<vmem_shared>> -> memref<160x64xf32, #tpu.memory_space<vmem_shared>>
      %dma_start3A_199 = arith.constant 0 : i32
      %dma_start3A_200 = arith.constant 0 : i32
      %dma_start3A_201 = tpu.memref_slice %arg10[%run_scoped3A, %dma_start3A_199, %dma_start3A_200] : memref<4x160x64xf32, #tpu.memory_space<vmem>> -> memref<1x160x64xf32, #tpu.memory_space<vmem>>
      %dma_start3A_202 = tpu.memref_squeeze %dma_start3A_201 : memref<1x160x64xf32, #tpu.memory_space<vmem>> -> memref<160x64xf32, #tpu.memory_space<vmem>>
      tpu.enqueue_dma source(%dma_start3A_202 : memref<160x64xf32, #tpu.memory_space<vmem>>) target(%dma_start3A_198 : memref<160x64xf32, #tpu.memory_space<vmem_shared>>) target_semaphore(%run_scoped3A_190 : memref<!tpu.dma_semaphore, #tpu.memory_space<semaphore_mem>>)
      %dma_wait3A_203 = arith.constant 0 : i32
      %dma_wait3A_204 = arith.constant 0 : i32
      %dma_wait3A_205 = tpu.memref_slice %arg10[%run_scoped3A, %dma_wait3A_203, %dma_wait3A_204] : memref<4x160x64xf32, #tpu.memory_space<vmem>> -> memref<1x160x64xf32, #tpu.memory_space<vmem>>
      %dma_wait3A_206 = tpu.memref_squeeze %dma_wait3A_205 : memref<1x160x64xf32, #tpu.memory_space<vmem>> -> memref<160x64xf32, #tpu.memory_space<vmem>>
      %dma_wait3A_207 = arith.constant 0 : i32
      %dma_wait3A_208 = tpu.memref_slice %arg12[%add3A_133, %dma_wait3A_207] : memref<10240x64xf32, #tpu.memory_space<vmem_shared>> -> memref<160x64xf32, #tpu.memory_space<vmem_shared>>
      %dma_wait3A_209 = arith.constant 0 : i32
      %dma_wait3A_210 = tpu.memref_slice %arg12[%add3A_133, %dma_wait3A_209] : memref<10240x64xf32, #tpu.memory_space<vmem_shared>> -> memref<160x64xf32, #tpu.memory_space<vmem_shared>>
      %dma_wait3A_211 = arith.constant 0 : i32
      %dma_wait3A_212 = arith.constant 0 : i32
      %dma_wait3A_213 = tpu.memref_slice %arg10[%run_scoped3A, %dma_wait3A_211, %dma_wait3A_212] : memref<4x160x64xf32, #tpu.memory_space<vmem>> -> memref<1x160x64xf32, #tpu.memory_space<vmem>>
      %dma_wait3A_214 = tpu.memref_squeeze %dma_wait3A_213 : memref<1x160x64xf32, #tpu.memory_space<vmem>> -> memref<160x64xf32, #tpu.memory_space<vmem>>
      tpu.wait_dma2 semaphore(%run_scoped3A_190 : memref<!tpu.dma_semaphore, #tpu.memory_space<semaphore_mem>>) src(%dma_wait3A_214 : memref<160x64xf32, #tpu.memory_space<vmem>>) dst(%dma_wait3A_210 : memref<160x64xf32, #tpu.memory_space<vmem_shared>>)
      tpu.yield
    }) : () -> ()
    %add3A_134 = arith.constant 160 : i32
    %add3A_135 = arith.addi %mul3A_0, %add3A_134 : i32
    %run_scoped3A_136 = arith.constant 0 : i32
    "tpu.region"() ({
      %run_scoped3A_190 = tpu.sem_alloc : memref<!tpu.dma_semaphore, #tpu.memory_space<semaphore_mem>>
      %dma_start3A_191 = arith.constant 0 : i32
      %dma_start3A_192 = arith.constant 0 : i32
      %dma_start3A_193 = tpu.memref_slice %arg10[%run_scoped3A_136, %dma_start3A_191, %dma_start3A_192] : memref<4x160x64xf32, #tpu.memory_space<vmem>> -> memref<1x160x64xf32, #tpu.memory_space<vmem>>
      %dma_start3A_194 = tpu.memref_squeeze %dma_start3A_193 : memref<1x160x64xf32, #tpu.memory_space<vmem>> -> memref<160x64xf32, #tpu.memory_space<vmem>>
      %dma_start3A_195 = arith.constant 0 : i32
      %dma_start3A_196 = tpu.memref_slice %arg12[%add3A_135, %dma_start3A_195] : memref<10240x64xf32, #tpu.memory_space<vmem_shared>> -> memref<160x64xf32, #tpu.memory_space<vmem_shared>>
      %dma_start3A_197 = arith.constant 0 : i32
      %dma_start3A_198 = tpu.memref_slice %arg12[%add3A_135, %dma_start3A_197] : memref<10240x64xf32, #tpu.memory_space<vmem_shared>> -> memref<160x64xf32, #tpu.memory_space<vmem_shared>>
      %dma_start3A_199 = arith.constant 0 : i32
      %dma_start3A_200 = arith.constant 0 : i32
      %dma_start3A_201 = tpu.memref_slice %arg10[%run_scoped3A_136, %dma_start3A_199, %dma_start3A_200] : memref<4x160x64xf32, #tpu.memory_space<vmem>> -> memref<1x160x64xf32, #tpu.memory_space<vmem>>
      %dma_start3A_202 = tpu.memref_squeeze %dma_start3A_201 : memref<1x160x64xf32, #tpu.memory_space<vmem>> -> memref<160x64xf32, #tpu.memory_space<vmem>>
      tpu.enqueue_dma source(%dma_start3A_202 : memref<160x64xf32, #tpu.memory_space<vmem>>) target(%dma_start3A_198 : memref<160x64xf32, #tpu.memory_space<vmem_shared>>) target_semaphore(%run_scoped3A_190 : memref<!tpu.dma_semaphore, #tpu.memory_space<semaphore_mem>>)
      %dma_wait3A_203 = arith.constant 0 : i32
      %dma_wait3A_204 = arith.constant 0 : i32
      %dma_wait3A_205 = tpu.memref_slice %arg10[%run_scoped3A_136, %dma_wait3A_203, %dma_wait3A_204] : memref<4x160x64xf32, #tpu.memory_space<vmem>> -> memref<1x160x64xf32, #tpu.memory_space<vmem>>
      %dma_wait3A_206 = tpu.memref_squeeze %dma_wait3A_205 : memref<1x160x64xf32, #tpu.memory_space<vmem>> -> memref<160x64xf32, #tpu.memory_space<vmem>>
      %dma_wait3A_207 = arith.constant 0 : i32
      %dma_wait3A_208 = tpu.memref_slice %arg12[%add3A_135, %dma_wait3A_207] : memref<10240x64xf32, #tpu.memory_space<vmem_shared>> -> memref<160x64xf32, #tpu.memory_space<vmem_shared>>
      %dma_wait3A_209 = arith.constant 0 : i32
      %dma_wait3A_210 = tpu.memref_slice %arg12[%add3A_135, %dma_wait3A_209] : memref<10240x64xf32, #tpu.memory_space<vmem_shared>> -> memref<160x64xf32, #tpu.memory_space<vmem_shared>>
      %dma_wait3A_211 = arith.constant 0 : i32
      %dma_wait3A_212 = arith.constant 0 : i32
      %dma_wait3A_213 = tpu.memref_slice %arg10[%run_scoped3A_136, %dma_wait3A_211, %dma_wait3A_212] : memref<4x160x64xf32, #tpu.memory_space<vmem>> -> memref<1x160x64xf32, #tpu.memory_space<vmem>>
      %dma_wait3A_214 = tpu.memref_squeeze %dma_wait3A_213 : memref<1x160x64xf32, #tpu.memory_space<vmem>> -> memref<160x64xf32, #tpu.memory_space<vmem>>
      tpu.wait_dma2 semaphore(%run_scoped3A_190 : memref<!tpu.dma_semaphore, #tpu.memory_space<semaphore_mem>>) src(%dma_wait3A_214 : memref<160x64xf32, #tpu.memory_space<vmem>>) dst(%dma_wait3A_210 : memref<160x64xf32, #tpu.memory_space<vmem_shared>>)
      tpu.yield
    }) : () -> ()
    %add3A_137 = arith.constant 320 : i32
    %add3A_138 = arith.addi %mul3A_0, %add3A_137 : i32
    %run_scoped3A_139 = arith.constant 0 : i32
    "tpu.region"() ({
      %run_scoped3A_190 = tpu.sem_alloc : memref<!tpu.dma_semaphore, #tpu.memory_space<semaphore_mem>>
      %dma_start3A_191 = arith.constant 0 : i32
      %dma_start3A_192 = arith.constant 0 : i32
      %dma_start3A_193 = tpu.memref_slice %arg10[%run_scoped3A_139, %dma_start3A_191, %dma_start3A_192] : memref<4x160x64xf32, #tpu.memory_space<vmem>> -> memref<1x160x64xf32, #tpu.memory_space<vmem>>
      %dma_start3A_194 = tpu.memref_squeeze %dma_start3A_193 : memref<1x160x64xf32, #tpu.memory_space<vmem>> -> memref<160x64xf32, #tpu.memory_space<vmem>>
      %dma_start3A_195 = arith.constant 0 : i32
      %dma_start3A_196 = tpu.memref_slice %arg12[%add3A_138, %dma_start3A_195] : memref<10240x64xf32, #tpu.memory_space<vmem_shared>> -> memref<160x64xf32, #tpu.memory_space<vmem_shared>>
      %dma_start3A_197 = arith.constant 0 : i32
      %dma_start3A_198 = tpu.memref_slice %arg12[%add3A_138, %dma_start3A_197] : memref<10240x64xf32, #tpu.memory_space<vmem_shared>> -> memref<160x64xf32, #tpu.memory_space<vmem_shared>>
      %dma_start3A_199 = arith.constant 0 : i32
      %dma_start3A_200 = arith.constant 0 : i32
      %dma_start3A_201 = tpu.memref_slice %arg10[%run_scoped3A_139, %dma_start3A_199, %dma_start3A_200] : memref<4x160x64xf32, #tpu.memory_space<vmem>> -> memref<1x160x64xf32, #tpu.memory_space<vmem>>
      %dma_start3A_202 = tpu.memref_squeeze %dma_start3A_201 : memref<1x160x64xf32, #tpu.memory_space<vmem>> -> memref<160x64xf32, #tpu.memory_space<vmem>>
      tpu.enqueue_dma source(%dma_start3A_202 : memref<160x64xf32, #tpu.memory_space<vmem>>) target(%dma_start3A_198 : memref<160x64xf32, #tpu.memory_space<vmem_shared>>) target_semaphore(%run_scoped3A_190 : memref<!tpu.dma_semaphore, #tpu.memory_space<semaphore_mem>>)
      %dma_wait3A_203 = arith.constant 0 : i32
      %dma_wait3A_204 = arith.constant 0 : i32
      %dma_wait3A_205 = tpu.memref_slice %arg10[%run_scoped3A_139, %dma_wait3A_203, %dma_wait3A_204] : memref<4x160x64xf32, #tpu.memory_space<vmem>> -> memref<1x160x64xf32, #tpu.memory_space<vmem>>
      %dma_wait3A_206 = tpu.memref_squeeze %dma_wait3A_205 : memref<1x160x64xf32, #tpu.memory_space<vmem>> -> memref<160x64xf32, #tpu.memory_space<vmem>>
      %dma_wait3A_207 = arith.constant 0 : i32
      %dma_wait3A_208 = tpu.memref_slice %arg12[%add3A_138, %dma_wait3A_207] : memref<10240x64xf32, #tpu.memory_space<vmem_shared>> -> memref<160x64xf32, #tpu.memory_space<vmem_shared>>
      %dma_wait3A_209 = arith.constant 0 : i32
      %dma_wait3A_210 = tpu.memref_slice %arg12[%add3A_138, %dma_wait3A_209] : memref<10240x64xf32, #tpu.memory_space<vmem_shared>> -> memref<160x64xf32, #tpu.memory_space<vmem_shared>>
      %dma_wait3A_211 = arith.constant 0 : i32
      %dma_wait3A_212 = arith.constant 0 : i32
      %dma_wait3A_213 = tpu.memref_slice %arg10[%run_scoped3A_139, %dma_wait3A_211, %dma_wait3A_212] : memref<4x160x64xf32, #tpu.memory_space<vmem>> -> memref<1x160x64xf32, #tpu.memory_space<vmem>>
      %dma_wait3A_214 = tpu.memref_squeeze %dma_wait3A_213 : memref<1x160x64xf32, #tpu.memory_space<vmem>> -> memref<160x64xf32, #tpu.memory_space<vmem>>
      tpu.wait_dma2 semaphore(%run_scoped3A_190 : memref<!tpu.dma_semaphore, #tpu.memory_space<semaphore_mem>>) src(%dma_wait3A_214 : memref<160x64xf32, #tpu.memory_space<vmem>>) dst(%dma_wait3A_210 : memref<160x64xf32, #tpu.memory_space<vmem_shared>>)
      tpu.yield
    }) : () -> ()
    %add3A_140 = arith.constant 480 : i32
    %add3A_141 = arith.addi %mul3A_0, %add3A_140 : i32
    %run_scoped3A_142 = arith.constant 0 : i32
    "tpu.region"() ({
      %run_scoped3A_190 = tpu.sem_alloc : memref<!tpu.dma_semaphore, #tpu.memory_space<semaphore_mem>>
      %dma_start3A_191 = arith.constant 0 : i32
      %dma_start3A_192 = arith.constant 0 : i32
      %dma_start3A_193 = tpu.memref_slice %arg10[%run_scoped3A_142, %dma_start3A_191, %dma_start3A_192] : memref<4x160x64xf32, #tpu.memory_space<vmem>> -> memref<1x160x64xf32, #tpu.memory_space<vmem>>
      %dma_start3A_194 = tpu.memref_squeeze %dma_start3A_193 : memref<1x160x64xf32, #tpu.memory_space<vmem>> -> memref<160x64xf32, #tpu.memory_space<vmem>>
      %dma_start3A_195 = arith.constant 0 : i32
      %dma_start3A_196 = tpu.memref_slice %arg12[%add3A_141, %dma_start3A_195] : memref<10240x64xf32, #tpu.memory_space<vmem_shared>> -> memref<160x64xf32, #tpu.memory_space<vmem_shared>>
      %dma_start3A_197 = arith.constant 0 : i32
      %dma_start3A_198 = tpu.memref_slice %arg12[%add3A_141, %dma_start3A_197] : memref<10240x64xf32, #tpu.memory_space<vmem_shared>> -> memref<160x64xf32, #tpu.memory_space<vmem_shared>>
      %dma_start3A_199 = arith.constant 0 : i32
      %dma_start3A_200 = arith.constant 0 : i32
      %dma_start3A_201 = tpu.memref_slice %arg10[%run_scoped3A_142, %dma_start3A_199, %dma_start3A_200] : memref<4x160x64xf32, #tpu.memory_space<vmem>> -> memref<1x160x64xf32, #tpu.memory_space<vmem>>
      %dma_start3A_202 = tpu.memref_squeeze %dma_start3A_201 : memref<1x160x64xf32, #tpu.memory_space<vmem>> -> memref<160x64xf32, #tpu.memory_space<vmem>>
      tpu.enqueue_dma source(%dma_start3A_202 : memref<160x64xf32, #tpu.memory_space<vmem>>) target(%dma_start3A_198 : memref<160x64xf32, #tpu.memory_space<vmem_shared>>) target_semaphore(%run_scoped3A_190 : memref<!tpu.dma_semaphore, #tpu.memory_space<semaphore_mem>>)
      %dma_wait3A_203 = arith.constant 0 : i32
      %dma_wait3A_204 = arith.constant 0 : i32
      %dma_wait3A_205 = tpu.memref_slice %arg10[%run_scoped3A_142, %dma_wait3A_203, %dma_wait3A_204] : memref<4x160x64xf32, #tpu.memory_space<vmem>> -> memref<1x160x64xf32, #tpu.memory_space<vmem>>
      %dma_wait3A_206 = tpu.memref_squeeze %dma_wait3A_205 : memref<1x160x64xf32, #tpu.memory_space<vmem>> -> memref<160x64xf32, #tpu.memory_space<vmem>>
      %dma_wait3A_207 = arith.constant 0 : i32
      %dma_wait3A_208 = tpu.memref_slice %arg12[%add3A_141, %dma_wait3A_207] : memref<10240x64xf32, #tpu.memory_space<vmem_shared>> -> memref<160x64xf32, #tpu.memory_space<vmem_shared>>
      %dma_wait3A_209 = arith.constant 0 : i32
      %dma_wait3A_210 = tpu.memref_slice %arg12[%add3A_141, %dma_wait3A_209] : memref<10240x64xf32, #tpu.memory_space<vmem_shared>> -> memref<160x64xf32, #tpu.memory_space<vmem_shared>>
      %dma_wait3A_211 = arith.constant 0 : i32
      %dma_wait3A_212 = arith.constant 0 : i32
      %dma_wait3A_213 = tpu.memref_slice %arg10[%run_scoped3A_142, %dma_wait3A_211, %dma_wait3A_212] : memref<4x160x64xf32, #tpu.memory_space<vmem>> -> memref<1x160x64xf32, #tpu.memory_space<vmem>>
      %dma_wait3A_214 = tpu.memref_squeeze %dma_wait3A_213 : memref<1x160x64xf32, #tpu.memory_space<vmem>> -> memref<160x64xf32, #tpu.memory_space<vmem>>
      tpu.wait_dma2 semaphore(%run_scoped3A_190 : memref<!tpu.dma_semaphore, #tpu.memory_space<semaphore_mem>>) src(%dma_wait3A_214 : memref<160x64xf32, #tpu.memory_space<vmem>>) dst(%dma_wait3A_210 : memref<160x64xf32, #tpu.memory_space<vmem_shared>>)
      tpu.yield
    }) : () -> ()
    %barrier3A = arith.constant 0 : index
    tpu.barrier barrier_id(%barrier3A)
    %scan3A_143 = arith.constant 0 : i32
    %scan3A_144 = arith.constant 0 : i32
    %scan3A_145 = arith.constant 127 : i32
    %scan3A_146 = arith.addi %scan3A_144, %scan3A_145 : i32
    %scan3A_147 = arith.constant 1 : i32
    %scan3A_148 = scf.for %scan3A_190 = %scan3A_144 to %scan3A_146 step %scan3A_147 iter_args(%scan3A_191 = %scan3A_143) -> (i32)  : i32 {
      %sub3A = arith.constant 1 : i32
      %sub3A_192 = arith.subi %scan3A_190, %sub3A : i32
      %ge3A = arith.constant 3 : i32
      %ge3A_193 = arith.cmpi sge, %sub3A_192, %ge3A : i32
      %sub3A_194 = arith.constant 3 : i32
      %sub3A_195 = arith.subi %sub3A_192, %sub3A_194 : i32
      %lt3A = arith.constant 125 : i32
      %lt3A_196 = arith.cmpi slt, %sub3A_195, %lt3A : i32
      %and3A = arith.andi %ge3A_193, %lt3A_196 : i1
      %convert_element_type3A = arith.extui %and3A : i1 to i32
      %cond3A = arith.constant 0 : i32
      %cond3A_197 = arith.cmpi ne, %convert_element_type3A, %cond3A : i32
      scf.if %cond3A_197 {
        %sub3A_223 = arith.constant 3 : i32
        %sub3A_224 = arith.subi %sub3A_192, %sub3A_223 : i32
        %rem3A = arith.constant 4 : i32
        %rem3A_225 = arith.remsi %sub3A_224, %rem3A : i32
        %sub3A_226 = arith.constant 3 : i32
        %sub3A_227 = arith.subi %sub3A_192, %sub3A_226 : i32
        %rem3A_228 = arith.constant 8 : i32
        %rem3A_229 = arith.remsi %sub3A_227, %rem3A_228 : i32
        %dma_wait3A_230 = arith.constant 0 : i32
        %dma_wait3A_231 = arith.constant 0 : i32
        %dma_wait3A_232 = tpu.memref_slice %arg10[%rem3A_225, %dma_wait3A_230, %dma_wait3A_231] : memref<4x160x64xf32, #tpu.memory_space<vmem>> -> memref<1x160x64xf32, #tpu.memory_space<vmem>>
        %dma_wait3A_233 = tpu.memref_squeeze %dma_wait3A_232 : memref<1x160x64xf32, #tpu.memory_space<vmem>> -> memref<160x64xf32, #tpu.memory_space<vmem>>
        %dma_wait3A_234 = arith.constant 0 : i32
        %dma_wait3A_235 = tpu.memref_slice %arg8[%rem3A_229, %dma_wait3A_234] : memref<8x160xi32, #tpu.memory_space<vmem>> -> memref<1x160xi32, #tpu.memory_space<vmem>>
        %dma_wait3A_236 = tpu.memref_squeeze %dma_wait3A_235 : memref<1x160xi32, #tpu.memory_space<vmem>> -> memref<160xi32, #tpu.memory_space<vmem>>
        %dma_wait3A_237 = arith.constant 0 : i32
        %dma_wait3A_238 = arith.constant 0 : i32
        %dma_wait3A_239 = tpu.memref_slice %arg12[%dma_wait3A_237, %dma_wait3A_238] : memref<10240x64xf32, #tpu.memory_space<vmem_shared>> -> memref<10240x64xf32, #tpu.memory_space<vmem_shared>>
        tpu.wait_indirect_dma semaphore(%arg14 : memref<!tpu.dma_semaphore, #tpu.memory_space<semaphore_mem>>) src(%dma_wait3A_233 : memref<160x64xf32, #tpu.memory_space<vmem>>) dst(%dma_wait3A_239 : memref<10240x64xf32, #tpu.memory_space<vmem_shared>>)
      } else {
      }
      %add3A_198 = arith.constant 1 : i32
      %add3A_199 = arith.addi %sub3A_192, %add3A_198 : i32
      %lt3A_200 = arith.constant 125 : i32
      %lt3A_201 = arith.cmpi slt, %add3A_199, %lt3A_200 : i32
      %convert_element_type3A_202 = arith.extui %lt3A_201 : i1 to i32
      %cond3A_203 = arith.constant 0 : i32
      %cond3A_204 = arith.cmpi ne, %convert_element_type3A_202, %cond3A_203 : i32
      scf.if %cond3A_204 {
        %add3A_223 = arith.constant 1 : i32
        %add3A_224 = arith.addi %sub3A_192, %add3A_223 : i32
        %rem3A = arith.constant 8 : i32
        %rem3A_225 = arith.remsi %add3A_224, %rem3A : i32
        %dma_wait3A_226 = arith.constant 0 : i32
        %dma_wait3A_227 = tpu.memref_slice %arg7[%rem3A_225, %dma_wait3A_226] : memref<8x160xi32, #tpu.memory_space<vmem>> -> memref<1x160xi32, #tpu.memory_space<vmem>>
        %dma_wait3A_228 = tpu.memref_squeeze %dma_wait3A_227 : memref<1x160xi32, #tpu.memory_space<vmem>> -> memref<160xi32, #tpu.memory_space<vmem>>
        %dma_wait3A_229 = arith.constant 0 : i32
        %dma_wait3A_230 = tpu.memref_slice %arg3[%arg1, %add3A_224, %dma_wait3A_229] : memref<16x125x160xi32, #tpu.memory_space<hbm>> -> memref<1x1x160xi32, #tpu.memory_space<hbm>>
        %dma_wait3A_231 = tpu.memref_squeeze %dma_wait3A_230 : memref<1x1x160xi32, #tpu.memory_space<hbm>> -> memref<160xi32, #tpu.memory_space<hbm>>
        %dma_wait3A_232 = arith.constant 0 : i32
        %dma_wait3A_233 = tpu.memref_slice %arg7[%rem3A_225, %dma_wait3A_232] : memref<8x160xi32, #tpu.memory_space<vmem>> -> memref<1x160xi32, #tpu.memory_space<vmem>>
        %dma_wait3A_234 = tpu.memref_squeeze %dma_wait3A_233 : memref<1x160xi32, #tpu.memory_space<vmem>> -> memref<160xi32, #tpu.memory_space<vmem>>
        %dma_wait3A_235 = arith.constant 0 : i32
        %dma_wait3A_236 = tpu.memref_slice %arg3[%arg1, %add3A_224, %dma_wait3A_235] : memref<16x125x160xi32, #tpu.memory_space<hbm>> -> memref<1x1x160xi32, #tpu.memory_space<hbm>>
        %dma_wait3A_237 = tpu.memref_squeeze %dma_wait3A_236 : memref<1x1x160xi32, #tpu.memory_space<hbm>> -> memref<160xi32, #tpu.memory_space<hbm>>
        tpu.wait_dma2 semaphore(%arg15 : memref<!tpu.dma_semaphore, #tpu.memory_space<semaphore_mem>>) src(%dma_wait3A_237 : memref<160xi32, #tpu.memory_space<hbm>>) dst(%dma_wait3A_234 : memref<160xi32, #tpu.memory_space<vmem>>)
        %dma_wait3A_238 = arith.constant 0 : i32
        %dma_wait3A_239 = tpu.memref_slice %arg8[%rem3A_225, %dma_wait3A_238] : memref<8x160xi32, #tpu.memory_space<vmem>> -> memref<1x160xi32, #tpu.memory_space<vmem>>
        %dma_wait3A_240 = tpu.memref_squeeze %dma_wait3A_239 : memref<1x160xi32, #tpu.memory_space<vmem>> -> memref<160xi32, #tpu.memory_space<vmem>>
        %dma_wait3A_241 = arith.constant 0 : i32
        %dma_wait3A_242 = tpu.memref_slice %arg4[%arg1, %add3A_224, %dma_wait3A_241] : memref<16x125x160xi32, #tpu.memory_space<hbm>> -> memref<1x1x160xi32, #tpu.memory_space<hbm>>
        %dma_wait3A_243 = tpu.memref_squeeze %dma_wait3A_242 : memref<1x1x160xi32, #tpu.memory_space<hbm>> -> memref<160xi32, #tpu.memory_space<hbm>>
        %dma_wait3A_244 = arith.constant 0 : i32
        %dma_wait3A_245 = tpu.memref_slice %arg8[%rem3A_225, %dma_wait3A_244] : memref<8x160xi32, #tpu.memory_space<vmem>> -> memref<1x160xi32, #tpu.memory_space<vmem>>
        %dma_wait3A_246 = tpu.memref_squeeze %dma_wait3A_245 : memref<1x160xi32, #tpu.memory_space<vmem>> -> memref<160xi32, #tpu.memory_space<vmem>>
        %dma_wait3A_247 = arith.constant 0 : i32
        %dma_wait3A_248 = tpu.memref_slice %arg4[%arg1, %add3A_224, %dma_wait3A_247] : memref<16x125x160xi32, #tpu.memory_space<hbm>> -> memref<1x1x160xi32, #tpu.memory_space<hbm>>
        %dma_wait3A_249 = tpu.memref_squeeze %dma_wait3A_248 : memref<1x1x160xi32, #tpu.memory_space<hbm>> -> memref<160xi32, #tpu.memory_space<hbm>>
        tpu.wait_dma2 semaphore(%arg15 : memref<!tpu.dma_semaphore, #tpu.memory_space<semaphore_mem>>) src(%dma_wait3A_249 : memref<160xi32, #tpu.memory_space<hbm>>) dst(%dma_wait3A_246 : memref<160xi32, #tpu.memory_space<vmem>>)
        %dma_wait3A_250 = arith.constant 0 : i32
        %dma_wait3A_251 = tpu.memref_slice %arg9[%rem3A_225, %dma_wait3A_250] : memref<8x160xf32, #tpu.memory_space<vmem>> -> memref<1x160xf32, #tpu.memory_space<vmem>>
        %dma_wait3A_252 = tpu.memref_squeeze %dma_wait3A_251 : memref<1x160xf32, #tpu.memory_space<vmem>> -> memref<160xf32, #tpu.memory_space<vmem>>
        %dma_wait3A_253 = arith.constant 0 : i32
        %dma_wait3A_254 = tpu.memref_slice %arg5[%arg1, %add3A_224, %dma_wait3A_253] : memref<16x125x160xf32, #tpu.memory_space<hbm>> -> memref<1x1x160xf32, #tpu.memory_space<hbm>>
        %dma_wait3A_255 = tpu.memref_squeeze %dma_wait3A_254 : memref<1x1x160xf32, #tpu.memory_space<hbm>> -> memref<160xf32, #tpu.memory_space<hbm>>
        %dma_wait3A_256 = arith.constant 0 : i32
        %dma_wait3A_257 = tpu.memref_slice %arg9[%rem3A_225, %dma_wait3A_256] : memref<8x160xf32, #tpu.memory_space<vmem>> -> memref<1x160xf32, #tpu.memory_space<vmem>>
        %dma_wait3A_258 = tpu.memref_squeeze %dma_wait3A_257 : memref<1x160xf32, #tpu.memory_space<vmem>> -> memref<160xf32, #tpu.memory_space<vmem>>
        %dma_wait3A_259 = arith.constant 0 : i32
        %dma_wait3A_260 = tpu.memref_slice %arg5[%arg1, %add3A_224, %dma_wait3A_259] : memref<16x125x160xf32, #tpu.memory_space<hbm>> -> memref<1x1x160xf32, #tpu.memory_space<hbm>>
        %dma_wait3A_261 = tpu.memref_squeeze %dma_wait3A_260 : memref<1x1x160xf32, #tpu.memory_space<hbm>> -> memref<160xf32, #tpu.memory_space<hbm>>
        tpu.wait_dma2 semaphore(%arg15 : memref<!tpu.dma_semaphore, #tpu.memory_space<semaphore_mem>>) src(%dma_wait3A_261 : memref<160xf32, #tpu.memory_space<hbm>>) dst(%dma_wait3A_258 : memref<160xf32, #tpu.memory_space<vmem>>)
        %rem3A_262 = arith.constant 4 : i32
        %rem3A_263 = arith.remsi %add3A_224, %rem3A_262 : i32
        %dma_start3A_264 = arith.constant 0 : i32
        %dma_start3A_265 = arith.constant 0 : i32
        %dma_start3A_266 = tpu.memref_slice %arg10[%rem3A_263, %dma_start3A_264, %dma_start3A_265] : memref<4x160x64xf32, #tpu.memory_space<vmem>> -> memref<1x160x64xf32, #tpu.memory_space<vmem>>
        %dma_start3A_267 = tpu.memref_squeeze %dma_start3A_266 : memref<1x160x64xf32, #tpu.memory_space<vmem>> -> memref<160x64xf32, #tpu.memory_space<vmem>>
        %dma_start3A_268 = arith.constant 0 : i32
        %dma_start3A_269 = tpu.memref_slice %arg7[%rem3A_225, %dma_start3A_268] : memref<8x160xi32, #tpu.memory_space<vmem>> -> memref<1x160xi32, #tpu.memory_space<vmem>>
        %dma_start3A_270 = tpu.memref_squeeze %dma_start3A_269 : memref<1x160xi32, #tpu.memory_space<vmem>> -> memref<160xi32, #tpu.memory_space<vmem>>
        %dma_start3A_271 = arith.constant 0 : i32
        %dma_start3A_272 = arith.constant 0 : i32
        %dma_start3A_273 = tpu.memref_slice %arg11[%dma_start3A_271, %dma_start3A_272] : memref<10240x64xf32, #tpu.memory_space<vmem_shared>> -> memref<10240x64xf32, #tpu.memory_space<vmem_shared>>
        tpu.enqueue_indirect_dma source(%dma_start3A_273 : memref<10240x64xf32, #tpu.memory_space<vmem_shared>>) target(%dma_start3A_267 : memref<160x64xf32, #tpu.memory_space<vmem>>) offsets(%dma_start3A_270 : memref<160xi32, #tpu.memory_space<vmem>>) semaphore(%arg13 : memref<!tpu.dma_semaphore, #tpu.memory_space<semaphore_mem>>)
      } else {
      }
      %add3A_205 = arith.constant 4 : i32
      %add3A_206 = arith.addi %sub3A_192, %add3A_205 : i32
      %lt3A_207 = arith.constant 125 : i32
      %lt3A_208 = arith.cmpi slt, %add3A_206, %lt3A_207 : i32
      %convert_element_type3A_209 = arith.extui %lt3A_208 : i1 to i32
      %cond3A_210 = arith.constant 0 : i32
      %cond3A_211 = arith.cmpi ne, %convert_element_type3A_209, %cond3A_210 : i32
      scf.if %cond3A_211 {
        %add3A_223 = arith.constant 4 : i32
        %add3A_224 = arith.addi %sub3A_192, %add3A_223 : i32
        %add3A_225 = arith.constant 4 : i32
        %add3A_226 = arith.addi %sub3A_192, %add3A_225 : i32
        %rem3A = arith.constant 8 : i32
        %rem3A_227 = arith.remsi %add3A_226, %rem3A : i32
        %dma_start3A_228 = arith.constant 0 : i32
        %dma_start3A_229 = tpu.memref_slice %arg7[%rem3A_227, %dma_start3A_228] : memref<8x160xi32, #tpu.memory_space<vmem>> -> memref<1x160xi32, #tpu.memory_space<vmem>>
        %dma_start3A_230 = tpu.memref_squeeze %dma_start3A_229 : memref<1x160xi32, #tpu.memory_space<vmem>> -> memref<160xi32, #tpu.memory_space<vmem>>
        %dma_start3A_231 = arith.constant 0 : i32
        %dma_start3A_232 = tpu.memref_slice %arg3[%arg1, %add3A_224, %dma_start3A_231] : memref<16x125x160xi32, #tpu.memory_space<hbm>> -> memref<1x1x160xi32, #tpu.memory_space<hbm>>
        %dma_start3A_233 = tpu.memref_squeeze %dma_start3A_232 : memref<1x1x160xi32, #tpu.memory_space<hbm>> -> memref<160xi32, #tpu.memory_space<hbm>>
        %dma_start3A_234 = arith.constant 0 : i32
        %dma_start3A_235 = tpu.memref_slice %arg7[%rem3A_227, %dma_start3A_234] : memref<8x160xi32, #tpu.memory_space<vmem>> -> memref<1x160xi32, #tpu.memory_space<vmem>>
        %dma_start3A_236 = tpu.memref_squeeze %dma_start3A_235 : memref<1x160xi32, #tpu.memory_space<vmem>> -> memref<160xi32, #tpu.memory_space<vmem>>
        %dma_start3A_237 = arith.constant 0 : i32
        %dma_start3A_238 = tpu.memref_slice %arg3[%arg1, %add3A_224, %dma_start3A_237] : memref<16x125x160xi32, #tpu.memory_space<hbm>> -> memref<1x1x160xi32, #tpu.memory_space<hbm>>
        %dma_start3A_239 = tpu.memref_squeeze %dma_start3A_238 : memref<1x1x160xi32, #tpu.memory_space<hbm>> -> memref<160xi32, #tpu.memory_space<hbm>>
        tpu.enqueue_dma source(%dma_start3A_239 : memref<160xi32, #tpu.memory_space<hbm>>) target(%dma_start3A_236 : memref<160xi32, #tpu.memory_space<vmem>>) target_semaphore(%arg15 : memref<!tpu.dma_semaphore, #tpu.memory_space<semaphore_mem>>)
        %dma_start3A_240 = arith.constant 0 : i32
        %dma_start3A_241 = tpu.memref_slice %arg8[%rem3A_227, %dma_start3A_240] : memref<8x160xi32, #tpu.memory_space<vmem>> -> memref<1x160xi32, #tpu.memory_space<vmem>>
        %dma_start3A_242 = tpu.memref_squeeze %dma_start3A_241 : memref<1x160xi32, #tpu.memory_space<vmem>> -> memref<160xi32, #tpu.memory_space<vmem>>
        %dma_start3A_243 = arith.constant 0 : i32
        %dma_start3A_244 = tpu.memref_slice %arg4[%arg1, %add3A_224, %dma_start3A_243] : memref<16x125x160xi32, #tpu.memory_space<hbm>> -> memref<1x1x160xi32, #tpu.memory_space<hbm>>
        %dma_start3A_245 = tpu.memref_squeeze %dma_start3A_244 : memref<1x1x160xi32, #tpu.memory_space<hbm>> -> memref<160xi32, #tpu.memory_space<hbm>>
        %dma_start3A_246 = arith.constant 0 : i32
        %dma_start3A_247 = tpu.memref_slice %arg8[%rem3A_227, %dma_start3A_246] : memref<8x160xi32, #tpu.memory_space<vmem>> -> memref<1x160xi32, #tpu.memory_space<vmem>>
        %dma_start3A_248 = tpu.memref_squeeze %dma_start3A_247 : memref<1x160xi32, #tpu.memory_space<vmem>> -> memref<160xi32, #tpu.memory_space<vmem>>
        %dma_start3A_249 = arith.constant 0 : i32
        %dma_start3A_250 = tpu.memref_slice %arg4[%arg1, %add3A_224, %dma_start3A_249] : memref<16x125x160xi32, #tpu.memory_space<hbm>> -> memref<1x1x160xi32, #tpu.memory_space<hbm>>
        %dma_start3A_251 = tpu.memref_squeeze %dma_start3A_250 : memref<1x1x160xi32, #tpu.memory_space<hbm>> -> memref<160xi32, #tpu.memory_space<hbm>>
        tpu.enqueue_dma source(%dma_start3A_251 : memref<160xi32, #tpu.memory_space<hbm>>) target(%dma_start3A_248 : memref<160xi32, #tpu.memory_space<vmem>>) target_semaphore(%arg15 : memref<!tpu.dma_semaphore, #tpu.memory_space<semaphore_mem>>)
        %dma_start3A_252 = arith.constant 0 : i32
        %dma_start3A_253 = tpu.memref_slice %arg9[%rem3A_227, %dma_start3A_252] : memref<8x160xf32, #tpu.memory_space<vmem>> -> memref<1x160xf32, #tpu.memory_space<vmem>>
        %dma_start3A_254 = tpu.memref_squeeze %dma_start3A_253 : memref<1x160xf32, #tpu.memory_space<vmem>> -> memref<160xf32, #tpu.memory_space<vmem>>
        %dma_start3A_255 = arith.constant 0 : i32
        %dma_start3A_256 = tpu.memref_slice %arg5[%arg1, %add3A_224, %dma_start3A_255] : memref<16x125x160xf32, #tpu.memory_space<hbm>> -> memref<1x1x160xf32, #tpu.memory_space<hbm>>
        %dma_start3A_257 = tpu.memref_squeeze %dma_start3A_256 : memref<1x1x160xf32, #tpu.memory_space<hbm>> -> memref<160xf32, #tpu.memory_space<hbm>>
        %dma_start3A_258 = arith.constant 0 : i32
        %dma_start3A_259 = tpu.memref_slice %arg9[%rem3A_227, %dma_start3A_258] : memref<8x160xf32, #tpu.memory_space<vmem>> -> memref<1x160xf32, #tpu.memory_space<vmem>>
        %dma_start3A_260 = tpu.memref_squeeze %dma_start3A_259 : memref<1x160xf32, #tpu.memory_space<vmem>> -> memref<160xf32, #tpu.memory_space<vmem>>
        %dma_start3A_261 = arith.constant 0 : i32
        %dma_start3A_262 = tpu.memref_slice %arg5[%arg1, %add3A_224, %dma_start3A_261] : memref<16x125x160xf32, #tpu.memory_space<hbm>> -> memref<1x1x160xf32, #tpu.memory_space<hbm>>
        %dma_start3A_263 = tpu.memref_squeeze %dma_start3A_262 : memref<1x1x160xf32, #tpu.memory_space<hbm>> -> memref<160xf32, #tpu.memory_space<hbm>>
        tpu.enqueue_dma source(%dma_start3A_263 : memref<160xf32, #tpu.memory_space<hbm>>) target(%dma_start3A_260 : memref<160xf32, #tpu.memory_space<vmem>>) target_semaphore(%arg15 : memref<!tpu.dma_semaphore, #tpu.memory_space<semaphore_mem>>)
      } else {
      }
      %ge3A_212 = arith.constant 1 : i32
      %ge3A_213 = arith.cmpi sge, %sub3A_192, %ge3A_212 : i32
      %sub3A_214 = arith.constant 1 : i32
      %sub3A_215 = arith.subi %sub3A_192, %sub3A_214 : i32
      %lt3A_216 = arith.constant 125 : i32
      %lt3A_217 = arith.cmpi slt, %sub3A_215, %lt3A_216 : i32
      %and3A_218 = arith.andi %ge3A_213, %lt3A_217 : i1
      %convert_element_type3A_219 = arith.extui %and3A_218 : i1 to i32
      %cond3A_220 = arith.constant 0 : i32
      %cond3A_221 = arith.cmpi ne, %convert_element_type3A_219, %cond3A_220 : i32
      scf.if %cond3A_221 {
        %sub3A_223 = arith.constant 1 : i32
        %sub3A_224 = arith.subi %sub3A_192, %sub3A_223 : i32
        %rem3A = arith.constant 8 : i32
        %rem3A_225 = arith.remsi %sub3A_224, %rem3A : i32
        %rem3A_226 = arith.constant 4 : i32
        %rem3A_227 = arith.remsi %sub3A_224, %rem3A_226 : i32
        %dma_wait3A_228 = arith.constant 0 : i32
        %dma_wait3A_229 = arith.constant 0 : i32
        %dma_wait3A_230 = tpu.memref_slice %arg10[%rem3A_227, %dma_wait3A_228, %dma_wait3A_229] : memref<4x160x64xf32, #tpu.memory_space<vmem>> -> memref<1x160x64xf32, #tpu.memory_space<vmem>>
        %dma_wait3A_231 = tpu.memref_squeeze %dma_wait3A_230 : memref<1x160x64xf32, #tpu.memory_space<vmem>> -> memref<160x64xf32, #tpu.memory_space<vmem>>
        %dma_wait3A_232 = arith.constant 0 : i32
        %dma_wait3A_233 = tpu.memref_slice %arg7[%rem3A_225, %dma_wait3A_232] : memref<8x160xi32, #tpu.memory_space<vmem>> -> memref<1x160xi32, #tpu.memory_space<vmem>>
        %dma_wait3A_234 = tpu.memref_squeeze %dma_wait3A_233 : memref<1x160xi32, #tpu.memory_space<vmem>> -> memref<160xi32, #tpu.memory_space<vmem>>
        %dma_wait3A_235 = arith.constant 0 : i32
        %dma_wait3A_236 = arith.constant 0 : i32
        %dma_wait3A_237 = tpu.memref_slice %arg11[%dma_wait3A_235, %dma_wait3A_236] : memref<10240x64xf32, #tpu.memory_space<vmem_shared>> -> memref<10240x64xf32, #tpu.memory_space<vmem_shared>>
        tpu.wait_indirect_dma semaphore(%arg13 : memref<!tpu.dma_semaphore, #tpu.memory_space<semaphore_mem>>) src(%dma_wait3A_237 : memref<10240x64xf32, #tpu.memory_space<vmem_shared>>) dst(%dma_wait3A_231 : memref<160x64xf32, #tpu.memory_space<vmem>>)
        %scan3A_238 = arith.constant 0 : i32
        %scan3A_239 = arith.constant 0 : i32
        %scan3A_240 = arith.constant 10 : i32
        %scan3A_241 = arith.addi %scan3A_239, %scan3A_240 : i32
        %scan3A_242 = arith.constant 1 : i32
        %scan3A_243 = scf.for %scan3A_255 = %scan3A_239 to %scan3A_241 step %scan3A_242 iter_args(%scan3A_256 = %scan3A_238) -> (i32)  : i32 {
          %mul3A_257 = arith.constant 16 : i32
          %mul3A_258 = arith.muli %scan3A_255, %mul3A_257 : i32
          %add3A_259 = arith.constant 0 : i32
          %add3A_260 = arith.addi %mul3A_258, %add3A_259 : i32
          %broadcast_in_dim3A_261 = vector.broadcast %rem3A_225 : i32 to vector<16xi32>
          %broadcast_in_dim3A_262 = vector.broadcast %add3A_260 : i32 to vector<16xi32>
          %gather3A = tpu.vector_load_idx %arg9[%broadcast_in_dim3A_261, %broadcast_in_dim3A_262] : memref<8x160xf32, #tpu.memory_space<vmem>>[vector<16xi32>, vector<16xi32>], vector<16xf32>,
          %get3A = arith.index_cast %rem3A_227 : i32 to index
          %get3A_263 = arith.index_cast %add3A_260 : i32 to index
          %get3A_264 = arith.constant 0 : index
          %get3A_265 = tpu.vector_load %arg10[%get3A, %get3A_263, %get3A_264] {strides = array<i32>} : memref<4x160x64xf32, #tpu.memory_space<vmem>>, vector<16xf32>,
          %mul3A_266 = arith.mulf %get3A_265, %gather3A : vector<16xf32>
          %swap3A = arith.index_cast %rem3A_227 : i32 to index
          %swap3A_267 = arith.index_cast %add3A_260 : i32 to index
          %swap3A_268 = arith.constant 0 : index
          %swap3A_269 = tpu.vector_load %arg10[%swap3A, %swap3A_267, %swap3A_268] {strides = array<i32>} : memref<4x160x64xf32, #tpu.memory_space<vmem>>, vector<16xf32>,
          tpu.vector_store %arg10[%swap3A, %swap3A_267, %swap3A_268], %mul3A_266 {strides = array<i32>} : memref<4x160x64xf32, #tpu.memory_space<vmem>>, vector<16xf32>,
          %get3A_270 = arith.index_cast %rem3A_227 : i32 to index
          %get3A_271 = arith.index_cast %add3A_260 : i32 to index
          %get3A_272 = arith.constant 16 : index
          %get3A_273 = tpu.vector_load %arg10[%get3A_270, %get3A_271, %get3A_272] {strides = array<i32>} : memref<4x160x64xf32, #tpu.memory_space<vmem>>, vector<16xf32>,
          %mul3A_274 = arith.mulf %get3A_273, %gather3A : vector<16xf32>
          %swap3A_275 = arith.index_cast %rem3A_227 : i32 to index
          %swap3A_276 = arith.index_cast %add3A_260 : i32 to index
          %swap3A_277 = arith.constant 16 : index
          %swap3A_278 = tpu.vector_load %arg10[%swap3A_275, %swap3A_276, %swap3A_277] {strides = array<i32>} : memref<4x160x64xf32, #tpu.memory_space<vmem>>, vector<16xf32>,
          tpu.vector_store %arg10[%swap3A_275, %swap3A_276, %swap3A_277], %mul3A_274 {strides = array<i32>} : memref<4x160x64xf32, #tpu.memory_space<vmem>>, vector<16xf32>,
          %get3A_279 = arith.index_cast %rem3A_227 : i32 to index
          %get3A_280 = arith.index_cast %add3A_260 : i32 to index
          %get3A_281 = arith.constant 32 : index
          %get3A_282 = tpu.vector_load %arg10[%get3A_279, %get3A_280, %get3A_281] {strides = array<i32>} : memref<4x160x64xf32, #tpu.memory_space<vmem>>, vector<16xf32>,
          %mul3A_283 = arith.mulf %get3A_282, %gather3A : vector<16xf32>
          %swap3A_284 = arith.index_cast %rem3A_227 : i32 to index
          %swap3A_285 = arith.index_cast %add3A_260 : i32 to index
          %swap3A_286 = arith.constant 32 : index
          %swap3A_287 = tpu.vector_load %arg10[%swap3A_284, %swap3A_285, %swap3A_286] {strides = array<i32>} : memref<4x160x64xf32, #tpu.memory_space<vmem>>, vector<16xf32>,
          tpu.vector_store %arg10[%swap3A_284, %swap3A_285, %swap3A_286], %mul3A_283 {strides = array<i32>} : memref<4x160x64xf32, #tpu.memory_space<vmem>>, vector<16xf32>,
          %get3A_288 = arith.index_cast %rem3A_227 : i32 to index
          %get3A_289 = arith.index_cast %add3A_260 : i32 to index
          %get3A_290 = arith.constant 48 : index
          %get3A_291 = tpu.vector_load %arg10[%get3A_288, %get3A_289, %get3A_290] {strides = array<i32>} : memref<4x160x64xf32, #tpu.memory_space<vmem>>, vector<16xf32>,
          %mul3A_292 = arith.mulf %get3A_291, %gather3A : vector<16xf32>
          %swap3A_293 = arith.index_cast %rem3A_227 : i32 to index
          %swap3A_294 = arith.index_cast %add3A_260 : i32 to index
          %swap3A_295 = arith.constant 48 : index
          %swap3A_296 = tpu.vector_load %arg10[%swap3A_293, %swap3A_294, %swap3A_295] {strides = array<i32>} : memref<4x160x64xf32, #tpu.memory_space<vmem>>, vector<16xf32>,
          tpu.vector_store %arg10[%swap3A_293, %swap3A_294, %swap3A_295], %mul3A_292 {strides = array<i32>} : memref<4x160x64xf32, #tpu.memory_space<vmem>>, vector<16xf32>,
          %add3A_297 = arith.constant 1 : i32
          %add3A_298 = arith.addi %mul3A_258, %add3A_297 : i32
          %broadcast_in_dim3A_299 = vector.broadcast %rem3A_225 : i32 to vector<16xi32>
          %broadcast_in_dim3A_300 = vector.broadcast %add3A_298 : i32 to vector<16xi32>
          %gather3A_301 = tpu.vector_load_idx %arg9[%broadcast_in_dim3A_299, %broadcast_in_dim3A_300] : memref<8x160xf32, #tpu.memory_space<vmem>>[vector<16xi32>, vector<16xi32>], vector<16xf32>,
          %get3A_302 = arith.index_cast %rem3A_227 : i32 to index
          %get3A_303 = arith.index_cast %add3A_298 : i32 to index
          %get3A_304 = arith.constant 0 : index
          %get3A_305 = tpu.vector_load %arg10[%get3A_302, %get3A_303, %get3A_304] {strides = array<i32>} : memref<4x160x64xf32, #tpu.memory_space<vmem>>, vector<16xf32>,
          %mul3A_306 = arith.mulf %get3A_305, %gather3A_301 : vector<16xf32>
          %swap3A_307 = arith.index_cast %rem3A_227 : i32 to index
          %swap3A_308 = arith.index_cast %add3A_298 : i32 to index
          %swap3A_309 = arith.constant 0 : index
          %swap3A_310 = tpu.vector_load %arg10[%swap3A_307, %swap3A_308, %swap3A_309] {strides = array<i32>} : memref<4x160x64xf32, #tpu.memory_space<vmem>>, vector<16xf32>,
          tpu.vector_store %arg10[%swap3A_307, %swap3A_308, %swap3A_309], %mul3A_306 {strides = array<i32>} : memref<4x160x64xf32, #tpu.memory_space<vmem>>, vector<16xf32>,
          %get3A_311 = arith.index_cast %rem3A_227 : i32 to index
          %get3A_312 = arith.index_cast %add3A_298 : i32 to index
          %get3A_313 = arith.constant 16 : index
          %get3A_314 = tpu.vector_load %arg10[%get3A_311, %get3A_312, %get3A_313] {strides = array<i32>} : memref<4x160x64xf32, #tpu.memory_space<vmem>>, vector<16xf32>,
          %mul3A_315 = arith.mulf %get3A_314, %gather3A_301 : vector<16xf32>
          %swap3A_316 = arith.index_cast %rem3A_227 : i32 to index
          %swap3A_317 = arith.index_cast %add3A_298 : i32 to index
          %swap3A_318 = arith.constant 16 : index
          %swap3A_319 = tpu.vector_load %arg10[%swap3A_316, %swap3A_317, %swap3A_318] {strides = array<i32>} : memref<4x160x64xf32, #tpu.memory_space<vmem>>, vector<16xf32>,
          tpu.vector_store %arg10[%swap3A_316, %swap3A_317, %swap3A_318], %mul3A_315 {strides = array<i32>} : memref<4x160x64xf32, #tpu.memory_space<vmem>>, vector<16xf32>,
          %get3A_320 = arith.index_cast %rem3A_227 : i32 to index
          %get3A_321 = arith.index_cast %add3A_298 : i32 to index
          %get3A_322 = arith.constant 32 : index
          %get3A_323 = tpu.vector_load %arg10[%get3A_320, %get3A_321, %get3A_322] {strides = array<i32>} : memref<4x160x64xf32, #tpu.memory_space<vmem>>, vector<16xf32>,
          %mul3A_324 = arith.mulf %get3A_323, %gather3A_301 : vector<16xf32>
          %swap3A_325 = arith.index_cast %rem3A_227 : i32 to index
          %swap3A_326 = arith.index_cast %add3A_298 : i32 to index
          %swap3A_327 = arith.constant 32 : index
          %swap3A_328 = tpu.vector_load %arg10[%swap3A_325, %swap3A_326, %swap3A_327] {strides = array<i32>} : memref<4x160x64xf32, #tpu.memory_space<vmem>>, vector<16xf32>,
          tpu.vector_store %arg10[%swap3A_325, %swap3A_326, %swap3A_327], %mul3A_324 {strides = array<i32>} : memref<4x160x64xf32, #tpu.memory_space<vmem>>, vector<16xf32>,
          %get3A_329 = arith.index_cast %rem3A_227 : i32 to index
          %get3A_330 = arith.index_cast %add3A_298 : i32 to index
          %get3A_331 = arith.constant 48 : index
          %get3A_332 = tpu.vector_load %arg10[%get3A_329, %get3A_330, %get3A_331] {strides = array<i32>} : memref<4x160x64xf32, #tpu.memory_space<vmem>>, vector<16xf32>,
          %mul3A_333 = arith.mulf %get3A_332, %gather3A_301 : vector<16xf32>
          %swap3A_334 = arith.index_cast %rem3A_227 : i32 to index
          %swap3A_335 = arith.index_cast %add3A_298 : i32 to index
          %swap3A_336 = arith.constant 48 : index
          %swap3A_337 = tpu.vector_load %arg10[%swap3A_334, %swap3A_335, %swap3A_336] {strides = array<i32>} : memref<4x160x64xf32, #tpu.memory_space<vmem>>, vector<16xf32>,
          tpu.vector_store %arg10[%swap3A_334, %swap3A_335, %swap3A_336], %mul3A_333 {strides = array<i32>} : memref<4x160x64xf32, #tpu.memory_space<vmem>>, vector<16xf32>,
          %add3A_338 = arith.constant 2 : i32
          %add3A_339 = arith.addi %mul3A_258, %add3A_338 : i32
          %broadcast_in_dim3A_340 = vector.broadcast %rem3A_225 : i32 to vector<16xi32>
          %broadcast_in_dim3A_341 = vector.broadcast %add3A_339 : i32 to vector<16xi32>
          %gather3A_342 = tpu.vector_load_idx %arg9[%broadcast_in_dim3A_340, %broadcast_in_dim3A_341] : memref<8x160xf32, #tpu.memory_space<vmem>>[vector<16xi32>, vector<16xi32>], vector<16xf32>,
          %get3A_343 = arith.index_cast %rem3A_227 : i32 to index
          %get3A_344 = arith.index_cast %add3A_339 : i32 to index
          %get3A_345 = arith.constant 0 : index
          %get3A_346 = tpu.vector_load %arg10[%get3A_343, %get3A_344, %get3A_345] {strides = array<i32>} : memref<4x160x64xf32, #tpu.memory_space<vmem>>, vector<16xf32>,
          %mul3A_347 = arith.mulf %get3A_346, %gather3A_342 : vector<16xf32>
          %swap3A_348 = arith.index_cast %rem3A_227 : i32 to index
          %swap3A_349 = arith.index_cast %add3A_339 : i32 to index
          %swap3A_350 = arith.constant 0 : index
          %swap3A_351 = tpu.vector_load %arg10[%swap3A_348, %swap3A_349, %swap3A_350] {strides = array<i32>} : memref<4x160x64xf32, #tpu.memory_space<vmem>>, vector<16xf32>,
          tpu.vector_store %arg10[%swap3A_348, %swap3A_349, %swap3A_350], %mul3A_347 {strides = array<i32>} : memref<4x160x64xf32, #tpu.memory_space<vmem>>, vector<16xf32>,
          %get3A_352 = arith.index_cast %rem3A_227 : i32 to index
          %get3A_353 = arith.index_cast %add3A_339 : i32 to index
          %get3A_354 = arith.constant 16 : index
          %get3A_355 = tpu.vector_load %arg10[%get3A_352, %get3A_353, %get3A_354] {strides = array<i32>} : memref<4x160x64xf32, #tpu.memory_space<vmem>>, vector<16xf32>,
          %mul3A_356 = arith.mulf %get3A_355, %gather3A_342 : vector<16xf32>
          %swap3A_357 = arith.index_cast %rem3A_227 : i32 to index
          %swap3A_358 = arith.index_cast %add3A_339 : i32 to index
          %swap3A_359 = arith.constant 16 : index
          %swap3A_360 = tpu.vector_load %arg10[%swap3A_357, %swap3A_358, %swap3A_359] {strides = array<i32>} : memref<4x160x64xf32, #tpu.memory_space<vmem>>, vector<16xf32>,
          tpu.vector_store %arg10[%swap3A_357, %swap3A_358, %swap3A_359], %mul3A_356 {strides = array<i32>} : memref<4x160x64xf32, #tpu.memory_space<vmem>>, vector<16xf32>,
          %get3A_361 = arith.index_cast %rem3A_227 : i32 to index
          %get3A_362 = arith.index_cast %add3A_339 : i32 to index
          %get3A_363 = arith.constant 32 : index
          %get3A_364 = tpu.vector_load %arg10[%get3A_361, %get3A_362, %get3A_363] {strides = array<i32>} : memref<4x160x64xf32, #tpu.memory_space<vmem>>, vector<16xf32>,
          %mul3A_365 = arith.mulf %get3A_364, %gather3A_342 : vector<16xf32>
          %swap3A_366 = arith.index_cast %rem3A_227 : i32 to index
          %swap3A_367 = arith.index_cast %add3A_339 : i32 to index
          %swap3A_368 = arith.constant 32 : index
          %swap3A_369 = tpu.vector_load %arg10[%swap3A_366, %swap3A_367, %swap3A_368] {strides = array<i32>} : memref<4x160x64xf32, #tpu.memory_space<vmem>>, vector<16xf32>,
          tpu.vector_store %arg10[%swap3A_366, %swap3A_367, %swap3A_368], %mul3A_365 {strides = array<i32>} : memref<4x160x64xf32, #tpu.memory_space<vmem>>, vector<16xf32>,
          %get3A_370 = arith.index_cast %rem3A_227 : i32 to index
          %get3A_371 = arith.index_cast %add3A_339 : i32 to index
          %get3A_372 = arith.constant 48 : index
          %get3A_373 = tpu.vector_load %arg10[%get3A_370, %get3A_371, %get3A_372] {strides = array<i32>} : memref<4x160x64xf32, #tpu.memory_space<vmem>>, vector<16xf32>,
          %mul3A_374 = arith.mulf %get3A_373, %gather3A_342 : vector<16xf32>
          %swap3A_375 = arith.index_cast %rem3A_227 : i32 to index
          %swap3A_376 = arith.index_cast %add3A_339 : i32 to index
          %swap3A_377 = arith.constant 48 : index
          %swap3A_378 = tpu.vector_load %arg10[%swap3A_375, %swap3A_376, %swap3A_377] {strides = array<i32>} : memref<4x160x64xf32, #tpu.memory_space<vmem>>, vector<16xf32>,
          tpu.vector_store %arg10[%swap3A_375, %swap3A_376, %swap3A_377], %mul3A_374 {strides = array<i32>} : memref<4x160x64xf32, #tpu.memory_space<vmem>>, vector<16xf32>,
          %add3A_379 = arith.constant 3 : i32
          %add3A_380 = arith.addi %mul3A_258, %add3A_379 : i32
          %broadcast_in_dim3A_381 = vector.broadcast %rem3A_225 : i32 to vector<16xi32>
          %broadcast_in_dim3A_382 = vector.broadcast %add3A_380 : i32 to vector<16xi32>
          %gather3A_383 = tpu.vector_load_idx %arg9[%broadcast_in_dim3A_381, %broadcast_in_dim3A_382] : memref<8x160xf32, #tpu.memory_space<vmem>>[vector<16xi32>, vector<16xi32>], vector<16xf32>,
          %get3A_384 = arith.index_cast %rem3A_227 : i32 to index
          %get3A_385 = arith.index_cast %add3A_380 : i32 to index
          %get3A_386 = arith.constant 0 : index
          %get3A_387 = tpu.vector_load %arg10[%get3A_384, %get3A_385, %get3A_386] {strides = array<i32>} : memref<4x160x64xf32, #tpu.memory_space<vmem>>, vector<16xf32>,
          %mul3A_388 = arith.mulf %get3A_387, %gather3A_383 : vector<16xf32>
          %swap3A_389 = arith.index_cast %rem3A_227 : i32 to index
          %swap3A_390 = arith.index_cast %add3A_380 : i32 to index
          %swap3A_391 = arith.constant 0 : index
          %swap3A_392 = tpu.vector_load %arg10[%swap3A_389, %swap3A_390, %swap3A_391] {strides = array<i32>} : memref<4x160x64xf32, #tpu.memory_space<vmem>>, vector<16xf32>,
          tpu.vector_store %arg10[%swap3A_389, %swap3A_390, %swap3A_391], %mul3A_388 {strides = array<i32>} : memref<4x160x64xf32, #tpu.memory_space<vmem>>, vector<16xf32>,
          %get3A_393 = arith.index_cast %rem3A_227 : i32 to index
          %get3A_394 = arith.index_cast %add3A_380 : i32 to index
          %get3A_395 = arith.constant 16 : index
          %get3A_396 = tpu.vector_load %arg10[%get3A_393, %get3A_394, %get3A_395] {strides = array<i32>} : memref<4x160x64xf32, #tpu.memory_space<vmem>>, vector<16xf32>,
          %mul3A_397 = arith.mulf %get3A_396, %gather3A_383 : vector<16xf32>
          %swap3A_398 = arith.index_cast %rem3A_227 : i32 to index
          %swap3A_399 = arith.index_cast %add3A_380 : i32 to index
          %swap3A_400 = arith.constant 16 : index
          %swap3A_401 = tpu.vector_load %arg10[%swap3A_398, %swap3A_399, %swap3A_400] {strides = array<i32>} : memref<4x160x64xf32, #tpu.memory_space<vmem>>, vector<16xf32>,
          tpu.vector_store %arg10[%swap3A_398, %swap3A_399, %swap3A_400], %mul3A_397 {strides = array<i32>} : memref<4x160x64xf32, #tpu.memory_space<vmem>>, vector<16xf32>,
          %get3A_402 = arith.index_cast %rem3A_227 : i32 to index
          %get3A_403 = arith.index_cast %add3A_380 : i32 to index
          %get3A_404 = arith.constant 32 : index
          %get3A_405 = tpu.vector_load %arg10[%get3A_402, %get3A_403, %get3A_404] {strides = array<i32>} : memref<4x160x64xf32, #tpu.memory_space<vmem>>, vector<16xf32>,
          %mul3A_406 = arith.mulf %get3A_405, %gather3A_383 : vector<16xf32>
          %swap3A_407 = arith.index_cast %rem3A_227 : i32 to index
          %swap3A_408 = arith.index_cast %add3A_380 : i32 to index
          %swap3A_409 = arith.constant 32 : index
          %swap3A_410 = tpu.vector_load %arg10[%swap3A_407, %swap3A_408, %swap3A_409] {strides = array<i32>} : memref<4x160x64xf32, #tpu.memory_space<vmem>>, vector<16xf32>,
          tpu.vector_store %arg10[%swap3A_407, %swap3A_408, %swap3A_409], %mul3A_406 {strides = array<i32>} : memref<4x160x64xf32, #tpu.memory_space<vmem>>, vector<16xf32>,
          %get3A_411 = arith.index_cast %rem3A_227 : i32 to index
          %get3A_412 = arith.index_cast %add3A_380 : i32 to index
          %get3A_413 = arith.constant 48 : index
          %get3A_414 = tpu.vector_load %arg10[%get3A_411, %get3A_412, %get3A_413] {strides = array<i32>} : memref<4x160x64xf32, #tpu.memory_space<vmem>>, vector<16xf32>,
          %mul3A_415 = arith.mulf %get3A_414, %gather3A_383 : vector<16xf32>
          %swap3A_416 = arith.index_cast %rem3A_227 : i32 to index
          %swap3A_417 = arith.index_cast %add3A_380 : i32 to index
          %swap3A_418 = arith.constant 48 : index
          %swap3A_419 = tpu.vector_load %arg10[%swap3A_416, %swap3A_417, %swap3A_418] {strides = array<i32>} : memref<4x160x64xf32, #tpu.memory_space<vmem>>, vector<16xf32>,
          tpu.vector_store %arg10[%swap3A_416, %swap3A_417, %swap3A_418], %mul3A_415 {strides = array<i32>} : memref<4x160x64xf32, #tpu.memory_space<vmem>>, vector<16xf32>,
          %add3A_420 = arith.constant 4 : i32
          %add3A_421 = arith.addi %mul3A_258, %add3A_420 : i32
          %broadcast_in_dim3A_422 = vector.broadcast %rem3A_225 : i32 to vector<16xi32>
          %broadcast_in_dim3A_423 = vector.broadcast %add3A_421 : i32 to vector<16xi32>
          %gather3A_424 = tpu.vector_load_idx %arg9[%broadcast_in_dim3A_422, %broadcast_in_dim3A_423] : memref<8x160xf32, #tpu.memory_space<vmem>>[vector<16xi32>, vector<16xi32>], vector<16xf32>,
          %get3A_425 = arith.index_cast %rem3A_227 : i32 to index
          %get3A_426 = arith.index_cast %add3A_421 : i32 to index
          %get3A_427 = arith.constant 0 : index
          %get3A_428 = tpu.vector_load %arg10[%get3A_425, %get3A_426, %get3A_427] {strides = array<i32>} : memref<4x160x64xf32, #tpu.memory_space<vmem>>, vector<16xf32>,
          %mul3A_429 = arith.mulf %get3A_428, %gather3A_424 : vector<16xf32>
          %swap3A_430 = arith.index_cast %rem3A_227 : i32 to index
          %swap3A_431 = arith.index_cast %add3A_421 : i32 to index
          %swap3A_432 = arith.constant 0 : index
          %swap3A_433 = tpu.vector_load %arg10[%swap3A_430, %swap3A_431, %swap3A_432] {strides = array<i32>} : memref<4x160x64xf32, #tpu.memory_space<vmem>>, vector<16xf32>,
          tpu.vector_store %arg10[%swap3A_430, %swap3A_431, %swap3A_432], %mul3A_429 {strides = array<i32>} : memref<4x160x64xf32, #tpu.memory_space<vmem>>, vector<16xf32>,
          %get3A_434 = arith.index_cast %rem3A_227 : i32 to index
          %get3A_435 = arith.index_cast %add3A_421 : i32 to index
          %get3A_436 = arith.constant 16 : index
          %get3A_437 = tpu.vector_load %arg10[%get3A_434, %get3A_435, %get3A_436] {strides = array<i32>} : memref<4x160x64xf32, #tpu.memory_space<vmem>>, vector<16xf32>,
          %mul3A_438 = arith.mulf %get3A_437, %gather3A_424 : vector<16xf32>
          %swap3A_439 = arith.index_cast %rem3A_227 : i32 to index
          %swap3A_440 = arith.index_cast %add3A_421 : i32 to index
          %swap3A_441 = arith.constant 16 : index
          %swap3A_442 = tpu.vector_load %arg10[%swap3A_439, %swap3A_440, %swap3A_441] {strides = array<i32>} : memref<4x160x64xf32, #tpu.memory_space<vmem>>, vector<16xf32>,
          tpu.vector_store %arg10[%swap3A_439, %swap3A_440, %swap3A_441], %mul3A_438 {strides = array<i32>} : memref<4x160x64xf32, #tpu.memory_space<vmem>>, vector<16xf32>,
          %get3A_443 = arith.index_cast %rem3A_227 : i32 to index
          %get3A_444 = arith.index_cast %add3A_421 : i32 to index
          %get3A_445 = arith.constant 32 : index
          %get3A_446 = tpu.vector_load %arg10[%get3A_443, %get3A_444, %get3A_445] {strides = array<i32>} : memref<4x160x64xf32, #tpu.memory_space<vmem>>, vector<16xf32>,
          %mul3A_447 = arith.mulf %get3A_446, %gather3A_424 : vector<16xf32>
          %swap3A_448 = arith.index_cast %rem3A_227 : i32 to index
          %swap3A_449 = arith.index_cast %add3A_421 : i32 to index
          %swap3A_450 = arith.constant 32 : index
          %swap3A_451 = tpu.vector_load %arg10[%swap3A_448, %swap3A_449, %swap3A_450] {strides = array<i32>} : memref<4x160x64xf32, #tpu.memory_space<vmem>>, vector<16xf32>,
          tpu.vector_store %arg10[%swap3A_448, %swap3A_449, %swap3A_450], %mul3A_447 {strides = array<i32>} : memref<4x160x64xf32, #tpu.memory_space<vmem>>, vector<16xf32>,
          %get3A_452 = arith.index_cast %rem3A_227 : i32 to index
          %get3A_453 = arith.index_cast %add3A_421 : i32 to index
          %get3A_454 = arith.constant 48 : index
          %get3A_455 = tpu.vector_load %arg10[%get3A_452, %get3A_453, %get3A_454] {strides = array<i32>} : memref<4x160x64xf32, #tpu.memory_space<vmem>>, vector<16xf32>,
          %mul3A_456 = arith.mulf %get3A_455, %gather3A_424 : vector<16xf32>
          %swap3A_457 = arith.index_cast %rem3A_227 : i32 to index
          %swap3A_458 = arith.index_cast %add3A_421 : i32 to index
          %swap3A_459 = arith.constant 48 : index
          %swap3A_460 = tpu.vector_load %arg10[%swap3A_457, %swap3A_458, %swap3A_459] {strides = array<i32>} : memref<4x160x64xf32, #tpu.memory_space<vmem>>, vector<16xf32>,
          tpu.vector_store %arg10[%swap3A_457, %swap3A_458, %swap3A_459], %mul3A_456 {strides = array<i32>} : memref<4x160x64xf32, #tpu.memory_space<vmem>>, vector<16xf32>,
          %add3A_461 = arith.constant 5 : i32
          %add3A_462 = arith.addi %mul3A_258, %add3A_461 : i32
          %broadcast_in_dim3A_463 = vector.broadcast %rem3A_225 : i32 to vector<16xi32>
          %broadcast_in_dim3A_464 = vector.broadcast %add3A_462 : i32 to vector<16xi32>
          %gather3A_465 = tpu.vector_load_idx %arg9[%broadcast_in_dim3A_463, %broadcast_in_dim3A_464] : memref<8x160xf32, #tpu.memory_space<vmem>>[vector<16xi32>, vector<16xi32>], vector<16xf32>,
          %get3A_466 = arith.index_cast %rem3A_227 : i32 to index
          %get3A_467 = arith.index_cast %add3A_462 : i32 to index
          %get3A_468 = arith.constant 0 : index
          %get3A_469 = tpu.vector_load %arg10[%get3A_466, %get3A_467, %get3A_468] {strides = array<i32>} : memref<4x160x64xf32, #tpu.memory_space<vmem>>, vector<16xf32>,
          %mul3A_470 = arith.mulf %get3A_469, %gather3A_465 : vector<16xf32>
          %swap3A_471 = arith.index_cast %rem3A_227 : i32 to index
          %swap3A_472 = arith.index_cast %add3A_462 : i32 to index
          %swap3A_473 = arith.constant 0 : index
          %swap3A_474 = tpu.vector_load %arg10[%swap3A_471, %swap3A_472, %swap3A_473] {strides = array<i32>} : memref<4x160x64xf32, #tpu.memory_space<vmem>>, vector<16xf32>,
          tpu.vector_store %arg10[%swap3A_471, %swap3A_472, %swap3A_473], %mul3A_470 {strides = array<i32>} : memref<4x160x64xf32, #tpu.memory_space<vmem>>, vector<16xf32>,
          %get3A_475 = arith.index_cast %rem3A_227 : i32 to index
          %get3A_476 = arith.index_cast %add3A_462 : i32 to index
          %get3A_477 = arith.constant 16 : index
          %get3A_478 = tpu.vector_load %arg10[%get3A_475, %get3A_476, %get3A_477] {strides = array<i32>} : memref<4x160x64xf32, #tpu.memory_space<vmem>>, vector<16xf32>,
          %mul3A_479 = arith.mulf %get3A_478, %gather3A_465 : vector<16xf32>
          %swap3A_480 = arith.index_cast %rem3A_227 : i32 to index
          %swap3A_481 = arith.index_cast %add3A_462 : i32 to index
          %swap3A_482 = arith.constant 16 : index
          %swap3A_483 = tpu.vector_load %arg10[%swap3A_480, %swap3A_481, %swap3A_482] {strides = array<i32>} : memref<4x160x64xf32, #tpu.memory_space<vmem>>, vector<16xf32>,
          tpu.vector_store %arg10[%swap3A_480, %swap3A_481, %swap3A_482], %mul3A_479 {strides = array<i32>} : memref<4x160x64xf32, #tpu.memory_space<vmem>>, vector<16xf32>,
          %get3A_484 = arith.index_cast %rem3A_227 : i32 to index
          %get3A_485 = arith.index_cast %add3A_462 : i32 to index
          %get3A_486 = arith.constant 32 : index
          %get3A_487 = tpu.vector_load %arg10[%get3A_484, %get3A_485, %get3A_486] {strides = array<i32>} : memref<4x160x64xf32, #tpu.memory_space<vmem>>, vector<16xf32>,
          %mul3A_488 = arith.mulf %get3A_487, %gather3A_465 : vector<16xf32>
          %swap3A_489 = arith.index_cast %rem3A_227 : i32 to index
          %swap3A_490 = arith.index_cast %add3A_462 : i32 to index
          %swap3A_491 = arith.constant 32 : index
          %swap3A_492 = tpu.vector_load %arg10[%swap3A_489, %swap3A_490, %swap3A_491] {strides = array<i32>} : memref<4x160x64xf32, #tpu.memory_space<vmem>>, vector<16xf32>,
          tpu.vector_store %arg10[%swap3A_489, %swap3A_490, %swap3A_491], %mul3A_488 {strides = array<i32>} : memref<4x160x64xf32, #tpu.memory_space<vmem>>, vector<16xf32>,
          %get3A_493 = arith.index_cast %rem3A_227 : i32 to index
          %get3A_494 = arith.index_cast %add3A_462 : i32 to index
          %get3A_495 = arith.constant 48 : index
          %get3A_496 = tpu.vector_load %arg10[%get3A_493, %get3A_494, %get3A_495] {strides = array<i32>} : memref<4x160x64xf32, #tpu.memory_space<vmem>>, vector<16xf32>,
          %mul3A_497 = arith.mulf %get3A_496, %gather3A_465 : vector<16xf32>
          %swap3A_498 = arith.index_cast %rem3A_227 : i32 to index
          %swap3A_499 = arith.index_cast %add3A_462 : i32 to index
          %swap3A_500 = arith.constant 48 : index
          %swap3A_501 = tpu.vector_load %arg10[%swap3A_498, %swap3A_499, %swap3A_500] {strides = array<i32>} : memref<4x160x64xf32, #tpu.memory_space<vmem>>, vector<16xf32>,
          tpu.vector_store %arg10[%swap3A_498, %swap3A_499, %swap3A_500], %mul3A_497 {strides = array<i32>} : memref<4x160x64xf32, #tpu.memory_space<vmem>>, vector<16xf32>,
          %add3A_502 = arith.constant 6 : i32
          %add3A_503 = arith.addi %mul3A_258, %add3A_502 : i32
          %broadcast_in_dim3A_504 = vector.broadcast %rem3A_225 : i32 to vector<16xi32>
          %broadcast_in_dim3A_505 = vector.broadcast %add3A_503 : i32 to vector<16xi32>
          %gather3A_506 = tpu.vector_load_idx %arg9[%broadcast_in_dim3A_504, %broadcast_in_dim3A_505] : memref<8x160xf32, #tpu.memory_space<vmem>>[vector<16xi32>, vector<16xi32>], vector<16xf32>,
          %get3A_507 = arith.index_cast %rem3A_227 : i32 to index
          %get3A_508 = arith.index_cast %add3A_503 : i32 to index
          %get3A_509 = arith.constant 0 : index
          %get3A_510 = tpu.vector_load %arg10[%get3A_507, %get3A_508, %get3A_509] {strides = array<i32>} : memref<4x160x64xf32, #tpu.memory_space<vmem>>, vector<16xf32>,
          %mul3A_511 = arith.mulf %get3A_510, %gather3A_506 : vector<16xf32>
          %swap3A_512 = arith.index_cast %rem3A_227 : i32 to index
          %swap3A_513 = arith.index_cast %add3A_503 : i32 to index
          %swap3A_514 = arith.constant 0 : index
          %swap3A_515 = tpu.vector_load %arg10[%swap3A_512, %swap3A_513, %swap3A_514] {strides = array<i32>} : memref<4x160x64xf32, #tpu.memory_space<vmem>>, vector<16xf32>,
          tpu.vector_store %arg10[%swap3A_512, %swap3A_513, %swap3A_514], %mul3A_511 {strides = array<i32>} : memref<4x160x64xf32, #tpu.memory_space<vmem>>, vector<16xf32>,
          %get3A_516 = arith.index_cast %rem3A_227 : i32 to index
          %get3A_517 = arith.index_cast %add3A_503 : i32 to index
          %get3A_518 = arith.constant 16 : index
          %get3A_519 = tpu.vector_load %arg10[%get3A_516, %get3A_517, %get3A_518] {strides = array<i32>} : memref<4x160x64xf32, #tpu.memory_space<vmem>>, vector<16xf32>,
          %mul3A_520 = arith.mulf %get3A_519, %gather3A_506 : vector<16xf32>
          %swap3A_521 = arith.index_cast %rem3A_227 : i32 to index
          %swap3A_522 = arith.index_cast %add3A_503 : i32 to index
          %swap3A_523 = arith.constant 16 : index
          %swap3A_524 = tpu.vector_load %arg10[%swap3A_521, %swap3A_522, %swap3A_523] {strides = array<i32>} : memref<4x160x64xf32, #tpu.memory_space<vmem>>, vector<16xf32>,
          tpu.vector_store %arg10[%swap3A_521, %swap3A_522, %swap3A_523], %mul3A_520 {strides = array<i32>} : memref<4x160x64xf32, #tpu.memory_space<vmem>>, vector<16xf32>,
          %get3A_525 = arith.index_cast %rem3A_227 : i32 to index
          %get3A_526 = arith.index_cast %add3A_503 : i32 to index
          %get3A_527 = arith.constant 32 : index
          %get3A_528 = tpu.vector_load %arg10[%get3A_525, %get3A_526, %get3A_527] {strides = array<i32>} : memref<4x160x64xf32, #tpu.memory_space<vmem>>, vector<16xf32>,
          %mul3A_529 = arith.mulf %get3A_528, %gather3A_506 : vector<16xf32>
          %swap3A_530 = arith.index_cast %rem3A_227 : i32 to index
          %swap3A_531 = arith.index_cast %add3A_503 : i32 to index
          %swap3A_532 = arith.constant 32 : index
          %swap3A_533 = tpu.vector_load %arg10[%swap3A_530, %swap3A_531, %swap3A_532] {strides = array<i32>} : memref<4x160x64xf32, #tpu.memory_space<vmem>>, vector<16xf32>,
          tpu.vector_store %arg10[%swap3A_530, %swap3A_531, %swap3A_532], %mul3A_529 {strides = array<i32>} : memref<4x160x64xf32, #tpu.memory_space<vmem>>, vector<16xf32>,
          %get3A_534 = arith.index_cast %rem3A_227 : i32 to index
          %get3A_535 = arith.index_cast %add3A_503 : i32 to index
          %get3A_536 = arith.constant 48 : index
          %get3A_537 = tpu.vector_load %arg10[%get3A_534, %get3A_535, %get3A_536] {strides = array<i32>} : memref<4x160x64xf32, #tpu.memory_space<vmem>>, vector<16xf32>,
          %mul3A_538 = arith.mulf %get3A_537, %gather3A_506 : vector<16xf32>
          %swap3A_539 = arith.index_cast %rem3A_227 : i32 to index
          %swap3A_540 = arith.index_cast %add3A_503 : i32 to index
          %swap3A_541 = arith.constant 48 : index
          %swap3A_542 = tpu.vector_load %arg10[%swap3A_539, %swap3A_540, %swap3A_541] {strides = array<i32>} : memref<4x160x64xf32, #tpu.memory_space<vmem>>, vector<16xf32>,
          tpu.vector_store %arg10[%swap3A_539, %swap3A_540, %swap3A_541], %mul3A_538 {strides = array<i32>} : memref<4x160x64xf32, #tpu.memory_space<vmem>>, vector<16xf32>,
          %add3A_543 = arith.constant 7 : i32
          %add3A_544 = arith.addi %mul3A_258, %add3A_543 : i32
          %broadcast_in_dim3A_545 = vector.broadcast %rem3A_225 : i32 to vector<16xi32>
          %broadcast_in_dim3A_546 = vector.broadcast %add3A_544 : i32 to vector<16xi32>
          %gather3A_547 = tpu.vector_load_idx %arg9[%broadcast_in_dim3A_545, %broadcast_in_dim3A_546] : memref<8x160xf32, #tpu.memory_space<vmem>>[vector<16xi32>, vector<16xi32>], vector<16xf32>,
          %get3A_548 = arith.index_cast %rem3A_227 : i32 to index
          %get3A_549 = arith.index_cast %add3A_544 : i32 to index
          %get3A_550 = arith.constant 0 : index
          %get3A_551 = tpu.vector_load %arg10[%get3A_548, %get3A_549, %get3A_550] {strides = array<i32>} : memref<4x160x64xf32, #tpu.memory_space<vmem>>, vector<16xf32>,
          %mul3A_552 = arith.mulf %get3A_551, %gather3A_547 : vector<16xf32>
          %swap3A_553 = arith.index_cast %rem3A_227 : i32 to index
          %swap3A_554 = arith.index_cast %add3A_544 : i32 to index
          %swap3A_555 = arith.constant 0 : index
          %swap3A_556 = tpu.vector_load %arg10[%swap3A_553, %swap3A_554, %swap3A_555] {strides = array<i32>} : memref<4x160x64xf32, #tpu.memory_space<vmem>>, vector<16xf32>,
          tpu.vector_store %arg10[%swap3A_553, %swap3A_554, %swap3A_555], %mul3A_552 {strides = array<i32>} : memref<4x160x64xf32, #tpu.memory_space<vmem>>, vector<16xf32>,
          %get3A_557 = arith.index_cast %rem3A_227 : i32 to index
          %get3A_558 = arith.index_cast %add3A_544 : i32 to index
          %get3A_559 = arith.constant 16 : index
          %get3A_560 = tpu.vector_load %arg10[%get3A_557, %get3A_558, %get3A_559] {strides = array<i32>} : memref<4x160x64xf32, #tpu.memory_space<vmem>>, vector<16xf32>,
          %mul3A_561 = arith.mulf %get3A_560, %gather3A_547 : vector<16xf32>
          %swap3A_562 = arith.index_cast %rem3A_227 : i32 to index
          %swap3A_563 = arith.index_cast %add3A_544 : i32 to index
          %swap3A_564 = arith.constant 16 : index
          %swap3A_565 = tpu.vector_load %arg10[%swap3A_562, %swap3A_563, %swap3A_564] {strides = array<i32>} : memref<4x160x64xf32, #tpu.memory_space<vmem>>, vector<16xf32>,
          tpu.vector_store %arg10[%swap3A_562, %swap3A_563, %swap3A_564], %mul3A_561 {strides = array<i32>} : memref<4x160x64xf32, #tpu.memory_space<vmem>>, vector<16xf32>,
          %get3A_566 = arith.index_cast %rem3A_227 : i32 to index
          %get3A_567 = arith.index_cast %add3A_544 : i32 to index
          %get3A_568 = arith.constant 32 : index
          %get3A_569 = tpu.vector_load %arg10[%get3A_566, %get3A_567, %get3A_568] {strides = array<i32>} : memref<4x160x64xf32, #tpu.memory_space<vmem>>, vector<16xf32>,
          %mul3A_570 = arith.mulf %get3A_569, %gather3A_547 : vector<16xf32>
          %swap3A_571 = arith.index_cast %rem3A_227 : i32 to index
          %swap3A_572 = arith.index_cast %add3A_544 : i32 to index
          %swap3A_573 = arith.constant 32 : index
          %swap3A_574 = tpu.vector_load %arg10[%swap3A_571, %swap3A_572, %swap3A_573] {strides = array<i32>} : memref<4x160x64xf32, #tpu.memory_space<vmem>>, vector<16xf32>,
          tpu.vector_store %arg10[%swap3A_571, %swap3A_572, %swap3A_573], %mul3A_570 {strides = array<i32>} : memref<4x160x64xf32, #tpu.memory_space<vmem>>, vector<16xf32>,
          %get3A_575 = arith.index_cast %rem3A_227 : i32 to index
          %get3A_576 = arith.index_cast %add3A_544 : i32 to index
          %get3A_577 = arith.constant 48 : index
          %get3A_578 = tpu.vector_load %arg10[%get3A_575, %get3A_576, %get3A_577] {strides = array<i32>} : memref<4x160x64xf32, #tpu.memory_space<vmem>>, vector<16xf32>,
          %mul3A_579 = arith.mulf %get3A_578, %gather3A_547 : vector<16xf32>
          %swap3A_580 = arith.index_cast %rem3A_227 : i32 to index
          %swap3A_581 = arith.index_cast %add3A_544 : i32 to index
          %swap3A_582 = arith.constant 48 : index
          %swap3A_583 = tpu.vector_load %arg10[%swap3A_580, %swap3A_581, %swap3A_582] {strides = array<i32>} : memref<4x160x64xf32, #tpu.memory_space<vmem>>, vector<16xf32>,
          tpu.vector_store %arg10[%swap3A_580, %swap3A_581, %swap3A_582], %mul3A_579 {strides = array<i32>} : memref<4x160x64xf32, #tpu.memory_space<vmem>>, vector<16xf32>,
          %add3A_584 = arith.constant 8 : i32
          %add3A_585 = arith.addi %mul3A_258, %add3A_584 : i32
          %broadcast_in_dim3A_586 = vector.broadcast %rem3A_225 : i32 to vector<16xi32>
          %broadcast_in_dim3A_587 = vector.broadcast %add3A_585 : i32 to vector<16xi32>
          %gather3A_588 = tpu.vector_load_idx %arg9[%broadcast_in_dim3A_586, %broadcast_in_dim3A_587] : memref<8x160xf32, #tpu.memory_space<vmem>>[vector<16xi32>, vector<16xi32>], vector<16xf32>,
          %get3A_589 = arith.index_cast %rem3A_227 : i32 to index
          %get3A_590 = arith.index_cast %add3A_585 : i32 to index
          %get3A_591 = arith.constant 0 : index
          %get3A_592 = tpu.vector_load %arg10[%get3A_589, %get3A_590, %get3A_591] {strides = array<i32>} : memref<4x160x64xf32, #tpu.memory_space<vmem>>, vector<16xf32>,
          %mul3A_593 = arith.mulf %get3A_592, %gather3A_588 : vector<16xf32>
          %swap3A_594 = arith.index_cast %rem3A_227 : i32 to index
          %swap3A_595 = arith.index_cast %add3A_585 : i32 to index
          %swap3A_596 = arith.constant 0 : index
          %swap3A_597 = tpu.vector_load %arg10[%swap3A_594, %swap3A_595, %swap3A_596] {strides = array<i32>} : memref<4x160x64xf32, #tpu.memory_space<vmem>>, vector<16xf32>,
          tpu.vector_store %arg10[%swap3A_594, %swap3A_595, %swap3A_596], %mul3A_593 {strides = array<i32>} : memref<4x160x64xf32, #tpu.memory_space<vmem>>, vector<16xf32>,
          %get3A_598 = arith.index_cast %rem3A_227 : i32 to index
          %get3A_599 = arith.index_cast %add3A_585 : i32 to index
          %get3A_600 = arith.constant 16 : index
          %get3A_601 = tpu.vector_load %arg10[%get3A_598, %get3A_599, %get3A_600] {strides = array<i32>} : memref<4x160x64xf32, #tpu.memory_space<vmem>>, vector<16xf32>,
          %mul3A_602 = arith.mulf %get3A_601, %gather3A_588 : vector<16xf32>
          %swap3A_603 = arith.index_cast %rem3A_227 : i32 to index
          %swap3A_604 = arith.index_cast %add3A_585 : i32 to index
          %swap3A_605 = arith.constant 16 : index
          %swap3A_606 = tpu.vector_load %arg10[%swap3A_603, %swap3A_604, %swap3A_605] {strides = array<i32>} : memref<4x160x64xf32, #tpu.memory_space<vmem>>, vector<16xf32>,
          tpu.vector_store %arg10[%swap3A_603, %swap3A_604, %swap3A_605], %mul3A_602 {strides = array<i32>} : memref<4x160x64xf32, #tpu.memory_space<vmem>>, vector<16xf32>,
          %get3A_607 = arith.index_cast %rem3A_227 : i32 to index
          %get3A_608 = arith.index_cast %add3A_585 : i32 to index
          %get3A_609 = arith.constant 32 : index
          %get3A_610 = tpu.vector_load %arg10[%get3A_607, %get3A_608, %get3A_609] {strides = array<i32>} : memref<4x160x64xf32, #tpu.memory_space<vmem>>, vector<16xf32>,
          %mul3A_611 = arith.mulf %get3A_610, %gather3A_588 : vector<16xf32>
          %swap3A_612 = arith.index_cast %rem3A_227 : i32 to index
          %swap3A_613 = arith.index_cast %add3A_585 : i32 to index
          %swap3A_614 = arith.constant 32 : index
          %swap3A_615 = tpu.vector_load %arg10[%swap3A_612, %swap3A_613, %swap3A_614] {strides = array<i32>} : memref<4x160x64xf32, #tpu.memory_space<vmem>>, vector<16xf32>,
          tpu.vector_store %arg10[%swap3A_612, %swap3A_613, %swap3A_614], %mul3A_611 {strides = array<i32>} : memref<4x160x64xf32, #tpu.memory_space<vmem>>, vector<16xf32>,
          %get3A_616 = arith.index_cast %rem3A_227 : i32 to index
          %get3A_617 = arith.index_cast %add3A_585 : i32 to index
          %get3A_618 = arith.constant 48 : index
          %get3A_619 = tpu.vector_load %arg10[%get3A_616, %get3A_617, %get3A_618] {strides = array<i32>} : memref<4x160x64xf32, #tpu.memory_space<vmem>>, vector<16xf32>,
          %mul3A_620 = arith.mulf %get3A_619, %gather3A_588 : vector<16xf32>
          %swap3A_621 = arith.index_cast %rem3A_227 : i32 to index
          %swap3A_622 = arith.index_cast %add3A_585 : i32 to index
          %swap3A_623 = arith.constant 48 : index
          %swap3A_624 = tpu.vector_load %arg10[%swap3A_621, %swap3A_622, %swap3A_623] {strides = array<i32>} : memref<4x160x64xf32, #tpu.memory_space<vmem>>, vector<16xf32>,
          tpu.vector_store %arg10[%swap3A_621, %swap3A_622, %swap3A_623], %mul3A_620 {strides = array<i32>} : memref<4x160x64xf32, #tpu.memory_space<vmem>>, vector<16xf32>,
          %add3A_625 = arith.constant 9 : i32
          %add3A_626 = arith.addi %mul3A_258, %add3A_625 : i32
          %broadcast_in_dim3A_627 = vector.broadcast %rem3A_225 : i32 to vector<16xi32>
          %broadcast_in_dim3A_628 = vector.broadcast %add3A_626 : i32 to vector<16xi32>
          %gather3A_629 = tpu.vector_load_idx %arg9[%broadcast_in_dim3A_627, %broadcast_in_dim3A_628] : memref<8x160xf32, #tpu.memory_space<vmem>>[vector<16xi32>, vector<16xi32>], vector<16xf32>,
          %get3A_630 = arith.index_cast %rem3A_227 : i32 to index
          %get3A_631 = arith.index_cast %add3A_626 : i32 to index
          %get3A_632 = arith.constant 0 : index
          %get3A_633 = tpu.vector_load %arg10[%get3A_630, %get3A_631, %get3A_632] {strides = array<i32>} : memref<4x160x64xf32, #tpu.memory_space<vmem>>, vector<16xf32>,
          %mul3A_634 = arith.mulf %get3A_633, %gather3A_629 : vector<16xf32>
          %swap3A_635 = arith.index_cast %rem3A_227 : i32 to index
          %swap3A_636 = arith.index_cast %add3A_626 : i32 to index
          %swap3A_637 = arith.constant 0 : index
          %swap3A_638 = tpu.vector_load %arg10[%swap3A_635, %swap3A_636, %swap3A_637] {strides = array<i32>} : memref<4x160x64xf32, #tpu.memory_space<vmem>>, vector<16xf32>,
          tpu.vector_store %arg10[%swap3A_635, %swap3A_636, %swap3A_637], %mul3A_634 {strides = array<i32>} : memref<4x160x64xf32, #tpu.memory_space<vmem>>, vector<16xf32>,
          %get3A_639 = arith.index_cast %rem3A_227 : i32 to index
          %get3A_640 = arith.index_cast %add3A_626 : i32 to index
          %get3A_641 = arith.constant 16 : index
          %get3A_642 = tpu.vector_load %arg10[%get3A_639, %get3A_640, %get3A_641] {strides = array<i32>} : memref<4x160x64xf32, #tpu.memory_space<vmem>>, vector<16xf32>,
          %mul3A_643 = arith.mulf %get3A_642, %gather3A_629 : vector<16xf32>
          %swap3A_644 = arith.index_cast %rem3A_227 : i32 to index
          %swap3A_645 = arith.index_cast %add3A_626 : i32 to index
          %swap3A_646 = arith.constant 16 : index
          %swap3A_647 = tpu.vector_load %arg10[%swap3A_644, %swap3A_645, %swap3A_646] {strides = array<i32>} : memref<4x160x64xf32, #tpu.memory_space<vmem>>, vector<16xf32>,
          tpu.vector_store %arg10[%swap3A_644, %swap3A_645, %swap3A_646], %mul3A_643 {strides = array<i32>} : memref<4x160x64xf32, #tpu.memory_space<vmem>>, vector<16xf32>,
          %get3A_648 = arith.index_cast %rem3A_227 : i32 to index
          %get3A_649 = arith.index_cast %add3A_626 : i32 to index
          %get3A_650 = arith.constant 32 : index
          %get3A_651 = tpu.vector_load %arg10[%get3A_648, %get3A_649, %get3A_650] {strides = array<i32>} : memref<4x160x64xf32, #tpu.memory_space<vmem>>, vector<16xf32>,
          %mul3A_652 = arith.mulf %get3A_651, %gather3A_629 : vector<16xf32>
          %swap3A_653 = arith.index_cast %rem3A_227 : i32 to index
          %swap3A_654 = arith.index_cast %add3A_626 : i32 to index
          %swap3A_655 = arith.constant 32 : index
          %swap3A_656 = tpu.vector_load %arg10[%swap3A_653, %swap3A_654, %swap3A_655] {strides = array<i32>} : memref<4x160x64xf32, #tpu.memory_space<vmem>>, vector<16xf32>,
          tpu.vector_store %arg10[%swap3A_653, %swap3A_654, %swap3A_655], %mul3A_652 {strides = array<i32>} : memref<4x160x64xf32, #tpu.memory_space<vmem>>, vector<16xf32>,
          %get3A_657 = arith.index_cast %rem3A_227 : i32 to index
          %get3A_658 = arith.index_cast %add3A_626 : i32 to index
          %get3A_659 = arith.constant 48 : index
          %get3A_660 = tpu.vector_load %arg10[%get3A_657, %get3A_658, %get3A_659] {strides = array<i32>} : memref<4x160x64xf32, #tpu.memory_space<vmem>>, vector<16xf32>,
          %mul3A_661 = arith.mulf %get3A_660, %gather3A_629 : vector<16xf32>
          %swap3A_662 = arith.index_cast %rem3A_227 : i32 to index
          %swap3A_663 = arith.index_cast %add3A_626 : i32 to index
          %swap3A_664 = arith.constant 48 : index
          %swap3A_665 = tpu.vector_load %arg10[%swap3A_662, %swap3A_663, %swap3A_664] {strides = array<i32>} : memref<4x160x64xf32, #tpu.memory_space<vmem>>, vector<16xf32>,
          tpu.vector_store %arg10[%swap3A_662, %swap3A_663, %swap3A_664], %mul3A_661 {strides = array<i32>} : memref<4x160x64xf32, #tpu.memory_space<vmem>>, vector<16xf32>,
          %add3A_666 = arith.constant 10 : i32
          %add3A_667 = arith.addi %mul3A_258, %add3A_666 : i32
          %broadcast_in_dim3A_668 = vector.broadcast %rem3A_225 : i32 to vector<16xi32>
          %broadcast_in_dim3A_669 = vector.broadcast %add3A_667 : i32 to vector<16xi32>
          %gather3A_670 = tpu.vector_load_idx %arg9[%broadcast_in_dim3A_668, %broadcast_in_dim3A_669] : memref<8x160xf32, #tpu.memory_space<vmem>>[vector<16xi32>, vector<16xi32>], vector<16xf32>,
          %get3A_671 = arith.index_cast %rem3A_227 : i32 to index
          %get3A_672 = arith.index_cast %add3A_667 : i32 to index
          %get3A_673 = arith.constant 0 : index
          %get3A_674 = tpu.vector_load %arg10[%get3A_671, %get3A_672, %get3A_673] {strides = array<i32>} : memref<4x160x64xf32, #tpu.memory_space<vmem>>, vector<16xf32>,
          %mul3A_675 = arith.mulf %get3A_674, %gather3A_670 : vector<16xf32>
          %swap3A_676 = arith.index_cast %rem3A_227 : i32 to index
          %swap3A_677 = arith.index_cast %add3A_667 : i32 to index
          %swap3A_678 = arith.constant 0 : index
          %swap3A_679 = tpu.vector_load %arg10[%swap3A_676, %swap3A_677, %swap3A_678] {strides = array<i32>} : memref<4x160x64xf32, #tpu.memory_space<vmem>>, vector<16xf32>,
          tpu.vector_store %arg10[%swap3A_676, %swap3A_677, %swap3A_678], %mul3A_675 {strides = array<i32>} : memref<4x160x64xf32, #tpu.memory_space<vmem>>, vector<16xf32>,
          %get3A_680 = arith.index_cast %rem3A_227 : i32 to index
          %get3A_681 = arith.index_cast %add3A_667 : i32 to index
          %get3A_682 = arith.constant 16 : index
          %get3A_683 = tpu.vector_load %arg10[%get3A_680, %get3A_681, %get3A_682] {strides = array<i32>} : memref<4x160x64xf32, #tpu.memory_space<vmem>>, vector<16xf32>,
          %mul3A_684 = arith.mulf %get3A_683, %gather3A_670 : vector<16xf32>
          %swap3A_685 = arith.index_cast %rem3A_227 : i32 to index
          %swap3A_686 = arith.index_cast %add3A_667 : i32 to index
          %swap3A_687 = arith.constant 16 : index
          %swap3A_688 = tpu.vector_load %arg10[%swap3A_685, %swap3A_686, %swap3A_687] {strides = array<i32>} : memref<4x160x64xf32, #tpu.memory_space<vmem>>, vector<16xf32>,
          tpu.vector_store %arg10[%swap3A_685, %swap3A_686, %swap3A_687], %mul3A_684 {strides = array<i32>} : memref<4x160x64xf32, #tpu.memory_space<vmem>>, vector<16xf32>,
          %get3A_689 = arith.index_cast %rem3A_227 : i32 to index
          %get3A_690 = arith.index_cast %add3A_667 : i32 to index
          %get3A_691 = arith.constant 32 : index
          %get3A_692 = tpu.vector_load %arg10[%get3A_689, %get3A_690, %get3A_691] {strides = array<i32>} : memref<4x160x64xf32, #tpu.memory_space<vmem>>, vector<16xf32>,
          %mul3A_693 = arith.mulf %get3A_692, %gather3A_670 : vector<16xf32>
          %swap3A_694 = arith.index_cast %rem3A_227 : i32 to index
          %swap3A_695 = arith.index_cast %add3A_667 : i32 to index
          %swap3A_696 = arith.constant 32 : index
          %swap3A_697 = tpu.vector_load %arg10[%swap3A_694, %swap3A_695, %swap3A_696] {strides = array<i32>} : memref<4x160x64xf32, #tpu.memory_space<vmem>>, vector<16xf32>,
          tpu.vector_store %arg10[%swap3A_694, %swap3A_695, %swap3A_696], %mul3A_693 {strides = array<i32>} : memref<4x160x64xf32, #tpu.memory_space<vmem>>, vector<16xf32>,
          %get3A_698 = arith.index_cast %rem3A_227 : i32 to index
          %get3A_699 = arith.index_cast %add3A_667 : i32 to index
          %get3A_700 = arith.constant 48 : index
          %get3A_701 = tpu.vector_load %arg10[%get3A_698, %get3A_699, %get3A_700] {strides = array<i32>} : memref<4x160x64xf32, #tpu.memory_space<vmem>>, vector<16xf32>,
          %mul3A_702 = arith.mulf %get3A_701, %gather3A_670 : vector<16xf32>
          %swap3A_703 = arith.index_cast %rem3A_227 : i32 to index
          %swap3A_704 = arith.index_cast %add3A_667 : i32 to index
          %swap3A_705 = arith.constant 48 : index
          %swap3A_706 = tpu.vector_load %arg10[%swap3A_703, %swap3A_704, %swap3A_705] {strides = array<i32>} : memref<4x160x64xf32, #tpu.memory_space<vmem>>, vector<16xf32>,
          tpu.vector_store %arg10[%swap3A_703, %swap3A_704, %swap3A_705], %mul3A_702 {strides = array<i32>} : memref<4x160x64xf32, #tpu.memory_space<vmem>>, vector<16xf32>,
          %add3A_707 = arith.constant 11 : i32
          %add3A_708 = arith.addi %mul3A_258, %add3A_707 : i32
          %broadcast_in_dim3A_709 = vector.broadcast %rem3A_225 : i32 to vector<16xi32>
          %broadcast_in_dim3A_710 = vector.broadcast %add3A_708 : i32 to vector<16xi32>
          %gather3A_711 = tpu.vector_load_idx %arg9[%broadcast_in_dim3A_709, %broadcast_in_dim3A_710] : memref<8x160xf32, #tpu.memory_space<vmem>>[vector<16xi32>, vector<16xi32>], vector<16xf32>,
          %get3A_712 = arith.index_cast %rem3A_227 : i32 to index
          %get3A_713 = arith.index_cast %add3A_708 : i32 to index
          %get3A_714 = arith.constant 0 : index
          %get3A_715 = tpu.vector_load %arg10[%get3A_712, %get3A_713, %get3A_714] {strides = array<i32>} : memref<4x160x64xf32, #tpu.memory_space<vmem>>, vector<16xf32>,
          %mul3A_716 = arith.mulf %get3A_715, %gather3A_711 : vector<16xf32>
          %swap3A_717 = arith.index_cast %rem3A_227 : i32 to index
          %swap3A_718 = arith.index_cast %add3A_708 : i32 to index
          %swap3A_719 = arith.constant 0 : index
          %swap3A_720 = tpu.vector_load %arg10[%swap3A_717, %swap3A_718, %swap3A_719] {strides = array<i32>} : memref<4x160x64xf32, #tpu.memory_space<vmem>>, vector<16xf32>,
          tpu.vector_store %arg10[%swap3A_717, %swap3A_718, %swap3A_719], %mul3A_716 {strides = array<i32>} : memref<4x160x64xf32, #tpu.memory_space<vmem>>, vector<16xf32>,
          %get3A_721 = arith.index_cast %rem3A_227 : i32 to index
          %get3A_722 = arith.index_cast %add3A_708 : i32 to index
          %get3A_723 = arith.constant 16 : index
          %get3A_724 = tpu.vector_load %arg10[%get3A_721, %get3A_722, %get3A_723] {strides = array<i32>} : memref<4x160x64xf32, #tpu.memory_space<vmem>>, vector<16xf32>,
          %mul3A_725 = arith.mulf %get3A_724, %gather3A_711 : vector<16xf32>
          %swap3A_726 = arith.index_cast %rem3A_227 : i32 to index
          %swap3A_727 = arith.index_cast %add3A_708 : i32 to index
          %swap3A_728 = arith.constant 16 : index
          %swap3A_729 = tpu.vector_load %arg10[%swap3A_726, %swap3A_727, %swap3A_728] {strides = array<i32>} : memref<4x160x64xf32, #tpu.memory_space<vmem>>, vector<16xf32>,
          tpu.vector_store %arg10[%swap3A_726, %swap3A_727, %swap3A_728], %mul3A_725 {strides = array<i32>} : memref<4x160x64xf32, #tpu.memory_space<vmem>>, vector<16xf32>,
          %get3A_730 = arith.index_cast %rem3A_227 : i32 to index
          %get3A_731 = arith.index_cast %add3A_708 : i32 to index
          %get3A_732 = arith.constant 32 : index
          %get3A_733 = tpu.vector_load %arg10[%get3A_730, %get3A_731, %get3A_732] {strides = array<i32>} : memref<4x160x64xf32, #tpu.memory_space<vmem>>, vector<16xf32>,
          %mul3A_734 = arith.mulf %get3A_733, %gather3A_711 : vector<16xf32>
          %swap3A_735 = arith.index_cast %rem3A_227 : i32 to index
          %swap3A_736 = arith.index_cast %add3A_708 : i32 to index
          %swap3A_737 = arith.constant 32 : index
          %swap3A_738 = tpu.vector_load %arg10[%swap3A_735, %swap3A_736, %swap3A_737] {strides = array<i32>} : memref<4x160x64xf32, #tpu.memory_space<vmem>>, vector<16xf32>,
          tpu.vector_store %arg10[%swap3A_735, %swap3A_736, %swap3A_737], %mul3A_734 {strides = array<i32>} : memref<4x160x64xf32, #tpu.memory_space<vmem>>, vector<16xf32>,
          %get3A_739 = arith.index_cast %rem3A_227 : i32 to index
          %get3A_740 = arith.index_cast %add3A_708 : i32 to index
          %get3A_741 = arith.constant 48 : index
          %get3A_742 = tpu.vector_load %arg10[%get3A_739, %get3A_740, %get3A_741] {strides = array<i32>} : memref<4x160x64xf32, #tpu.memory_space<vmem>>, vector<16xf32>,
          %mul3A_743 = arith.mulf %get3A_742, %gather3A_711 : vector<16xf32>
          %swap3A_744 = arith.index_cast %rem3A_227 : i32 to index
          %swap3A_745 = arith.index_cast %add3A_708 : i32 to index
          %swap3A_746 = arith.constant 48 : index
          %swap3A_747 = tpu.vector_load %arg10[%swap3A_744, %swap3A_745, %swap3A_746] {strides = array<i32>} : memref<4x160x64xf32, #tpu.memory_space<vmem>>, vector<16xf32>,
          tpu.vector_store %arg10[%swap3A_744, %swap3A_745, %swap3A_746], %mul3A_743 {strides = array<i32>} : memref<4x160x64xf32, #tpu.memory_space<vmem>>, vector<16xf32>,
          %add3A_748 = arith.constant 12 : i32
          %add3A_749 = arith.addi %mul3A_258, %add3A_748 : i32
          %broadcast_in_dim3A_750 = vector.broadcast %rem3A_225 : i32 to vector<16xi32>
          %broadcast_in_dim3A_751 = vector.broadcast %add3A_749 : i32 to vector<16xi32>
          %gather3A_752 = tpu.vector_load_idx %arg9[%broadcast_in_dim3A_750, %broadcast_in_dim3A_751] : memref<8x160xf32, #tpu.memory_space<vmem>>[vector<16xi32>, vector<16xi32>], vector<16xf32>,
          %get3A_753 = arith.index_cast %rem3A_227 : i32 to index
          %get3A_754 = arith.index_cast %add3A_749 : i32 to index
          %get3A_755 = arith.constant 0 : index
          %get3A_756 = tpu.vector_load %arg10[%get3A_753, %get3A_754, %get3A_755] {strides = array<i32>} : memref<4x160x64xf32, #tpu.memory_space<vmem>>, vector<16xf32>,
          %mul3A_757 = arith.mulf %get3A_756, %gather3A_752 : vector<16xf32>
          %swap3A_758 = arith.index_cast %rem3A_227 : i32 to index
          %swap3A_759 = arith.index_cast %add3A_749 : i32 to index
          %swap3A_760 = arith.constant 0 : index
          %swap3A_761 = tpu.vector_load %arg10[%swap3A_758, %swap3A_759, %swap3A_760] {strides = array<i32>} : memref<4x160x64xf32, #tpu.memory_space<vmem>>, vector<16xf32>,
          tpu.vector_store %arg10[%swap3A_758, %swap3A_759, %swap3A_760], %mul3A_757 {strides = array<i32>} : memref<4x160x64xf32, #tpu.memory_space<vmem>>, vector<16xf32>,
          %get3A_762 = arith.index_cast %rem3A_227 : i32 to index
          %get3A_763 = arith.index_cast %add3A_749 : i32 to index
          %get3A_764 = arith.constant 16 : index
          %get3A_765 = tpu.vector_load %arg10[%get3A_762, %get3A_763, %get3A_764] {strides = array<i32>} : memref<4x160x64xf32, #tpu.memory_space<vmem>>, vector<16xf32>,
          %mul3A_766 = arith.mulf %get3A_765, %gather3A_752 : vector<16xf32>
          %swap3A_767 = arith.index_cast %rem3A_227 : i32 to index
          %swap3A_768 = arith.index_cast %add3A_749 : i32 to index
          %swap3A_769 = arith.constant 16 : index
          %swap3A_770 = tpu.vector_load %arg10[%swap3A_767, %swap3A_768, %swap3A_769] {strides = array<i32>} : memref<4x160x64xf32, #tpu.memory_space<vmem>>, vector<16xf32>,
          tpu.vector_store %arg10[%swap3A_767, %swap3A_768, %swap3A_769], %mul3A_766 {strides = array<i32>} : memref<4x160x64xf32, #tpu.memory_space<vmem>>, vector<16xf32>,
          %get3A_771 = arith.index_cast %rem3A_227 : i32 to index
          %get3A_772 = arith.index_cast %add3A_749 : i32 to index
          %get3A_773 = arith.constant 32 : index
          %get3A_774 = tpu.vector_load %arg10[%get3A_771, %get3A_772, %get3A_773] {strides = array<i32>} : memref<4x160x64xf32, #tpu.memory_space<vmem>>, vector<16xf32>,
          %mul3A_775 = arith.mulf %get3A_774, %gather3A_752 : vector<16xf32>
          %swap3A_776 = arith.index_cast %rem3A_227 : i32 to index
          %swap3A_777 = arith.index_cast %add3A_749 : i32 to index
          %swap3A_778 = arith.constant 32 : index
          %swap3A_779 = tpu.vector_load %arg10[%swap3A_776, %swap3A_777, %swap3A_778] {strides = array<i32>} : memref<4x160x64xf32, #tpu.memory_space<vmem>>, vector<16xf32>,
          tpu.vector_store %arg10[%swap3A_776, %swap3A_777, %swap3A_778], %mul3A_775 {strides = array<i32>} : memref<4x160x64xf32, #tpu.memory_space<vmem>>, vector<16xf32>,
          %get3A_780 = arith.index_cast %rem3A_227 : i32 to index
          %get3A_781 = arith.index_cast %add3A_749 : i32 to index
          %get3A_782 = arith.constant 48 : index
          %get3A_783 = tpu.vector_load %arg10[%get3A_780, %get3A_781, %get3A_782] {strides = array<i32>} : memref<4x160x64xf32, #tpu.memory_space<vmem>>, vector<16xf32>,
          %mul3A_784 = arith.mulf %get3A_783, %gather3A_752 : vector<16xf32>
          %swap3A_785 = arith.index_cast %rem3A_227 : i32 to index
          %swap3A_786 = arith.index_cast %add3A_749 : i32 to index
          %swap3A_787 = arith.constant 48 : index
          %swap3A_788 = tpu.vector_load %arg10[%swap3A_785, %swap3A_786, %swap3A_787] {strides = array<i32>} : memref<4x160x64xf32, #tpu.memory_space<vmem>>, vector<16xf32>,
          tpu.vector_store %arg10[%swap3A_785, %swap3A_786, %swap3A_787], %mul3A_784 {strides = array<i32>} : memref<4x160x64xf32, #tpu.memory_space<vmem>>, vector<16xf32>,
          %add3A_789 = arith.constant 13 : i32
          %add3A_790 = arith.addi %mul3A_258, %add3A_789 : i32
          %broadcast_in_dim3A_791 = vector.broadcast %rem3A_225 : i32 to vector<16xi32>
          %broadcast_in_dim3A_792 = vector.broadcast %add3A_790 : i32 to vector<16xi32>
          %gather3A_793 = tpu.vector_load_idx %arg9[%broadcast_in_dim3A_791, %broadcast_in_dim3A_792] : memref<8x160xf32, #tpu.memory_space<vmem>>[vector<16xi32>, vector<16xi32>], vector<16xf32>,
          %get3A_794 = arith.index_cast %rem3A_227 : i32 to index
          %get3A_795 = arith.index_cast %add3A_790 : i32 to index
          %get3A_796 = arith.constant 0 : index
          %get3A_797 = tpu.vector_load %arg10[%get3A_794, %get3A_795, %get3A_796] {strides = array<i32>} : memref<4x160x64xf32, #tpu.memory_space<vmem>>, vector<16xf32>,
          %mul3A_798 = arith.mulf %get3A_797, %gather3A_793 : vector<16xf32>
          %swap3A_799 = arith.index_cast %rem3A_227 : i32 to index
          %swap3A_800 = arith.index_cast %add3A_790 : i32 to index
          %swap3A_801 = arith.constant 0 : index
          %swap3A_802 = tpu.vector_load %arg10[%swap3A_799, %swap3A_800, %swap3A_801] {strides = array<i32>} : memref<4x160x64xf32, #tpu.memory_space<vmem>>, vector<16xf32>,
          tpu.vector_store %arg10[%swap3A_799, %swap3A_800, %swap3A_801], %mul3A_798 {strides = array<i32>} : memref<4x160x64xf32, #tpu.memory_space<vmem>>, vector<16xf32>,
          %get3A_803 = arith.index_cast %rem3A_227 : i32 to index
          %get3A_804 = arith.index_cast %add3A_790 : i32 to index
          %get3A_805 = arith.constant 16 : index
          %get3A_806 = tpu.vector_load %arg10[%get3A_803, %get3A_804, %get3A_805] {strides = array<i32>} : memref<4x160x64xf32, #tpu.memory_space<vmem>>, vector<16xf32>,
          %mul3A_807 = arith.mulf %get3A_806, %gather3A_793 : vector<16xf32>
          %swap3A_808 = arith.index_cast %rem3A_227 : i32 to index
          %swap3A_809 = arith.index_cast %add3A_790 : i32 to index
          %swap3A_810 = arith.constant 16 : index
          %swap3A_811 = tpu.vector_load %arg10[%swap3A_808, %swap3A_809, %swap3A_810] {strides = array<i32>} : memref<4x160x64xf32, #tpu.memory_space<vmem>>, vector<16xf32>,
          tpu.vector_store %arg10[%swap3A_808, %swap3A_809, %swap3A_810], %mul3A_807 {strides = array<i32>} : memref<4x160x64xf32, #tpu.memory_space<vmem>>, vector<16xf32>,
          %get3A_812 = arith.index_cast %rem3A_227 : i32 to index
          %get3A_813 = arith.index_cast %add3A_790 : i32 to index
          %get3A_814 = arith.constant 32 : index
          %get3A_815 = tpu.vector_load %arg10[%get3A_812, %get3A_813, %get3A_814] {strides = array<i32>} : memref<4x160x64xf32, #tpu.memory_space<vmem>>, vector<16xf32>,
          %mul3A_816 = arith.mulf %get3A_815, %gather3A_793 : vector<16xf32>
          %swap3A_817 = arith.index_cast %rem3A_227 : i32 to index
          %swap3A_818 = arith.index_cast %add3A_790 : i32 to index
          %swap3A_819 = arith.constant 32 : index
          %swap3A_820 = tpu.vector_load %arg10[%swap3A_817, %swap3A_818, %swap3A_819] {strides = array<i32>} : memref<4x160x64xf32, #tpu.memory_space<vmem>>, vector<16xf32>,
          tpu.vector_store %arg10[%swap3A_817, %swap3A_818, %swap3A_819], %mul3A_816 {strides = array<i32>} : memref<4x160x64xf32, #tpu.memory_space<vmem>>, vector<16xf32>,
          %get3A_821 = arith.index_cast %rem3A_227 : i32 to index
          %get3A_822 = arith.index_cast %add3A_790 : i32 to index
          %get3A_823 = arith.constant 48 : index
          %get3A_824 = tpu.vector_load %arg10[%get3A_821, %get3A_822, %get3A_823] {strides = array<i32>} : memref<4x160x64xf32, #tpu.memory_space<vmem>>, vector<16xf32>,
          %mul3A_825 = arith.mulf %get3A_824, %gather3A_793 : vector<16xf32>
          %swap3A_826 = arith.index_cast %rem3A_227 : i32 to index
          %swap3A_827 = arith.index_cast %add3A_790 : i32 to index
          %swap3A_828 = arith.constant 48 : index
          %swap3A_829 = tpu.vector_load %arg10[%swap3A_826, %swap3A_827, %swap3A_828] {strides = array<i32>} : memref<4x160x64xf32, #tpu.memory_space<vmem>>, vector<16xf32>,
          tpu.vector_store %arg10[%swap3A_826, %swap3A_827, %swap3A_828], %mul3A_825 {strides = array<i32>} : memref<4x160x64xf32, #tpu.memory_space<vmem>>, vector<16xf32>,
          %add3A_830 = arith.constant 14 : i32
          %add3A_831 = arith.addi %mul3A_258, %add3A_830 : i32
          %broadcast_in_dim3A_832 = vector.broadcast %rem3A_225 : i32 to vector<16xi32>
          %broadcast_in_dim3A_833 = vector.broadcast %add3A_831 : i32 to vector<16xi32>
          %gather3A_834 = tpu.vector_load_idx %arg9[%broadcast_in_dim3A_832, %broadcast_in_dim3A_833] : memref<8x160xf32, #tpu.memory_space<vmem>>[vector<16xi32>, vector<16xi32>], vector<16xf32>,
          %get3A_835 = arith.index_cast %rem3A_227 : i32 to index
          %get3A_836 = arith.index_cast %add3A_831 : i32 to index
          %get3A_837 = arith.constant 0 : index
          %get3A_838 = tpu.vector_load %arg10[%get3A_835, %get3A_836, %get3A_837] {strides = array<i32>} : memref<4x160x64xf32, #tpu.memory_space<vmem>>, vector<16xf32>,
          %mul3A_839 = arith.mulf %get3A_838, %gather3A_834 : vector<16xf32>
          %swap3A_840 = arith.index_cast %rem3A_227 : i32 to index
          %swap3A_841 = arith.index_cast %add3A_831 : i32 to index
          %swap3A_842 = arith.constant 0 : index
          %swap3A_843 = tpu.vector_load %arg10[%swap3A_840, %swap3A_841, %swap3A_842] {strides = array<i32>} : memref<4x160x64xf32, #tpu.memory_space<vmem>>, vector<16xf32>,
          tpu.vector_store %arg10[%swap3A_840, %swap3A_841, %swap3A_842], %mul3A_839 {strides = array<i32>} : memref<4x160x64xf32, #tpu.memory_space<vmem>>, vector<16xf32>,
          %get3A_844 = arith.index_cast %rem3A_227 : i32 to index
          %get3A_845 = arith.index_cast %add3A_831 : i32 to index
          %get3A_846 = arith.constant 16 : index
          %get3A_847 = tpu.vector_load %arg10[%get3A_844, %get3A_845, %get3A_846] {strides = array<i32>} : memref<4x160x64xf32, #tpu.memory_space<vmem>>, vector<16xf32>,
          %mul3A_848 = arith.mulf %get3A_847, %gather3A_834 : vector<16xf32>
          %swap3A_849 = arith.index_cast %rem3A_227 : i32 to index
          %swap3A_850 = arith.index_cast %add3A_831 : i32 to index
          %swap3A_851 = arith.constant 16 : index
          %swap3A_852 = tpu.vector_load %arg10[%swap3A_849, %swap3A_850, %swap3A_851] {strides = array<i32>} : memref<4x160x64xf32, #tpu.memory_space<vmem>>, vector<16xf32>,
          tpu.vector_store %arg10[%swap3A_849, %swap3A_850, %swap3A_851], %mul3A_848 {strides = array<i32>} : memref<4x160x64xf32, #tpu.memory_space<vmem>>, vector<16xf32>,
          %get3A_853 = arith.index_cast %rem3A_227 : i32 to index
          %get3A_854 = arith.index_cast %add3A_831 : i32 to index
          %get3A_855 = arith.constant 32 : index
          %get3A_856 = tpu.vector_load %arg10[%get3A_853, %get3A_854, %get3A_855] {strides = array<i32>} : memref<4x160x64xf32, #tpu.memory_space<vmem>>, vector<16xf32>,
          %mul3A_857 = arith.mulf %get3A_856, %gather3A_834 : vector<16xf32>
          %swap3A_858 = arith.index_cast %rem3A_227 : i32 to index
          %swap3A_859 = arith.index_cast %add3A_831 : i32 to index
          %swap3A_860 = arith.constant 32 : index
          %swap3A_861 = tpu.vector_load %arg10[%swap3A_858, %swap3A_859, %swap3A_860] {strides = array<i32>} : memref<4x160x64xf32, #tpu.memory_space<vmem>>, vector<16xf32>,
          tpu.vector_store %arg10[%swap3A_858, %swap3A_859, %swap3A_860], %mul3A_857 {strides = array<i32>} : memref<4x160x64xf32, #tpu.memory_space<vmem>>, vector<16xf32>,
          %get3A_862 = arith.index_cast %rem3A_227 : i32 to index
          %get3A_863 = arith.index_cast %add3A_831 : i32 to index
          %get3A_864 = arith.constant 48 : index
          %get3A_865 = tpu.vector_load %arg10[%get3A_862, %get3A_863, %get3A_864] {strides = array<i32>} : memref<4x160x64xf32, #tpu.memory_space<vmem>>, vector<16xf32>,
          %mul3A_866 = arith.mulf %get3A_865, %gather3A_834 : vector<16xf32>
          %swap3A_867 = arith.index_cast %rem3A_227 : i32 to index
          %swap3A_868 = arith.index_cast %add3A_831 : i32 to index
          %swap3A_869 = arith.constant 48 : index
          %swap3A_870 = tpu.vector_load %arg10[%swap3A_867, %swap3A_868, %swap3A_869] {strides = array<i32>} : memref<4x160x64xf32, #tpu.memory_space<vmem>>, vector<16xf32>,
          tpu.vector_store %arg10[%swap3A_867, %swap3A_868, %swap3A_869], %mul3A_866 {strides = array<i32>} : memref<4x160x64xf32, #tpu.memory_space<vmem>>, vector<16xf32>,
          %add3A_871 = arith.constant 15 : i32
          %add3A_872 = arith.addi %mul3A_258, %add3A_871 : i32
          %broadcast_in_dim3A_873 = vector.broadcast %rem3A_225 : i32 to vector<16xi32>
          %broadcast_in_dim3A_874 = vector.broadcast %add3A_872 : i32 to vector<16xi32>
          %gather3A_875 = tpu.vector_load_idx %arg9[%broadcast_in_dim3A_873, %broadcast_in_dim3A_874] : memref<8x160xf32, #tpu.memory_space<vmem>>[vector<16xi32>, vector<16xi32>], vector<16xf32>,
          %get3A_876 = arith.index_cast %rem3A_227 : i32 to index
          %get3A_877 = arith.index_cast %add3A_872 : i32 to index
          %get3A_878 = arith.constant 0 : index
          %get3A_879 = tpu.vector_load %arg10[%get3A_876, %get3A_877, %get3A_878] {strides = array<i32>} : memref<4x160x64xf32, #tpu.memory_space<vmem>>, vector<16xf32>,
          %mul3A_880 = arith.mulf %get3A_879, %gather3A_875 : vector<16xf32>
          %swap3A_881 = arith.index_cast %rem3A_227 : i32 to index
          %swap3A_882 = arith.index_cast %add3A_872 : i32 to index
          %swap3A_883 = arith.constant 0 : index
          %swap3A_884 = tpu.vector_load %arg10[%swap3A_881, %swap3A_882, %swap3A_883] {strides = array<i32>} : memref<4x160x64xf32, #tpu.memory_space<vmem>>, vector<16xf32>,
          tpu.vector_store %arg10[%swap3A_881, %swap3A_882, %swap3A_883], %mul3A_880 {strides = array<i32>} : memref<4x160x64xf32, #tpu.memory_space<vmem>>, vector<16xf32>,
          %get3A_885 = arith.index_cast %rem3A_227 : i32 to index
          %get3A_886 = arith.index_cast %add3A_872 : i32 to index
          %get3A_887 = arith.constant 16 : index
          %get3A_888 = tpu.vector_load %arg10[%get3A_885, %get3A_886, %get3A_887] {strides = array<i32>} : memref<4x160x64xf32, #tpu.memory_space<vmem>>, vector<16xf32>,
          %mul3A_889 = arith.mulf %get3A_888, %gather3A_875 : vector<16xf32>
          %swap3A_890 = arith.index_cast %rem3A_227 : i32 to index
          %swap3A_891 = arith.index_cast %add3A_872 : i32 to index
          %swap3A_892 = arith.constant 16 : index
          %swap3A_893 = tpu.vector_load %arg10[%swap3A_890, %swap3A_891, %swap3A_892] {strides = array<i32>} : memref<4x160x64xf32, #tpu.memory_space<vmem>>, vector<16xf32>,
          tpu.vector_store %arg10[%swap3A_890, %swap3A_891, %swap3A_892], %mul3A_889 {strides = array<i32>} : memref<4x160x64xf32, #tpu.memory_space<vmem>>, vector<16xf32>,
          %get3A_894 = arith.index_cast %rem3A_227 : i32 to index
          %get3A_895 = arith.index_cast %add3A_872 : i32 to index
          %get3A_896 = arith.constant 32 : index
          %get3A_897 = tpu.vector_load %arg10[%get3A_894, %get3A_895, %get3A_896] {strides = array<i32>} : memref<4x160x64xf32, #tpu.memory_space<vmem>>, vector<16xf32>,
          %mul3A_898 = arith.mulf %get3A_897, %gather3A_875 : vector<16xf32>
          %swap3A_899 = arith.index_cast %rem3A_227 : i32 to index
          %swap3A_900 = arith.index_cast %add3A_872 : i32 to index
          %swap3A_901 = arith.constant 32 : index
          %swap3A_902 = tpu.vector_load %arg10[%swap3A_899, %swap3A_900, %swap3A_901] {strides = array<i32>} : memref<4x160x64xf32, #tpu.memory_space<vmem>>, vector<16xf32>,
          tpu.vector_store %arg10[%swap3A_899, %swap3A_900, %swap3A_901], %mul3A_898 {strides = array<i32>} : memref<4x160x64xf32, #tpu.memory_space<vmem>>, vector<16xf32>,
          %get3A_903 = arith.index_cast %rem3A_227 : i32 to index
          %get3A_904 = arith.index_cast %add3A_872 : i32 to index
          %get3A_905 = arith.constant 48 : index
          %get3A_906 = tpu.vector_load %arg10[%get3A_903, %get3A_904, %get3A_905] {strides = array<i32>} : memref<4x160x64xf32, #tpu.memory_space<vmem>>, vector<16xf32>,
          %mul3A_907 = arith.mulf %get3A_906, %gather3A_875 : vector<16xf32>
          %swap3A_908 = arith.index_cast %rem3A_227 : i32 to index
          %swap3A_909 = arith.index_cast %add3A_872 : i32 to index
          %swap3A_910 = arith.constant 48 : index
          %swap3A_911 = tpu.vector_load %arg10[%swap3A_908, %swap3A_909, %swap3A_910] {strides = array<i32>} : memref<4x160x64xf32, #tpu.memory_space<vmem>>, vector<16xf32>,
          tpu.vector_store %arg10[%swap3A_908, %swap3A_909, %swap3A_910], %mul3A_907 {strides = array<i32>} : memref<4x160x64xf32, #tpu.memory_space<vmem>>, vector<16xf32>,
          %scan3A_912 = arith.constant 0 : i32
          scf.yield %scan3A_912 : i32
        }
        %scan3A_244 = arith.constant 10 : i32
        %dma_start3A_245 = arith.constant 0 : i32
        %dma_start3A_246 = arith.constant 0 : i32
        %dma_start3A_247 = tpu.memref_slice %arg10[%rem3A_227, %dma_start3A_245, %dma_start3A_246] : memref<4x160x64xf32, #tpu.memory_space<vmem>> -> memref<1x160x64xf32, #tpu.memory_space<vmem>>
        %dma_start3A_248 = tpu.memref_squeeze %dma_start3A_247 : memref<1x160x64xf32, #tpu.memory_space<vmem>> -> memref<160x64xf32, #tpu.memory_space<vmem>>
        %dma_start3A_249 = arith.constant 0 : i32
        %dma_start3A_250 = tpu.memref_slice %arg8[%rem3A_225, %dma_start3A_249] : memref<8x160xi32, #tpu.memory_space<vmem>> -> memref<1x160xi32, #tpu.memory_space<vmem>>
        %dma_start3A_251 = tpu.memref_squeeze %dma_start3A_250 : memref<1x160xi32, #tpu.memory_space<vmem>> -> memref<160xi32, #tpu.memory_space<vmem>>
        %dma_start3A_252 = arith.constant 0 : i32
        %dma_start3A_253 = arith.constant 0 : i32
        %dma_start3A_254 = tpu.memref_slice %arg12[%dma_start3A_252, %dma_start3A_253] : memref<10240x64xf32, #tpu.memory_space<vmem_shared>> -> memref<10240x64xf32, #tpu.memory_space<vmem_shared>>
        tpu.enqueue_indirect_dma source(%dma_start3A_248 : memref<160x64xf32, #tpu.memory_space<vmem>>) target(%dma_start3A_254 : memref<10240x64xf32, #tpu.memory_space<vmem_shared>>) offsets(%dma_start3A_251 : memref<160xi32, #tpu.memory_space<vmem>>) semaphore(%arg14 : memref<!tpu.dma_semaphore, #tpu.memory_space<semaphore_mem>>) {add = true}
      } else {
      }
      %scan3A_222 = arith.constant 0 : i32
      scf.yield %scan3A_222 : i32
    }
    %scan3A_149 = arith.constant 127 : i32
    %dma_wait3A = arith.constant 3 : i32
    %dma_wait3A_150 = arith.constant 3 : i32
    %dma_wait3A_151 = arith.constant 0 : i32
    %dma_wait3A_152 = arith.constant 0 : i32
    %dma_wait3A_153 = tpu.memref_slice %arg10[%dma_wait3A, %dma_wait3A_151, %dma_wait3A_152] : memref<4x160x64xf32, #tpu.memory_space<vmem>> -> memref<1x160x64xf32, #tpu.memory_space<vmem>>
    %dma_wait3A_154 = tpu.memref_squeeze %dma_wait3A_153 : memref<1x160x64xf32, #tpu.memory_space<vmem>> -> memref<160x64xf32, #tpu.memory_space<vmem>>
    %dma_wait3A_155 = arith.constant 0 : i32
    %dma_wait3A_156 = tpu.memref_slice %arg8[%dma_wait3A_150, %dma_wait3A_155] : memref<8x160xi32, #tpu.memory_space<vmem>> -> memref<1x160xi32, #tpu.memory_space<vmem>>
    %dma_wait3A_157 = tpu.memref_squeeze %dma_wait3A_156 : memref<1x160xi32, #tpu.memory_space<vmem>> -> memref<160xi32, #tpu.memory_space<vmem>>
    %dma_wait3A_158 = arith.constant 0 : i32
    %dma_wait3A_159 = arith.constant 0 : i32
    %dma_wait3A_160 = tpu.memref_slice %arg12[%dma_wait3A_158, %dma_wait3A_159] : memref<10240x64xf32, #tpu.memory_space<vmem_shared>> -> memref<10240x64xf32, #tpu.memory_space<vmem_shared>>
    tpu.wait_indirect_dma semaphore(%arg14 : memref<!tpu.dma_semaphore, #tpu.memory_space<semaphore_mem>>) src(%dma_wait3A_154 : memref<160x64xf32, #tpu.memory_space<vmem>>) dst(%dma_wait3A_160 : memref<10240x64xf32, #tpu.memory_space<vmem_shared>>)
    %dma_wait3A_161 = arith.constant 0 : i32
    %dma_wait3A_162 = arith.constant 4 : i32
    %dma_wait3A_163 = arith.constant 0 : i32
    %dma_wait3A_164 = arith.constant 0 : i32
    %dma_wait3A_165 = tpu.memref_slice %arg10[%dma_wait3A_161, %dma_wait3A_163, %dma_wait3A_164] : memref<4x160x64xf32, #tpu.memory_space<vmem>> -> memref<1x160x64xf32, #tpu.memory_space<vmem>>
    %dma_wait3A_166 = tpu.memref_squeeze %dma_wait3A_165 : memref<1x160x64xf32, #tpu.memory_space<vmem>> -> memref<160x64xf32, #tpu.memory_space<vmem>>
    %dma_wait3A_167 = arith.constant 0 : i32
    %dma_wait3A_168 = tpu.memref_slice %arg8[%dma_wait3A_162, %dma_wait3A_167] : memref<8x160xi32, #tpu.memory_space<vmem>> -> memref<1x160xi32, #tpu.memory_space<vmem>>
    %dma_wait3A_169 = tpu.memref_squeeze %dma_wait3A_168 : memref<1x160xi32, #tpu.memory_space<vmem>> -> memref<160xi32, #tpu.memory_space<vmem>>
    %dma_wait3A_170 = arith.constant 0 : i32
    %dma_wait3A_171 = arith.constant 0 : i32
    %dma_wait3A_172 = tpu.memref_slice %arg12[%dma_wait3A_170, %dma_wait3A_171] : memref<10240x64xf32, #tpu.memory_space<vmem_shared>> -> memref<10240x64xf32, #tpu.memory_space<vmem_shared>>
    tpu.wait_indirect_dma semaphore(%arg14 : memref<!tpu.dma_semaphore, #tpu.memory_space<semaphore_mem>>) src(%dma_wait3A_166 : memref<160x64xf32, #tpu.memory_space<vmem>>) dst(%dma_wait3A_172 : memref<10240x64xf32, #tpu.memory_space<vmem_shared>>)
    %barrier3A_173 = arith.constant 0 : index
    tpu.barrier barrier_id(%barrier3A_173)
    %add3A_174 = arith.constant 0 : i32
    %add3A_175 = arith.addi %mul3A_0, %add3A_174 : i32
    %add3A_176 = arith.constant 0 : i32
    %add3A_177 = arith.addi %mul3A_0, %add3A_176 : i32
    "tpu.region"() ({
      %run_scoped3A_190 = tpu.sem_alloc : memref<!tpu.dma_semaphore, #tpu.memory_space<semaphore_mem>>
      %dma_start3A_191 = arith.constant 0 : i32
      %dma_start3A_192 = tpu.memref_slice %arg6[%arg0, %add3A_177, %dma_start3A_191] : memref<2x10240x64xf32, #tpu.memory_space<hbm>> -> memref<1x160x64xf32, #tpu.memory_space<hbm>>
      %dma_start3A_193 = tpu.memref_squeeze %dma_start3A_192 : memref<1x160x64xf32, #tpu.memory_space<hbm>> -> memref<160x64xf32, #tpu.memory_space<hbm>>
      %dma_start3A_194 = arith.constant 0 : i32
      %dma_start3A_195 = tpu.memref_slice %arg12[%add3A_175, %dma_start3A_194] : memref<10240x64xf32, #tpu.memory_space<vmem_shared>> -> memref<160x64xf32, #tpu.memory_space<vmem_shared>>
      tpu.enqueue_dma source(%dma_start3A_195 : memref<160x64xf32, #tpu.memory_space<vmem_shared>>) target(%dma_start3A_193 : memref<160x64xf32, #tpu.memory_space<hbm>>) target_semaphore(%run_scoped3A_190 : memref<!tpu.dma_semaphore, #tpu.memory_space<semaphore_mem>>)
      %dma_wait3A_196 = arith.constant 0 : i32
      %dma_wait3A_197 = tpu.memref_slice %arg6[%arg0, %add3A_177, %dma_wait3A_196] : memref<2x10240x64xf32, #tpu.memory_space<hbm>> -> memref<1x160x64xf32, #tpu.memory_space<hbm>>
      %dma_wait3A_198 = tpu.memref_squeeze %dma_wait3A_197 : memref<1x160x64xf32, #tpu.memory_space<hbm>> -> memref<160x64xf32, #tpu.memory_space<hbm>>
      %dma_wait3A_199 = arith.constant 0 : i32
      %dma_wait3A_200 = tpu.memref_slice %arg12[%add3A_175, %dma_wait3A_199] : memref<10240x64xf32, #tpu.memory_space<vmem_shared>> -> memref<160x64xf32, #tpu.memory_space<vmem_shared>>
      tpu.wait_dma2 semaphore(%run_scoped3A_190 : memref<!tpu.dma_semaphore, #tpu.memory_space<semaphore_mem>>) src(%dma_wait3A_200 : memref<160x64xf32, #tpu.memory_space<vmem_shared>>) dst(%dma_wait3A_198 : memref<160x64xf32, #tpu.memory_space<hbm>>)
      tpu.yield
    }) : () -> ()
    %add3A_178 = arith.constant 160 : i32
    %add3A_179 = arith.addi %mul3A_0, %add3A_178 : i32
    %add3A_180 = arith.constant 160 : i32
    %add3A_181 = arith.addi %mul3A_0, %add3A_180 : i32
    "tpu.region"() ({
      %run_scoped3A_190 = tpu.sem_alloc : memref<!tpu.dma_semaphore, #tpu.memory_space<semaphore_mem>>
      %dma_start3A_191 = arith.constant 0 : i32
      %dma_start3A_192 = tpu.memref_slice %arg6[%arg0, %add3A_181, %dma_start3A_191] : memref<2x10240x64xf32, #tpu.memory_space<hbm>> -> memref<1x160x64xf32, #tpu.memory_space<hbm>>
      %dma_start3A_193 = tpu.memref_squeeze %dma_start3A_192 : memref<1x160x64xf32, #tpu.memory_space<hbm>> -> memref<160x64xf32, #tpu.memory_space<hbm>>
      %dma_start3A_194 = arith.constant 0 : i32
      %dma_start3A_195 = tpu.memref_slice %arg12[%add3A_179, %dma_start3A_194] : memref<10240x64xf32, #tpu.memory_space<vmem_shared>> -> memref<160x64xf32, #tpu.memory_space<vmem_shared>>
      tpu.enqueue_dma source(%dma_start3A_195 : memref<160x64xf32, #tpu.memory_space<vmem_shared>>) target(%dma_start3A_193 : memref<160x64xf32, #tpu.memory_space<hbm>>) target_semaphore(%run_scoped3A_190 : memref<!tpu.dma_semaphore, #tpu.memory_space<semaphore_mem>>)
      %dma_wait3A_196 = arith.constant 0 : i32
      %dma_wait3A_197 = tpu.memref_slice %arg6[%arg0, %add3A_181, %dma_wait3A_196] : memref<2x10240x64xf32, #tpu.memory_space<hbm>> -> memref<1x160x64xf32, #tpu.memory_space<hbm>>
      %dma_wait3A_198 = tpu.memref_squeeze %dma_wait3A_197 : memref<1x160x64xf32, #tpu.memory_space<hbm>> -> memref<160x64xf32, #tpu.memory_space<hbm>>
      %dma_wait3A_199 = arith.constant 0 : i32
      %dma_wait3A_200 = tpu.memref_slice %arg12[%add3A_179, %dma_wait3A_199] : memref<10240x64xf32, #tpu.memory_space<vmem_shared>> -> memref<160x64xf32, #tpu.memory_space<vmem_shared>>
      tpu.wait_dma2 semaphore(%run_scoped3A_190 : memref<!tpu.dma_semaphore, #tpu.memory_space<semaphore_mem>>) src(%dma_wait3A_200 : memref<160x64xf32, #tpu.memory_space<vmem_shared>>) dst(%dma_wait3A_198 : memref<160x64xf32, #tpu.memory_space<hbm>>)
      tpu.yield
    }) : () -> ()
    %add3A_182 = arith.constant 320 : i32
    %add3A_183 = arith.addi %mul3A_0, %add3A_182 : i32
    %add3A_184 = arith.constant 320 : i32
    %add3A_185 = arith.addi %mul3A_0, %add3A_184 : i32
    "tpu.region"() ({
      %run_scoped3A_190 = tpu.sem_alloc : memref<!tpu.dma_semaphore, #tpu.memory_space<semaphore_mem>>
      %dma_start3A_191 = arith.constant 0 : i32
      %dma_start3A_192 = tpu.memref_slice %arg6[%arg0, %add3A_185, %dma_start3A_191] : memref<2x10240x64xf32, #tpu.memory_space<hbm>> -> memref<1x160x64xf32, #tpu.memory_space<hbm>>
      %dma_start3A_193 = tpu.memref_squeeze %dma_start3A_192 : memref<1x160x64xf32, #tpu.memory_space<hbm>> -> memref<160x64xf32, #tpu.memory_space<hbm>>
      %dma_start3A_194 = arith.constant 0 : i32
      %dma_start3A_195 = tpu.memref_slice %arg12[%add3A_183, %dma_start3A_194] : memref<10240x64xf32, #tpu.memory_space<vmem_shared>> -> memref<160x64xf32, #tpu.memory_space<vmem_shared>>
      tpu.enqueue_dma source(%dma_start3A_195 : memref<160x64xf32, #tpu.memory_space<vmem_shared>>) target(%dma_start3A_193 : memref<160x64xf32, #tpu.memory_space<hbm>>) target_semaphore(%run_scoped3A_190 : memref<!tpu.dma_semaphore, #tpu.memory_space<semaphore_mem>>)
      %dma_wait3A_196 = arith.constant 0 : i32
      %dma_wait3A_197 = tpu.memref_slice %arg6[%arg0, %add3A_185, %dma_wait3A_196] : memref<2x10240x64xf32, #tpu.memory_space<hbm>> -> memref<1x160x64xf32, #tpu.memory_space<hbm>>
      %dma_wait3A_198 = tpu.memref_squeeze %dma_wait3A_197 : memref<1x160x64xf32, #tpu.memory_space<hbm>> -> memref<160x64xf32, #tpu.memory_space<hbm>>
      %dma_wait3A_199 = arith.constant 0 : i32
      %dma_wait3A_200 = tpu.memref_slice %arg12[%add3A_183, %dma_wait3A_199] : memref<10240x64xf32, #tpu.memory_space<vmem_shared>> -> memref<160x64xf32, #tpu.memory_space<vmem_shared>>
      tpu.wait_dma2 semaphore(%run_scoped3A_190 : memref<!tpu.dma_semaphore, #tpu.memory_space<semaphore_mem>>) src(%dma_wait3A_200 : memref<160x64xf32, #tpu.memory_space<vmem_shared>>) dst(%dma_wait3A_198 : memref<160x64xf32, #tpu.memory_space<hbm>>)
      tpu.yield
    }) : () -> ()
    %add3A_186 = arith.constant 480 : i32
    %add3A_187 = arith.addi %mul3A_0, %add3A_186 : i32
    %add3A_188 = arith.constant 480 : i32
    %add3A_189 = arith.addi %mul3A_0, %add3A_188 : i32
    "tpu.region"() ({
      %run_scoped3A_190 = tpu.sem_alloc : memref<!tpu.dma_semaphore, #tpu.memory_space<semaphore_mem>>
      %dma_start3A_191 = arith.constant 0 : i32
      %dma_start3A_192 = tpu.memref_slice %arg6[%arg0, %add3A_189, %dma_start3A_191] : memref<2x10240x64xf32, #tpu.memory_space<hbm>> -> memref<1x160x64xf32, #tpu.memory_space<hbm>>
      %dma_start3A_193 = tpu.memref_squeeze %dma_start3A_192 : memref<1x160x64xf32, #tpu.memory_space<hbm>> -> memref<160x64xf32, #tpu.memory_space<hbm>>
      %dma_start3A_194 = arith.constant 0 : i32
      %dma_start3A_195 = tpu.memref_slice %arg12[%add3A_187, %dma_start3A_194] : memref<10240x64xf32, #tpu.memory_space<vmem_shared>> -> memref<160x64xf32, #tpu.memory_space<vmem_shared>>
      tpu.enqueue_dma source(%dma_start3A_195 : memref<160x64xf32, #tpu.memory_space<vmem_shared>>) target(%dma_start3A_193 : memref<160x64xf32, #tpu.memory_space<hbm>>) target_semaphore(%run_scoped3A_190 : memref<!tpu.dma_semaphore, #tpu.memory_space<semaphore_mem>>)
      %dma_wait3A_196 = arith.constant 0 : i32
      %dma_wait3A_197 = tpu.memref_slice %arg6[%arg0, %add3A_189, %dma_wait3A_196] : memref<2x10240x64xf32, #tpu.memory_space<hbm>> -> memref<1x160x64xf32, #tpu.memory_space<hbm>>
      %dma_wait3A_198 = tpu.memref_squeeze %dma_wait3A_197 : memref<1x160x64xf32, #tpu.memory_space<hbm>> -> memref<160x64xf32, #tpu.memory_space<hbm>>
      %dma_wait3A_199 = arith.constant 0 : i32
      %dma_wait3A_200 = tpu.memref_slice %arg12[%add3A_187, %dma_wait3A_199] : memref<10240x64xf32, #tpu.memory_space<vmem_shared>> -> memref<160x64xf32, #tpu.memory_space<vmem_shared>>
      tpu.wait_dma2 semaphore(%run_scoped3A_190 : memref<!tpu.dma_semaphore, #tpu.memory_space<semaphore_mem>>) src(%dma_wait3A_200 : memref<160x64xf32, #tpu.memory_space<vmem_shared>>) dst(%dma_wait3A_198 : memref<160x64xf32, #tpu.memory_space<hbm>>)
      tpu.yield
    }) : () -> ()
    return
  }
}

#map = affine_map<(d0, d1) -> (0, 0)>
#map1 = affine_map<(d0, d1) -> (0, 0, 0)>
module attributes {stable_mosaic.version = 14 : i64} {
  func.func @body(%arg0: i32, %arg1: i32, %arg2: memref<10240x48xf32, #tpu.memory_space<hbm>>, %arg3: memref<32x63x160xi32, #tpu.memory_space<hbm>>, %arg4: memref<32x63x160xi32, #tpu.memory_space<hbm>>, %arg5: memref<32x63x160xf32, #tpu.memory_space<hbm>>, %arg6: memref<2x10240x48xf32, #tpu.memory_space<hbm>>, %arg7: memref<8x160xi32, #tpu.memory_space<vmem>>, %arg8: memref<8x160xi32, #tpu.memory_space<vmem>>, %arg9: memref<8x160xf32, #tpu.memory_space<vmem>>, %arg10: memref<4x160x48xf32, #tpu.memory_space<vmem>>, %arg11: memref<10240x48xf32, #tpu.memory_space<vmem_shared>>, %arg12: memref<10240x48xf32, #tpu.memory_space<vmem_shared>>, %arg13: memref<!tpu.dma_semaphore, #tpu.memory_space<semaphore_mem>>, %arg14: memref<!tpu.dma_semaphore, #tpu.memory_space<semaphore_mem>>, %arg15: memref<!tpu.dma_semaphore, #tpu.memory_space<semaphore_mem>>) attributes {dimension_semantics = [#tpu.dimension_semantics<core_parallel>, #tpu.dimension_semantics<subcore_parallel>], iteration_bounds = array<i64: 2, 16>, scalar_prefetch = 0 : i64, scratch_operands = 9 : i64, tpu.core_type = #tpu.core_type<sc_vector_subcore>, window_params = [{transform_indices = #map}, {transform_indices = #map1}, {transform_indices = #map1}, {transform_indices = #map1}, {transform_indices = #map1}]} {
    %mul3A = arith.constant 2 : i32
    %mul3A_0 = arith.muli %arg1, %mul3A : i32
    %add3A = arith.addi %mul3A_0, %arg0 : i32
    %mul3A_1 = arith.constant 640 : i32
    %mul3A_2 = arith.muli %arg1, %mul3A_1 : i32
    %broadcast_in_dim3A = arith.constant 0.000000e+00 : f32
    %broadcast_in_dim3A_3 = vector.broadcast %broadcast_in_dim3A : f32 to vector<16xf32>
    %dma_start3A = arith.constant 0 : i32
    %dma_start3A_4 = arith.constant 0 : i32
    %dma_start3A_5 = arith.constant 0 : i32
    %dma_start3A_6 = tpu.memref_slice %arg7[%dma_start3A_4, %dma_start3A_5] : memref<8x160xi32, #tpu.memory_space<vmem>> -> memref<1x160xi32, #tpu.memory_space<vmem>>
    %dma_start3A_7 = tpu.memref_squeeze %dma_start3A_6 : memref<1x160xi32, #tpu.memory_space<vmem>> -> memref<160xi32, #tpu.memory_space<vmem>>
    %dma_start3A_8 = arith.constant 0 : i32
    %dma_start3A_9 = tpu.memref_slice %arg3[%add3A, %dma_start3A, %dma_start3A_8] : memref<32x63x160xi32, #tpu.memory_space<hbm>> -> memref<1x1x160xi32, #tpu.memory_space<hbm>>
    %dma_start3A_10 = tpu.memref_squeeze %dma_start3A_9 : memref<1x1x160xi32, #tpu.memory_space<hbm>> -> memref<160xi32, #tpu.memory_space<hbm>>
    %dma_start3A_11 = arith.constant 0 : i32
    %dma_start3A_12 = tpu.memref_slice %arg7[%dma_start3A_4, %dma_start3A_11] : memref<8x160xi32, #tpu.memory_space<vmem>> -> memref<1x160xi32, #tpu.memory_space<vmem>>
    %dma_start3A_13 = tpu.memref_squeeze %dma_start3A_12 : memref<1x160xi32, #tpu.memory_space<vmem>> -> memref<160xi32, #tpu.memory_space<vmem>>
    %dma_start3A_14 = arith.constant 0 : i32
    %dma_start3A_15 = tpu.memref_slice %arg3[%add3A, %dma_start3A, %dma_start3A_14] : memref<32x63x160xi32, #tpu.memory_space<hbm>> -> memref<1x1x160xi32, #tpu.memory_space<hbm>>
    %dma_start3A_16 = tpu.memref_squeeze %dma_start3A_15 : memref<1x1x160xi32, #tpu.memory_space<hbm>> -> memref<160xi32, #tpu.memory_space<hbm>>
    tpu.enqueue_dma source(%dma_start3A_16 : memref<160xi32, #tpu.memory_space<hbm>>) target(%dma_start3A_13 : memref<160xi32, #tpu.memory_space<vmem>>) target_semaphore(%arg15 : memref<!tpu.dma_semaphore, #tpu.memory_space<semaphore_mem>>)
    %dma_start3A_17 = arith.constant 0 : i32
    %dma_start3A_18 = arith.constant 0 : i32
    %dma_start3A_19 = arith.constant 0 : i32
    %dma_start3A_20 = tpu.memref_slice %arg8[%dma_start3A_18, %dma_start3A_19] : memref<8x160xi32, #tpu.memory_space<vmem>> -> memref<1x160xi32, #tpu.memory_space<vmem>>
    %dma_start3A_21 = tpu.memref_squeeze %dma_start3A_20 : memref<1x160xi32, #tpu.memory_space<vmem>> -> memref<160xi32, #tpu.memory_space<vmem>>
    %dma_start3A_22 = arith.constant 0 : i32
    %dma_start3A_23 = tpu.memref_slice %arg4[%add3A, %dma_start3A_17, %dma_start3A_22] : memref<32x63x160xi32, #tpu.memory_space<hbm>> -> memref<1x1x160xi32, #tpu.memory_space<hbm>>
    %dma_start3A_24 = tpu.memref_squeeze %dma_start3A_23 : memref<1x1x160xi32, #tpu.memory_space<hbm>> -> memref<160xi32, #tpu.memory_space<hbm>>
    %dma_start3A_25 = arith.constant 0 : i32
    %dma_start3A_26 = tpu.memref_slice %arg8[%dma_start3A_18, %dma_start3A_25] : memref<8x160xi32, #tpu.memory_space<vmem>> -> memref<1x160xi32, #tpu.memory_space<vmem>>
    %dma_start3A_27 = tpu.memref_squeeze %dma_start3A_26 : memref<1x160xi32, #tpu.memory_space<vmem>> -> memref<160xi32, #tpu.memory_space<vmem>>
    %dma_start3A_28 = arith.constant 0 : i32
    %dma_start3A_29 = tpu.memref_slice %arg4[%add3A, %dma_start3A_17, %dma_start3A_28] : memref<32x63x160xi32, #tpu.memory_space<hbm>> -> memref<1x1x160xi32, #tpu.memory_space<hbm>>
    %dma_start3A_30 = tpu.memref_squeeze %dma_start3A_29 : memref<1x1x160xi32, #tpu.memory_space<hbm>> -> memref<160xi32, #tpu.memory_space<hbm>>
    tpu.enqueue_dma source(%dma_start3A_30 : memref<160xi32, #tpu.memory_space<hbm>>) target(%dma_start3A_27 : memref<160xi32, #tpu.memory_space<vmem>>) target_semaphore(%arg15 : memref<!tpu.dma_semaphore, #tpu.memory_space<semaphore_mem>>)
    %dma_start3A_31 = arith.constant 0 : i32
    %dma_start3A_32 = arith.constant 0 : i32
    %dma_start3A_33 = arith.constant 0 : i32
    %dma_start3A_34 = tpu.memref_slice %arg9[%dma_start3A_32, %dma_start3A_33] : memref<8x160xf32, #tpu.memory_space<vmem>> -> memref<1x160xf32, #tpu.memory_space<vmem>>
    %dma_start3A_35 = tpu.memref_squeeze %dma_start3A_34 : memref<1x160xf32, #tpu.memory_space<vmem>> -> memref<160xf32, #tpu.memory_space<vmem>>
    %dma_start3A_36 = arith.constant 0 : i32
    %dma_start3A_37 = tpu.memref_slice %arg5[%add3A, %dma_start3A_31, %dma_start3A_36] : memref<32x63x160xf32, #tpu.memory_space<hbm>> -> memref<1x1x160xf32, #tpu.memory_space<hbm>>
    %dma_start3A_38 = tpu.memref_squeeze %dma_start3A_37 : memref<1x1x160xf32, #tpu.memory_space<hbm>> -> memref<160xf32, #tpu.memory_space<hbm>>
    %dma_start3A_39 = arith.constant 0 : i32
    %dma_start3A_40 = tpu.memref_slice %arg9[%dma_start3A_32, %dma_start3A_39] : memref<8x160xf32, #tpu.memory_space<vmem>> -> memref<1x160xf32, #tpu.memory_space<vmem>>
    %dma_start3A_41 = tpu.memref_squeeze %dma_start3A_40 : memref<1x160xf32, #tpu.memory_space<vmem>> -> memref<160xf32, #tpu.memory_space<vmem>>
    %dma_start3A_42 = arith.constant 0 : i32
    %dma_start3A_43 = tpu.memref_slice %arg5[%add3A, %dma_start3A_31, %dma_start3A_42] : memref<32x63x160xf32, #tpu.memory_space<hbm>> -> memref<1x1x160xf32, #tpu.memory_space<hbm>>
    %dma_start3A_44 = tpu.memref_squeeze %dma_start3A_43 : memref<1x1x160xf32, #tpu.memory_space<hbm>> -> memref<160xf32, #tpu.memory_space<hbm>>
    tpu.enqueue_dma source(%dma_start3A_44 : memref<160xf32, #tpu.memory_space<hbm>>) target(%dma_start3A_41 : memref<160xf32, #tpu.memory_space<vmem>>) target_semaphore(%arg15 : memref<!tpu.dma_semaphore, #tpu.memory_space<semaphore_mem>>)
    %dma_start3A_45 = arith.constant 1 : i32
    %dma_start3A_46 = arith.constant 1 : i32
    %dma_start3A_47 = arith.constant 0 : i32
    %dma_start3A_48 = tpu.memref_slice %arg7[%dma_start3A_46, %dma_start3A_47] : memref<8x160xi32, #tpu.memory_space<vmem>> -> memref<1x160xi32, #tpu.memory_space<vmem>>
    %dma_start3A_49 = tpu.memref_squeeze %dma_start3A_48 : memref<1x160xi32, #tpu.memory_space<vmem>> -> memref<160xi32, #tpu.memory_space<vmem>>
    %dma_start3A_50 = arith.constant 0 : i32
    %dma_start3A_51 = tpu.memref_slice %arg3[%add3A, %dma_start3A_45, %dma_start3A_50] : memref<32x63x160xi32, #tpu.memory_space<hbm>> -> memref<1x1x160xi32, #tpu.memory_space<hbm>>
    %dma_start3A_52 = tpu.memref_squeeze %dma_start3A_51 : memref<1x1x160xi32, #tpu.memory_space<hbm>> -> memref<160xi32, #tpu.memory_space<hbm>>
    %dma_start3A_53 = arith.constant 0 : i32
    %dma_start3A_54 = tpu.memref_slice %arg7[%dma_start3A_46, %dma_start3A_53] : memref<8x160xi32, #tpu.memory_space<vmem>> -> memref<1x160xi32, #tpu.memory_space<vmem>>
    %dma_start3A_55 = tpu.memref_squeeze %dma_start3A_54 : memref<1x160xi32, #tpu.memory_space<vmem>> -> memref<160xi32, #tpu.memory_space<vmem>>
    %dma_start3A_56 = arith.constant 0 : i32
    %dma_start3A_57 = tpu.memref_slice %arg3[%add3A, %dma_start3A_45, %dma_start3A_56] : memref<32x63x160xi32, #tpu.memory_space<hbm>> -> memref<1x1x160xi32, #tpu.memory_space<hbm>>
    %dma_start3A_58 = tpu.memref_squeeze %dma_start3A_57 : memref<1x1x160xi32, #tpu.memory_space<hbm>> -> memref<160xi32, #tpu.memory_space<hbm>>
    tpu.enqueue_dma source(%dma_start3A_58 : memref<160xi32, #tpu.memory_space<hbm>>) target(%dma_start3A_55 : memref<160xi32, #tpu.memory_space<vmem>>) target_semaphore(%arg15 : memref<!tpu.dma_semaphore, #tpu.memory_space<semaphore_mem>>)
    %dma_start3A_59 = arith.constant 1 : i32
    %dma_start3A_60 = arith.constant 1 : i32
    %dma_start3A_61 = arith.constant 0 : i32
    %dma_start3A_62 = tpu.memref_slice %arg8[%dma_start3A_60, %dma_start3A_61] : memref<8x160xi32, #tpu.memory_space<vmem>> -> memref<1x160xi32, #tpu.memory_space<vmem>>
    %dma_start3A_63 = tpu.memref_squeeze %dma_start3A_62 : memref<1x160xi32, #tpu.memory_space<vmem>> -> memref<160xi32, #tpu.memory_space<vmem>>
    %dma_start3A_64 = arith.constant 0 : i32
    %dma_start3A_65 = tpu.memref_slice %arg4[%add3A, %dma_start3A_59, %dma_start3A_64] : memref<32x63x160xi32, #tpu.memory_space<hbm>> -> memref<1x1x160xi32, #tpu.memory_space<hbm>>
    %dma_start3A_66 = tpu.memref_squeeze %dma_start3A_65 : memref<1x1x160xi32, #tpu.memory_space<hbm>> -> memref<160xi32, #tpu.memory_space<hbm>>
    %dma_start3A_67 = arith.constant 0 : i32
    %dma_start3A_68 = tpu.memref_slice %arg8[%dma_start3A_60, %dma_start3A_67] : memref<8x160xi32, #tpu.memory_space<vmem>> -> memref<1x160xi32, #tpu.memory_space<vmem>>
    %dma_start3A_69 = tpu.memref_squeeze %dma_start3A_68 : memref<1x160xi32, #tpu.memory_space<vmem>> -> memref<160xi32, #tpu.memory_space<vmem>>
    %dma_start3A_70 = arith.constant 0 : i32
    %dma_start3A_71 = tpu.memref_slice %arg4[%add3A, %dma_start3A_59, %dma_start3A_70] : memref<32x63x160xi32, #tpu.memory_space<hbm>> -> memref<1x1x160xi32, #tpu.memory_space<hbm>>
    %dma_start3A_72 = tpu.memref_squeeze %dma_start3A_71 : memref<1x1x160xi32, #tpu.memory_space<hbm>> -> memref<160xi32, #tpu.memory_space<hbm>>
    tpu.enqueue_dma source(%dma_start3A_72 : memref<160xi32, #tpu.memory_space<hbm>>) target(%dma_start3A_69 : memref<160xi32, #tpu.memory_space<vmem>>) target_semaphore(%arg15 : memref<!tpu.dma_semaphore, #tpu.memory_space<semaphore_mem>>)
    %dma_start3A_73 = arith.constant 1 : i32
    %dma_start3A_74 = arith.constant 1 : i32
    %dma_start3A_75 = arith.constant 0 : i32
    %dma_start3A_76 = tpu.memref_slice %arg9[%dma_start3A_74, %dma_start3A_75] : memref<8x160xf32, #tpu.memory_space<vmem>> -> memref<1x160xf32, #tpu.memory_space<vmem>>
    %dma_start3A_77 = tpu.memref_squeeze %dma_start3A_76 : memref<1x160xf32, #tpu.memory_space<vmem>> -> memref<160xf32, #tpu.memory_space<vmem>>
    %dma_start3A_78 = arith.constant 0 : i32
    %dma_start3A_79 = tpu.memref_slice %arg5[%add3A, %dma_start3A_73, %dma_start3A_78] : memref<32x63x160xf32, #tpu.memory_space<hbm>> -> memref<1x1x160xf32, #tpu.memory_space<hbm>>
    %dma_start3A_80 = tpu.memref_squeeze %dma_start3A_79 : memref<1x1x160xf32, #tpu.memory_space<hbm>> -> memref<160xf32, #tpu.memory_space<hbm>>
    %dma_start3A_81 = arith.constant 0 : i32
    %dma_start3A_82 = tpu.memref_slice %arg9[%dma_start3A_74, %dma_start3A_81] : memref<8x160xf32, #tpu.memory_space<vmem>> -> memref<1x160xf32, #tpu.memory_space<vmem>>
    %dma_start3A_83 = tpu.memref_squeeze %dma_start3A_82 : memref<1x160xf32, #tpu.memory_space<vmem>> -> memref<160xf32, #tpu.memory_space<vmem>>
    %dma_start3A_84 = arith.constant 0 : i32
    %dma_start3A_85 = tpu.memref_slice %arg5[%add3A, %dma_start3A_73, %dma_start3A_84] : memref<32x63x160xf32, #tpu.memory_space<hbm>> -> memref<1x1x160xf32, #tpu.memory_space<hbm>>
    %dma_start3A_86 = tpu.memref_squeeze %dma_start3A_85 : memref<1x1x160xf32, #tpu.memory_space<hbm>> -> memref<160xf32, #tpu.memory_space<hbm>>
    tpu.enqueue_dma source(%dma_start3A_86 : memref<160xf32, #tpu.memory_space<hbm>>) target(%dma_start3A_83 : memref<160xf32, #tpu.memory_space<vmem>>) target_semaphore(%arg15 : memref<!tpu.dma_semaphore, #tpu.memory_space<semaphore_mem>>)
    %dma_start3A_87 = arith.constant 2 : i32
    %dma_start3A_88 = arith.constant 2 : i32
    %dma_start3A_89 = arith.constant 0 : i32
    %dma_start3A_90 = tpu.memref_slice %arg7[%dma_start3A_88, %dma_start3A_89] : memref<8x160xi32, #tpu.memory_space<vmem>> -> memref<1x160xi32, #tpu.memory_space<vmem>>
    %dma_start3A_91 = tpu.memref_squeeze %dma_start3A_90 : memref<1x160xi32, #tpu.memory_space<vmem>> -> memref<160xi32, #tpu.memory_space<vmem>>
    %dma_start3A_92 = arith.constant 0 : i32
    %dma_start3A_93 = tpu.memref_slice %arg3[%add3A, %dma_start3A_87, %dma_start3A_92] : memref<32x63x160xi32, #tpu.memory_space<hbm>> -> memref<1x1x160xi32, #tpu.memory_space<hbm>>
    %dma_start3A_94 = tpu.memref_squeeze %dma_start3A_93 : memref<1x1x160xi32, #tpu.memory_space<hbm>> -> memref<160xi32, #tpu.memory_space<hbm>>
    %dma_start3A_95 = arith.constant 0 : i32
    %dma_start3A_96 = tpu.memref_slice %arg7[%dma_start3A_88, %dma_start3A_95] : memref<8x160xi32, #tpu.memory_space<vmem>> -> memref<1x160xi32, #tpu.memory_space<vmem>>
    %dma_start3A_97 = tpu.memref_squeeze %dma_start3A_96 : memref<1x160xi32, #tpu.memory_space<vmem>> -> memref<160xi32, #tpu.memory_space<vmem>>
    %dma_start3A_98 = arith.constant 0 : i32
    %dma_start3A_99 = tpu.memref_slice %arg3[%add3A, %dma_start3A_87, %dma_start3A_98] : memref<32x63x160xi32, #tpu.memory_space<hbm>> -> memref<1x1x160xi32, #tpu.memory_space<hbm>>
    %dma_start3A_100 = tpu.memref_squeeze %dma_start3A_99 : memref<1x1x160xi32, #tpu.memory_space<hbm>> -> memref<160xi32, #tpu.memory_space<hbm>>
    tpu.enqueue_dma source(%dma_start3A_100 : memref<160xi32, #tpu.memory_space<hbm>>) target(%dma_start3A_97 : memref<160xi32, #tpu.memory_space<vmem>>) target_semaphore(%arg15 : memref<!tpu.dma_semaphore, #tpu.memory_space<semaphore_mem>>)
    %dma_start3A_101 = arith.constant 2 : i32
    %dma_start3A_102 = arith.constant 2 : i32
    %dma_start3A_103 = arith.constant 0 : i32
    %dma_start3A_104 = tpu.memref_slice %arg8[%dma_start3A_102, %dma_start3A_103] : memref<8x160xi32, #tpu.memory_space<vmem>> -> memref<1x160xi32, #tpu.memory_space<vmem>>
    %dma_start3A_105 = tpu.memref_squeeze %dma_start3A_104 : memref<1x160xi32, #tpu.memory_space<vmem>> -> memref<160xi32, #tpu.memory_space<vmem>>
    %dma_start3A_106 = arith.constant 0 : i32
    %dma_start3A_107 = tpu.memref_slice %arg4[%add3A, %dma_start3A_101, %dma_start3A_106] : memref<32x63x160xi32, #tpu.memory_space<hbm>> -> memref<1x1x160xi32, #tpu.memory_space<hbm>>
    %dma_start3A_108 = tpu.memref_squeeze %dma_start3A_107 : memref<1x1x160xi32, #tpu.memory_space<hbm>> -> memref<160xi32, #tpu.memory_space<hbm>>
    %dma_start3A_109 = arith.constant 0 : i32
    %dma_start3A_110 = tpu.memref_slice %arg8[%dma_start3A_102, %dma_start3A_109] : memref<8x160xi32, #tpu.memory_space<vmem>> -> memref<1x160xi32, #tpu.memory_space<vmem>>
    %dma_start3A_111 = tpu.memref_squeeze %dma_start3A_110 : memref<1x160xi32, #tpu.memory_space<vmem>> -> memref<160xi32, #tpu.memory_space<vmem>>
    %dma_start3A_112 = arith.constant 0 : i32
    %dma_start3A_113 = tpu.memref_slice %arg4[%add3A, %dma_start3A_101, %dma_start3A_112] : memref<32x63x160xi32, #tpu.memory_space<hbm>> -> memref<1x1x160xi32, #tpu.memory_space<hbm>>
    %dma_start3A_114 = tpu.memref_squeeze %dma_start3A_113 : memref<1x1x160xi32, #tpu.memory_space<hbm>> -> memref<160xi32, #tpu.memory_space<hbm>>
    tpu.enqueue_dma source(%dma_start3A_114 : memref<160xi32, #tpu.memory_space<hbm>>) target(%dma_start3A_111 : memref<160xi32, #tpu.memory_space<vmem>>) target_semaphore(%arg15 : memref<!tpu.dma_semaphore, #tpu.memory_space<semaphore_mem>>)
    %dma_start3A_115 = arith.constant 2 : i32
    %dma_start3A_116 = arith.constant 2 : i32
    %dma_start3A_117 = arith.constant 0 : i32
    %dma_start3A_118 = tpu.memref_slice %arg9[%dma_start3A_116, %dma_start3A_117] : memref<8x160xf32, #tpu.memory_space<vmem>> -> memref<1x160xf32, #tpu.memory_space<vmem>>
    %dma_start3A_119 = tpu.memref_squeeze %dma_start3A_118 : memref<1x160xf32, #tpu.memory_space<vmem>> -> memref<160xf32, #tpu.memory_space<vmem>>
    %dma_start3A_120 = arith.constant 0 : i32
    %dma_start3A_121 = tpu.memref_slice %arg5[%add3A, %dma_start3A_115, %dma_start3A_120] : memref<32x63x160xf32, #tpu.memory_space<hbm>> -> memref<1x1x160xf32, #tpu.memory_space<hbm>>
    %dma_start3A_122 = tpu.memref_squeeze %dma_start3A_121 : memref<1x1x160xf32, #tpu.memory_space<hbm>> -> memref<160xf32, #tpu.memory_space<hbm>>
    %dma_start3A_123 = arith.constant 0 : i32
    %dma_start3A_124 = tpu.memref_slice %arg9[%dma_start3A_116, %dma_start3A_123] : memref<8x160xf32, #tpu.memory_space<vmem>> -> memref<1x160xf32, #tpu.memory_space<vmem>>
    %dma_start3A_125 = tpu.memref_squeeze %dma_start3A_124 : memref<1x160xf32, #tpu.memory_space<vmem>> -> memref<160xf32, #tpu.memory_space<vmem>>
    %dma_start3A_126 = arith.constant 0 : i32
    %dma_start3A_127 = tpu.memref_slice %arg5[%add3A, %dma_start3A_115, %dma_start3A_126] : memref<32x63x160xf32, #tpu.memory_space<hbm>> -> memref<1x1x160xf32, #tpu.memory_space<hbm>>
    %dma_start3A_128 = tpu.memref_squeeze %dma_start3A_127 : memref<1x1x160xf32, #tpu.memory_space<hbm>> -> memref<160xf32, #tpu.memory_space<hbm>>
    tpu.enqueue_dma source(%dma_start3A_128 : memref<160xf32, #tpu.memory_space<hbm>>) target(%dma_start3A_125 : memref<160xf32, #tpu.memory_space<vmem>>) target_semaphore(%arg15 : memref<!tpu.dma_semaphore, #tpu.memory_space<semaphore_mem>>)
    "tpu.region"() ({
      %run_scoped3A_193 = tpu.sem_alloc : memref<!tpu.dma_semaphore, #tpu.memory_space<semaphore_mem>>
      %dma_start3A_194 = arith.constant 0 : i32
      %dma_start3A_195 = tpu.memref_slice %arg11[%mul3A_2, %dma_start3A_194] : memref<10240x48xf32, #tpu.memory_space<vmem_shared>> -> memref<640x48xf32, #tpu.memory_space<vmem_shared>>
      %dma_start3A_196 = arith.constant 0 : i32
      %dma_start3A_197 = tpu.memref_slice %arg2[%mul3A_2, %dma_start3A_196] : memref<10240x48xf32, #tpu.memory_space<hbm>> -> memref<640x48xf32, #tpu.memory_space<hbm>>
      tpu.enqueue_dma source(%dma_start3A_197 : memref<640x48xf32, #tpu.memory_space<hbm>>) target(%dma_start3A_195 : memref<640x48xf32, #tpu.memory_space<vmem_shared>>) target_semaphore(%run_scoped3A_193 : memref<!tpu.dma_semaphore, #tpu.memory_space<semaphore_mem>>)
      %dma_wait3A_198 = arith.constant 0 : i32
      %dma_wait3A_199 = tpu.memref_slice %arg11[%mul3A_2, %dma_wait3A_198] : memref<10240x48xf32, #tpu.memory_space<vmem_shared>> -> memref<640x48xf32, #tpu.memory_space<vmem_shared>>
      %dma_wait3A_200 = arith.constant 0 : i32
      %dma_wait3A_201 = tpu.memref_slice %arg2[%mul3A_2, %dma_wait3A_200] : memref<10240x48xf32, #tpu.memory_space<hbm>> -> memref<640x48xf32, #tpu.memory_space<hbm>>
      tpu.wait_dma2 semaphore(%run_scoped3A_193 : memref<!tpu.dma_semaphore, #tpu.memory_space<semaphore_mem>>) src(%dma_wait3A_201 : memref<640x48xf32, #tpu.memory_space<hbm>>) dst(%dma_wait3A_199 : memref<640x48xf32, #tpu.memory_space<vmem_shared>>)
      tpu.yield
    }) : () -> ()
    %scan3A = arith.constant 0 : i32
    %scan3A_129 = arith.constant 0 : i32
    %scan3A_130 = arith.constant 160 : i32
    %scan3A_131 = arith.addi %scan3A_129, %scan3A_130 : i32
    %scan3A_132 = arith.constant 1 : i32
    %scan3A_133 = scf.for %scan3A_193 = %scan3A_129 to %scan3A_131 step %scan3A_132 iter_args(%scan3A_194 = %scan3A) -> (i32)  : i32 {
      %swap3A = arith.constant 0 : i32
      %swap3A_195 = arith.index_cast %swap3A : i32 to index
      %swap3A_196 = arith.index_cast %scan3A_193 : i32 to index
      %swap3A_197 = arith.constant 0 : index
      %swap3A_198 = tpu.vector_load %arg10[%swap3A_195, %swap3A_196, %swap3A_197] {strides = array<i32>} : memref<4x160x48xf32, #tpu.memory_space<vmem>>, vector<16xf32>,
      tpu.vector_store %arg10[%swap3A_195, %swap3A_196, %swap3A_197], %broadcast_in_dim3A_3 {strides = array<i32>} : memref<4x160x48xf32, #tpu.memory_space<vmem>>, vector<16xf32>,
      %swap3A_199 = arith.constant 0 : i32
      %swap3A_200 = arith.index_cast %swap3A_199 : i32 to index
      %swap3A_201 = arith.index_cast %scan3A_193 : i32 to index
      %swap3A_202 = arith.constant 16 : index
      %swap3A_203 = tpu.vector_load %arg10[%swap3A_200, %swap3A_201, %swap3A_202] {strides = array<i32>} : memref<4x160x48xf32, #tpu.memory_space<vmem>>, vector<16xf32>,
      tpu.vector_store %arg10[%swap3A_200, %swap3A_201, %swap3A_202], %broadcast_in_dim3A_3 {strides = array<i32>} : memref<4x160x48xf32, #tpu.memory_space<vmem>>, vector<16xf32>,
      %swap3A_204 = arith.constant 0 : i32
      %swap3A_205 = arith.index_cast %swap3A_204 : i32 to index
      %swap3A_206 = arith.index_cast %scan3A_193 : i32 to index
      %swap3A_207 = arith.constant 32 : index
      %swap3A_208 = tpu.vector_load %arg10[%swap3A_205, %swap3A_206, %swap3A_207] {strides = array<i32>} : memref<4x160x48xf32, #tpu.memory_space<vmem>>, vector<16xf32>,
      tpu.vector_store %arg10[%swap3A_205, %swap3A_206, %swap3A_207], %broadcast_in_dim3A_3 {strides = array<i32>} : memref<4x160x48xf32, #tpu.memory_space<vmem>>, vector<16xf32>,
      %scan3A_209 = arith.constant 0 : i32
      scf.yield %scan3A_209 : i32
    }
    %scan3A_134 = arith.constant 160 : i32
    %add3A_135 = arith.constant 0 : i32
    %add3A_136 = arith.addi %mul3A_2, %add3A_135 : i32
    %run_scoped3A = arith.constant 0 : i32
    "tpu.region"() ({
      %run_scoped3A_193 = tpu.sem_alloc : memref<!tpu.dma_semaphore, #tpu.memory_space<semaphore_mem>>
      %dma_start3A_194 = arith.constant 0 : i32
      %dma_start3A_195 = arith.constant 0 : i32
      %dma_start3A_196 = tpu.memref_slice %arg10[%run_scoped3A, %dma_start3A_194, %dma_start3A_195] : memref<4x160x48xf32, #tpu.memory_space<vmem>> -> memref<1x160x48xf32, #tpu.memory_space<vmem>>
      %dma_start3A_197 = tpu.memref_squeeze %dma_start3A_196 : memref<1x160x48xf32, #tpu.memory_space<vmem>> -> memref<160x48xf32, #tpu.memory_space<vmem>>
      %dma_start3A_198 = arith.constant 0 : i32
      %dma_start3A_199 = tpu.memref_slice %arg12[%add3A_136, %dma_start3A_198] : memref<10240x48xf32, #tpu.memory_space<vmem_shared>> -> memref<160x48xf32, #tpu.memory_space<vmem_shared>>
      %dma_start3A_200 = arith.constant 0 : i32
      %dma_start3A_201 = tpu.memref_slice %arg12[%add3A_136, %dma_start3A_200] : memref<10240x48xf32, #tpu.memory_space<vmem_shared>> -> memref<160x48xf32, #tpu.memory_space<vmem_shared>>
      %dma_start3A_202 = arith.constant 0 : i32
      %dma_start3A_203 = arith.constant 0 : i32
      %dma_start3A_204 = tpu.memref_slice %arg10[%run_scoped3A, %dma_start3A_202, %dma_start3A_203] : memref<4x160x48xf32, #tpu.memory_space<vmem>> -> memref<1x160x48xf32, #tpu.memory_space<vmem>>
      %dma_start3A_205 = tpu.memref_squeeze %dma_start3A_204 : memref<1x160x48xf32, #tpu.memory_space<vmem>> -> memref<160x48xf32, #tpu.memory_space<vmem>>
      tpu.enqueue_dma source(%dma_start3A_205 : memref<160x48xf32, #tpu.memory_space<vmem>>) target(%dma_start3A_201 : memref<160x48xf32, #tpu.memory_space<vmem_shared>>) target_semaphore(%run_scoped3A_193 : memref<!tpu.dma_semaphore, #tpu.memory_space<semaphore_mem>>)
      %dma_wait3A_206 = arith.constant 0 : i32
      %dma_wait3A_207 = arith.constant 0 : i32
      %dma_wait3A_208 = tpu.memref_slice %arg10[%run_scoped3A, %dma_wait3A_206, %dma_wait3A_207] : memref<4x160x48xf32, #tpu.memory_space<vmem>> -> memref<1x160x48xf32, #tpu.memory_space<vmem>>
      %dma_wait3A_209 = tpu.memref_squeeze %dma_wait3A_208 : memref<1x160x48xf32, #tpu.memory_space<vmem>> -> memref<160x48xf32, #tpu.memory_space<vmem>>
      %dma_wait3A_210 = arith.constant 0 : i32
      %dma_wait3A_211 = tpu.memref_slice %arg12[%add3A_136, %dma_wait3A_210] : memref<10240x48xf32, #tpu.memory_space<vmem_shared>> -> memref<160x48xf32, #tpu.memory_space<vmem_shared>>
      %dma_wait3A_212 = arith.constant 0 : i32
      %dma_wait3A_213 = tpu.memref_slice %arg12[%add3A_136, %dma_wait3A_212] : memref<10240x48xf32, #tpu.memory_space<vmem_shared>> -> memref<160x48xf32, #tpu.memory_space<vmem_shared>>
      %dma_wait3A_214 = arith.constant 0 : i32
      %dma_wait3A_215 = arith.constant 0 : i32
      %dma_wait3A_216 = tpu.memref_slice %arg10[%run_scoped3A, %dma_wait3A_214, %dma_wait3A_215] : memref<4x160x48xf32, #tpu.memory_space<vmem>> -> memref<1x160x48xf32, #tpu.memory_space<vmem>>
      %dma_wait3A_217 = tpu.memref_squeeze %dma_wait3A_216 : memref<1x160x48xf32, #tpu.memory_space<vmem>> -> memref<160x48xf32, #tpu.memory_space<vmem>>
      tpu.wait_dma2 semaphore(%run_scoped3A_193 : memref<!tpu.dma_semaphore, #tpu.memory_space<semaphore_mem>>) src(%dma_wait3A_217 : memref<160x48xf32, #tpu.memory_space<vmem>>) dst(%dma_wait3A_213 : memref<160x48xf32, #tpu.memory_space<vmem_shared>>)
      tpu.yield
    }) : () -> ()
    %add3A_137 = arith.constant 160 : i32
    %add3A_138 = arith.addi %mul3A_2, %add3A_137 : i32
    %run_scoped3A_139 = arith.constant 0 : i32
    "tpu.region"() ({
      %run_scoped3A_193 = tpu.sem_alloc : memref<!tpu.dma_semaphore, #tpu.memory_space<semaphore_mem>>
      %dma_start3A_194 = arith.constant 0 : i32
      %dma_start3A_195 = arith.constant 0 : i32
      %dma_start3A_196 = tpu.memref_slice %arg10[%run_scoped3A_139, %dma_start3A_194, %dma_start3A_195] : memref<4x160x48xf32, #tpu.memory_space<vmem>> -> memref<1x160x48xf32, #tpu.memory_space<vmem>>
      %dma_start3A_197 = tpu.memref_squeeze %dma_start3A_196 : memref<1x160x48xf32, #tpu.memory_space<vmem>> -> memref<160x48xf32, #tpu.memory_space<vmem>>
      %dma_start3A_198 = arith.constant 0 : i32
      %dma_start3A_199 = tpu.memref_slice %arg12[%add3A_138, %dma_start3A_198] : memref<10240x48xf32, #tpu.memory_space<vmem_shared>> -> memref<160x48xf32, #tpu.memory_space<vmem_shared>>
      %dma_start3A_200 = arith.constant 0 : i32
      %dma_start3A_201 = tpu.memref_slice %arg12[%add3A_138, %dma_start3A_200] : memref<10240x48xf32, #tpu.memory_space<vmem_shared>> -> memref<160x48xf32, #tpu.memory_space<vmem_shared>>
      %dma_start3A_202 = arith.constant 0 : i32
      %dma_start3A_203 = arith.constant 0 : i32
      %dma_start3A_204 = tpu.memref_slice %arg10[%run_scoped3A_139, %dma_start3A_202, %dma_start3A_203] : memref<4x160x48xf32, #tpu.memory_space<vmem>> -> memref<1x160x48xf32, #tpu.memory_space<vmem>>
      %dma_start3A_205 = tpu.memref_squeeze %dma_start3A_204 : memref<1x160x48xf32, #tpu.memory_space<vmem>> -> memref<160x48xf32, #tpu.memory_space<vmem>>
      tpu.enqueue_dma source(%dma_start3A_205 : memref<160x48xf32, #tpu.memory_space<vmem>>) target(%dma_start3A_201 : memref<160x48xf32, #tpu.memory_space<vmem_shared>>) target_semaphore(%run_scoped3A_193 : memref<!tpu.dma_semaphore, #tpu.memory_space<semaphore_mem>>)
      %dma_wait3A_206 = arith.constant 0 : i32
      %dma_wait3A_207 = arith.constant 0 : i32
      %dma_wait3A_208 = tpu.memref_slice %arg10[%run_scoped3A_139, %dma_wait3A_206, %dma_wait3A_207] : memref<4x160x48xf32, #tpu.memory_space<vmem>> -> memref<1x160x48xf32, #tpu.memory_space<vmem>>
      %dma_wait3A_209 = tpu.memref_squeeze %dma_wait3A_208 : memref<1x160x48xf32, #tpu.memory_space<vmem>> -> memref<160x48xf32, #tpu.memory_space<vmem>>
      %dma_wait3A_210 = arith.constant 0 : i32
      %dma_wait3A_211 = tpu.memref_slice %arg12[%add3A_138, %dma_wait3A_210] : memref<10240x48xf32, #tpu.memory_space<vmem_shared>> -> memref<160x48xf32, #tpu.memory_space<vmem_shared>>
      %dma_wait3A_212 = arith.constant 0 : i32
      %dma_wait3A_213 = tpu.memref_slice %arg12[%add3A_138, %dma_wait3A_212] : memref<10240x48xf32, #tpu.memory_space<vmem_shared>> -> memref<160x48xf32, #tpu.memory_space<vmem_shared>>
      %dma_wait3A_214 = arith.constant 0 : i32
      %dma_wait3A_215 = arith.constant 0 : i32
      %dma_wait3A_216 = tpu.memref_slice %arg10[%run_scoped3A_139, %dma_wait3A_214, %dma_wait3A_215] : memref<4x160x48xf32, #tpu.memory_space<vmem>> -> memref<1x160x48xf32, #tpu.memory_space<vmem>>
      %dma_wait3A_217 = tpu.memref_squeeze %dma_wait3A_216 : memref<1x160x48xf32, #tpu.memory_space<vmem>> -> memref<160x48xf32, #tpu.memory_space<vmem>>
      tpu.wait_dma2 semaphore(%run_scoped3A_193 : memref<!tpu.dma_semaphore, #tpu.memory_space<semaphore_mem>>) src(%dma_wait3A_217 : memref<160x48xf32, #tpu.memory_space<vmem>>) dst(%dma_wait3A_213 : memref<160x48xf32, #tpu.memory_space<vmem_shared>>)
      tpu.yield
    }) : () -> ()
    %add3A_140 = arith.constant 320 : i32
    %add3A_141 = arith.addi %mul3A_2, %add3A_140 : i32
    %run_scoped3A_142 = arith.constant 0 : i32
    "tpu.region"() ({
      %run_scoped3A_193 = tpu.sem_alloc : memref<!tpu.dma_semaphore, #tpu.memory_space<semaphore_mem>>
      %dma_start3A_194 = arith.constant 0 : i32
      %dma_start3A_195 = arith.constant 0 : i32
      %dma_start3A_196 = tpu.memref_slice %arg10[%run_scoped3A_142, %dma_start3A_194, %dma_start3A_195] : memref<4x160x48xf32, #tpu.memory_space<vmem>> -> memref<1x160x48xf32, #tpu.memory_space<vmem>>
      %dma_start3A_197 = tpu.memref_squeeze %dma_start3A_196 : memref<1x160x48xf32, #tpu.memory_space<vmem>> -> memref<160x48xf32, #tpu.memory_space<vmem>>
      %dma_start3A_198 = arith.constant 0 : i32
      %dma_start3A_199 = tpu.memref_slice %arg12[%add3A_141, %dma_start3A_198] : memref<10240x48xf32, #tpu.memory_space<vmem_shared>> -> memref<160x48xf32, #tpu.memory_space<vmem_shared>>
      %dma_start3A_200 = arith.constant 0 : i32
      %dma_start3A_201 = tpu.memref_slice %arg12[%add3A_141, %dma_start3A_200] : memref<10240x48xf32, #tpu.memory_space<vmem_shared>> -> memref<160x48xf32, #tpu.memory_space<vmem_shared>>
      %dma_start3A_202 = arith.constant 0 : i32
      %dma_start3A_203 = arith.constant 0 : i32
      %dma_start3A_204 = tpu.memref_slice %arg10[%run_scoped3A_142, %dma_start3A_202, %dma_start3A_203] : memref<4x160x48xf32, #tpu.memory_space<vmem>> -> memref<1x160x48xf32, #tpu.memory_space<vmem>>
      %dma_start3A_205 = tpu.memref_squeeze %dma_start3A_204 : memref<1x160x48xf32, #tpu.memory_space<vmem>> -> memref<160x48xf32, #tpu.memory_space<vmem>>
      tpu.enqueue_dma source(%dma_start3A_205 : memref<160x48xf32, #tpu.memory_space<vmem>>) target(%dma_start3A_201 : memref<160x48xf32, #tpu.memory_space<vmem_shared>>) target_semaphore(%run_scoped3A_193 : memref<!tpu.dma_semaphore, #tpu.memory_space<semaphore_mem>>)
      %dma_wait3A_206 = arith.constant 0 : i32
      %dma_wait3A_207 = arith.constant 0 : i32
      %dma_wait3A_208 = tpu.memref_slice %arg10[%run_scoped3A_142, %dma_wait3A_206, %dma_wait3A_207] : memref<4x160x48xf32, #tpu.memory_space<vmem>> -> memref<1x160x48xf32, #tpu.memory_space<vmem>>
      %dma_wait3A_209 = tpu.memref_squeeze %dma_wait3A_208 : memref<1x160x48xf32, #tpu.memory_space<vmem>> -> memref<160x48xf32, #tpu.memory_space<vmem>>
      %dma_wait3A_210 = arith.constant 0 : i32
      %dma_wait3A_211 = tpu.memref_slice %arg12[%add3A_141, %dma_wait3A_210] : memref<10240x48xf32, #tpu.memory_space<vmem_shared>> -> memref<160x48xf32, #tpu.memory_space<vmem_shared>>
      %dma_wait3A_212 = arith.constant 0 : i32
      %dma_wait3A_213 = tpu.memref_slice %arg12[%add3A_141, %dma_wait3A_212] : memref<10240x48xf32, #tpu.memory_space<vmem_shared>> -> memref<160x48xf32, #tpu.memory_space<vmem_shared>>
      %dma_wait3A_214 = arith.constant 0 : i32
      %dma_wait3A_215 = arith.constant 0 : i32
      %dma_wait3A_216 = tpu.memref_slice %arg10[%run_scoped3A_142, %dma_wait3A_214, %dma_wait3A_215] : memref<4x160x48xf32, #tpu.memory_space<vmem>> -> memref<1x160x48xf32, #tpu.memory_space<vmem>>
      %dma_wait3A_217 = tpu.memref_squeeze %dma_wait3A_216 : memref<1x160x48xf32, #tpu.memory_space<vmem>> -> memref<160x48xf32, #tpu.memory_space<vmem>>
      tpu.wait_dma2 semaphore(%run_scoped3A_193 : memref<!tpu.dma_semaphore, #tpu.memory_space<semaphore_mem>>) src(%dma_wait3A_217 : memref<160x48xf32, #tpu.memory_space<vmem>>) dst(%dma_wait3A_213 : memref<160x48xf32, #tpu.memory_space<vmem_shared>>)
      tpu.yield
    }) : () -> ()
    %add3A_143 = arith.constant 480 : i32
    %add3A_144 = arith.addi %mul3A_2, %add3A_143 : i32
    %run_scoped3A_145 = arith.constant 0 : i32
    "tpu.region"() ({
      %run_scoped3A_193 = tpu.sem_alloc : memref<!tpu.dma_semaphore, #tpu.memory_space<semaphore_mem>>
      %dma_start3A_194 = arith.constant 0 : i32
      %dma_start3A_195 = arith.constant 0 : i32
      %dma_start3A_196 = tpu.memref_slice %arg10[%run_scoped3A_145, %dma_start3A_194, %dma_start3A_195] : memref<4x160x48xf32, #tpu.memory_space<vmem>> -> memref<1x160x48xf32, #tpu.memory_space<vmem>>
      %dma_start3A_197 = tpu.memref_squeeze %dma_start3A_196 : memref<1x160x48xf32, #tpu.memory_space<vmem>> -> memref<160x48xf32, #tpu.memory_space<vmem>>
      %dma_start3A_198 = arith.constant 0 : i32
      %dma_start3A_199 = tpu.memref_slice %arg12[%add3A_144, %dma_start3A_198] : memref<10240x48xf32, #tpu.memory_space<vmem_shared>> -> memref<160x48xf32, #tpu.memory_space<vmem_shared>>
      %dma_start3A_200 = arith.constant 0 : i32
      %dma_start3A_201 = tpu.memref_slice %arg12[%add3A_144, %dma_start3A_200] : memref<10240x48xf32, #tpu.memory_space<vmem_shared>> -> memref<160x48xf32, #tpu.memory_space<vmem_shared>>
      %dma_start3A_202 = arith.constant 0 : i32
      %dma_start3A_203 = arith.constant 0 : i32
      %dma_start3A_204 = tpu.memref_slice %arg10[%run_scoped3A_145, %dma_start3A_202, %dma_start3A_203] : memref<4x160x48xf32, #tpu.memory_space<vmem>> -> memref<1x160x48xf32, #tpu.memory_space<vmem>>
      %dma_start3A_205 = tpu.memref_squeeze %dma_start3A_204 : memref<1x160x48xf32, #tpu.memory_space<vmem>> -> memref<160x48xf32, #tpu.memory_space<vmem>>
      tpu.enqueue_dma source(%dma_start3A_205 : memref<160x48xf32, #tpu.memory_space<vmem>>) target(%dma_start3A_201 : memref<160x48xf32, #tpu.memory_space<vmem_shared>>) target_semaphore(%run_scoped3A_193 : memref<!tpu.dma_semaphore, #tpu.memory_space<semaphore_mem>>)
      %dma_wait3A_206 = arith.constant 0 : i32
      %dma_wait3A_207 = arith.constant 0 : i32
      %dma_wait3A_208 = tpu.memref_slice %arg10[%run_scoped3A_145, %dma_wait3A_206, %dma_wait3A_207] : memref<4x160x48xf32, #tpu.memory_space<vmem>> -> memref<1x160x48xf32, #tpu.memory_space<vmem>>
      %dma_wait3A_209 = tpu.memref_squeeze %dma_wait3A_208 : memref<1x160x48xf32, #tpu.memory_space<vmem>> -> memref<160x48xf32, #tpu.memory_space<vmem>>
      %dma_wait3A_210 = arith.constant 0 : i32
      %dma_wait3A_211 = tpu.memref_slice %arg12[%add3A_144, %dma_wait3A_210] : memref<10240x48xf32, #tpu.memory_space<vmem_shared>> -> memref<160x48xf32, #tpu.memory_space<vmem_shared>>
      %dma_wait3A_212 = arith.constant 0 : i32
      %dma_wait3A_213 = tpu.memref_slice %arg12[%add3A_144, %dma_wait3A_212] : memref<10240x48xf32, #tpu.memory_space<vmem_shared>> -> memref<160x48xf32, #tpu.memory_space<vmem_shared>>
      %dma_wait3A_214 = arith.constant 0 : i32
      %dma_wait3A_215 = arith.constant 0 : i32
      %dma_wait3A_216 = tpu.memref_slice %arg10[%run_scoped3A_145, %dma_wait3A_214, %dma_wait3A_215] : memref<4x160x48xf32, #tpu.memory_space<vmem>> -> memref<1x160x48xf32, #tpu.memory_space<vmem>>
      %dma_wait3A_217 = tpu.memref_squeeze %dma_wait3A_216 : memref<1x160x48xf32, #tpu.memory_space<vmem>> -> memref<160x48xf32, #tpu.memory_space<vmem>>
      tpu.wait_dma2 semaphore(%run_scoped3A_193 : memref<!tpu.dma_semaphore, #tpu.memory_space<semaphore_mem>>) src(%dma_wait3A_217 : memref<160x48xf32, #tpu.memory_space<vmem>>) dst(%dma_wait3A_213 : memref<160x48xf32, #tpu.memory_space<vmem_shared>>)
      tpu.yield
    }) : () -> ()
    %barrier3A = arith.constant 0 : index
    tpu.barrier barrier_id(%barrier3A)
    %scan3A_146 = arith.constant 0 : i32
    %scan3A_147 = arith.constant 0 : i32
    %scan3A_148 = arith.constant 65 : i32
    %scan3A_149 = arith.addi %scan3A_147, %scan3A_148 : i32
    %scan3A_150 = arith.constant 1 : i32
    %scan3A_151 = scf.for %scan3A_193 = %scan3A_147 to %scan3A_149 step %scan3A_150 iter_args(%scan3A_194 = %scan3A_146) -> (i32)  : i32 {
      %sub3A = arith.constant 1 : i32
      %sub3A_195 = arith.subi %scan3A_193, %sub3A : i32
      %ge3A = arith.constant 3 : i32
      %ge3A_196 = arith.cmpi sge, %sub3A_195, %ge3A : i32
      %sub3A_197 = arith.constant 3 : i32
      %sub3A_198 = arith.subi %sub3A_195, %sub3A_197 : i32
      %lt3A = arith.constant 63 : i32
      %lt3A_199 = arith.cmpi slt, %sub3A_198, %lt3A : i32
      %and3A = arith.andi %ge3A_196, %lt3A_199 : i1
      %convert_element_type3A = arith.extui %and3A : i1 to i32
      %cond3A = arith.constant 0 : i32
      %cond3A_200 = arith.cmpi ne, %convert_element_type3A, %cond3A : i32
      scf.if %cond3A_200 {
        %sub3A_226 = arith.constant 3 : i32
        %sub3A_227 = arith.subi %sub3A_195, %sub3A_226 : i32
        %rem3A = arith.constant 4 : i32
        %rem3A_228 = arith.remsi %sub3A_227, %rem3A : i32
        %sub3A_229 = arith.constant 3 : i32
        %sub3A_230 = arith.subi %sub3A_195, %sub3A_229 : i32
        %rem3A_231 = arith.constant 8 : i32
        %rem3A_232 = arith.remsi %sub3A_230, %rem3A_231 : i32
        %dma_wait3A_233 = arith.constant 0 : i32
        %dma_wait3A_234 = arith.constant 0 : i32
        %dma_wait3A_235 = tpu.memref_slice %arg10[%rem3A_228, %dma_wait3A_233, %dma_wait3A_234] : memref<4x160x48xf32, #tpu.memory_space<vmem>> -> memref<1x160x48xf32, #tpu.memory_space<vmem>>
        %dma_wait3A_236 = tpu.memref_squeeze %dma_wait3A_235 : memref<1x160x48xf32, #tpu.memory_space<vmem>> -> memref<160x48xf32, #tpu.memory_space<vmem>>
        %dma_wait3A_237 = arith.constant 0 : i32
        %dma_wait3A_238 = tpu.memref_slice %arg8[%rem3A_232, %dma_wait3A_237] : memref<8x160xi32, #tpu.memory_space<vmem>> -> memref<1x160xi32, #tpu.memory_space<vmem>>
        %dma_wait3A_239 = tpu.memref_squeeze %dma_wait3A_238 : memref<1x160xi32, #tpu.memory_space<vmem>> -> memref<160xi32, #tpu.memory_space<vmem>>
        %dma_wait3A_240 = arith.constant 0 : i32
        %dma_wait3A_241 = arith.constant 0 : i32
        %dma_wait3A_242 = tpu.memref_slice %arg12[%dma_wait3A_240, %dma_wait3A_241] : memref<10240x48xf32, #tpu.memory_space<vmem_shared>> -> memref<10240x48xf32, #tpu.memory_space<vmem_shared>>
        tpu.wait_indirect_dma semaphore(%arg14 : memref<!tpu.dma_semaphore, #tpu.memory_space<semaphore_mem>>) src(%dma_wait3A_236 : memref<160x48xf32, #tpu.memory_space<vmem>>) dst(%dma_wait3A_242 : memref<10240x48xf32, #tpu.memory_space<vmem_shared>>)
      } else {
      }
      %add3A_201 = arith.constant 1 : i32
      %add3A_202 = arith.addi %sub3A_195, %add3A_201 : i32
      %lt3A_203 = arith.constant 63 : i32
      %lt3A_204 = arith.cmpi slt, %add3A_202, %lt3A_203 : i32
      %convert_element_type3A_205 = arith.extui %lt3A_204 : i1 to i32
      %cond3A_206 = arith.constant 0 : i32
      %cond3A_207 = arith.cmpi ne, %convert_element_type3A_205, %cond3A_206 : i32
      scf.if %cond3A_207 {
        %add3A_226 = arith.constant 1 : i32
        %add3A_227 = arith.addi %sub3A_195, %add3A_226 : i32
        %rem3A = arith.constant 8 : i32
        %rem3A_228 = arith.remsi %add3A_227, %rem3A : i32
        %dma_wait3A_229 = arith.constant 0 : i32
        %dma_wait3A_230 = tpu.memref_slice %arg7[%rem3A_228, %dma_wait3A_229] : memref<8x160xi32, #tpu.memory_space<vmem>> -> memref<1x160xi32, #tpu.memory_space<vmem>>
        %dma_wait3A_231 = tpu.memref_squeeze %dma_wait3A_230 : memref<1x160xi32, #tpu.memory_space<vmem>> -> memref<160xi32, #tpu.memory_space<vmem>>
        %dma_wait3A_232 = arith.constant 0 : i32
        %dma_wait3A_233 = tpu.memref_slice %arg3[%add3A, %add3A_227, %dma_wait3A_232] : memref<32x63x160xi32, #tpu.memory_space<hbm>> -> memref<1x1x160xi32, #tpu.memory_space<hbm>>
        %dma_wait3A_234 = tpu.memref_squeeze %dma_wait3A_233 : memref<1x1x160xi32, #tpu.memory_space<hbm>> -> memref<160xi32, #tpu.memory_space<hbm>>
        %dma_wait3A_235 = arith.constant 0 : i32
        %dma_wait3A_236 = tpu.memref_slice %arg7[%rem3A_228, %dma_wait3A_235] : memref<8x160xi32, #tpu.memory_space<vmem>> -> memref<1x160xi32, #tpu.memory_space<vmem>>
        %dma_wait3A_237 = tpu.memref_squeeze %dma_wait3A_236 : memref<1x160xi32, #tpu.memory_space<vmem>> -> memref<160xi32, #tpu.memory_space<vmem>>
        %dma_wait3A_238 = arith.constant 0 : i32
        %dma_wait3A_239 = tpu.memref_slice %arg3[%add3A, %add3A_227, %dma_wait3A_238] : memref<32x63x160xi32, #tpu.memory_space<hbm>> -> memref<1x1x160xi32, #tpu.memory_space<hbm>>
        %dma_wait3A_240 = tpu.memref_squeeze %dma_wait3A_239 : memref<1x1x160xi32, #tpu.memory_space<hbm>> -> memref<160xi32, #tpu.memory_space<hbm>>
        tpu.wait_dma2 semaphore(%arg15 : memref<!tpu.dma_semaphore, #tpu.memory_space<semaphore_mem>>) src(%dma_wait3A_240 : memref<160xi32, #tpu.memory_space<hbm>>) dst(%dma_wait3A_237 : memref<160xi32, #tpu.memory_space<vmem>>)
        %dma_wait3A_241 = arith.constant 0 : i32
        %dma_wait3A_242 = tpu.memref_slice %arg8[%rem3A_228, %dma_wait3A_241] : memref<8x160xi32, #tpu.memory_space<vmem>> -> memref<1x160xi32, #tpu.memory_space<vmem>>
        %dma_wait3A_243 = tpu.memref_squeeze %dma_wait3A_242 : memref<1x160xi32, #tpu.memory_space<vmem>> -> memref<160xi32, #tpu.memory_space<vmem>>
        %dma_wait3A_244 = arith.constant 0 : i32
        %dma_wait3A_245 = tpu.memref_slice %arg4[%add3A, %add3A_227, %dma_wait3A_244] : memref<32x63x160xi32, #tpu.memory_space<hbm>> -> memref<1x1x160xi32, #tpu.memory_space<hbm>>
        %dma_wait3A_246 = tpu.memref_squeeze %dma_wait3A_245 : memref<1x1x160xi32, #tpu.memory_space<hbm>> -> memref<160xi32, #tpu.memory_space<hbm>>
        %dma_wait3A_247 = arith.constant 0 : i32
        %dma_wait3A_248 = tpu.memref_slice %arg8[%rem3A_228, %dma_wait3A_247] : memref<8x160xi32, #tpu.memory_space<vmem>> -> memref<1x160xi32, #tpu.memory_space<vmem>>
        %dma_wait3A_249 = tpu.memref_squeeze %dma_wait3A_248 : memref<1x160xi32, #tpu.memory_space<vmem>> -> memref<160xi32, #tpu.memory_space<vmem>>
        %dma_wait3A_250 = arith.constant 0 : i32
        %dma_wait3A_251 = tpu.memref_slice %arg4[%add3A, %add3A_227, %dma_wait3A_250] : memref<32x63x160xi32, #tpu.memory_space<hbm>> -> memref<1x1x160xi32, #tpu.memory_space<hbm>>
        %dma_wait3A_252 = tpu.memref_squeeze %dma_wait3A_251 : memref<1x1x160xi32, #tpu.memory_space<hbm>> -> memref<160xi32, #tpu.memory_space<hbm>>
        tpu.wait_dma2 semaphore(%arg15 : memref<!tpu.dma_semaphore, #tpu.memory_space<semaphore_mem>>) src(%dma_wait3A_252 : memref<160xi32, #tpu.memory_space<hbm>>) dst(%dma_wait3A_249 : memref<160xi32, #tpu.memory_space<vmem>>)
        %dma_wait3A_253 = arith.constant 0 : i32
        %dma_wait3A_254 = tpu.memref_slice %arg9[%rem3A_228, %dma_wait3A_253] : memref<8x160xf32, #tpu.memory_space<vmem>> -> memref<1x160xf32, #tpu.memory_space<vmem>>
        %dma_wait3A_255 = tpu.memref_squeeze %dma_wait3A_254 : memref<1x160xf32, #tpu.memory_space<vmem>> -> memref<160xf32, #tpu.memory_space<vmem>>
        %dma_wait3A_256 = arith.constant 0 : i32
        %dma_wait3A_257 = tpu.memref_slice %arg5[%add3A, %add3A_227, %dma_wait3A_256] : memref<32x63x160xf32, #tpu.memory_space<hbm>> -> memref<1x1x160xf32, #tpu.memory_space<hbm>>
        %dma_wait3A_258 = tpu.memref_squeeze %dma_wait3A_257 : memref<1x1x160xf32, #tpu.memory_space<hbm>> -> memref<160xf32, #tpu.memory_space<hbm>>
        %dma_wait3A_259 = arith.constant 0 : i32
        %dma_wait3A_260 = tpu.memref_slice %arg9[%rem3A_228, %dma_wait3A_259] : memref<8x160xf32, #tpu.memory_space<vmem>> -> memref<1x160xf32, #tpu.memory_space<vmem>>
        %dma_wait3A_261 = tpu.memref_squeeze %dma_wait3A_260 : memref<1x160xf32, #tpu.memory_space<vmem>> -> memref<160xf32, #tpu.memory_space<vmem>>
        %dma_wait3A_262 = arith.constant 0 : i32
        %dma_wait3A_263 = tpu.memref_slice %arg5[%add3A, %add3A_227, %dma_wait3A_262] : memref<32x63x160xf32, #tpu.memory_space<hbm>> -> memref<1x1x160xf32, #tpu.memory_space<hbm>>
        %dma_wait3A_264 = tpu.memref_squeeze %dma_wait3A_263 : memref<1x1x160xf32, #tpu.memory_space<hbm>> -> memref<160xf32, #tpu.memory_space<hbm>>
        tpu.wait_dma2 semaphore(%arg15 : memref<!tpu.dma_semaphore, #tpu.memory_space<semaphore_mem>>) src(%dma_wait3A_264 : memref<160xf32, #tpu.memory_space<hbm>>) dst(%dma_wait3A_261 : memref<160xf32, #tpu.memory_space<vmem>>)
        %rem3A_265 = arith.constant 4 : i32
        %rem3A_266 = arith.remsi %add3A_227, %rem3A_265 : i32
        %dma_start3A_267 = arith.constant 0 : i32
        %dma_start3A_268 = arith.constant 0 : i32
        %dma_start3A_269 = tpu.memref_slice %arg10[%rem3A_266, %dma_start3A_267, %dma_start3A_268] : memref<4x160x48xf32, #tpu.memory_space<vmem>> -> memref<1x160x48xf32, #tpu.memory_space<vmem>>
        %dma_start3A_270 = tpu.memref_squeeze %dma_start3A_269 : memref<1x160x48xf32, #tpu.memory_space<vmem>> -> memref<160x48xf32, #tpu.memory_space<vmem>>
        %dma_start3A_271 = arith.constant 0 : i32
        %dma_start3A_272 = tpu.memref_slice %arg7[%rem3A_228, %dma_start3A_271] : memref<8x160xi32, #tpu.memory_space<vmem>> -> memref<1x160xi32, #tpu.memory_space<vmem>>
        %dma_start3A_273 = tpu.memref_squeeze %dma_start3A_272 : memref<1x160xi32, #tpu.memory_space<vmem>> -> memref<160xi32, #tpu.memory_space<vmem>>
        %dma_start3A_274 = arith.constant 0 : i32
        %dma_start3A_275 = arith.constant 0 : i32
        %dma_start3A_276 = tpu.memref_slice %arg11[%dma_start3A_274, %dma_start3A_275] : memref<10240x48xf32, #tpu.memory_space<vmem_shared>> -> memref<10240x48xf32, #tpu.memory_space<vmem_shared>>
        tpu.enqueue_indirect_dma source(%dma_start3A_276 : memref<10240x48xf32, #tpu.memory_space<vmem_shared>>) target(%dma_start3A_270 : memref<160x48xf32, #tpu.memory_space<vmem>>) offsets(%dma_start3A_273 : memref<160xi32, #tpu.memory_space<vmem>>) semaphore(%arg13 : memref<!tpu.dma_semaphore, #tpu.memory_space<semaphore_mem>>)
      } else {
      }
      %add3A_208 = arith.constant 4 : i32
      %add3A_209 = arith.addi %sub3A_195, %add3A_208 : i32
      %lt3A_210 = arith.constant 63 : i32
      %lt3A_211 = arith.cmpi slt, %add3A_209, %lt3A_210 : i32
      %convert_element_type3A_212 = arith.extui %lt3A_211 : i1 to i32
      %cond3A_213 = arith.constant 0 : i32
      %cond3A_214 = arith.cmpi ne, %convert_element_type3A_212, %cond3A_213 : i32
      scf.if %cond3A_214 {
        %add3A_226 = arith.constant 4 : i32
        %add3A_227 = arith.addi %sub3A_195, %add3A_226 : i32
        %add3A_228 = arith.constant 4 : i32
        %add3A_229 = arith.addi %sub3A_195, %add3A_228 : i32
        %rem3A = arith.constant 8 : i32
        %rem3A_230 = arith.remsi %add3A_229, %rem3A : i32
        %dma_start3A_231 = arith.constant 0 : i32
        %dma_start3A_232 = tpu.memref_slice %arg7[%rem3A_230, %dma_start3A_231] : memref<8x160xi32, #tpu.memory_space<vmem>> -> memref<1x160xi32, #tpu.memory_space<vmem>>
        %dma_start3A_233 = tpu.memref_squeeze %dma_start3A_232 : memref<1x160xi32, #tpu.memory_space<vmem>> -> memref<160xi32, #tpu.memory_space<vmem>>
        %dma_start3A_234 = arith.constant 0 : i32
        %dma_start3A_235 = tpu.memref_slice %arg3[%add3A, %add3A_227, %dma_start3A_234] : memref<32x63x160xi32, #tpu.memory_space<hbm>> -> memref<1x1x160xi32, #tpu.memory_space<hbm>>
        %dma_start3A_236 = tpu.memref_squeeze %dma_start3A_235 : memref<1x1x160xi32, #tpu.memory_space<hbm>> -> memref<160xi32, #tpu.memory_space<hbm>>
        %dma_start3A_237 = arith.constant 0 : i32
        %dma_start3A_238 = tpu.memref_slice %arg7[%rem3A_230, %dma_start3A_237] : memref<8x160xi32, #tpu.memory_space<vmem>> -> memref<1x160xi32, #tpu.memory_space<vmem>>
        %dma_start3A_239 = tpu.memref_squeeze %dma_start3A_238 : memref<1x160xi32, #tpu.memory_space<vmem>> -> memref<160xi32, #tpu.memory_space<vmem>>
        %dma_start3A_240 = arith.constant 0 : i32
        %dma_start3A_241 = tpu.memref_slice %arg3[%add3A, %add3A_227, %dma_start3A_240] : memref<32x63x160xi32, #tpu.memory_space<hbm>> -> memref<1x1x160xi32, #tpu.memory_space<hbm>>
        %dma_start3A_242 = tpu.memref_squeeze %dma_start3A_241 : memref<1x1x160xi32, #tpu.memory_space<hbm>> -> memref<160xi32, #tpu.memory_space<hbm>>
        tpu.enqueue_dma source(%dma_start3A_242 : memref<160xi32, #tpu.memory_space<hbm>>) target(%dma_start3A_239 : memref<160xi32, #tpu.memory_space<vmem>>) target_semaphore(%arg15 : memref<!tpu.dma_semaphore, #tpu.memory_space<semaphore_mem>>)
        %dma_start3A_243 = arith.constant 0 : i32
        %dma_start3A_244 = tpu.memref_slice %arg8[%rem3A_230, %dma_start3A_243] : memref<8x160xi32, #tpu.memory_space<vmem>> -> memref<1x160xi32, #tpu.memory_space<vmem>>
        %dma_start3A_245 = tpu.memref_squeeze %dma_start3A_244 : memref<1x160xi32, #tpu.memory_space<vmem>> -> memref<160xi32, #tpu.memory_space<vmem>>
        %dma_start3A_246 = arith.constant 0 : i32
        %dma_start3A_247 = tpu.memref_slice %arg4[%add3A, %add3A_227, %dma_start3A_246] : memref<32x63x160xi32, #tpu.memory_space<hbm>> -> memref<1x1x160xi32, #tpu.memory_space<hbm>>
        %dma_start3A_248 = tpu.memref_squeeze %dma_start3A_247 : memref<1x1x160xi32, #tpu.memory_space<hbm>> -> memref<160xi32, #tpu.memory_space<hbm>>
        %dma_start3A_249 = arith.constant 0 : i32
        %dma_start3A_250 = tpu.memref_slice %arg8[%rem3A_230, %dma_start3A_249] : memref<8x160xi32, #tpu.memory_space<vmem>> -> memref<1x160xi32, #tpu.memory_space<vmem>>
        %dma_start3A_251 = tpu.memref_squeeze %dma_start3A_250 : memref<1x160xi32, #tpu.memory_space<vmem>> -> memref<160xi32, #tpu.memory_space<vmem>>
        %dma_start3A_252 = arith.constant 0 : i32
        %dma_start3A_253 = tpu.memref_slice %arg4[%add3A, %add3A_227, %dma_start3A_252] : memref<32x63x160xi32, #tpu.memory_space<hbm>> -> memref<1x1x160xi32, #tpu.memory_space<hbm>>
        %dma_start3A_254 = tpu.memref_squeeze %dma_start3A_253 : memref<1x1x160xi32, #tpu.memory_space<hbm>> -> memref<160xi32, #tpu.memory_space<hbm>>
        tpu.enqueue_dma source(%dma_start3A_254 : memref<160xi32, #tpu.memory_space<hbm>>) target(%dma_start3A_251 : memref<160xi32, #tpu.memory_space<vmem>>) target_semaphore(%arg15 : memref<!tpu.dma_semaphore, #tpu.memory_space<semaphore_mem>>)
        %dma_start3A_255 = arith.constant 0 : i32
        %dma_start3A_256 = tpu.memref_slice %arg9[%rem3A_230, %dma_start3A_255] : memref<8x160xf32, #tpu.memory_space<vmem>> -> memref<1x160xf32, #tpu.memory_space<vmem>>
        %dma_start3A_257 = tpu.memref_squeeze %dma_start3A_256 : memref<1x160xf32, #tpu.memory_space<vmem>> -> memref<160xf32, #tpu.memory_space<vmem>>
        %dma_start3A_258 = arith.constant 0 : i32
        %dma_start3A_259 = tpu.memref_slice %arg5[%add3A, %add3A_227, %dma_start3A_258] : memref<32x63x160xf32, #tpu.memory_space<hbm>> -> memref<1x1x160xf32, #tpu.memory_space<hbm>>
        %dma_start3A_260 = tpu.memref_squeeze %dma_start3A_259 : memref<1x1x160xf32, #tpu.memory_space<hbm>> -> memref<160xf32, #tpu.memory_space<hbm>>
        %dma_start3A_261 = arith.constant 0 : i32
        %dma_start3A_262 = tpu.memref_slice %arg9[%rem3A_230, %dma_start3A_261] : memref<8x160xf32, #tpu.memory_space<vmem>> -> memref<1x160xf32, #tpu.memory_space<vmem>>
        %dma_start3A_263 = tpu.memref_squeeze %dma_start3A_262 : memref<1x160xf32, #tpu.memory_space<vmem>> -> memref<160xf32, #tpu.memory_space<vmem>>
        %dma_start3A_264 = arith.constant 0 : i32
        %dma_start3A_265 = tpu.memref_slice %arg5[%add3A, %add3A_227, %dma_start3A_264] : memref<32x63x160xf32, #tpu.memory_space<hbm>> -> memref<1x1x160xf32, #tpu.memory_space<hbm>>
        %dma_start3A_266 = tpu.memref_squeeze %dma_start3A_265 : memref<1x1x160xf32, #tpu.memory_space<hbm>> -> memref<160xf32, #tpu.memory_space<hbm>>
        tpu.enqueue_dma source(%dma_start3A_266 : memref<160xf32, #tpu.memory_space<hbm>>) target(%dma_start3A_263 : memref<160xf32, #tpu.memory_space<vmem>>) target_semaphore(%arg15 : memref<!tpu.dma_semaphore, #tpu.memory_space<semaphore_mem>>)
      } else {
      }
      %ge3A_215 = arith.constant 1 : i32
      %ge3A_216 = arith.cmpi sge, %sub3A_195, %ge3A_215 : i32
      %sub3A_217 = arith.constant 1 : i32
      %sub3A_218 = arith.subi %sub3A_195, %sub3A_217 : i32
      %lt3A_219 = arith.constant 63 : i32
      %lt3A_220 = arith.cmpi slt, %sub3A_218, %lt3A_219 : i32
      %and3A_221 = arith.andi %ge3A_216, %lt3A_220 : i1
      %convert_element_type3A_222 = arith.extui %and3A_221 : i1 to i32
      %cond3A_223 = arith.constant 0 : i32
      %cond3A_224 = arith.cmpi ne, %convert_element_type3A_222, %cond3A_223 : i32
      scf.if %cond3A_224 {
        %sub3A_226 = arith.constant 1 : i32
        %sub3A_227 = arith.subi %sub3A_195, %sub3A_226 : i32
        %rem3A = arith.constant 8 : i32
        %rem3A_228 = arith.remsi %sub3A_227, %rem3A : i32
        %rem3A_229 = arith.constant 4 : i32
        %rem3A_230 = arith.remsi %sub3A_227, %rem3A_229 : i32
        %dma_wait3A_231 = arith.constant 0 : i32
        %dma_wait3A_232 = arith.constant 0 : i32
        %dma_wait3A_233 = tpu.memref_slice %arg10[%rem3A_230, %dma_wait3A_231, %dma_wait3A_232] : memref<4x160x48xf32, #tpu.memory_space<vmem>> -> memref<1x160x48xf32, #tpu.memory_space<vmem>>
        %dma_wait3A_234 = tpu.memref_squeeze %dma_wait3A_233 : memref<1x160x48xf32, #tpu.memory_space<vmem>> -> memref<160x48xf32, #tpu.memory_space<vmem>>
        %dma_wait3A_235 = arith.constant 0 : i32
        %dma_wait3A_236 = tpu.memref_slice %arg7[%rem3A_228, %dma_wait3A_235] : memref<8x160xi32, #tpu.memory_space<vmem>> -> memref<1x160xi32, #tpu.memory_space<vmem>>
        %dma_wait3A_237 = tpu.memref_squeeze %dma_wait3A_236 : memref<1x160xi32, #tpu.memory_space<vmem>> -> memref<160xi32, #tpu.memory_space<vmem>>
        %dma_wait3A_238 = arith.constant 0 : i32
        %dma_wait3A_239 = arith.constant 0 : i32
        %dma_wait3A_240 = tpu.memref_slice %arg11[%dma_wait3A_238, %dma_wait3A_239] : memref<10240x48xf32, #tpu.memory_space<vmem_shared>> -> memref<10240x48xf32, #tpu.memory_space<vmem_shared>>
        tpu.wait_indirect_dma semaphore(%arg13 : memref<!tpu.dma_semaphore, #tpu.memory_space<semaphore_mem>>) src(%dma_wait3A_240 : memref<10240x48xf32, #tpu.memory_space<vmem_shared>>) dst(%dma_wait3A_234 : memref<160x48xf32, #tpu.memory_space<vmem>>)
        %scan3A_241 = arith.constant 0 : i32
        %scan3A_242 = arith.constant 0 : i32
        %scan3A_243 = arith.constant 10 : i32
        %scan3A_244 = arith.addi %scan3A_242, %scan3A_243 : i32
        %scan3A_245 = arith.constant 1 : i32
        %scan3A_246 = scf.for %scan3A_258 = %scan3A_242 to %scan3A_244 step %scan3A_245 iter_args(%scan3A_259 = %scan3A_241) -> (i32)  : i32 {
          %mul3A_260 = arith.constant 16 : i32
          %mul3A_261 = arith.muli %scan3A_258, %mul3A_260 : i32
          %add3A_262 = arith.constant 0 : i32
          %add3A_263 = arith.addi %mul3A_261, %add3A_262 : i32
          %broadcast_in_dim3A_264 = vector.broadcast %rem3A_228 : i32 to vector<16xi32>
          %broadcast_in_dim3A_265 = vector.broadcast %add3A_263 : i32 to vector<16xi32>
          %gather3A = tpu.vector_load_idx %arg9[%broadcast_in_dim3A_264, %broadcast_in_dim3A_265] : memref<8x160xf32, #tpu.memory_space<vmem>>[vector<16xi32>, vector<16xi32>], vector<16xf32>,
          %get3A = arith.index_cast %rem3A_230 : i32 to index
          %get3A_266 = arith.index_cast %add3A_263 : i32 to index
          %get3A_267 = arith.constant 0 : index
          %get3A_268 = tpu.vector_load %arg10[%get3A, %get3A_266, %get3A_267] {strides = array<i32>} : memref<4x160x48xf32, #tpu.memory_space<vmem>>, vector<16xf32>,
          %mul3A_269 = arith.mulf %get3A_268, %gather3A : vector<16xf32>
          %swap3A = arith.index_cast %rem3A_230 : i32 to index
          %swap3A_270 = arith.index_cast %add3A_263 : i32 to index
          %swap3A_271 = arith.constant 0 : index
          %swap3A_272 = tpu.vector_load %arg10[%swap3A, %swap3A_270, %swap3A_271] {strides = array<i32>} : memref<4x160x48xf32, #tpu.memory_space<vmem>>, vector<16xf32>,
          tpu.vector_store %arg10[%swap3A, %swap3A_270, %swap3A_271], %mul3A_269 {strides = array<i32>} : memref<4x160x48xf32, #tpu.memory_space<vmem>>, vector<16xf32>,
          %get3A_273 = arith.index_cast %rem3A_230 : i32 to index
          %get3A_274 = arith.index_cast %add3A_263 : i32 to index
          %get3A_275 = arith.constant 16 : index
          %get3A_276 = tpu.vector_load %arg10[%get3A_273, %get3A_274, %get3A_275] {strides = array<i32>} : memref<4x160x48xf32, #tpu.memory_space<vmem>>, vector<16xf32>,
          %mul3A_277 = arith.mulf %get3A_276, %gather3A : vector<16xf32>
          %swap3A_278 = arith.index_cast %rem3A_230 : i32 to index
          %swap3A_279 = arith.index_cast %add3A_263 : i32 to index
          %swap3A_280 = arith.constant 16 : index
          %swap3A_281 = tpu.vector_load %arg10[%swap3A_278, %swap3A_279, %swap3A_280] {strides = array<i32>} : memref<4x160x48xf32, #tpu.memory_space<vmem>>, vector<16xf32>,
          tpu.vector_store %arg10[%swap3A_278, %swap3A_279, %swap3A_280], %mul3A_277 {strides = array<i32>} : memref<4x160x48xf32, #tpu.memory_space<vmem>>, vector<16xf32>,
          %get3A_282 = arith.index_cast %rem3A_230 : i32 to index
          %get3A_283 = arith.index_cast %add3A_263 : i32 to index
          %get3A_284 = arith.constant 32 : index
          %get3A_285 = tpu.vector_load %arg10[%get3A_282, %get3A_283, %get3A_284] {strides = array<i32>} : memref<4x160x48xf32, #tpu.memory_space<vmem>>, vector<16xf32>,
          %mul3A_286 = arith.mulf %get3A_285, %gather3A : vector<16xf32>
          %swap3A_287 = arith.index_cast %rem3A_230 : i32 to index
          %swap3A_288 = arith.index_cast %add3A_263 : i32 to index
          %swap3A_289 = arith.constant 32 : index
          %swap3A_290 = tpu.vector_load %arg10[%swap3A_287, %swap3A_288, %swap3A_289] {strides = array<i32>} : memref<4x160x48xf32, #tpu.memory_space<vmem>>, vector<16xf32>,
          tpu.vector_store %arg10[%swap3A_287, %swap3A_288, %swap3A_289], %mul3A_286 {strides = array<i32>} : memref<4x160x48xf32, #tpu.memory_space<vmem>>, vector<16xf32>,
          %add3A_291 = arith.constant 1 : i32
          %add3A_292 = arith.addi %mul3A_261, %add3A_291 : i32
          %broadcast_in_dim3A_293 = vector.broadcast %rem3A_228 : i32 to vector<16xi32>
          %broadcast_in_dim3A_294 = vector.broadcast %add3A_292 : i32 to vector<16xi32>
          %gather3A_295 = tpu.vector_load_idx %arg9[%broadcast_in_dim3A_293, %broadcast_in_dim3A_294] : memref<8x160xf32, #tpu.memory_space<vmem>>[vector<16xi32>, vector<16xi32>], vector<16xf32>,
          %get3A_296 = arith.index_cast %rem3A_230 : i32 to index
          %get3A_297 = arith.index_cast %add3A_292 : i32 to index
          %get3A_298 = arith.constant 0 : index
          %get3A_299 = tpu.vector_load %arg10[%get3A_296, %get3A_297, %get3A_298] {strides = array<i32>} : memref<4x160x48xf32, #tpu.memory_space<vmem>>, vector<16xf32>,
          %mul3A_300 = arith.mulf %get3A_299, %gather3A_295 : vector<16xf32>
          %swap3A_301 = arith.index_cast %rem3A_230 : i32 to index
          %swap3A_302 = arith.index_cast %add3A_292 : i32 to index
          %swap3A_303 = arith.constant 0 : index
          %swap3A_304 = tpu.vector_load %arg10[%swap3A_301, %swap3A_302, %swap3A_303] {strides = array<i32>} : memref<4x160x48xf32, #tpu.memory_space<vmem>>, vector<16xf32>,
          tpu.vector_store %arg10[%swap3A_301, %swap3A_302, %swap3A_303], %mul3A_300 {strides = array<i32>} : memref<4x160x48xf32, #tpu.memory_space<vmem>>, vector<16xf32>,
          %get3A_305 = arith.index_cast %rem3A_230 : i32 to index
          %get3A_306 = arith.index_cast %add3A_292 : i32 to index
          %get3A_307 = arith.constant 16 : index
          %get3A_308 = tpu.vector_load %arg10[%get3A_305, %get3A_306, %get3A_307] {strides = array<i32>} : memref<4x160x48xf32, #tpu.memory_space<vmem>>, vector<16xf32>,
          %mul3A_309 = arith.mulf %get3A_308, %gather3A_295 : vector<16xf32>
          %swap3A_310 = arith.index_cast %rem3A_230 : i32 to index
          %swap3A_311 = arith.index_cast %add3A_292 : i32 to index
          %swap3A_312 = arith.constant 16 : index
          %swap3A_313 = tpu.vector_load %arg10[%swap3A_310, %swap3A_311, %swap3A_312] {strides = array<i32>} : memref<4x160x48xf32, #tpu.memory_space<vmem>>, vector<16xf32>,
          tpu.vector_store %arg10[%swap3A_310, %swap3A_311, %swap3A_312], %mul3A_309 {strides = array<i32>} : memref<4x160x48xf32, #tpu.memory_space<vmem>>, vector<16xf32>,
          %get3A_314 = arith.index_cast %rem3A_230 : i32 to index
          %get3A_315 = arith.index_cast %add3A_292 : i32 to index
          %get3A_316 = arith.constant 32 : index
          %get3A_317 = tpu.vector_load %arg10[%get3A_314, %get3A_315, %get3A_316] {strides = array<i32>} : memref<4x160x48xf32, #tpu.memory_space<vmem>>, vector<16xf32>,
          %mul3A_318 = arith.mulf %get3A_317, %gather3A_295 : vector<16xf32>
          %swap3A_319 = arith.index_cast %rem3A_230 : i32 to index
          %swap3A_320 = arith.index_cast %add3A_292 : i32 to index
          %swap3A_321 = arith.constant 32 : index
          %swap3A_322 = tpu.vector_load %arg10[%swap3A_319, %swap3A_320, %swap3A_321] {strides = array<i32>} : memref<4x160x48xf32, #tpu.memory_space<vmem>>, vector<16xf32>,
          tpu.vector_store %arg10[%swap3A_319, %swap3A_320, %swap3A_321], %mul3A_318 {strides = array<i32>} : memref<4x160x48xf32, #tpu.memory_space<vmem>>, vector<16xf32>,
          %add3A_323 = arith.constant 2 : i32
          %add3A_324 = arith.addi %mul3A_261, %add3A_323 : i32
          %broadcast_in_dim3A_325 = vector.broadcast %rem3A_228 : i32 to vector<16xi32>
          %broadcast_in_dim3A_326 = vector.broadcast %add3A_324 : i32 to vector<16xi32>
          %gather3A_327 = tpu.vector_load_idx %arg9[%broadcast_in_dim3A_325, %broadcast_in_dim3A_326] : memref<8x160xf32, #tpu.memory_space<vmem>>[vector<16xi32>, vector<16xi32>], vector<16xf32>,
          %get3A_328 = arith.index_cast %rem3A_230 : i32 to index
          %get3A_329 = arith.index_cast %add3A_324 : i32 to index
          %get3A_330 = arith.constant 0 : index
          %get3A_331 = tpu.vector_load %arg10[%get3A_328, %get3A_329, %get3A_330] {strides = array<i32>} : memref<4x160x48xf32, #tpu.memory_space<vmem>>, vector<16xf32>,
          %mul3A_332 = arith.mulf %get3A_331, %gather3A_327 : vector<16xf32>
          %swap3A_333 = arith.index_cast %rem3A_230 : i32 to index
          %swap3A_334 = arith.index_cast %add3A_324 : i32 to index
          %swap3A_335 = arith.constant 0 : index
          %swap3A_336 = tpu.vector_load %arg10[%swap3A_333, %swap3A_334, %swap3A_335] {strides = array<i32>} : memref<4x160x48xf32, #tpu.memory_space<vmem>>, vector<16xf32>,
          tpu.vector_store %arg10[%swap3A_333, %swap3A_334, %swap3A_335], %mul3A_332 {strides = array<i32>} : memref<4x160x48xf32, #tpu.memory_space<vmem>>, vector<16xf32>,
          %get3A_337 = arith.index_cast %rem3A_230 : i32 to index
          %get3A_338 = arith.index_cast %add3A_324 : i32 to index
          %get3A_339 = arith.constant 16 : index
          %get3A_340 = tpu.vector_load %arg10[%get3A_337, %get3A_338, %get3A_339] {strides = array<i32>} : memref<4x160x48xf32, #tpu.memory_space<vmem>>, vector<16xf32>,
          %mul3A_341 = arith.mulf %get3A_340, %gather3A_327 : vector<16xf32>
          %swap3A_342 = arith.index_cast %rem3A_230 : i32 to index
          %swap3A_343 = arith.index_cast %add3A_324 : i32 to index
          %swap3A_344 = arith.constant 16 : index
          %swap3A_345 = tpu.vector_load %arg10[%swap3A_342, %swap3A_343, %swap3A_344] {strides = array<i32>} : memref<4x160x48xf32, #tpu.memory_space<vmem>>, vector<16xf32>,
          tpu.vector_store %arg10[%swap3A_342, %swap3A_343, %swap3A_344], %mul3A_341 {strides = array<i32>} : memref<4x160x48xf32, #tpu.memory_space<vmem>>, vector<16xf32>,
          %get3A_346 = arith.index_cast %rem3A_230 : i32 to index
          %get3A_347 = arith.index_cast %add3A_324 : i32 to index
          %get3A_348 = arith.constant 32 : index
          %get3A_349 = tpu.vector_load %arg10[%get3A_346, %get3A_347, %get3A_348] {strides = array<i32>} : memref<4x160x48xf32, #tpu.memory_space<vmem>>, vector<16xf32>,
          %mul3A_350 = arith.mulf %get3A_349, %gather3A_327 : vector<16xf32>
          %swap3A_351 = arith.index_cast %rem3A_230 : i32 to index
          %swap3A_352 = arith.index_cast %add3A_324 : i32 to index
          %swap3A_353 = arith.constant 32 : index
          %swap3A_354 = tpu.vector_load %arg10[%swap3A_351, %swap3A_352, %swap3A_353] {strides = array<i32>} : memref<4x160x48xf32, #tpu.memory_space<vmem>>, vector<16xf32>,
          tpu.vector_store %arg10[%swap3A_351, %swap3A_352, %swap3A_353], %mul3A_350 {strides = array<i32>} : memref<4x160x48xf32, #tpu.memory_space<vmem>>, vector<16xf32>,
          %add3A_355 = arith.constant 3 : i32
          %add3A_356 = arith.addi %mul3A_261, %add3A_355 : i32
          %broadcast_in_dim3A_357 = vector.broadcast %rem3A_228 : i32 to vector<16xi32>
          %broadcast_in_dim3A_358 = vector.broadcast %add3A_356 : i32 to vector<16xi32>
          %gather3A_359 = tpu.vector_load_idx %arg9[%broadcast_in_dim3A_357, %broadcast_in_dim3A_358] : memref<8x160xf32, #tpu.memory_space<vmem>>[vector<16xi32>, vector<16xi32>], vector<16xf32>,
          %get3A_360 = arith.index_cast %rem3A_230 : i32 to index
          %get3A_361 = arith.index_cast %add3A_356 : i32 to index
          %get3A_362 = arith.constant 0 : index
          %get3A_363 = tpu.vector_load %arg10[%get3A_360, %get3A_361, %get3A_362] {strides = array<i32>} : memref<4x160x48xf32, #tpu.memory_space<vmem>>, vector<16xf32>,
          %mul3A_364 = arith.mulf %get3A_363, %gather3A_359 : vector<16xf32>
          %swap3A_365 = arith.index_cast %rem3A_230 : i32 to index
          %swap3A_366 = arith.index_cast %add3A_356 : i32 to index
          %swap3A_367 = arith.constant 0 : index
          %swap3A_368 = tpu.vector_load %arg10[%swap3A_365, %swap3A_366, %swap3A_367] {strides = array<i32>} : memref<4x160x48xf32, #tpu.memory_space<vmem>>, vector<16xf32>,
          tpu.vector_store %arg10[%swap3A_365, %swap3A_366, %swap3A_367], %mul3A_364 {strides = array<i32>} : memref<4x160x48xf32, #tpu.memory_space<vmem>>, vector<16xf32>,
          %get3A_369 = arith.index_cast %rem3A_230 : i32 to index
          %get3A_370 = arith.index_cast %add3A_356 : i32 to index
          %get3A_371 = arith.constant 16 : index
          %get3A_372 = tpu.vector_load %arg10[%get3A_369, %get3A_370, %get3A_371] {strides = array<i32>} : memref<4x160x48xf32, #tpu.memory_space<vmem>>, vector<16xf32>,
          %mul3A_373 = arith.mulf %get3A_372, %gather3A_359 : vector<16xf32>
          %swap3A_374 = arith.index_cast %rem3A_230 : i32 to index
          %swap3A_375 = arith.index_cast %add3A_356 : i32 to index
          %swap3A_376 = arith.constant 16 : index
          %swap3A_377 = tpu.vector_load %arg10[%swap3A_374, %swap3A_375, %swap3A_376] {strides = array<i32>} : memref<4x160x48xf32, #tpu.memory_space<vmem>>, vector<16xf32>,
          tpu.vector_store %arg10[%swap3A_374, %swap3A_375, %swap3A_376], %mul3A_373 {strides = array<i32>} : memref<4x160x48xf32, #tpu.memory_space<vmem>>, vector<16xf32>,
          %get3A_378 = arith.index_cast %rem3A_230 : i32 to index
          %get3A_379 = arith.index_cast %add3A_356 : i32 to index
          %get3A_380 = arith.constant 32 : index
          %get3A_381 = tpu.vector_load %arg10[%get3A_378, %get3A_379, %get3A_380] {strides = array<i32>} : memref<4x160x48xf32, #tpu.memory_space<vmem>>, vector<16xf32>,
          %mul3A_382 = arith.mulf %get3A_381, %gather3A_359 : vector<16xf32>
          %swap3A_383 = arith.index_cast %rem3A_230 : i32 to index
          %swap3A_384 = arith.index_cast %add3A_356 : i32 to index
          %swap3A_385 = arith.constant 32 : index
          %swap3A_386 = tpu.vector_load %arg10[%swap3A_383, %swap3A_384, %swap3A_385] {strides = array<i32>} : memref<4x160x48xf32, #tpu.memory_space<vmem>>, vector<16xf32>,
          tpu.vector_store %arg10[%swap3A_383, %swap3A_384, %swap3A_385], %mul3A_382 {strides = array<i32>} : memref<4x160x48xf32, #tpu.memory_space<vmem>>, vector<16xf32>,
          %add3A_387 = arith.constant 4 : i32
          %add3A_388 = arith.addi %mul3A_261, %add3A_387 : i32
          %broadcast_in_dim3A_389 = vector.broadcast %rem3A_228 : i32 to vector<16xi32>
          %broadcast_in_dim3A_390 = vector.broadcast %add3A_388 : i32 to vector<16xi32>
          %gather3A_391 = tpu.vector_load_idx %arg9[%broadcast_in_dim3A_389, %broadcast_in_dim3A_390] : memref<8x160xf32, #tpu.memory_space<vmem>>[vector<16xi32>, vector<16xi32>], vector<16xf32>,
          %get3A_392 = arith.index_cast %rem3A_230 : i32 to index
          %get3A_393 = arith.index_cast %add3A_388 : i32 to index
          %get3A_394 = arith.constant 0 : index
          %get3A_395 = tpu.vector_load %arg10[%get3A_392, %get3A_393, %get3A_394] {strides = array<i32>} : memref<4x160x48xf32, #tpu.memory_space<vmem>>, vector<16xf32>,
          %mul3A_396 = arith.mulf %get3A_395, %gather3A_391 : vector<16xf32>
          %swap3A_397 = arith.index_cast %rem3A_230 : i32 to index
          %swap3A_398 = arith.index_cast %add3A_388 : i32 to index
          %swap3A_399 = arith.constant 0 : index
          %swap3A_400 = tpu.vector_load %arg10[%swap3A_397, %swap3A_398, %swap3A_399] {strides = array<i32>} : memref<4x160x48xf32, #tpu.memory_space<vmem>>, vector<16xf32>,
          tpu.vector_store %arg10[%swap3A_397, %swap3A_398, %swap3A_399], %mul3A_396 {strides = array<i32>} : memref<4x160x48xf32, #tpu.memory_space<vmem>>, vector<16xf32>,
          %get3A_401 = arith.index_cast %rem3A_230 : i32 to index
          %get3A_402 = arith.index_cast %add3A_388 : i32 to index
          %get3A_403 = arith.constant 16 : index
          %get3A_404 = tpu.vector_load %arg10[%get3A_401, %get3A_402, %get3A_403] {strides = array<i32>} : memref<4x160x48xf32, #tpu.memory_space<vmem>>, vector<16xf32>,
          %mul3A_405 = arith.mulf %get3A_404, %gather3A_391 : vector<16xf32>
          %swap3A_406 = arith.index_cast %rem3A_230 : i32 to index
          %swap3A_407 = arith.index_cast %add3A_388 : i32 to index
          %swap3A_408 = arith.constant 16 : index
          %swap3A_409 = tpu.vector_load %arg10[%swap3A_406, %swap3A_407, %swap3A_408] {strides = array<i32>} : memref<4x160x48xf32, #tpu.memory_space<vmem>>, vector<16xf32>,
          tpu.vector_store %arg10[%swap3A_406, %swap3A_407, %swap3A_408], %mul3A_405 {strides = array<i32>} : memref<4x160x48xf32, #tpu.memory_space<vmem>>, vector<16xf32>,
          %get3A_410 = arith.index_cast %rem3A_230 : i32 to index
          %get3A_411 = arith.index_cast %add3A_388 : i32 to index
          %get3A_412 = arith.constant 32 : index
          %get3A_413 = tpu.vector_load %arg10[%get3A_410, %get3A_411, %get3A_412] {strides = array<i32>} : memref<4x160x48xf32, #tpu.memory_space<vmem>>, vector<16xf32>,
          %mul3A_414 = arith.mulf %get3A_413, %gather3A_391 : vector<16xf32>
          %swap3A_415 = arith.index_cast %rem3A_230 : i32 to index
          %swap3A_416 = arith.index_cast %add3A_388 : i32 to index
          %swap3A_417 = arith.constant 32 : index
          %swap3A_418 = tpu.vector_load %arg10[%swap3A_415, %swap3A_416, %swap3A_417] {strides = array<i32>} : memref<4x160x48xf32, #tpu.memory_space<vmem>>, vector<16xf32>,
          tpu.vector_store %arg10[%swap3A_415, %swap3A_416, %swap3A_417], %mul3A_414 {strides = array<i32>} : memref<4x160x48xf32, #tpu.memory_space<vmem>>, vector<16xf32>,
          %add3A_419 = arith.constant 5 : i32
          %add3A_420 = arith.addi %mul3A_261, %add3A_419 : i32
          %broadcast_in_dim3A_421 = vector.broadcast %rem3A_228 : i32 to vector<16xi32>
          %broadcast_in_dim3A_422 = vector.broadcast %add3A_420 : i32 to vector<16xi32>
          %gather3A_423 = tpu.vector_load_idx %arg9[%broadcast_in_dim3A_421, %broadcast_in_dim3A_422] : memref<8x160xf32, #tpu.memory_space<vmem>>[vector<16xi32>, vector<16xi32>], vector<16xf32>,
          %get3A_424 = arith.index_cast %rem3A_230 : i32 to index
          %get3A_425 = arith.index_cast %add3A_420 : i32 to index
          %get3A_426 = arith.constant 0 : index
          %get3A_427 = tpu.vector_load %arg10[%get3A_424, %get3A_425, %get3A_426] {strides = array<i32>} : memref<4x160x48xf32, #tpu.memory_space<vmem>>, vector<16xf32>,
          %mul3A_428 = arith.mulf %get3A_427, %gather3A_423 : vector<16xf32>
          %swap3A_429 = arith.index_cast %rem3A_230 : i32 to index
          %swap3A_430 = arith.index_cast %add3A_420 : i32 to index
          %swap3A_431 = arith.constant 0 : index
          %swap3A_432 = tpu.vector_load %arg10[%swap3A_429, %swap3A_430, %swap3A_431] {strides = array<i32>} : memref<4x160x48xf32, #tpu.memory_space<vmem>>, vector<16xf32>,
          tpu.vector_store %arg10[%swap3A_429, %swap3A_430, %swap3A_431], %mul3A_428 {strides = array<i32>} : memref<4x160x48xf32, #tpu.memory_space<vmem>>, vector<16xf32>,
          %get3A_433 = arith.index_cast %rem3A_230 : i32 to index
          %get3A_434 = arith.index_cast %add3A_420 : i32 to index
          %get3A_435 = arith.constant 16 : index
          %get3A_436 = tpu.vector_load %arg10[%get3A_433, %get3A_434, %get3A_435] {strides = array<i32>} : memref<4x160x48xf32, #tpu.memory_space<vmem>>, vector<16xf32>,
          %mul3A_437 = arith.mulf %get3A_436, %gather3A_423 : vector<16xf32>
          %swap3A_438 = arith.index_cast %rem3A_230 : i32 to index
          %swap3A_439 = arith.index_cast %add3A_420 : i32 to index
          %swap3A_440 = arith.constant 16 : index
          %swap3A_441 = tpu.vector_load %arg10[%swap3A_438, %swap3A_439, %swap3A_440] {strides = array<i32>} : memref<4x160x48xf32, #tpu.memory_space<vmem>>, vector<16xf32>,
          tpu.vector_store %arg10[%swap3A_438, %swap3A_439, %swap3A_440], %mul3A_437 {strides = array<i32>} : memref<4x160x48xf32, #tpu.memory_space<vmem>>, vector<16xf32>,
          %get3A_442 = arith.index_cast %rem3A_230 : i32 to index
          %get3A_443 = arith.index_cast %add3A_420 : i32 to index
          %get3A_444 = arith.constant 32 : index
          %get3A_445 = tpu.vector_load %arg10[%get3A_442, %get3A_443, %get3A_444] {strides = array<i32>} : memref<4x160x48xf32, #tpu.memory_space<vmem>>, vector<16xf32>,
          %mul3A_446 = arith.mulf %get3A_445, %gather3A_423 : vector<16xf32>
          %swap3A_447 = arith.index_cast %rem3A_230 : i32 to index
          %swap3A_448 = arith.index_cast %add3A_420 : i32 to index
          %swap3A_449 = arith.constant 32 : index
          %swap3A_450 = tpu.vector_load %arg10[%swap3A_447, %swap3A_448, %swap3A_449] {strides = array<i32>} : memref<4x160x48xf32, #tpu.memory_space<vmem>>, vector<16xf32>,
          tpu.vector_store %arg10[%swap3A_447, %swap3A_448, %swap3A_449], %mul3A_446 {strides = array<i32>} : memref<4x160x48xf32, #tpu.memory_space<vmem>>, vector<16xf32>,
          %add3A_451 = arith.constant 6 : i32
          %add3A_452 = arith.addi %mul3A_261, %add3A_451 : i32
          %broadcast_in_dim3A_453 = vector.broadcast %rem3A_228 : i32 to vector<16xi32>
          %broadcast_in_dim3A_454 = vector.broadcast %add3A_452 : i32 to vector<16xi32>
          %gather3A_455 = tpu.vector_load_idx %arg9[%broadcast_in_dim3A_453, %broadcast_in_dim3A_454] : memref<8x160xf32, #tpu.memory_space<vmem>>[vector<16xi32>, vector<16xi32>], vector<16xf32>,
          %get3A_456 = arith.index_cast %rem3A_230 : i32 to index
          %get3A_457 = arith.index_cast %add3A_452 : i32 to index
          %get3A_458 = arith.constant 0 : index
          %get3A_459 = tpu.vector_load %arg10[%get3A_456, %get3A_457, %get3A_458] {strides = array<i32>} : memref<4x160x48xf32, #tpu.memory_space<vmem>>, vector<16xf32>,
          %mul3A_460 = arith.mulf %get3A_459, %gather3A_455 : vector<16xf32>
          %swap3A_461 = arith.index_cast %rem3A_230 : i32 to index
          %swap3A_462 = arith.index_cast %add3A_452 : i32 to index
          %swap3A_463 = arith.constant 0 : index
          %swap3A_464 = tpu.vector_load %arg10[%swap3A_461, %swap3A_462, %swap3A_463] {strides = array<i32>} : memref<4x160x48xf32, #tpu.memory_space<vmem>>, vector<16xf32>,
          tpu.vector_store %arg10[%swap3A_461, %swap3A_462, %swap3A_463], %mul3A_460 {strides = array<i32>} : memref<4x160x48xf32, #tpu.memory_space<vmem>>, vector<16xf32>,
          %get3A_465 = arith.index_cast %rem3A_230 : i32 to index
          %get3A_466 = arith.index_cast %add3A_452 : i32 to index
          %get3A_467 = arith.constant 16 : index
          %get3A_468 = tpu.vector_load %arg10[%get3A_465, %get3A_466, %get3A_467] {strides = array<i32>} : memref<4x160x48xf32, #tpu.memory_space<vmem>>, vector<16xf32>,
          %mul3A_469 = arith.mulf %get3A_468, %gather3A_455 : vector<16xf32>
          %swap3A_470 = arith.index_cast %rem3A_230 : i32 to index
          %swap3A_471 = arith.index_cast %add3A_452 : i32 to index
          %swap3A_472 = arith.constant 16 : index
          %swap3A_473 = tpu.vector_load %arg10[%swap3A_470, %swap3A_471, %swap3A_472] {strides = array<i32>} : memref<4x160x48xf32, #tpu.memory_space<vmem>>, vector<16xf32>,
          tpu.vector_store %arg10[%swap3A_470, %swap3A_471, %swap3A_472], %mul3A_469 {strides = array<i32>} : memref<4x160x48xf32, #tpu.memory_space<vmem>>, vector<16xf32>,
          %get3A_474 = arith.index_cast %rem3A_230 : i32 to index
          %get3A_475 = arith.index_cast %add3A_452 : i32 to index
          %get3A_476 = arith.constant 32 : index
          %get3A_477 = tpu.vector_load %arg10[%get3A_474, %get3A_475, %get3A_476] {strides = array<i32>} : memref<4x160x48xf32, #tpu.memory_space<vmem>>, vector<16xf32>,
          %mul3A_478 = arith.mulf %get3A_477, %gather3A_455 : vector<16xf32>
          %swap3A_479 = arith.index_cast %rem3A_230 : i32 to index
          %swap3A_480 = arith.index_cast %add3A_452 : i32 to index
          %swap3A_481 = arith.constant 32 : index
          %swap3A_482 = tpu.vector_load %arg10[%swap3A_479, %swap3A_480, %swap3A_481] {strides = array<i32>} : memref<4x160x48xf32, #tpu.memory_space<vmem>>, vector<16xf32>,
          tpu.vector_store %arg10[%swap3A_479, %swap3A_480, %swap3A_481], %mul3A_478 {strides = array<i32>} : memref<4x160x48xf32, #tpu.memory_space<vmem>>, vector<16xf32>,
          %add3A_483 = arith.constant 7 : i32
          %add3A_484 = arith.addi %mul3A_261, %add3A_483 : i32
          %broadcast_in_dim3A_485 = vector.broadcast %rem3A_228 : i32 to vector<16xi32>
          %broadcast_in_dim3A_486 = vector.broadcast %add3A_484 : i32 to vector<16xi32>
          %gather3A_487 = tpu.vector_load_idx %arg9[%broadcast_in_dim3A_485, %broadcast_in_dim3A_486] : memref<8x160xf32, #tpu.memory_space<vmem>>[vector<16xi32>, vector<16xi32>], vector<16xf32>,
          %get3A_488 = arith.index_cast %rem3A_230 : i32 to index
          %get3A_489 = arith.index_cast %add3A_484 : i32 to index
          %get3A_490 = arith.constant 0 : index
          %get3A_491 = tpu.vector_load %arg10[%get3A_488, %get3A_489, %get3A_490] {strides = array<i32>} : memref<4x160x48xf32, #tpu.memory_space<vmem>>, vector<16xf32>,
          %mul3A_492 = arith.mulf %get3A_491, %gather3A_487 : vector<16xf32>
          %swap3A_493 = arith.index_cast %rem3A_230 : i32 to index
          %swap3A_494 = arith.index_cast %add3A_484 : i32 to index
          %swap3A_495 = arith.constant 0 : index
          %swap3A_496 = tpu.vector_load %arg10[%swap3A_493, %swap3A_494, %swap3A_495] {strides = array<i32>} : memref<4x160x48xf32, #tpu.memory_space<vmem>>, vector<16xf32>,
          tpu.vector_store %arg10[%swap3A_493, %swap3A_494, %swap3A_495], %mul3A_492 {strides = array<i32>} : memref<4x160x48xf32, #tpu.memory_space<vmem>>, vector<16xf32>,
          %get3A_497 = arith.index_cast %rem3A_230 : i32 to index
          %get3A_498 = arith.index_cast %add3A_484 : i32 to index
          %get3A_499 = arith.constant 16 : index
          %get3A_500 = tpu.vector_load %arg10[%get3A_497, %get3A_498, %get3A_499] {strides = array<i32>} : memref<4x160x48xf32, #tpu.memory_space<vmem>>, vector<16xf32>,
          %mul3A_501 = arith.mulf %get3A_500, %gather3A_487 : vector<16xf32>
          %swap3A_502 = arith.index_cast %rem3A_230 : i32 to index
          %swap3A_503 = arith.index_cast %add3A_484 : i32 to index
          %swap3A_504 = arith.constant 16 : index
          %swap3A_505 = tpu.vector_load %arg10[%swap3A_502, %swap3A_503, %swap3A_504] {strides = array<i32>} : memref<4x160x48xf32, #tpu.memory_space<vmem>>, vector<16xf32>,
          tpu.vector_store %arg10[%swap3A_502, %swap3A_503, %swap3A_504], %mul3A_501 {strides = array<i32>} : memref<4x160x48xf32, #tpu.memory_space<vmem>>, vector<16xf32>,
          %get3A_506 = arith.index_cast %rem3A_230 : i32 to index
          %get3A_507 = arith.index_cast %add3A_484 : i32 to index
          %get3A_508 = arith.constant 32 : index
          %get3A_509 = tpu.vector_load %arg10[%get3A_506, %get3A_507, %get3A_508] {strides = array<i32>} : memref<4x160x48xf32, #tpu.memory_space<vmem>>, vector<16xf32>,
          %mul3A_510 = arith.mulf %get3A_509, %gather3A_487 : vector<16xf32>
          %swap3A_511 = arith.index_cast %rem3A_230 : i32 to index
          %swap3A_512 = arith.index_cast %add3A_484 : i32 to index
          %swap3A_513 = arith.constant 32 : index
          %swap3A_514 = tpu.vector_load %arg10[%swap3A_511, %swap3A_512, %swap3A_513] {strides = array<i32>} : memref<4x160x48xf32, #tpu.memory_space<vmem>>, vector<16xf32>,
          tpu.vector_store %arg10[%swap3A_511, %swap3A_512, %swap3A_513], %mul3A_510 {strides = array<i32>} : memref<4x160x48xf32, #tpu.memory_space<vmem>>, vector<16xf32>,
          %add3A_515 = arith.constant 8 : i32
          %add3A_516 = arith.addi %mul3A_261, %add3A_515 : i32
          %broadcast_in_dim3A_517 = vector.broadcast %rem3A_228 : i32 to vector<16xi32>
          %broadcast_in_dim3A_518 = vector.broadcast %add3A_516 : i32 to vector<16xi32>
          %gather3A_519 = tpu.vector_load_idx %arg9[%broadcast_in_dim3A_517, %broadcast_in_dim3A_518] : memref<8x160xf32, #tpu.memory_space<vmem>>[vector<16xi32>, vector<16xi32>], vector<16xf32>,
          %get3A_520 = arith.index_cast %rem3A_230 : i32 to index
          %get3A_521 = arith.index_cast %add3A_516 : i32 to index
          %get3A_522 = arith.constant 0 : index
          %get3A_523 = tpu.vector_load %arg10[%get3A_520, %get3A_521, %get3A_522] {strides = array<i32>} : memref<4x160x48xf32, #tpu.memory_space<vmem>>, vector<16xf32>,
          %mul3A_524 = arith.mulf %get3A_523, %gather3A_519 : vector<16xf32>
          %swap3A_525 = arith.index_cast %rem3A_230 : i32 to index
          %swap3A_526 = arith.index_cast %add3A_516 : i32 to index
          %swap3A_527 = arith.constant 0 : index
          %swap3A_528 = tpu.vector_load %arg10[%swap3A_525, %swap3A_526, %swap3A_527] {strides = array<i32>} : memref<4x160x48xf32, #tpu.memory_space<vmem>>, vector<16xf32>,
          tpu.vector_store %arg10[%swap3A_525, %swap3A_526, %swap3A_527], %mul3A_524 {strides = array<i32>} : memref<4x160x48xf32, #tpu.memory_space<vmem>>, vector<16xf32>,
          %get3A_529 = arith.index_cast %rem3A_230 : i32 to index
          %get3A_530 = arith.index_cast %add3A_516 : i32 to index
          %get3A_531 = arith.constant 16 : index
          %get3A_532 = tpu.vector_load %arg10[%get3A_529, %get3A_530, %get3A_531] {strides = array<i32>} : memref<4x160x48xf32, #tpu.memory_space<vmem>>, vector<16xf32>,
          %mul3A_533 = arith.mulf %get3A_532, %gather3A_519 : vector<16xf32>
          %swap3A_534 = arith.index_cast %rem3A_230 : i32 to index
          %swap3A_535 = arith.index_cast %add3A_516 : i32 to index
          %swap3A_536 = arith.constant 16 : index
          %swap3A_537 = tpu.vector_load %arg10[%swap3A_534, %swap3A_535, %swap3A_536] {strides = array<i32>} : memref<4x160x48xf32, #tpu.memory_space<vmem>>, vector<16xf32>,
          tpu.vector_store %arg10[%swap3A_534, %swap3A_535, %swap3A_536], %mul3A_533 {strides = array<i32>} : memref<4x160x48xf32, #tpu.memory_space<vmem>>, vector<16xf32>,
          %get3A_538 = arith.index_cast %rem3A_230 : i32 to index
          %get3A_539 = arith.index_cast %add3A_516 : i32 to index
          %get3A_540 = arith.constant 32 : index
          %get3A_541 = tpu.vector_load %arg10[%get3A_538, %get3A_539, %get3A_540] {strides = array<i32>} : memref<4x160x48xf32, #tpu.memory_space<vmem>>, vector<16xf32>,
          %mul3A_542 = arith.mulf %get3A_541, %gather3A_519 : vector<16xf32>
          %swap3A_543 = arith.index_cast %rem3A_230 : i32 to index
          %swap3A_544 = arith.index_cast %add3A_516 : i32 to index
          %swap3A_545 = arith.constant 32 : index
          %swap3A_546 = tpu.vector_load %arg10[%swap3A_543, %swap3A_544, %swap3A_545] {strides = array<i32>} : memref<4x160x48xf32, #tpu.memory_space<vmem>>, vector<16xf32>,
          tpu.vector_store %arg10[%swap3A_543, %swap3A_544, %swap3A_545], %mul3A_542 {strides = array<i32>} : memref<4x160x48xf32, #tpu.memory_space<vmem>>, vector<16xf32>,
          %add3A_547 = arith.constant 9 : i32
          %add3A_548 = arith.addi %mul3A_261, %add3A_547 : i32
          %broadcast_in_dim3A_549 = vector.broadcast %rem3A_228 : i32 to vector<16xi32>
          %broadcast_in_dim3A_550 = vector.broadcast %add3A_548 : i32 to vector<16xi32>
          %gather3A_551 = tpu.vector_load_idx %arg9[%broadcast_in_dim3A_549, %broadcast_in_dim3A_550] : memref<8x160xf32, #tpu.memory_space<vmem>>[vector<16xi32>, vector<16xi32>], vector<16xf32>,
          %get3A_552 = arith.index_cast %rem3A_230 : i32 to index
          %get3A_553 = arith.index_cast %add3A_548 : i32 to index
          %get3A_554 = arith.constant 0 : index
          %get3A_555 = tpu.vector_load %arg10[%get3A_552, %get3A_553, %get3A_554] {strides = array<i32>} : memref<4x160x48xf32, #tpu.memory_space<vmem>>, vector<16xf32>,
          %mul3A_556 = arith.mulf %get3A_555, %gather3A_551 : vector<16xf32>
          %swap3A_557 = arith.index_cast %rem3A_230 : i32 to index
          %swap3A_558 = arith.index_cast %add3A_548 : i32 to index
          %swap3A_559 = arith.constant 0 : index
          %swap3A_560 = tpu.vector_load %arg10[%swap3A_557, %swap3A_558, %swap3A_559] {strides = array<i32>} : memref<4x160x48xf32, #tpu.memory_space<vmem>>, vector<16xf32>,
          tpu.vector_store %arg10[%swap3A_557, %swap3A_558, %swap3A_559], %mul3A_556 {strides = array<i32>} : memref<4x160x48xf32, #tpu.memory_space<vmem>>, vector<16xf32>,
          %get3A_561 = arith.index_cast %rem3A_230 : i32 to index
          %get3A_562 = arith.index_cast %add3A_548 : i32 to index
          %get3A_563 = arith.constant 16 : index
          %get3A_564 = tpu.vector_load %arg10[%get3A_561, %get3A_562, %get3A_563] {strides = array<i32>} : memref<4x160x48xf32, #tpu.memory_space<vmem>>, vector<16xf32>,
          %mul3A_565 = arith.mulf %get3A_564, %gather3A_551 : vector<16xf32>
          %swap3A_566 = arith.index_cast %rem3A_230 : i32 to index
          %swap3A_567 = arith.index_cast %add3A_548 : i32 to index
          %swap3A_568 = arith.constant 16 : index
          %swap3A_569 = tpu.vector_load %arg10[%swap3A_566, %swap3A_567, %swap3A_568] {strides = array<i32>} : memref<4x160x48xf32, #tpu.memory_space<vmem>>, vector<16xf32>,
          tpu.vector_store %arg10[%swap3A_566, %swap3A_567, %swap3A_568], %mul3A_565 {strides = array<i32>} : memref<4x160x48xf32, #tpu.memory_space<vmem>>, vector<16xf32>,
          %get3A_570 = arith.index_cast %rem3A_230 : i32 to index
          %get3A_571 = arith.index_cast %add3A_548 : i32 to index
          %get3A_572 = arith.constant 32 : index
          %get3A_573 = tpu.vector_load %arg10[%get3A_570, %get3A_571, %get3A_572] {strides = array<i32>} : memref<4x160x48xf32, #tpu.memory_space<vmem>>, vector<16xf32>,
          %mul3A_574 = arith.mulf %get3A_573, %gather3A_551 : vector<16xf32>
          %swap3A_575 = arith.index_cast %rem3A_230 : i32 to index
          %swap3A_576 = arith.index_cast %add3A_548 : i32 to index
          %swap3A_577 = arith.constant 32 : index
          %swap3A_578 = tpu.vector_load %arg10[%swap3A_575, %swap3A_576, %swap3A_577] {strides = array<i32>} : memref<4x160x48xf32, #tpu.memory_space<vmem>>, vector<16xf32>,
          tpu.vector_store %arg10[%swap3A_575, %swap3A_576, %swap3A_577], %mul3A_574 {strides = array<i32>} : memref<4x160x48xf32, #tpu.memory_space<vmem>>, vector<16xf32>,
          %add3A_579 = arith.constant 10 : i32
          %add3A_580 = arith.addi %mul3A_261, %add3A_579 : i32
          %broadcast_in_dim3A_581 = vector.broadcast %rem3A_228 : i32 to vector<16xi32>
          %broadcast_in_dim3A_582 = vector.broadcast %add3A_580 : i32 to vector<16xi32>
          %gather3A_583 = tpu.vector_load_idx %arg9[%broadcast_in_dim3A_581, %broadcast_in_dim3A_582] : memref<8x160xf32, #tpu.memory_space<vmem>>[vector<16xi32>, vector<16xi32>], vector<16xf32>,
          %get3A_584 = arith.index_cast %rem3A_230 : i32 to index
          %get3A_585 = arith.index_cast %add3A_580 : i32 to index
          %get3A_586 = arith.constant 0 : index
          %get3A_587 = tpu.vector_load %arg10[%get3A_584, %get3A_585, %get3A_586] {strides = array<i32>} : memref<4x160x48xf32, #tpu.memory_space<vmem>>, vector<16xf32>,
          %mul3A_588 = arith.mulf %get3A_587, %gather3A_583 : vector<16xf32>
          %swap3A_589 = arith.index_cast %rem3A_230 : i32 to index
          %swap3A_590 = arith.index_cast %add3A_580 : i32 to index
          %swap3A_591 = arith.constant 0 : index
          %swap3A_592 = tpu.vector_load %arg10[%swap3A_589, %swap3A_590, %swap3A_591] {strides = array<i32>} : memref<4x160x48xf32, #tpu.memory_space<vmem>>, vector<16xf32>,
          tpu.vector_store %arg10[%swap3A_589, %swap3A_590, %swap3A_591], %mul3A_588 {strides = array<i32>} : memref<4x160x48xf32, #tpu.memory_space<vmem>>, vector<16xf32>,
          %get3A_593 = arith.index_cast %rem3A_230 : i32 to index
          %get3A_594 = arith.index_cast %add3A_580 : i32 to index
          %get3A_595 = arith.constant 16 : index
          %get3A_596 = tpu.vector_load %arg10[%get3A_593, %get3A_594, %get3A_595] {strides = array<i32>} : memref<4x160x48xf32, #tpu.memory_space<vmem>>, vector<16xf32>,
          %mul3A_597 = arith.mulf %get3A_596, %gather3A_583 : vector<16xf32>
          %swap3A_598 = arith.index_cast %rem3A_230 : i32 to index
          %swap3A_599 = arith.index_cast %add3A_580 : i32 to index
          %swap3A_600 = arith.constant 16 : index
          %swap3A_601 = tpu.vector_load %arg10[%swap3A_598, %swap3A_599, %swap3A_600] {strides = array<i32>} : memref<4x160x48xf32, #tpu.memory_space<vmem>>, vector<16xf32>,
          tpu.vector_store %arg10[%swap3A_598, %swap3A_599, %swap3A_600], %mul3A_597 {strides = array<i32>} : memref<4x160x48xf32, #tpu.memory_space<vmem>>, vector<16xf32>,
          %get3A_602 = arith.index_cast %rem3A_230 : i32 to index
          %get3A_603 = arith.index_cast %add3A_580 : i32 to index
          %get3A_604 = arith.constant 32 : index
          %get3A_605 = tpu.vector_load %arg10[%get3A_602, %get3A_603, %get3A_604] {strides = array<i32>} : memref<4x160x48xf32, #tpu.memory_space<vmem>>, vector<16xf32>,
          %mul3A_606 = arith.mulf %get3A_605, %gather3A_583 : vector<16xf32>
          %swap3A_607 = arith.index_cast %rem3A_230 : i32 to index
          %swap3A_608 = arith.index_cast %add3A_580 : i32 to index
          %swap3A_609 = arith.constant 32 : index
          %swap3A_610 = tpu.vector_load %arg10[%swap3A_607, %swap3A_608, %swap3A_609] {strides = array<i32>} : memref<4x160x48xf32, #tpu.memory_space<vmem>>, vector<16xf32>,
          tpu.vector_store %arg10[%swap3A_607, %swap3A_608, %swap3A_609], %mul3A_606 {strides = array<i32>} : memref<4x160x48xf32, #tpu.memory_space<vmem>>, vector<16xf32>,
          %add3A_611 = arith.constant 11 : i32
          %add3A_612 = arith.addi %mul3A_261, %add3A_611 : i32
          %broadcast_in_dim3A_613 = vector.broadcast %rem3A_228 : i32 to vector<16xi32>
          %broadcast_in_dim3A_614 = vector.broadcast %add3A_612 : i32 to vector<16xi32>
          %gather3A_615 = tpu.vector_load_idx %arg9[%broadcast_in_dim3A_613, %broadcast_in_dim3A_614] : memref<8x160xf32, #tpu.memory_space<vmem>>[vector<16xi32>, vector<16xi32>], vector<16xf32>,
          %get3A_616 = arith.index_cast %rem3A_230 : i32 to index
          %get3A_617 = arith.index_cast %add3A_612 : i32 to index
          %get3A_618 = arith.constant 0 : index
          %get3A_619 = tpu.vector_load %arg10[%get3A_616, %get3A_617, %get3A_618] {strides = array<i32>} : memref<4x160x48xf32, #tpu.memory_space<vmem>>, vector<16xf32>,
          %mul3A_620 = arith.mulf %get3A_619, %gather3A_615 : vector<16xf32>
          %swap3A_621 = arith.index_cast %rem3A_230 : i32 to index
          %swap3A_622 = arith.index_cast %add3A_612 : i32 to index
          %swap3A_623 = arith.constant 0 : index
          %swap3A_624 = tpu.vector_load %arg10[%swap3A_621, %swap3A_622, %swap3A_623] {strides = array<i32>} : memref<4x160x48xf32, #tpu.memory_space<vmem>>, vector<16xf32>,
          tpu.vector_store %arg10[%swap3A_621, %swap3A_622, %swap3A_623], %mul3A_620 {strides = array<i32>} : memref<4x160x48xf32, #tpu.memory_space<vmem>>, vector<16xf32>,
          %get3A_625 = arith.index_cast %rem3A_230 : i32 to index
          %get3A_626 = arith.index_cast %add3A_612 : i32 to index
          %get3A_627 = arith.constant 16 : index
          %get3A_628 = tpu.vector_load %arg10[%get3A_625, %get3A_626, %get3A_627] {strides = array<i32>} : memref<4x160x48xf32, #tpu.memory_space<vmem>>, vector<16xf32>,
          %mul3A_629 = arith.mulf %get3A_628, %gather3A_615 : vector<16xf32>
          %swap3A_630 = arith.index_cast %rem3A_230 : i32 to index
          %swap3A_631 = arith.index_cast %add3A_612 : i32 to index
          %swap3A_632 = arith.constant 16 : index
          %swap3A_633 = tpu.vector_load %arg10[%swap3A_630, %swap3A_631, %swap3A_632] {strides = array<i32>} : memref<4x160x48xf32, #tpu.memory_space<vmem>>, vector<16xf32>,
          tpu.vector_store %arg10[%swap3A_630, %swap3A_631, %swap3A_632], %mul3A_629 {strides = array<i32>} : memref<4x160x48xf32, #tpu.memory_space<vmem>>, vector<16xf32>,
          %get3A_634 = arith.index_cast %rem3A_230 : i32 to index
          %get3A_635 = arith.index_cast %add3A_612 : i32 to index
          %get3A_636 = arith.constant 32 : index
          %get3A_637 = tpu.vector_load %arg10[%get3A_634, %get3A_635, %get3A_636] {strides = array<i32>} : memref<4x160x48xf32, #tpu.memory_space<vmem>>, vector<16xf32>,
          %mul3A_638 = arith.mulf %get3A_637, %gather3A_615 : vector<16xf32>
          %swap3A_639 = arith.index_cast %rem3A_230 : i32 to index
          %swap3A_640 = arith.index_cast %add3A_612 : i32 to index
          %swap3A_641 = arith.constant 32 : index
          %swap3A_642 = tpu.vector_load %arg10[%swap3A_639, %swap3A_640, %swap3A_641] {strides = array<i32>} : memref<4x160x48xf32, #tpu.memory_space<vmem>>, vector<16xf32>,
          tpu.vector_store %arg10[%swap3A_639, %swap3A_640, %swap3A_641], %mul3A_638 {strides = array<i32>} : memref<4x160x48xf32, #tpu.memory_space<vmem>>, vector<16xf32>,
          %add3A_643 = arith.constant 12 : i32
          %add3A_644 = arith.addi %mul3A_261, %add3A_643 : i32
          %broadcast_in_dim3A_645 = vector.broadcast %rem3A_228 : i32 to vector<16xi32>
          %broadcast_in_dim3A_646 = vector.broadcast %add3A_644 : i32 to vector<16xi32>
          %gather3A_647 = tpu.vector_load_idx %arg9[%broadcast_in_dim3A_645, %broadcast_in_dim3A_646] : memref<8x160xf32, #tpu.memory_space<vmem>>[vector<16xi32>, vector<16xi32>], vector<16xf32>,
          %get3A_648 = arith.index_cast %rem3A_230 : i32 to index
          %get3A_649 = arith.index_cast %add3A_644 : i32 to index
          %get3A_650 = arith.constant 0 : index
          %get3A_651 = tpu.vector_load %arg10[%get3A_648, %get3A_649, %get3A_650] {strides = array<i32>} : memref<4x160x48xf32, #tpu.memory_space<vmem>>, vector<16xf32>,
          %mul3A_652 = arith.mulf %get3A_651, %gather3A_647 : vector<16xf32>
          %swap3A_653 = arith.index_cast %rem3A_230 : i32 to index
          %swap3A_654 = arith.index_cast %add3A_644 : i32 to index
          %swap3A_655 = arith.constant 0 : index
          %swap3A_656 = tpu.vector_load %arg10[%swap3A_653, %swap3A_654, %swap3A_655] {strides = array<i32>} : memref<4x160x48xf32, #tpu.memory_space<vmem>>, vector<16xf32>,
          tpu.vector_store %arg10[%swap3A_653, %swap3A_654, %swap3A_655], %mul3A_652 {strides = array<i32>} : memref<4x160x48xf32, #tpu.memory_space<vmem>>, vector<16xf32>,
          %get3A_657 = arith.index_cast %rem3A_230 : i32 to index
          %get3A_658 = arith.index_cast %add3A_644 : i32 to index
          %get3A_659 = arith.constant 16 : index
          %get3A_660 = tpu.vector_load %arg10[%get3A_657, %get3A_658, %get3A_659] {strides = array<i32>} : memref<4x160x48xf32, #tpu.memory_space<vmem>>, vector<16xf32>,
          %mul3A_661 = arith.mulf %get3A_660, %gather3A_647 : vector<16xf32>
          %swap3A_662 = arith.index_cast %rem3A_230 : i32 to index
          %swap3A_663 = arith.index_cast %add3A_644 : i32 to index
          %swap3A_664 = arith.constant 16 : index
          %swap3A_665 = tpu.vector_load %arg10[%swap3A_662, %swap3A_663, %swap3A_664] {strides = array<i32>} : memref<4x160x48xf32, #tpu.memory_space<vmem>>, vector<16xf32>,
          tpu.vector_store %arg10[%swap3A_662, %swap3A_663, %swap3A_664], %mul3A_661 {strides = array<i32>} : memref<4x160x48xf32, #tpu.memory_space<vmem>>, vector<16xf32>,
          %get3A_666 = arith.index_cast %rem3A_230 : i32 to index
          %get3A_667 = arith.index_cast %add3A_644 : i32 to index
          %get3A_668 = arith.constant 32 : index
          %get3A_669 = tpu.vector_load %arg10[%get3A_666, %get3A_667, %get3A_668] {strides = array<i32>} : memref<4x160x48xf32, #tpu.memory_space<vmem>>, vector<16xf32>,
          %mul3A_670 = arith.mulf %get3A_669, %gather3A_647 : vector<16xf32>
          %swap3A_671 = arith.index_cast %rem3A_230 : i32 to index
          %swap3A_672 = arith.index_cast %add3A_644 : i32 to index
          %swap3A_673 = arith.constant 32 : index
          %swap3A_674 = tpu.vector_load %arg10[%swap3A_671, %swap3A_672, %swap3A_673] {strides = array<i32>} : memref<4x160x48xf32, #tpu.memory_space<vmem>>, vector<16xf32>,
          tpu.vector_store %arg10[%swap3A_671, %swap3A_672, %swap3A_673], %mul3A_670 {strides = array<i32>} : memref<4x160x48xf32, #tpu.memory_space<vmem>>, vector<16xf32>,
          %add3A_675 = arith.constant 13 : i32
          %add3A_676 = arith.addi %mul3A_261, %add3A_675 : i32
          %broadcast_in_dim3A_677 = vector.broadcast %rem3A_228 : i32 to vector<16xi32>
          %broadcast_in_dim3A_678 = vector.broadcast %add3A_676 : i32 to vector<16xi32>
          %gather3A_679 = tpu.vector_load_idx %arg9[%broadcast_in_dim3A_677, %broadcast_in_dim3A_678] : memref<8x160xf32, #tpu.memory_space<vmem>>[vector<16xi32>, vector<16xi32>], vector<16xf32>,
          %get3A_680 = arith.index_cast %rem3A_230 : i32 to index
          %get3A_681 = arith.index_cast %add3A_676 : i32 to index
          %get3A_682 = arith.constant 0 : index
          %get3A_683 = tpu.vector_load %arg10[%get3A_680, %get3A_681, %get3A_682] {strides = array<i32>} : memref<4x160x48xf32, #tpu.memory_space<vmem>>, vector<16xf32>,
          %mul3A_684 = arith.mulf %get3A_683, %gather3A_679 : vector<16xf32>
          %swap3A_685 = arith.index_cast %rem3A_230 : i32 to index
          %swap3A_686 = arith.index_cast %add3A_676 : i32 to index
          %swap3A_687 = arith.constant 0 : index
          %swap3A_688 = tpu.vector_load %arg10[%swap3A_685, %swap3A_686, %swap3A_687] {strides = array<i32>} : memref<4x160x48xf32, #tpu.memory_space<vmem>>, vector<16xf32>,
          tpu.vector_store %arg10[%swap3A_685, %swap3A_686, %swap3A_687], %mul3A_684 {strides = array<i32>} : memref<4x160x48xf32, #tpu.memory_space<vmem>>, vector<16xf32>,
          %get3A_689 = arith.index_cast %rem3A_230 : i32 to index
          %get3A_690 = arith.index_cast %add3A_676 : i32 to index
          %get3A_691 = arith.constant 16 : index
          %get3A_692 = tpu.vector_load %arg10[%get3A_689, %get3A_690, %get3A_691] {strides = array<i32>} : memref<4x160x48xf32, #tpu.memory_space<vmem>>, vector<16xf32>,
          %mul3A_693 = arith.mulf %get3A_692, %gather3A_679 : vector<16xf32>
          %swap3A_694 = arith.index_cast %rem3A_230 : i32 to index
          %swap3A_695 = arith.index_cast %add3A_676 : i32 to index
          %swap3A_696 = arith.constant 16 : index
          %swap3A_697 = tpu.vector_load %arg10[%swap3A_694, %swap3A_695, %swap3A_696] {strides = array<i32>} : memref<4x160x48xf32, #tpu.memory_space<vmem>>, vector<16xf32>,
          tpu.vector_store %arg10[%swap3A_694, %swap3A_695, %swap3A_696], %mul3A_693 {strides = array<i32>} : memref<4x160x48xf32, #tpu.memory_space<vmem>>, vector<16xf32>,
          %get3A_698 = arith.index_cast %rem3A_230 : i32 to index
          %get3A_699 = arith.index_cast %add3A_676 : i32 to index
          %get3A_700 = arith.constant 32 : index
          %get3A_701 = tpu.vector_load %arg10[%get3A_698, %get3A_699, %get3A_700] {strides = array<i32>} : memref<4x160x48xf32, #tpu.memory_space<vmem>>, vector<16xf32>,
          %mul3A_702 = arith.mulf %get3A_701, %gather3A_679 : vector<16xf32>
          %swap3A_703 = arith.index_cast %rem3A_230 : i32 to index
          %swap3A_704 = arith.index_cast %add3A_676 : i32 to index
          %swap3A_705 = arith.constant 32 : index
          %swap3A_706 = tpu.vector_load %arg10[%swap3A_703, %swap3A_704, %swap3A_705] {strides = array<i32>} : memref<4x160x48xf32, #tpu.memory_space<vmem>>, vector<16xf32>,
          tpu.vector_store %arg10[%swap3A_703, %swap3A_704, %swap3A_705], %mul3A_702 {strides = array<i32>} : memref<4x160x48xf32, #tpu.memory_space<vmem>>, vector<16xf32>,
          %add3A_707 = arith.constant 14 : i32
          %add3A_708 = arith.addi %mul3A_261, %add3A_707 : i32
          %broadcast_in_dim3A_709 = vector.broadcast %rem3A_228 : i32 to vector<16xi32>
          %broadcast_in_dim3A_710 = vector.broadcast %add3A_708 : i32 to vector<16xi32>
          %gather3A_711 = tpu.vector_load_idx %arg9[%broadcast_in_dim3A_709, %broadcast_in_dim3A_710] : memref<8x160xf32, #tpu.memory_space<vmem>>[vector<16xi32>, vector<16xi32>], vector<16xf32>,
          %get3A_712 = arith.index_cast %rem3A_230 : i32 to index
          %get3A_713 = arith.index_cast %add3A_708 : i32 to index
          %get3A_714 = arith.constant 0 : index
          %get3A_715 = tpu.vector_load %arg10[%get3A_712, %get3A_713, %get3A_714] {strides = array<i32>} : memref<4x160x48xf32, #tpu.memory_space<vmem>>, vector<16xf32>,
          %mul3A_716 = arith.mulf %get3A_715, %gather3A_711 : vector<16xf32>
          %swap3A_717 = arith.index_cast %rem3A_230 : i32 to index
          %swap3A_718 = arith.index_cast %add3A_708 : i32 to index
          %swap3A_719 = arith.constant 0 : index
          %swap3A_720 = tpu.vector_load %arg10[%swap3A_717, %swap3A_718, %swap3A_719] {strides = array<i32>} : memref<4x160x48xf32, #tpu.memory_space<vmem>>, vector<16xf32>,
          tpu.vector_store %arg10[%swap3A_717, %swap3A_718, %swap3A_719], %mul3A_716 {strides = array<i32>} : memref<4x160x48xf32, #tpu.memory_space<vmem>>, vector<16xf32>,
          %get3A_721 = arith.index_cast %rem3A_230 : i32 to index
          %get3A_722 = arith.index_cast %add3A_708 : i32 to index
          %get3A_723 = arith.constant 16 : index
          %get3A_724 = tpu.vector_load %arg10[%get3A_721, %get3A_722, %get3A_723] {strides = array<i32>} : memref<4x160x48xf32, #tpu.memory_space<vmem>>, vector<16xf32>,
          %mul3A_725 = arith.mulf %get3A_724, %gather3A_711 : vector<16xf32>
          %swap3A_726 = arith.index_cast %rem3A_230 : i32 to index
          %swap3A_727 = arith.index_cast %add3A_708 : i32 to index
          %swap3A_728 = arith.constant 16 : index
          %swap3A_729 = tpu.vector_load %arg10[%swap3A_726, %swap3A_727, %swap3A_728] {strides = array<i32>} : memref<4x160x48xf32, #tpu.memory_space<vmem>>, vector<16xf32>,
          tpu.vector_store %arg10[%swap3A_726, %swap3A_727, %swap3A_728], %mul3A_725 {strides = array<i32>} : memref<4x160x48xf32, #tpu.memory_space<vmem>>, vector<16xf32>,
          %get3A_730 = arith.index_cast %rem3A_230 : i32 to index
          %get3A_731 = arith.index_cast %add3A_708 : i32 to index
          %get3A_732 = arith.constant 32 : index
          %get3A_733 = tpu.vector_load %arg10[%get3A_730, %get3A_731, %get3A_732] {strides = array<i32>} : memref<4x160x48xf32, #tpu.memory_space<vmem>>, vector<16xf32>,
          %mul3A_734 = arith.mulf %get3A_733, %gather3A_711 : vector<16xf32>
          %swap3A_735 = arith.index_cast %rem3A_230 : i32 to index
          %swap3A_736 = arith.index_cast %add3A_708 : i32 to index
          %swap3A_737 = arith.constant 32 : index
          %swap3A_738 = tpu.vector_load %arg10[%swap3A_735, %swap3A_736, %swap3A_737] {strides = array<i32>} : memref<4x160x48xf32, #tpu.memory_space<vmem>>, vector<16xf32>,
          tpu.vector_store %arg10[%swap3A_735, %swap3A_736, %swap3A_737], %mul3A_734 {strides = array<i32>} : memref<4x160x48xf32, #tpu.memory_space<vmem>>, vector<16xf32>,
          %add3A_739 = arith.constant 15 : i32
          %add3A_740 = arith.addi %mul3A_261, %add3A_739 : i32
          %broadcast_in_dim3A_741 = vector.broadcast %rem3A_228 : i32 to vector<16xi32>
          %broadcast_in_dim3A_742 = vector.broadcast %add3A_740 : i32 to vector<16xi32>
          %gather3A_743 = tpu.vector_load_idx %arg9[%broadcast_in_dim3A_741, %broadcast_in_dim3A_742] : memref<8x160xf32, #tpu.memory_space<vmem>>[vector<16xi32>, vector<16xi32>], vector<16xf32>,
          %get3A_744 = arith.index_cast %rem3A_230 : i32 to index
          %get3A_745 = arith.index_cast %add3A_740 : i32 to index
          %get3A_746 = arith.constant 0 : index
          %get3A_747 = tpu.vector_load %arg10[%get3A_744, %get3A_745, %get3A_746] {strides = array<i32>} : memref<4x160x48xf32, #tpu.memory_space<vmem>>, vector<16xf32>,
          %mul3A_748 = arith.mulf %get3A_747, %gather3A_743 : vector<16xf32>
          %swap3A_749 = arith.index_cast %rem3A_230 : i32 to index
          %swap3A_750 = arith.index_cast %add3A_740 : i32 to index
          %swap3A_751 = arith.constant 0 : index
          %swap3A_752 = tpu.vector_load %arg10[%swap3A_749, %swap3A_750, %swap3A_751] {strides = array<i32>} : memref<4x160x48xf32, #tpu.memory_space<vmem>>, vector<16xf32>,
          tpu.vector_store %arg10[%swap3A_749, %swap3A_750, %swap3A_751], %mul3A_748 {strides = array<i32>} : memref<4x160x48xf32, #tpu.memory_space<vmem>>, vector<16xf32>,
          %get3A_753 = arith.index_cast %rem3A_230 : i32 to index
          %get3A_754 = arith.index_cast %add3A_740 : i32 to index
          %get3A_755 = arith.constant 16 : index
          %get3A_756 = tpu.vector_load %arg10[%get3A_753, %get3A_754, %get3A_755] {strides = array<i32>} : memref<4x160x48xf32, #tpu.memory_space<vmem>>, vector<16xf32>,
          %mul3A_757 = arith.mulf %get3A_756, %gather3A_743 : vector<16xf32>
          %swap3A_758 = arith.index_cast %rem3A_230 : i32 to index
          %swap3A_759 = arith.index_cast %add3A_740 : i32 to index
          %swap3A_760 = arith.constant 16 : index
          %swap3A_761 = tpu.vector_load %arg10[%swap3A_758, %swap3A_759, %swap3A_760] {strides = array<i32>} : memref<4x160x48xf32, #tpu.memory_space<vmem>>, vector<16xf32>,
          tpu.vector_store %arg10[%swap3A_758, %swap3A_759, %swap3A_760], %mul3A_757 {strides = array<i32>} : memref<4x160x48xf32, #tpu.memory_space<vmem>>, vector<16xf32>,
          %get3A_762 = arith.index_cast %rem3A_230 : i32 to index
          %get3A_763 = arith.index_cast %add3A_740 : i32 to index
          %get3A_764 = arith.constant 32 : index
          %get3A_765 = tpu.vector_load %arg10[%get3A_762, %get3A_763, %get3A_764] {strides = array<i32>} : memref<4x160x48xf32, #tpu.memory_space<vmem>>, vector<16xf32>,
          %mul3A_766 = arith.mulf %get3A_765, %gather3A_743 : vector<16xf32>
          %swap3A_767 = arith.index_cast %rem3A_230 : i32 to index
          %swap3A_768 = arith.index_cast %add3A_740 : i32 to index
          %swap3A_769 = arith.constant 32 : index
          %swap3A_770 = tpu.vector_load %arg10[%swap3A_767, %swap3A_768, %swap3A_769] {strides = array<i32>} : memref<4x160x48xf32, #tpu.memory_space<vmem>>, vector<16xf32>,
          tpu.vector_store %arg10[%swap3A_767, %swap3A_768, %swap3A_769], %mul3A_766 {strides = array<i32>} : memref<4x160x48xf32, #tpu.memory_space<vmem>>, vector<16xf32>,
          %scan3A_771 = arith.constant 0 : i32
          scf.yield %scan3A_771 : i32
        }
        %scan3A_247 = arith.constant 10 : i32
        %dma_start3A_248 = arith.constant 0 : i32
        %dma_start3A_249 = arith.constant 0 : i32
        %dma_start3A_250 = tpu.memref_slice %arg10[%rem3A_230, %dma_start3A_248, %dma_start3A_249] : memref<4x160x48xf32, #tpu.memory_space<vmem>> -> memref<1x160x48xf32, #tpu.memory_space<vmem>>
        %dma_start3A_251 = tpu.memref_squeeze %dma_start3A_250 : memref<1x160x48xf32, #tpu.memory_space<vmem>> -> memref<160x48xf32, #tpu.memory_space<vmem>>
        %dma_start3A_252 = arith.constant 0 : i32
        %dma_start3A_253 = tpu.memref_slice %arg8[%rem3A_228, %dma_start3A_252] : memref<8x160xi32, #tpu.memory_space<vmem>> -> memref<1x160xi32, #tpu.memory_space<vmem>>
        %dma_start3A_254 = tpu.memref_squeeze %dma_start3A_253 : memref<1x160xi32, #tpu.memory_space<vmem>> -> memref<160xi32, #tpu.memory_space<vmem>>
        %dma_start3A_255 = arith.constant 0 : i32
        %dma_start3A_256 = arith.constant 0 : i32
        %dma_start3A_257 = tpu.memref_slice %arg12[%dma_start3A_255, %dma_start3A_256] : memref<10240x48xf32, #tpu.memory_space<vmem_shared>> -> memref<10240x48xf32, #tpu.memory_space<vmem_shared>>
        tpu.enqueue_indirect_dma source(%dma_start3A_251 : memref<160x48xf32, #tpu.memory_space<vmem>>) target(%dma_start3A_257 : memref<10240x48xf32, #tpu.memory_space<vmem_shared>>) offsets(%dma_start3A_254 : memref<160xi32, #tpu.memory_space<vmem>>) semaphore(%arg14 : memref<!tpu.dma_semaphore, #tpu.memory_space<semaphore_mem>>) {add = true}
      } else {
      }
      %scan3A_225 = arith.constant 0 : i32
      scf.yield %scan3A_225 : i32
    }
    %scan3A_152 = arith.constant 65 : i32
    %dma_wait3A = arith.constant 1 : i32
    %dma_wait3A_153 = arith.constant 5 : i32
    %dma_wait3A_154 = arith.constant 0 : i32
    %dma_wait3A_155 = arith.constant 0 : i32
    %dma_wait3A_156 = tpu.memref_slice %arg10[%dma_wait3A, %dma_wait3A_154, %dma_wait3A_155] : memref<4x160x48xf32, #tpu.memory_space<vmem>> -> memref<1x160x48xf32, #tpu.memory_space<vmem>>
    %dma_wait3A_157 = tpu.memref_squeeze %dma_wait3A_156 : memref<1x160x48xf32, #tpu.memory_space<vmem>> -> memref<160x48xf32, #tpu.memory_space<vmem>>
    %dma_wait3A_158 = arith.constant 0 : i32
    %dma_wait3A_159 = tpu.memref_slice %arg8[%dma_wait3A_153, %dma_wait3A_158] : memref<8x160xi32, #tpu.memory_space<vmem>> -> memref<1x160xi32, #tpu.memory_space<vmem>>
    %dma_wait3A_160 = tpu.memref_squeeze %dma_wait3A_159 : memref<1x160xi32, #tpu.memory_space<vmem>> -> memref<160xi32, #tpu.memory_space<vmem>>
    %dma_wait3A_161 = arith.constant 0 : i32
    %dma_wait3A_162 = arith.constant 0 : i32
    %dma_wait3A_163 = tpu.memref_slice %arg12[%dma_wait3A_161, %dma_wait3A_162] : memref<10240x48xf32, #tpu.memory_space<vmem_shared>> -> memref<10240x48xf32, #tpu.memory_space<vmem_shared>>
    tpu.wait_indirect_dma semaphore(%arg14 : memref<!tpu.dma_semaphore, #tpu.memory_space<semaphore_mem>>) src(%dma_wait3A_157 : memref<160x48xf32, #tpu.memory_space<vmem>>) dst(%dma_wait3A_163 : memref<10240x48xf32, #tpu.memory_space<vmem_shared>>)
    %dma_wait3A_164 = arith.constant 2 : i32
    %dma_wait3A_165 = arith.constant 6 : i32
    %dma_wait3A_166 = arith.constant 0 : i32
    %dma_wait3A_167 = arith.constant 0 : i32
    %dma_wait3A_168 = tpu.memref_slice %arg10[%dma_wait3A_164, %dma_wait3A_166, %dma_wait3A_167] : memref<4x160x48xf32, #tpu.memory_space<vmem>> -> memref<1x160x48xf32, #tpu.memory_space<vmem>>
    %dma_wait3A_169 = tpu.memref_squeeze %dma_wait3A_168 : memref<1x160x48xf32, #tpu.memory_space<vmem>> -> memref<160x48xf32, #tpu.memory_space<vmem>>
    %dma_wait3A_170 = arith.constant 0 : i32
    %dma_wait3A_171 = tpu.memref_slice %arg8[%dma_wait3A_165, %dma_wait3A_170] : memref<8x160xi32, #tpu.memory_space<vmem>> -> memref<1x160xi32, #tpu.memory_space<vmem>>
    %dma_wait3A_172 = tpu.memref_squeeze %dma_wait3A_171 : memref<1x160xi32, #tpu.memory_space<vmem>> -> memref<160xi32, #tpu.memory_space<vmem>>
    %dma_wait3A_173 = arith.constant 0 : i32
    %dma_wait3A_174 = arith.constant 0 : i32
    %dma_wait3A_175 = tpu.memref_slice %arg12[%dma_wait3A_173, %dma_wait3A_174] : memref<10240x48xf32, #tpu.memory_space<vmem_shared>> -> memref<10240x48xf32, #tpu.memory_space<vmem_shared>>
    tpu.wait_indirect_dma semaphore(%arg14 : memref<!tpu.dma_semaphore, #tpu.memory_space<semaphore_mem>>) src(%dma_wait3A_169 : memref<160x48xf32, #tpu.memory_space<vmem>>) dst(%dma_wait3A_175 : memref<10240x48xf32, #tpu.memory_space<vmem_shared>>)
    %barrier3A_176 = arith.constant 0 : index
    tpu.barrier barrier_id(%barrier3A_176)
    %add3A_177 = arith.constant 0 : i32
    %add3A_178 = arith.addi %mul3A_2, %add3A_177 : i32
    %add3A_179 = arith.constant 0 : i32
    %add3A_180 = arith.addi %mul3A_2, %add3A_179 : i32
    "tpu.region"() ({
      %run_scoped3A_193 = tpu.sem_alloc : memref<!tpu.dma_semaphore, #tpu.memory_space<semaphore_mem>>
      %dma_start3A_194 = arith.constant 0 : i32
      %dma_start3A_195 = tpu.memref_slice %arg6[%arg0, %add3A_180, %dma_start3A_194] : memref<2x10240x48xf32, #tpu.memory_space<hbm>> -> memref<1x160x48xf32, #tpu.memory_space<hbm>>
      %dma_start3A_196 = tpu.memref_squeeze %dma_start3A_195 : memref<1x160x48xf32, #tpu.memory_space<hbm>> -> memref<160x48xf32, #tpu.memory_space<hbm>>
      %dma_start3A_197 = arith.constant 0 : i32
      %dma_start3A_198 = tpu.memref_slice %arg12[%add3A_178, %dma_start3A_197] : memref<10240x48xf32, #tpu.memory_space<vmem_shared>> -> memref<160x48xf32, #tpu.memory_space<vmem_shared>>
      tpu.enqueue_dma source(%dma_start3A_198 : memref<160x48xf32, #tpu.memory_space<vmem_shared>>) target(%dma_start3A_196 : memref<160x48xf32, #tpu.memory_space<hbm>>) target_semaphore(%run_scoped3A_193 : memref<!tpu.dma_semaphore, #tpu.memory_space<semaphore_mem>>)
      %dma_wait3A_199 = arith.constant 0 : i32
      %dma_wait3A_200 = tpu.memref_slice %arg6[%arg0, %add3A_180, %dma_wait3A_199] : memref<2x10240x48xf32, #tpu.memory_space<hbm>> -> memref<1x160x48xf32, #tpu.memory_space<hbm>>
      %dma_wait3A_201 = tpu.memref_squeeze %dma_wait3A_200 : memref<1x160x48xf32, #tpu.memory_space<hbm>> -> memref<160x48xf32, #tpu.memory_space<hbm>>
      %dma_wait3A_202 = arith.constant 0 : i32
      %dma_wait3A_203 = tpu.memref_slice %arg12[%add3A_178, %dma_wait3A_202] : memref<10240x48xf32, #tpu.memory_space<vmem_shared>> -> memref<160x48xf32, #tpu.memory_space<vmem_shared>>
      tpu.wait_dma2 semaphore(%run_scoped3A_193 : memref<!tpu.dma_semaphore, #tpu.memory_space<semaphore_mem>>) src(%dma_wait3A_203 : memref<160x48xf32, #tpu.memory_space<vmem_shared>>) dst(%dma_wait3A_201 : memref<160x48xf32, #tpu.memory_space<hbm>>)
      tpu.yield
    }) : () -> ()
    %add3A_181 = arith.constant 160 : i32
    %add3A_182 = arith.addi %mul3A_2, %add3A_181 : i32
    %add3A_183 = arith.constant 160 : i32
    %add3A_184 = arith.addi %mul3A_2, %add3A_183 : i32
    "tpu.region"() ({
      %run_scoped3A_193 = tpu.sem_alloc : memref<!tpu.dma_semaphore, #tpu.memory_space<semaphore_mem>>
      %dma_start3A_194 = arith.constant 0 : i32
      %dma_start3A_195 = tpu.memref_slice %arg6[%arg0, %add3A_184, %dma_start3A_194] : memref<2x10240x48xf32, #tpu.memory_space<hbm>> -> memref<1x160x48xf32, #tpu.memory_space<hbm>>
      %dma_start3A_196 = tpu.memref_squeeze %dma_start3A_195 : memref<1x160x48xf32, #tpu.memory_space<hbm>> -> memref<160x48xf32, #tpu.memory_space<hbm>>
      %dma_start3A_197 = arith.constant 0 : i32
      %dma_start3A_198 = tpu.memref_slice %arg12[%add3A_182, %dma_start3A_197] : memref<10240x48xf32, #tpu.memory_space<vmem_shared>> -> memref<160x48xf32, #tpu.memory_space<vmem_shared>>
      tpu.enqueue_dma source(%dma_start3A_198 : memref<160x48xf32, #tpu.memory_space<vmem_shared>>) target(%dma_start3A_196 : memref<160x48xf32, #tpu.memory_space<hbm>>) target_semaphore(%run_scoped3A_193 : memref<!tpu.dma_semaphore, #tpu.memory_space<semaphore_mem>>)
      %dma_wait3A_199 = arith.constant 0 : i32
      %dma_wait3A_200 = tpu.memref_slice %arg6[%arg0, %add3A_184, %dma_wait3A_199] : memref<2x10240x48xf32, #tpu.memory_space<hbm>> -> memref<1x160x48xf32, #tpu.memory_space<hbm>>
      %dma_wait3A_201 = tpu.memref_squeeze %dma_wait3A_200 : memref<1x160x48xf32, #tpu.memory_space<hbm>> -> memref<160x48xf32, #tpu.memory_space<hbm>>
      %dma_wait3A_202 = arith.constant 0 : i32
      %dma_wait3A_203 = tpu.memref_slice %arg12[%add3A_182, %dma_wait3A_202] : memref<10240x48xf32, #tpu.memory_space<vmem_shared>> -> memref<160x48xf32, #tpu.memory_space<vmem_shared>>
      tpu.wait_dma2 semaphore(%run_scoped3A_193 : memref<!tpu.dma_semaphore, #tpu.memory_space<semaphore_mem>>) src(%dma_wait3A_203 : memref<160x48xf32, #tpu.memory_space<vmem_shared>>) dst(%dma_wait3A_201 : memref<160x48xf32, #tpu.memory_space<hbm>>)
      tpu.yield
    }) : () -> ()
    %add3A_185 = arith.constant 320 : i32
    %add3A_186 = arith.addi %mul3A_2, %add3A_185 : i32
    %add3A_187 = arith.constant 320 : i32
    %add3A_188 = arith.addi %mul3A_2, %add3A_187 : i32
    "tpu.region"() ({
      %run_scoped3A_193 = tpu.sem_alloc : memref<!tpu.dma_semaphore, #tpu.memory_space<semaphore_mem>>
      %dma_start3A_194 = arith.constant 0 : i32
      %dma_start3A_195 = tpu.memref_slice %arg6[%arg0, %add3A_188, %dma_start3A_194] : memref<2x10240x48xf32, #tpu.memory_space<hbm>> -> memref<1x160x48xf32, #tpu.memory_space<hbm>>
      %dma_start3A_196 = tpu.memref_squeeze %dma_start3A_195 : memref<1x160x48xf32, #tpu.memory_space<hbm>> -> memref<160x48xf32, #tpu.memory_space<hbm>>
      %dma_start3A_197 = arith.constant 0 : i32
      %dma_start3A_198 = tpu.memref_slice %arg12[%add3A_186, %dma_start3A_197] : memref<10240x48xf32, #tpu.memory_space<vmem_shared>> -> memref<160x48xf32, #tpu.memory_space<vmem_shared>>
      tpu.enqueue_dma source(%dma_start3A_198 : memref<160x48xf32, #tpu.memory_space<vmem_shared>>) target(%dma_start3A_196 : memref<160x48xf32, #tpu.memory_space<hbm>>) target_semaphore(%run_scoped3A_193 : memref<!tpu.dma_semaphore, #tpu.memory_space<semaphore_mem>>)
      %dma_wait3A_199 = arith.constant 0 : i32
      %dma_wait3A_200 = tpu.memref_slice %arg6[%arg0, %add3A_188, %dma_wait3A_199] : memref<2x10240x48xf32, #tpu.memory_space<hbm>> -> memref<1x160x48xf32, #tpu.memory_space<hbm>>
      %dma_wait3A_201 = tpu.memref_squeeze %dma_wait3A_200 : memref<1x160x48xf32, #tpu.memory_space<hbm>> -> memref<160x48xf32, #tpu.memory_space<hbm>>
      %dma_wait3A_202 = arith.constant 0 : i32
      %dma_wait3A_203 = tpu.memref_slice %arg12[%add3A_186, %dma_wait3A_202] : memref<10240x48xf32, #tpu.memory_space<vmem_shared>> -> memref<160x48xf32, #tpu.memory_space<vmem_shared>>
      tpu.wait_dma2 semaphore(%run_scoped3A_193 : memref<!tpu.dma_semaphore, #tpu.memory_space<semaphore_mem>>) src(%dma_wait3A_203 : memref<160x48xf32, #tpu.memory_space<vmem_shared>>) dst(%dma_wait3A_201 : memref<160x48xf32, #tpu.memory_space<hbm>>)
      tpu.yield
    }) : () -> ()
    %add3A_189 = arith.constant 480 : i32
    %add3A_190 = arith.addi %mul3A_2, %add3A_189 : i32
    %add3A_191 = arith.constant 480 : i32
    %add3A_192 = arith.addi %mul3A_2, %add3A_191 : i32
    "tpu.region"() ({
      %run_scoped3A_193 = tpu.sem_alloc : memref<!tpu.dma_semaphore, #tpu.memory_space<semaphore_mem>>
      %dma_start3A_194 = arith.constant 0 : i32
      %dma_start3A_195 = tpu.memref_slice %arg6[%arg0, %add3A_192, %dma_start3A_194] : memref<2x10240x48xf32, #tpu.memory_space<hbm>> -> memref<1x160x48xf32, #tpu.memory_space<hbm>>
      %dma_start3A_196 = tpu.memref_squeeze %dma_start3A_195 : memref<1x160x48xf32, #tpu.memory_space<hbm>> -> memref<160x48xf32, #tpu.memory_space<hbm>>
      %dma_start3A_197 = arith.constant 0 : i32
      %dma_start3A_198 = tpu.memref_slice %arg12[%add3A_190, %dma_start3A_197] : memref<10240x48xf32, #tpu.memory_space<vmem_shared>> -> memref<160x48xf32, #tpu.memory_space<vmem_shared>>
      tpu.enqueue_dma source(%dma_start3A_198 : memref<160x48xf32, #tpu.memory_space<vmem_shared>>) target(%dma_start3A_196 : memref<160x48xf32, #tpu.memory_space<hbm>>) target_semaphore(%run_scoped3A_193 : memref<!tpu.dma_semaphore, #tpu.memory_space<semaphore_mem>>)
      %dma_wait3A_199 = arith.constant 0 : i32
      %dma_wait3A_200 = tpu.memref_slice %arg6[%arg0, %add3A_192, %dma_wait3A_199] : memref<2x10240x48xf32, #tpu.memory_space<hbm>> -> memref<1x160x48xf32, #tpu.memory_space<hbm>>
      %dma_wait3A_201 = tpu.memref_squeeze %dma_wait3A_200 : memref<1x160x48xf32, #tpu.memory_space<hbm>> -> memref<160x48xf32, #tpu.memory_space<hbm>>
      %dma_wait3A_202 = arith.constant 0 : i32
      %dma_wait3A_203 = tpu.memref_slice %arg12[%add3A_190, %dma_wait3A_202] : memref<10240x48xf32, #tpu.memory_space<vmem_shared>> -> memref<160x48xf32, #tpu.memory_space<vmem_shared>>
      tpu.wait_dma2 semaphore(%run_scoped3A_193 : memref<!tpu.dma_semaphore, #tpu.memory_space<semaphore_mem>>) src(%dma_wait3A_203 : memref<160x48xf32, #tpu.memory_space<vmem_shared>>) dst(%dma_wait3A_201 : memref<160x48xf32, #tpu.memory_space<hbm>>)
      tpu.yield
    }) : () -> ()
    return
  }
}

module attributes {stable_mosaic.version = 14 : i64} {
  func.func @body(%arg0: i32, %arg1: i32, %arg2: memref<1280x128xf32, #tpu.memory_space<vmem>>, %arg3: memref<1x128x64xf32, #tpu.memory_space<vmem>>, %arg4: memref<1x1280x64xf32, #tpu.memory_space<vmem>>) attributes {dimension_semantics = [#tpu.dimension_semantics<arbitrary>, #tpu.dimension_semantics<arbitrary>], iteration_bounds = array<i64: 2, 8>, scalar_prefetch = 0 : i64, scratch_operands = 0 : i64, tpu.core_type = #tpu.core_type<tc>, window_params = [{transform_indices = @transform_0, window_bounds = array<i64: 1280, 128>}, {transform_indices = @transform_1, window_bounds = array<i64: 1, 128, 64>}, {transform_indices = @transform_2, window_bounds = array<i64: 1, 1280, 64>}]} {
    %get3A = arith.constant 0 : index
    %get3A_0 = arith.constant 0 : index
    %get3A_1 = vector.load %arg2[%get3A, %get3A_0] : memref<1280x128xf32, #tpu.memory_space<vmem>>, vector<1280x128xf32>
    %get3A_2 = arith.constant 0 : index
    %get3A_3 = arith.constant 0 : index
    %get3A_4 = arith.constant 0 : index
    %get3A_5 = vector.load %arg3[%get3A_2, %get3A_3, %get3A_4] : memref<1x128x64xf32, #tpu.memory_space<vmem>>, vector<1x128x64xf32>
    %get3A_6 = vector.shape_cast %get3A_5 : vector<1x128x64xf32> to vector<128x64xf32>
    %dot_general3A = arith.constant dense<0.000000e+00> : vector<1280x64xf32>
    %dot_general3A_7 = tpu.matmul %get3A_1, %get3A_6, %dot_general3A {dimension_numbers = #tpu.dot_dimension_numbers<[1], [0], [0], [1], [0, 0, 1, 1], [], []>, transpose_lhs_hint = false} : vector<1280x128xf32>, vector<128x64xf32>, vector<1280x64xf32> -> vector<1280x64xf32>
    %swap3A = arith.constant 0 : index
    %swap3A_8 = arith.constant 0 : index
    %swap3A_9 = arith.constant 0 : index
    %swap3A_10 = vector.load %arg4[%swap3A, %swap3A_8, %swap3A_9] : memref<1x1280x64xf32, #tpu.memory_space<vmem>>, vector<1x1280x64xf32>
    %swap3A_11 = vector.shape_cast %swap3A_10 : vector<1x1280x64xf32> to vector<1280x64xf32>
    %swap3A_12 = vector.shape_cast %dot_general3A_7 : vector<1280x64xf32> to vector<1x1280x64xf32>
    tpu.vector_store %arg4[%swap3A, %swap3A_8, %swap3A_9], %swap3A_12 {strides = array<i32>} : memref<1x1280x64xf32, #tpu.memory_space<vmem>>, vector<1x1280x64xf32>,
    return
  }
  func.func @transform_0(%arg0: i32, %arg1: i32) -> (i32, i32) {
    %c0_i32 = arith.constant 0 : i32
    %c0_i32_0 = arith.constant 0 : i32
    return %arg1, %c0_i32 : i32, i32
  }
  func.func @transform_1(%arg0: i32, %arg1: i32) -> (i32, i32, i32) {
    %c0_i32 = arith.constant 0 : i32
    %c0_i32_0 = arith.constant 0 : i32
    %c0_i32_1 = arith.constant 0 : i32
    return %arg0, %c0_i32, %c0_i32_0 : i32, i32, i32
  }
  func.func @transform_2(%arg0: i32, %arg1: i32) -> (i32, i32, i32) {
    %c0_i32 = arith.constant 0 : i32
    %c0_i32_0 = arith.constant 0 : i32
    return %arg0, %arg1, %c0_i32 : i32, i32, i32
  }
}

module attributes {stable_mosaic.version = 14 : i64} {
  func.func @body(%arg0: i32, %arg1: memref<2x1280x64xf32, #tpu.memory_space<vmem>>, %arg2: memref<1x128xf32, #tpu.memory_space<vmem>>, %arg3: memref<128x48xf32, #tpu.memory_space<vmem>>, %arg4: memref<1280x48xf32, #tpu.memory_space<vmem>>) attributes {dimension_semantics = [#tpu.dimension_semantics<arbitrary>], iteration_bounds = array<i64: 8>, scalar_prefetch = 0 : i64, scratch_operands = 0 : i64, tpu.core_type = #tpu.core_type<tc>, window_params = [{transform_indices = @transform_0, window_bounds = array<i64: 2, 1280, 64>}, {pipeline_mode = #tpu.pipeline_mode<synchronous>, transform_indices = @transform_1, window_bounds = array<i64: 1, 128>}, {pipeline_mode = #tpu.pipeline_mode<synchronous>, transform_indices = @transform_2, window_bounds = array<i64: 128, 48>}, {transform_indices = @transform_3, window_bounds = array<i64: 1280, 48>}]} {
    %get3A = arith.constant 0 : index
    %get3A_0 = arith.constant 0 : index
    %get3A_1 = arith.constant 0 : index
    %get3A_2 = vector.load %arg1[%get3A, %get3A_0, %get3A_1] : memref<2x1280x64xf32, #tpu.memory_space<vmem>>, vector<1x1280x64xf32>
    %get3A_3 = vector.shape_cast %get3A_2 : vector<1x1280x64xf32> to vector<1280x64xf32>
    %get3A_4 = arith.constant 1 : index
    %get3A_5 = arith.constant 0 : index
    %get3A_6 = arith.constant 0 : index
    %get3A_7 = vector.load %arg1[%get3A_4, %get3A_5, %get3A_6] : memref<2x1280x64xf32, #tpu.memory_space<vmem>>, vector<1x1280x64xf32>
    %get3A_8 = vector.shape_cast %get3A_7 : vector<1x1280x64xf32> to vector<1280x64xf32>
    %concatenate3A = tpu.concatenate %get3A_3, %get3A_8 in 1 : vector<1280x64xf32>, vector<1280x64xf32> -> vector<1280x128xf32>
    %get3A_9 = arith.constant 0 : index
    %get3A_10 = arith.constant 0 : index
    %get3A_11 = vector.load %arg2[%get3A_9, %get3A_10] : memref<1x128xf32, #tpu.memory_space<vmem>>, vector<1x128xf32>
    %add3A = vector.broadcast %get3A_11 : vector<1x128xf32> to vector<1280x128xf32>
    %add3A_12 = arith.addf %concatenate3A, %add3A : vector<1280x128xf32>
    %max3A = arith.constant 0.000000e+00 : f32
    %max3A_13 = vector.broadcast %max3A : f32 to vector<1280x128xf32>
    %max3A_14 = arith.maximumf %add3A_12, %max3A_13 : vector<1280x128xf32>
    %get3A_15 = arith.constant 0 : index
    %get3A_16 = arith.constant 0 : index
    %get3A_17 = vector.load %arg3[%get3A_15, %get3A_16] : memref<128x48xf32, #tpu.memory_space<vmem>>, vector<128x48xf32>
    %dot_general3A = arith.constant dense<0.000000e+00> : vector<1280x48xf32>
    %dot_general3A_18 = tpu.matmul %max3A_14, %get3A_17, %dot_general3A {dimension_numbers = #tpu.dot_dimension_numbers<[1], [0], [0], [1], [0, 0, 1, 1], [], []>, transpose_lhs_hint = false} : vector<1280x128xf32>, vector<128x48xf32>, vector<1280x48xf32> -> vector<1280x48xf32>
    %swap3A = arith.constant 0 : index
    %swap3A_19 = arith.constant 0 : index
    %swap3A_20 = vector.load %arg4[%swap3A, %swap3A_19] : memref<1280x48xf32, #tpu.memory_space<vmem>>, vector<1280x48xf32>
    tpu.vector_store %arg4[%swap3A, %swap3A_19], %dot_general3A_18 {strides = array<i32>} : memref<1280x48xf32, #tpu.memory_space<vmem>>, vector<1280x48xf32>,
    return
  }
  func.func @transform_0(%arg0: i32) -> (i32, i32, i32) {
    %c0_i32 = arith.constant 0 : i32
    %c0_i32_0 = arith.constant 0 : i32
    %c0_i32_1 = arith.constant 0 : i32
    return %c0_i32, %arg0, %c0_i32_0 : i32, i32, i32
  }
  func.func @transform_1(%arg0: i32) -> (i32, i32) {
    %c0_i32 = arith.constant 0 : i32
    %c0_i32_0 = arith.constant 0 : i32
    %c0_i32_1 = arith.constant 0 : i32
    return %c0_i32, %c0_i32_0 : i32, i32
  }
  func.func @transform_2(%arg0: i32) -> (i32, i32) {
    %c0_i32 = arith.constant 0 : i32
    %c0_i32_0 = arith.constant 0 : i32
    %c0_i32_1 = arith.constant 0 : i32
    return %c0_i32, %c0_i32_0 : i32, i32
  }
  func.func @transform_3(%arg0: i32) -> (i32, i32) {
    %c0_i32 = arith.constant 0 : i32
    %c0_i32_0 = arith.constant 0 : i32
    return %arg0, %c0_i32 : i32, i32
  }
}

module attributes {stable_mosaic.version = 14 : i64} {
  func.func @body(%arg0: i32, %arg1: memref<2x1280x48xf32, #tpu.memory_space<vmem>>, %arg2: memref<1x48xf32, #tpu.memory_space<vmem>>, %arg3: memref<1280x48xf32, #tpu.memory_space<vmem>>) attributes {dimension_semantics = [#tpu.dimension_semantics<arbitrary>], iteration_bounds = array<i64: 8>, scalar_prefetch = 0 : i64, scratch_operands = 0 : i64, tpu.core_type = #tpu.core_type<tc>, window_params = [{transform_indices = @transform_0, window_bounds = array<i64: 2, 1280, 48>}, {pipeline_mode = #tpu.pipeline_mode<synchronous>, transform_indices = @transform_1, window_bounds = array<i64: 1, 48>}, {transform_indices = @transform_2, window_bounds = array<i64: 1280, 48>}]} {
    %get3A = arith.constant 0 : index
    %get3A_0 = arith.constant 0 : index
    %get3A_1 = arith.constant 0 : index
    %get3A_2 = vector.load %arg1[%get3A, %get3A_0, %get3A_1] : memref<2x1280x48xf32, #tpu.memory_space<vmem>>, vector<1x1280x48xf32>
    %get3A_3 = vector.shape_cast %get3A_2 : vector<1x1280x48xf32> to vector<1280x48xf32>
    %get3A_4 = arith.constant 1 : index
    %get3A_5 = arith.constant 0 : index
    %get3A_6 = arith.constant 0 : index
    %get3A_7 = vector.load %arg1[%get3A_4, %get3A_5, %get3A_6] : memref<2x1280x48xf32, #tpu.memory_space<vmem>>, vector<1x1280x48xf32>
    %get3A_8 = vector.shape_cast %get3A_7 : vector<1x1280x48xf32> to vector<1280x48xf32>
    %add3A = arith.addf %get3A_3, %get3A_8 : vector<1280x48xf32>
    %get3A_9 = arith.constant 0 : index
    %get3A_10 = arith.constant 0 : index
    %get3A_11 = vector.load %arg2[%get3A_9, %get3A_10] : memref<1x48xf32, #tpu.memory_space<vmem>>, vector<1x48xf32>
    %add3A_12 = vector.broadcast %get3A_11 : vector<1x48xf32> to vector<1280x48xf32>
    %add3A_13 = arith.addf %add3A, %add3A_12 : vector<1280x48xf32>
    %reduce_max3A = arith.constant dense<0xFF800000> : vector<1280xf32>
    %reduce_max3A_14 = vector.multi_reduction <maximumf>, %add3A_13, %reduce_max3A [1] : vector<1280x48xf32> to vector<1280xf32>
    %broadcast_in_dim3A = vector.shape_cast %reduce_max3A_14 : vector<1280xf32> to vector<1280x1xf32>
    %sub3A = vector.broadcast %broadcast_in_dim3A : vector<1280x1xf32> to vector<1280x48xf32>
    %sub3A_15 = arith.subf %add3A_13, %sub3A : vector<1280x48xf32>
    %exp3A = math.exp %sub3A_15 : vector<1280x48xf32>
    %sub3A_16 = vector.broadcast %broadcast_in_dim3A : vector<1280x1xf32> to vector<1280x48xf32>
    %sub3A_17 = arith.subf %add3A_13, %sub3A_16 : vector<1280x48xf32>
    %reduce_sum3A = arith.constant dense<0.000000e+00> : vector<1280xf32>
    %reduce_sum3A_18 = vector.multi_reduction <add>, %exp3A, %reduce_sum3A [1] : vector<1280x48xf32> to vector<1280xf32>
    %broadcast_in_dim3A_19 = vector.shape_cast %reduce_sum3A_18 : vector<1280xf32> to vector<1280x1xf32>
    %log3A = math.log %broadcast_in_dim3A_19 : vector<1280x1xf32>
    %sub3A_20 = vector.broadcast %log3A : vector<1280x1xf32> to vector<1280x48xf32>
    %sub3A_21 = arith.subf %sub3A_17, %sub3A_20 : vector<1280x48xf32>
    %swap3A = arith.constant 0 : index
    %swap3A_22 = arith.constant 0 : index
    %swap3A_23 = vector.load %arg3[%swap3A, %swap3A_22] : memref<1280x48xf32, #tpu.memory_space<vmem>>, vector<1280x48xf32>
    tpu.vector_store %arg3[%swap3A, %swap3A_22], %sub3A_21 {strides = array<i32>} : memref<1280x48xf32, #tpu.memory_space<vmem>>, vector<1280x48xf32>,
    return
  }
  func.func @transform_0(%arg0: i32) -> (i32, i32, i32) {
    %c0_i32 = arith.constant 0 : i32
    %c0_i32_0 = arith.constant 0 : i32
    %c0_i32_1 = arith.constant 0 : i32
    return %c0_i32, %arg0, %c0_i32_0 : i32, i32, i32
  }
  func.func @transform_1(%arg0: i32) -> (i32, i32) {
    %c0_i32 = arith.constant 0 : i32
    %c0_i32_0 = arith.constant 0 : i32
    %c0_i32_1 = arith.constant 0 : i32
    return %c0_i32, %c0_i32_0 : i32, i32
  }
  func.func @transform_2(%arg0: i32) -> (i32, i32) {
    %c0_i32 = arith.constant 0 : i32
    %c0_i32_0 = arith.constant 0 : i32
    return %arg0, %c0_i32 : i32, i32
  }
}

</mosaic_0001>

<sc_bundles>
// kernel: kernel.10.cloned.1.call-start
scs
__scs_entry_jumppad:
0x0: {  	(pc) =	sbr.rel $0x88, $3  }
0x1: {  	(tag) =	ssettag $0x0;
	lr =	simm.s32 $0x1  }
0x2: {  	[smem:$0x3F9A] =	sst lr;
	_ =	strace $0xD0000000  }
0x3: {  	_ = 	snop  }
0x4: {  	_ = 	snop  }
0x5: {  	_ = 	snop  }
0x6: {  	_ = 	snop  }
0x7: {  	_ = 	snop  }
__scs_overlays_trampoline_lowered:
0x8: {  	[smem:$0x3FA9] =	sst s0  }
0x9: {  	[smem:$0x3FAA] =	sst s1  }
0xa: {  	[smem:$0x3FAB] =	sst s2  }
0xb: {  	[smem:$0x3FAC] =	sst s3  }
0xc: {  	[smem:$0x3FAD] =	sst s4  }
0xd: {  	[smem:$0x3FAE] =	sst s5  }
0xe: {  	[smem:$0x3FAF] =	sst s6  }
0xf: {  	[smem:$0x3FB0] =	sst s7  }
0x10: {  	[smem:$0x3FB1] =	sst s8  }
0x11: {  	[smem:$0x3FB2] =	sst s9;
	s0 =	simm.s32 @!p0 $0x0  }
0x12: {  	s1 =	sld [smem:$0x3F98];
	s0 =	simm.s32 @p0 $0x1  }
0x13: {  	[smem:$0x3FB3] =	sst s0;
	s0 =	simm.s32 @!p1 $0x0  }
0x14: {  	s2 =	sld [smem:$0x3F97];
	s0 =	simm.s32 @p1 $0x1  }
0x15: {  	[smem:$0x3FB4] =	sst s0;
	s0 =	simm.s32 @!p2 $0x0  }
0x16: {  	s3 =	sld [smem:$0x3FDB];
	s0 =	simm.s32 @p2 $0x1  }
0x17: {  	s4 =	simm.s32 $0x1BF5;
	[smem:$0x3FB6] =	sst s0  }
0x18: {  	s0 =	sld [smem:$0x3F99];
	_ =	swait.ge [sflag:s4], $0x0  }
0x19: {  	s7 =	sld [smem:$0x3F9A]  }
0x1a: {  	s8 =	sadd.s32 $0xFFFFE003, lr  }
0x1b: {  	s9 =	sadd.s32 $0xFFFFFEF7, lr;
	s5 =	simm.s32 $0xFFFFFFFF;
	p2 =	slt.u32 s8, $0xFFFFF086  }
0x1c: {  	p1 =	slt.u32 s9, $0xF7A;
	s5 =	simm.s32 @!p2 $0x0  }
0x1d: {  	s5 =	simm.s32 @p1 $0x1;
	p0 =	seq.s32 s7, s2  }
0x1e: {  	s7 =	smul.u32 @!p0 $0xF7A, s2;
	p2 =	seq.s32 @!p0 s5, $0x0  }
0x1f: {  	s9 =	smul.u32 $0xF7A, s1;
	s8 =	simm.s32 @!p0 $0x1BF5;
	p2 =	por !p2, p0  }
0x20: {  	[sflag:s8] =	ssyncset.s32 @!p0 $0xFFFFF086;
	s6 =	sadd.s32 @!p0 s3, s7;
	s7 =	simm.s32 @!p0 $0x108  }
0x21: {  	s3 =	sadd.s32 s3, s9;
	s6 =	sadd.s32 @!p0 $0x88, s6;
	s7 =	simm.s32 @p2 $0x1082  }
0x22: {  	[simem:s7], [sflag:s8] =	dma.local @!p0 [hbm:s6], $0xF7A  }
0x23: {  	s9 =	sor.u32 $0xD0000000, s2;
	s6 =	simm.s32 $0x108;
	_ =	swait.ge @!p0 [sflag:s8], $0x0  }
0x24: {  	s3 =	sadd.s32 $0x88, s3;
	s6 =	simm.s32 @!p1 $0x1082;
	[sflag:s4] =	ssyncset.s32 $0xFFFFF086  }
0x25: {  	[simem:s6], [sflag:s4] =	dma.local [hbm:s3], $0xF7A  }
0x26: {  	[smem:$0x3F9A] =	sst s1;
	(tag) =	ssettag s2;
	_ =	strace s9  }
0x27: {  	s1 =	sld [smem:$0x3FAA]  }
0x28: {  	s2 =	sld [smem:$0x3FAB]  }
0x29: {  	s4 =	sld [smem:$0x3FAD]  }
0x2a: {  	p0 =	seq.s32 s5, $0x0;
	s5 =	sld [smem:$0x3FAE]  }
0x2b: {  	s6 =	sld [smem:$0x3FAF]  }
0x2c: {  	s7 =	sld [smem:$0x3FB0]  }
0x2d: {  	s3 =	simm.s32 $0x108;
	s8 =	sld [smem:$0x3FB1]  }
0x2e: {  	s3 =	simm.s32 @!p0 $0x1082;
	s9 =	sld [smem:$0x3FB2]  }
0x2f: {  	lr =	sadd.s32 s0, s3;
	s0 =	sld [smem:$0x3FA9]  }
0x30: {  	s3 =	sld [smem:$0x3FAC]  }
0x31: {  	[smem:$0x3FB5] =	sst s10  }
0x32: {  	s10 =	sld [smem:$0x3FB3];
	_ =	sdelay $0x3  }
0x33: {  	p0 =	seq.s32 s10, $0x1;
	s10 =	sld [smem:$0x3FB5];
	_ =	sdelay $0x3  }
0x34: {  	[smem:$0x3FB5] =	sst s10  }
0x35: {  	s10 =	sld [smem:$0x3FB4];
	_ =	sdelay $0x3  }
0x36: {  	p1 =	seq.s32 s10, $0x1;
	s10 =	sld [smem:$0x3FB5];
	_ =	sdelay $0x3  }
0x37: {  	[smem:$0x3FB5] =	sst s10  }
0x38: {  	s10 =	sld [smem:$0x3FB6]  }
0x39: {  	_ = 	snop;
	(pc) =	sbr.ind lr, $3  }
0x3a: {  	_ = 	snop  }
0x3b: {  	_ = 	snop  }
0x3c: {  	p2 =	seq.s32 s10, $0x1;
	s10 =	sld [smem:$0x3FB5]  }
0x3d: {  	_ =	shalt  }
0x3e: {  	_ =	shalt  }
0x3f: {  	_ =	shalt  }
0x40: {  	_ =	shalt  }
0x41: {  	_ =	shalt  }
0x42: {  	_ =	shalt  }
0x43: {  	_ =	shalt  }
0x44: {  	_ =	shalt  }
0x45: {  	_ =	shalt  }
0x46: {  	_ =	shalt  }
0x47: {  	_ =	shalt  }
0x48: {  	_ =	shalt  }
0x49: {  	_ =	shalt  }
0x4a: {  	_ =	shalt  }
0x4b: {  	_ =	shalt  }
0x4c: {  	_ =	shalt  }
0x4d: {  	_ =	shalt  }
0x4e: {  	_ =	shalt  }
0x4f: {  	_ =	shalt  }
0x50: {  	_ =	shalt  }
0x51: {  	_ =	shalt  }
0x52: {  	_ =	shalt  }
0x53: {  	_ =	shalt  }
0x54: {  	_ =	shalt  }
0x55: {  	_ =	shalt  }
0x56: {  	_ =	shalt  }
0x57: {  	_ =	shalt  }
0x58: {  	_ =	shalt  }
0x59: {  	_ =	shalt  }
0x5a: {  	_ =	shalt  }
0x5b: {  	_ =	shalt  }
0x5c: {  	_ =	shalt  }
0x5d: {  	_ =	shalt  }
0x5e: {  	_ =	shalt  }
0x5f: {  	_ =	shalt  }
0x60: {  	_ =	shalt  }
0x61: {  	_ =	shalt  }
0x62: {  	_ =	shalt  }
0x63: {  	_ =	shalt  }
0x64: {  	_ =	shalt  }
0x65: {  	_ =	shalt  }
0x66: {  	_ =	shalt  }
0x67: {  	_ =	shalt  }
0x68: {  	_ =	shalt  }
0x69: {  	_ =	shalt  }
0x6a: {  	_ =	shalt  }
0x6b: {  	_ =	shalt  }
0x6c: {  	_ =	shalt  }
0x6d: {  	_ =	shalt  }
0x6e: {  	_ =	shalt  }
0x6f: {  	_ =	shalt  }
0x70: {  	_ =	shalt  }
0x71: {  	_ =	shalt  }
0x72: {  	_ =	shalt  }
0x73: {  	_ =	shalt  }
0x74: {  	_ =	shalt  }
0x75: {  	_ =	shalt  }
0x76: {  	_ =	shalt  }
0x77: {  	_ =	shalt  }
0x78: {  	_ =	shalt  }
0x79: {  	_ =	shalt  }
0x7a: {  	_ =	shalt  }
0x7b: {  	_ =	shalt  }
0x7c: {  	_ =	shalt  }
0x7d: {  	_ =	shalt  }
0x7e: {  	_ =	shalt  }
0x7f: {  	_ =	shalt  }
0x80: {  	_ =	shalt  }
0x81: {  	_ =	shalt  }
0x82: {  	_ =	shalt  }
0x83: {  	_ =	shalt  }
0x84: {  	_ =	shalt  }
0x85: {  	_ =	shalt  }
0x86: {  	_ =	shalt  }
0x87: {  	_ =	shalt  }
.Lfunc_end0:
.L_simem_size_0:
called_computation.1_lowered:
.L_overlay_start_0:
0x88: {  	s2 =	sld [smem:$0x3FD9]  }
0x89: {  	s3 =	sld [smem:$0x3FFE];
	_ =	sdelay $0x1  }
0x8a: {  	s1 =	srdreg.scid  }
0x8b: {  	s0 =	sand.u32 $0x1, s1  }
0x8c: {  	s17 =	sshll.u32 s0, $0xA;
	s2 =	sadd.s32 s3, s2  }
0x8d: {  	s2 =	sadd.s32 s2, s17  }
0x8e: {  	[smem:$0x3FC1] =	sst s2  }
0x8f: {  	_ = 	snop  }
0x90: {  	s2 =	sld [smem:$0x3FD0];
	(tm) =	ssettm $0x1  }
0x91: {  	s18 =	sld [smem:$0x3FFB];
	_ =	sdelay $0x3  }
0x92: {  	_ =	strace s18  }
0x93: {  	s3 =	sld [smem:$0x3FFC];
	_ =	sdelay $0x3  }
0x94: {  	_ =	strace s3  }
0x95: {  	s3 =	sld [smem:$0x3FFD];
	_ =	sdelay $0x3  }
0x96: {  	_ =	strace s3  }
0x97: {  	_ =	strace $0x8FFFFFFF  }
0x98: {  	s19 =	sld [smem:$0x3FDB];
	_ =	sdelay $0x1  }
0x99: {  	s4 =	simm.s32 $_scs_section_size  }
0x9a: {  	s5 =	simm.s32 $_size__tile_overlayer_lowered;
	s6 =	simm.s32 $_tile_overlayer_lowered  }
0x9b: {  	s22 =	simm.s32 $0x1BFF;
	s21 =	sshll.u32 s6, $0x1;
	s3 =	sadd.s32 s4, s19  }
0x9c: {  	s7 =	simm.s32 $0x0;
	s20 =	sshll.u32 s5, $0x1;
	s5 =	sadd.s32 s21, s3  }
0x9d: {  	[timem:s7], [sflag:s22] =	dma.local [hbm:s5], s20  }
0x9e: {  	_ =	swait.ge [sflag:s22], s20  }
0x9f: {  	s4 =	ssub.s32 $0x0, s20;
	[sflag:s22] =	ssyncset.done $0x0  }
0xa0: {  	[sflag:s22] =	ssyncadd.s32 s4;
	_ =	sdelay $0x1  }
0xa1: {  	s23 =	simm.s32 $0x1B8B  }
0xa2: {  	_ =	swait.ge [sflag:s23], $0x1  }
0xa3: {  	[sflag:s23] =	ssyncset.done $0x0  }
0xa4: {  	s25 =	simm.s32 $0x1B8E;
	s24 =	sld [smem:$0x3FFE];
	[sflag:s23] =	ssyncadd.s32 $0xFFFFFFFF  }
0xa5: {  	s26 =	simm.s32 $execute0_lowered;
	[smem:$0x3FD2] =	sst s25  }
0xa6: {  	s5 =	sshll.u32 s26, $0x1;
	_ =	strace $0x80000049;
	[dreg:$0x1] =	wrdreg $0xFFFFFFFF  }
0xa7: {  	s28 =	simm.s32 $_size_execute0_lowered;
	s3 =	sadd.s32 s3, s5;
	[dreg:$0x0] =	wrdreg $0x0  }
0xa8: {  	s5 =	sshll.u32 s28, $0x1;
	[dreg:$0x2] =	wrdreg s3  }
0xa9: {  	[dreg:$0x3] =	wrdreg s5  }
0xaa: {  	[dreg:$0x4] =	wrdreg $0xC0  }
0xab: {  	_ =	task [dreg:s7], $0x5FFFF  }
0xac: {  	[dreg:$0x1] =	wrdreg $0xFFFFFFFF  }
0xad: {  	[dreg:$0x0] =	wrdreg $0x60  }
0xae: {  	[dreg:$0x2] =	wrdreg s24  }
0xaf: {  	[dreg:$0x3] =	wrdreg s2  }
0xb0: {  	[dreg:$0x4] =	wrdreg $0x87000  }
0xb1: {  	[dreg:$0x5] =	wrdreg $0xFF000  }
0xb2: {  	[dreg:$0x6] =	wrdreg $0x9  }
0xb3: {  	_ =	task.clear_ibuf [dreg:s7], $0x7FFFF;
	_ =	strace $0x90000049  }
0xb4: {  	s29 =	simm.s32 $0x9;
	_ =	strace $0x8000004B  }
0xb5: {  	_ =	swait.ge [sflag:s29], $0x1  }
0xb6: {  	[sflag:s29] =	ssyncadd.s32 $0xFFFFFFFF  }
0xb7: {  	_ =	strace $0x9000004B  }
0xb8: {  	_ =	sfence  }
0xb9: {  	s30 =	sld [smem:$0x0];
	_ =	sdelay $0x2  }
0xba: {  	s31 =	sshll.u32 s1, $0xD;
	s1 =	sshrl.u32 s1, $0x2  }
0xbb: {  	s3 =	sand.u32 $0x4000, s31;
	s1 =	sadd.s32 s1, s30  }
0xbc: {  	s0 =	sor.u32 s3, s0;
	s1 =	sshll.u32 s1, $0x11  }
0xbd: {  	s0 =	sor.u32 s1, s0  }
0xbe: {  	s0 =	sadd.s32 $0x8F2B, s0  }
0xbf: {  	[sflag:s0] =	ssyncadd.remote.s32 $0x1  }
0xc0: {  	_ =	sfence.sel $0xFFFF  }
0xc1: {  	[dreg:$0x0] =	wrdreg $0xFFFFFFFF;
	(pc) =	sbr.abs _section_cstart, $3  }
0xc2: {  	[dreg:$0x1] =	wrdreg $0xFFFFFFFF  }
0xc3: {  	_ =	task.clear_ibuf [dreg:s7], $0x2FFFF;
	_ =	strace $0x9FFFFFFF  }
0xc4: {  	(tm) =	ssettm $0x7FFFFFFF  }
0xc5: {  	_ =	shalt  }
tec
execute0_lowered:
.L_overlay_start_1:
0x0: {  	(tag) =	ssettag $0x1  }
0x1: {  	s0 =	rddreg [dreg:$0x0]  }
0x2: {  	s2 =	rddreg [dreg:$0x1]  }
0x3: {  	s3 =	rddreg [dreg:$0x2]  }
0x4: {  	s4 =	rddreg [dreg:$0x3]  }
0x5: {  	s19 =	stileid.u32;
	s6 =	srdreg.scid;
	s5 =	simm.s32 $0x0  }
0x6: {  	s31 =	simm.s32 $0x4;
	s1 =	smul.u32 $0x7800, s19;
	s9 =	sand.u32 $0x1, s6  }
0x7: {  	s17 =	sshll.u32 s19, $0x1;
	[smem:$0x7FF] =	sst s5;
	s8 =	sadd.s32 $0x6EA00, s0  }
0x8: {  	s6 =	sor.u32 s9, s17;
	s11 =	ssub.s32 $0x2, s9;
	s9 =	smul.u32 $0x78000, s9  }
0x9: {  	_ =	strace $0x8000004A;
	s7 =	sshrl.u32 s1, $0x3;
	s6 =	smul.u32 $0x2760, s6  }
0xa: {  	s12 =	sshrl.u32 s11, $0x1;
	s16 =	sadd.s32 $0x3C00, s1;
	s17 =	sadd.s32 $0x5A00, s1  }
0xb: {  	s10 =	sadd.s32 s7, s0;
	s7 =	sadd.s32 $0x64C00, s0;
	s0 =	sadd.s32 $0x10000, s0  }
0xc: {  	s11 =	ssub.s32 s11, s12;
	s15 =	sadd.s32 s1, s9;
	s28 =	sadd.s32 s17, s4  }
0xd: {  	s12 =	simm.s32 $0x0;
	s13 =	sshrl.u32 s6, $0x3;
	s15 =	sshrl.u32 s15, $0x3  }
0xe: {  	s29 =	smax.u32 s11, $0x1;
	s11 =	simm.s32 $0x2;
	s18 =	sadd.s32 s2, s13  }
0xf: {  	s20 =	sadd.s32 s7, s13;
	s21 =	sadd.s32 s8, s13;
	[dreg:$0x5] =	wrdreg s18  }
0x10: {  	s22 =	sadd.s32 $0x14, s13;
	s15 =	sadd.s32 s0, s15;
	[dreg:$0x6] =	wrdreg s20  }
0x11: {  	s26 =	sadd.s32 $0x28, s13;
	[dreg:$0x7] =	wrdreg s21;
	s14 =	sadd.s32 s2, s22  }
0x12: {  	[dreg:$0x9] =	wrdreg s15;
	s18 =	sadd.s32 s9, s16;
	s25 =	sadd.s32 s7, s22  }
0x13: {  	s13 =	sadd.s32 s8, s22;
	s20 =	sadd.s32 $0x1000, s10;
	[dreg:$0x8] =	wrdreg s14  }
0x14: {  	s21 =	sshll.u32 s19, $0x6;
	s22 =	sadd.s32 s1, s3;
	[dreg:$0xd] =	wrdreg s25  }
0x15: {  	s10 =	simm.s32 $0x1;
	s14 =	sadd.s32 $0x1E00, s1;
	[dreg:$0xe] =	wrdreg s13  }
0x16: {  	s18 =	sshrl.u32 s18, $0x3;
	[dreg:$0x12] =	wrdreg s20;
	s30 =	sshrl.u32 s22, $0x3  }
0x17: {  	s23 =	sadd.s32 s9, s14;
	s9 =	sadd.s32 s9, s17;
	s24 =	sadd.s32 s0, s18  }
0x18: {  	s18 =	sadd.s32 s7, s26;
	s25 =	sadd.s32 s14, s4;
	[dreg:$0xb] =	wrdreg s24  }
0x19: {  	s15 =	sshrl.u32 s23, $0x3;
	s9 =	sshrl.u32 s9, $0x3;
	[dreg:$0x10] =	wrdreg s18  }
.Ltmp0:
0x1a: {  	s23 =	sor.u32 $0x1C04, s21;
	s15 =	sadd.s32 s0, s15;
	(pc) =	sbr.rel .LBB2_1-.Ltmp0, $4  }
0x1b: {  	s24 =	sadd.s32 s1, s4;
	s0 =	sadd.s32 s0, s9;
	[dreg:$0xa] =	wrdreg s15  }
0x1c: {  	s1 =	simm.s32 $0xA0;
	[dreg:$0xc] =	wrdreg s0;
	s15 =	sadd.s32 s2, s26  }
0x1d: {  	v1 =	vimm.s32 $0x0;
	vm0 =	vcmask $0x300;
	s9 =	simm.s32 $0xF00;
	s0 =	sadd.s32 s8, s26;
	[dreg:$0xf] =	wrdreg s15  }
0x1e: {  	v0 =	vimm.f32 $0.0e+00;
	v1 =	vsel vm0, $0x3, v1;
	s26 =	sadd.s32 s16, s4;
	[dreg:$0x11] =	wrdreg s0;
	s0 =	simm.s32 $0xA00  }
.LBB2_9:
0x1f: {  	_ =	swait.ge [sflag:s11], $0x1E00  }
0x20: {  	[sflag:s11] =	ssyncset.done $0x0  }
0x21: {  	[sflag:s11] =	ssyncadd.s32 $0xFFFFE200  }
0x22: {  	_ =	swait.ge [sflag:s11], $0x1E00  }
0x23: {  	[sflag:s11] =	ssyncset.done $0x0  }
0x24: {  	[sflag:s11] =	ssyncadd.s32 $0xFFFFE200  }
0x25: {  	[bflag:$0x0] =	sbarrier.arrive $0xFFFF  }
0x26: {  	s13 =	sshrl.u32 s24, $0x3;
	s14 =	rddreg [dreg:$0x9]  }
0x27: {  	[hbm:s14], [sflag:s23] =	dma.local [spmem:s13], $0x3C0  }
0x28: {  	_ =	swait.ge [sflag:s31], $0x3C0  }
0x29: {  	[sflag:s31] =	ssyncset.done $0x0  }
0x2a: {  	s17 =	sshrl.u32 s25, $0x3;
	s18 =	rddreg [dreg:$0xa];
	[sflag:s31] =	ssyncadd.s32 $0xFFFFFC40  }
0x2b: {  	[hbm:s18], [sflag:s23] =	dma.local [spmem:s17], $0x3C0  }
0x2c: {  	_ =	swait.ge [sflag:s31], $0x3C0  }
0x2d: {  	[sflag:s31] =	ssyncset.done $0x0  }
0x2e: {  	s19 =	sshrl.u32 s26, $0x3;
	s20 =	rddreg [dreg:$0xb];
	[sflag:s31] =	ssyncadd.s32 $0xFFFFFC40  }
0x2f: {  	[hbm:s20], [sflag:s23] =	dma.local [spmem:s19], $0x3C0  }
0x30: {  	s12 =	sadd.s32 $0x1, s12;
	_ =	swait.ge [sflag:s31], $0x3C0  }
0x31: {  	s21 =	sshrl.u32 s28, $0x3;
	p0 =	sne.s32 s12, s29;
	[sflag:s31] =	ssyncset.done $0x0  }
.Ltmp1:
0x32: {  	s22 =	rddreg [dreg:$0xc];
	[sflag:s31] =	ssyncadd.s32 $0xFFFFFC40;
	(pc) =	sbr.rel @!p0 .LBB2_10-.Ltmp1, $4  }
0x33: {  	[hbm:s22], [sflag:s23] =	dma.local [spmem:s21], $0x3C0  }
0x34: {  	_ =	swait.ge [sflag:s31], $0x3C0  }
0x35: {  	[sflag:s31] =	ssyncset.done $0x0  }
0x36: {  	[sflag:s31] =	ssyncadd.s32 $0xFFFFFC40  }
.LBB2_1:
0x37: {  	s13 =	rddreg [dreg:$0x5]  }
0x38: {  	s18 =	rddreg [dreg:$0x6]  }
0x39: {  	[tilespmem:s5], [sflag:$0x3] =	stream.linear.gather [hbm4b:s13+s5], $0xA0, $0x38;
	[tilespmem:$0x17700] =	vst v63  }
0x3a: {  	s14 =	simm.s32 $0x500;
	s19 =	rddreg [dreg:$0x7]  }
0x3b: {  	[tilespmem:s14], [sflag:$0x3] =	stream.linear.gather [hbm4b:s18+s5], $0xA0, $0x38;
	[tilespmem:$0x17700] =	vst v63  }
0x3c: {  	s20 =	rddreg [dreg:$0x8]  }
0x3d: {  	[tilespmem:s0], [sflag:$0x3] =	stream.linear.gather [hbm4b:s19+s5], $0xA0, $0x38;
	[tilespmem:$0x17700] =	vst v63  }
0x3e: {  	s21 =	rddreg [dreg:$0xd]  }
0x3f: {  	[tilespmem:s1], [sflag:$0x3] =	stream.linear.gather [hbm4b:s20+s5], $0xA0, $0x38;
	[tilespmem:$0x17700] =	vst v63  }
0x40: {  	s22 =	simm.s32 $0x5A0;
	s16 =	rddreg [dreg:$0xf]  }
0x41: {  	[tilespmem:s22], [sflag:$0x3] =	stream.linear.gather [hbm4b:s21+s5], $0xA0, $0x38;
	[tilespmem:$0x17700] =	vst v63  }
0x42: {  	s15 =	simm.s32 $0xAA0;
	s14 =	rddreg [dreg:$0xe]  }
0x43: {  	[tilespmem:s15], [sflag:$0x3] =	stream.linear.gather [hbm4b:s14+s5], $0xA0, $0x38;
	[tilespmem:$0x17700] =	vst v63  }
0x44: {  	s17 =	simm.s32 $0x140;
	s18 =	rddreg [dreg:$0x10]  }
0x45: {  	[tilespmem:s17], [sflag:$0x3] =	stream.linear.gather [hbm4b:s16+s5], $0xA0, $0x38;
	[tilespmem:$0x17700] =	vst v63  }
0x46: {  	s19 =	simm.s32 $0x640;
	s20 =	rddreg [dreg:$0x11]  }
0x47: {  	[tilespmem:s19], [sflag:$0x3] =	stream.linear.gather [hbm4b:s18+s5], $0xA0, $0x38;
	[tilespmem:$0x17700] =	vst v63  }
0x48: {  	s21 =	simm.s32 $0xB40;
	s22 =	rddreg [dreg:$0x12]  }
0x49: {  	[tilespmem:s21], [sflag:$0x3] =	stream.linear.gather [hbm4b:s20+s5], $0xA0, $0x38;
	[tilespmem:$0x17700] =	vst v63  }
0x4a: {  	[spmem:s30], [sflag:s23] =	dma.local [hbm:s22], $0xF00  }
0x4b: {  	_ =	swait.ge [sflag:s31], $0xF00  }
0x4c: {  	[sflag:s31] =	ssyncset.done $0x0  }
0x4d: {  	s13 =	simm.s32 $0xC0;
	s14 =	simm.s32 $0x0;
	[sflag:s31] =	ssyncadd.s32 $0xFFFFF100  }
.LBB2_2:
0x4e: {  	p0 =	sne.s32 s13, $0x7740;
	[tilespmem:s14+$0xF20] =	vst v0;
	s15 =	smov.u32 s13;
	s13 =	sadd.s32 $0xC0, s13  }
.Ltmp2:
0x4f: {  	[tilespmem:s14+$0xF00] =	vst v0;
	(pc) =	sbr.rel @p0 .LBB2_2-.Ltmp2, $2  }
0x50: {  	[tilespmem:s14+$0xF10] =	vst v0;
	_ =	sdelay $0x2  }
0x51: {  	s14 =	sshra.s32 s15, $0x2  }
0x52: {  	[tilespmem:s14+$0xF20] =	vst v0  }
0x53: {  	[tilespmem:s14+$0xF00] =	vst v0  }
0x54: {  	[tilespmem:s14+$0xF10] =	vst v0  }
0x55: {  	[spmem:s24] =	stream.linear.scatter [tilespmem:s9], [sflag:$0x4], $0x1E00, $0x38;
	[tilespmem:$0x17700] =	vst v63  }
0x56: {  	_ =	swait.ge [sflag:s31], $0x1E00  }
0x57: {  	[sflag:s31] =	ssyncset.done $0x0  }
0x58: {  	[sflag:s31] =	ssyncadd.s32 $0xFFFFE200  }
0x59: {  	[spmem:s25] =	stream.linear.scatter [tilespmem:s9], [sflag:$0x4], $0x1E00, $0x38;
	[tilespmem:$0x17700] =	vst v63  }
0x5a: {  	_ =	swait.ge [sflag:s31], $0x1E00  }
0x5b: {  	[sflag:s31] =	ssyncset.done $0x0  }
0x5c: {  	[sflag:s31] =	ssyncadd.s32 $0xFFFFE200  }
0x5d: {  	[spmem:s26] =	stream.linear.scatter [tilespmem:s9], [sflag:$0x4], $0x1E00, $0x38;
	[tilespmem:$0x17700] =	vst v63  }
0x5e: {  	_ =	swait.ge [sflag:s31], $0x1E00  }
0x5f: {  	[sflag:s31] =	ssyncset.done $0x0  }
0x60: {  	[sflag:s31] =	ssyncadd.s32 $0xFFFFE200  }
0x61: {  	[spmem:s28] =	stream.linear.scatter [tilespmem:s9], [sflag:$0x4], $0x1E00, $0x38;
	[tilespmem:$0x17700] =	vst v63  }
.Ltmp3:
0x62: {  	_ =	swait.ge [sflag:s31], $0x1E00;
	(pc) =	sbr.rel .LBB2_4-.Ltmp3, $4  }
0x63: {  	[sflag:s31] =	ssyncset.done $0x0  }
0x64: {  	[sflag:s31] =	ssyncadd.s32 $0xFFFFE200  }
0x65: {  	[bflag:$0x0] =	sbarrier.arrive $0xFFFF  }
0x66: {  	s13 =	simm.s32 $0x0;
	s14 =	simm.s32 $0x2  }
.LBB2_8:
0x67: {  	s13 =	sadd.s32 $0x1, s13  }
0x68: {  	p0 =	sne.s32 s13, $0x41  }
.Ltmp4:
0x69: {  	_ = 	snop;
	(pc) =	sbr.rel @!p0 .LBB2_9-.Ltmp4, $2  }
0x6a: {  	_ =	sdelay $0x2  }
0x6b: {  	s14 =	sadd.s32 $0x1, s14  }
.LBB2_4:
0x6c: {  	p1 =	slt.u32 s13, $0x4  }
0x6d: {  	s15 =	simm.s32 @!p1 $0x2  }
0x6e: {  	p0 =	sgt.u32 @!p1 s13, $0x3E;
	_ =	swait.ge @!p1 [sflag:s15], $0x1E00  }
0x6f: {  	p0 =	por p1, !p0;
	[sflag:s15] =	ssyncset.done @!p1 $0x0  }
0x70: {  	[sflag:s15] =	ssyncadd.s32 @!p1 $0xFFFFE200;
	s15 =	simm.s32 @p0 $0x3  }
0x71: {  	_ =	swait.ge @p0 [sflag:s15], $0xA0  }
0x72: {  	[sflag:s15] =	ssyncset.done @p0 $0x0  }
0x73: {  	[sflag:s15] =	ssyncadd.s32 @p0 $0xFFFFFF60  }
0x74: {  	_ =	swait.ge @p0 [sflag:s15], $0xA0  }
0x75: {  	s16 =	sand.u32 @p0 $0x7, s13;
	[sflag:s15] =	ssyncset.done @p0 $0x0  }
0x76: {  	s17 =	sand.u32 @p0 $0x3, s13;
	s18 =	simm.s32 @p0 $0xA0;
	[sflag:s15] =	ssyncadd.s32 @p0 $0xFFFFFF60  }
0x77: {  	s17 =	smul.u32 @p0 $0x7800, s17;
	p1 =	sgt.u32 @p0 s13, $0x3B;
	_ =	swait.ge @p0 [sflag:s15], $0xA0  }
0x78: {  	s16 =	smul.u32 @p0 $0x280, s16;
	p1 =	por !p0, p1;
	[sflag:s15] =	ssyncset.done @p0 $0x0  }
0x79: {  	[sflag:s15] =	ssyncadd.s32 @p0 $0xFFFFFF60;
	s15 =	sshrl.u32 @p0 s17, $0x2;
	s17 =	sadd.s32 @!p1 $0x3, s13  }
0x7a: {  	s16 =	sshrl.u32 @p0 s16, $0x2;
	s15 =	sadd.s32 @p0 $0xF00, s15;
	s19 =	smul.u32 @!p1 $0xA0, s17  }
0x7b: {  	[tilespmem:s15], [sflag:$0x1] =	stream.indirect.gather @p0 [spmem:s3], $0x30, s16, s18, $0xb8;
	[tilespmem:$0x17700] =	vst v63  }
0x7c: {  	s15 =	sand.u32 @!p1 $0x7, s17;
	s16 =	sadd.s32 @!p1 s6, s19  }
0x7d: {  	p0 =	slt.u32 @!p1 s13, $0x2;
	s15 =	smul.u32 @!p1 $0xA0, s15;
	s16 =	sshrl.u32 @!p1 s16, $0x3  }
0x7e: {  	s18 =	simm.s32 @!p1 $0x0;
	p0 =	por p1, !p0;
	s17 =	sadd.s32 @!p1 s2, s16  }
0x7f: {  	[tilespmem:s15], [sflag:$0x3] =	stream.linear.gather @!p1 [hbm4b:s17+s18], $0xA0, $0x38;
	[tilespmem:$0x17700] =	vst v63  }
.Ltmp5:
0x80: {  	_ = 	snop;
	(pc) =	sbr.rel @!p0 .LBB2_8-.Ltmp5, $4  }
0x81: {  	s19 =	sadd.s32 @!p1 s7, s16;
	s17 =	sadd.s32 @!p1 $0x500, s15  }
0x82: {  	[tilespmem:s17], [sflag:$0x3] =	stream.linear.gather @!p1 [hbm4b:s19+s18], $0xA0, $0x38;
	[tilespmem:$0x17700] =	vst v63  }
0x83: {  	s16 =	sadd.s32 @!p1 s8, s16;
	s15 =	sadd.s32 @!p1 $0xA00, s15  }
0x84: {  	[tilespmem:s15], [sflag:$0x3] =	stream.linear.gather @!p1 [hbm4b:s16+s18], $0xA0, $0x38;
	[tilespmem:$0x17700] =	vst v63  }
0x85: {  	s16 =	sadd.s32 $0xFFFFFFFE, s13  }
0x86: {  	s17 =	simm.s32 $0x0;
	s15 =	sand.u32 $0x7, s16  }
0x87: {  	v3 =	vmov s17;
	v2 =	vmov s15  }
0x88: {  	v3 =	vshrl.u32 v3, $0x3;
	v2 =	vmul.u32 $0xA0, v2  }
0x89: {  	v3 =	vshll.u32 v3, v1  }
0x8a: {  	v3 =	vadd.s32 v2, v3  }
0x8b: {  	s21 =	sand.u32 $0x3, s14;
	v3 =	vbroadcast v3, $0x0  }
0x8c: {  	s17 =	smul.u32 $0x7800, s21  }
0x8d: {  	_ =	swait.ge [sflag:s10], $0x1E00  }
0x8e: {  	[sflag:s10] =	ssyncset.done $0x0;
	s17 =	sshrl.u32 s17, $0x2  }
0x8f: {  	[sflag:s10] =	ssyncadd.s32 $0xFFFFE200;
	s20 =	sadd.s32 $0x1080, s17  }
0x90: {  	s22 =	simm.s32 $0x1;
	v5 =	vld [tilespmem:s20+$0xFFFFFE80]  }
0x91: {  	v4 =	vld.idx.msk [tilespmem:v3+s0+$0x0], $0xffff;
	v3 =	vmov s22  }
0x92: {  	v6 =	vld [tilespmem:s20+$0xFFFFFEA0];
	v7 =	vshrl.u32 v3, $0x3  }
0x93: {  	v8 =	vld [tilespmem:s20+$0xFFFFFE90];
	v3 =	vor.u32 $0x1, v2;
	v7 =	vshll.u32 v7, v1  }
0x94: {  	v7 =	vadd.s32 v7, v3  }
0x95: {  	v7 =	vbroadcast v7, $0x0  }
0x96: {  	v5 =	vmul.f32 v5, v4  }
0x97: {  	v6 =	vmul.f32 v6, v4  }
0x98: {  	v4 =	vmul.f32 v8, v4;
	[tilespmem:s20+$0xFFFFFE80] =	vst v5  }
0x99: {  	[tilespmem:s20+$0xFFFFFEA0] =	vst v6  }
0x9a: {  	s18 =	simm.s32 $0x2;
	[tilespmem:s20+$0xFFFFFE90] =	vst v4;
	v6 =	vld [tilespmem:s20+$0xFFFFFEB0]  }
0x9b: {  	v4 =	vmov s18;
	v5 =	vld.idx.msk [tilespmem:v7+s0+$0x0], $0xffff  }
0x9c: {  	v8 =	vshrl.u32 v4, $0x3;
	v7 =	vld [tilespmem:s20+$0xFFFFFEC0]  }
0x9d: {  	v9 =	vld [tilespmem:s20+$0xFFFFFED0];
	v4 =	vor.u32 $0x2, v2;
	v8 =	vshll.u32 v8, v1  }
0x9e: {  	v8 =	vadd.s32 v8, v4  }
0x9f: {  	v8 =	vbroadcast v8, $0x0  }
0xa0: {  	v6 =	vmul.f32 v6, v5  }
0xa1: {  	v7 =	vmul.f32 v7, v5  }
0xa2: {  	v5 =	vmul.f32 v9, v5;
	[tilespmem:s20+$0xFFFFFEB0] =	vst v6  }
0xa3: {  	[tilespmem:s20+$0xFFFFFEC0] =	vst v7  }
0xa4: {  	s19 =	simm.s32 $0x3;
	[tilespmem:s20+$0xFFFFFED0] =	vst v5;
	v7 =	vld [tilespmem:s20+$0xFFFFFEE0]  }
0xa5: {  	v5 =	vmov s19;
	v6 =	vld.idx.msk [tilespmem:v8+s0+$0x0], $0xffff  }
0xa6: {  	v8 =	vld [tilespmem:s20+$0xFFFFFEF0];
	v9 =	vshrl.u32 v5, $0x3  }
0xa7: {  	v10 =	vld [tilespmem:s20+$0xFFFFFF00];
	v5 =	vor.u32 $0x3, v2;
	v9 =	vshll.u32 v9, v1  }
0xa8: {  	v9 =	vadd.s32 v9, v5  }
0xa9: {  	v9 =	vbroadcast v9, $0x0  }
0xaa: {  	v7 =	vmul.f32 v7, v6  }
0xab: {  	v8 =	vmul.f32 v8, v6  }
0xac: {  	v6 =	vmul.f32 v10, v6;
	[tilespmem:s20+$0xFFFFFEE0] =	vst v7  }
0xad: {  	[tilespmem:s20+$0xFFFFFEF0] =	vst v8  }
0xae: {  	s21 =	simm.s32 $0x4;
	[tilespmem:s20+$0xFFFFFF00] =	vst v6;
	v8 =	vld [tilespmem:s20+$0xFFFFFF10]  }
0xaf: {  	v6 =	vmov s21;
	v7 =	vld.idx.msk [tilespmem:v9+s0+$0x0], $0xffff  }
0xb0: {  	v10 =	vshrl.u32 v6, $0x3;
	v9 =	vld [tilespmem:s20+$0xFFFFFF20]  }
0xb1: {  	v11 =	vld [tilespmem:s20+$0xFFFFFF30];
	v6 =	vor.u32 $0x4, v2;
	v10 =	vshll.u32 v10, v1  }
0xb2: {  	v10 =	vadd.s32 v10, v6  }
0xb3: {  	v10 =	vbroadcast v10, $0x0  }
0xb4: {  	v8 =	vmul.f32 v8, v7  }
0xb5: {  	v9 =	vmul.f32 v9, v7  }
0xb6: {  	v7 =	vmul.f32 v11, v7;
	[tilespmem:s20+$0xFFFFFF10] =	vst v8  }
0xb7: {  	[tilespmem:s20+$0xFFFFFF20] =	vst v9  }
0xb8: {  	s22 =	simm.s32 $0x5;
	[tilespmem:s20+$0xFFFFFF30] =	vst v7;
	v9 =	vld [tilespmem:s20+$0xFFFFFF40]  }
0xb9: {  	v7 =	vmov s22;
	v8 =	vld.idx.msk [tilespmem:v10+s0+$0x0], $0xffff  }
0xba: {  	v10 =	vld [tilespmem:s20+$0xFFFFFF50];
	v11 =	vshrl.u32 v7, $0x3  }
0xbb: {  	v12 =	vld [tilespmem:s20+$0xFFFFFF60];
	v7 =	vor.u32 $0x5, v2;
	v11 =	vshll.u32 v11, v1  }
0xbc: {  	v11 =	vadd.s32 v11, v7  }
0xbd: {  	v11 =	vbroadcast v11, $0x0  }
0xbe: {  	v9 =	vmul.f32 v9, v8  }
0xbf: {  	v10 =	vmul.f32 v10, v8  }
0xc0: {  	v8 =	vmul.f32 v12, v8;
	[tilespmem:s20+$0xFFFFFF40] =	vst v9  }
0xc1: {  	[tilespmem:s20+$0xFFFFFF50] =	vst v10  }
0xc2: {  	s18 =	simm.s32 $0x6;
	[tilespmem:s20+$0xFFFFFF60] =	vst v8;
	v10 =	vld [tilespmem:s20+$0xFFFFFF70]  }
0xc3: {  	v8 =	vmov s18;
	v9 =	vld.idx.msk [tilespmem:v11+s0+$0x0], $0xffff  }
0xc4: {  	v43 =	vshrl.u32 v8, $0x3;
	v11 =	vld [tilespmem:s20+$0xFFFFFF80]  }
0xc5: {  	v13 =	vld [tilespmem:s20+$0xFFFFFF90];
	v8 =	vor.u32 $0x6, v2;
	v12 =	vshll.u32 v43, v1  }
0xc6: {  	v12 =	vadd.s32 v12, v8  }
0xc7: {  	v12 =	vbroadcast v12, $0x0  }
0xc8: {  	v10 =	vmul.f32 v10, v9  }
0xc9: {  	v11 =	vmul.f32 v11, v9  }
0xca: {  	v9 =	vmul.f32 v13, v9;
	[tilespmem:s20+$0xFFFFFF70] =	vst v10  }
0xcb: {  	[tilespmem:s20+$0xFFFFFF80] =	vst v11  }
0xcc: {  	s19 =	simm.s32 $0x7;
	[tilespmem:s20+$0xFFFFFF90] =	vst v9;
	v11 =	vld [tilespmem:s20+$0xFFFFFFA0]  }
0xcd: {  	v9 =	vmov s19;
	v10 =	vld.idx.msk [tilespmem:v12+s0+$0x0], $0xffff  }
0xce: {  	v44 =	vld [tilespmem:s20+$0xFFFFFFC0];
	v45 =	vshrl.u32 v9, $0x3  }
0xcf: {  	v14 =	vld [tilespmem:s20+$0xFFFFFFB0];
	v9 =	vor.u32 $0x7, v2;
	v13 =	vshll.u32 v45, v1  }
0xd0: {  	v13 =	vadd.s32 v13, v9  }
0xd1: {  	v13 =	vbroadcast v13, $0x0  }
0xd2: {  	v11 =	vmul.f32 v11, v10  }
0xd3: {  	v12 =	vmul.f32 v44, v10  }
0xd4: {  	v10 =	vmul.f32 v14, v10;
	[tilespmem:s20+$0xFFFFFFA0] =	vst v11  }
0xd5: {  	[tilespmem:s20+$0xFFFFFFC0] =	vst v12  }
0xd6: {  	s21 =	simm.s32 $0x8;
	[tilespmem:s20+$0xFFFFFFB0] =	vst v10;
	v11 =	vld [tilespmem:s20+$0xFFFFFFD0]  }
0xd7: {  	v46 =	vmov s21;
	v10 =	vld.idx.msk [tilespmem:v13+s0+$0x0], $0xffff  }
0xd8: {  	v47 =	vld [tilespmem:s20+$0xFFFFFFF0];
	v12 =	vshrl.u32 v46, $0x3  }
0xd9: {  	v48 =	vld [tilespmem:s20+$0xFFFFFFE0];
	v12 =	vshll.u32 v12, v1  }
0xda: {  	v12 =	vadd.s32 v2, v12  }
0xdb: {  	v12 =	vbroadcast v12, $0x0  }
0xdc: {  	v11 =	vmul.f32 v11, v10  }
0xdd: {  	v13 =	vmul.f32 v47, v10  }
0xde: {  	v10 =	vmul.f32 v48, v10;
	[tilespmem:s20+$0xFFFFFFD0] =	vst v11  }
0xdf: {  	[tilespmem:s20+$0xFFFFFFF0] =	vst v13  }
0xe0: {  	s22 =	simm.s32 $0x9;
	[tilespmem:s20+$0xFFFFFFE0] =	vst v10;
	v11 =	vld [tilespmem:s20+$0x0]  }
0xe1: {  	v49 =	vmov s22;
	v10 =	vld.idx.msk [tilespmem:v12+s0+$0x0], $0xffff  }
0xe2: {  	v50 =	vld [tilespmem:s20+$0x20];
	v12 =	vshrl.u32 v49, $0x3  }
0xe3: {  	v51 =	vld [tilespmem:s20+$0x10];
	v12 =	vshll.u32 v12, v1  }
0xe4: {  	v12 =	vadd.s32 v12, v3  }
0xe5: {  	v12 =	vbroadcast v12, $0x0  }
0xe6: {  	v11 =	vmul.f32 v11, v10  }
0xe7: {  	v13 =	vmul.f32 v50, v10  }
0xe8: {  	v10 =	vmul.f32 v51, v10;
	[tilespmem:s20+$0x0] =	vst v11  }
0xe9: {  	[tilespmem:s20+$0x20] =	vst v13  }
0xea: {  	s18 =	simm.s32 $0xA;
	[tilespmem:s20+$0x10] =	vst v10;
	v11 =	vld [tilespmem:s20+$0x30]  }
0xeb: {  	v52 =	vmov s18;
	v10 =	vld.idx.msk [tilespmem:v12+s0+$0x0], $0xffff  }
0xec: {  	v53 =	vld [tilespmem:s20+$0x40];
	v12 =	vshrl.u32 v52, $0x3  }
0xed: {  	v54 =	vld [tilespmem:s20+$0x50];
	v12 =	vshll.u32 v12, v1  }
0xee: {  	v12 =	vadd.s32 v12, v4  }
0xef: {  	v12 =	vbroadcast v12, $0x0  }
0xf0: {  	v11 =	vmul.f32 v11, v10  }
0xf1: {  	v13 =	vmul.f32 v53, v10  }
0xf2: {  	v10 =	vmul.f32 v54, v10;
	[tilespmem:s20+$0x30] =	vst v11  }
0xf3: {  	[tilespmem:s20+$0x40] =	vst v13  }
0xf4: {  	s19 =	simm.s32 $0xB;
	[tilespmem:s20+$0x50] =	vst v10;
	v11 =	vld [tilespmem:s20+$0x60]  }
0xf5: {  	v55 =	vmov s19;
	v10 =	vld.idx.msk [tilespmem:v12+s0+$0x0], $0xffff  }
0xf6: {  	v56 =	vld [tilespmem:s20+$0x70];
	v12 =	vshrl.u32 v55, $0x3  }
0xf7: {  	v57 =	vld [tilespmem:s20+$0x80];
	v12 =	vshll.u32 v12, v1  }
0xf8: {  	v12 =	vadd.s32 v12, v5  }
0xf9: {  	v12 =	vbroadcast v12, $0x0  }
0xfa: {  	v11 =	vmul.f32 v11, v10  }
0xfb: {  	v13 =	vmul.f32 v56, v10  }
0xfc: {  	v10 =	vmul.f32 v57, v10;
	[tilespmem:s20+$0x60] =	vst v11  }
0xfd: {  	[tilespmem:s20+$0x70] =	vst v13  }
0xfe: {  	s21 =	simm.s32 $0xC;
	[tilespmem:s20+$0x80] =	vst v10;
	v11 =	vld [tilespmem:s20+$0x90]  }
0xff: {  	v58 =	vmov s21;
	v10 =	vld.idx.msk [tilespmem:v12+s0+$0x0], $0xffff  }
0x100: {  	v59 =	vld [tilespmem:s20+$0xB0];
	v12 =	vshrl.u32 v58, $0x3  }
0x101: {  	v60 =	vld [tilespmem:s20+$0xA0];
	v12 =	vshll.u32 v12, v1  }
0x102: {  	v12 =	vadd.s32 v12, v6  }
0x103: {  	v12 =	vbroadcast v12, $0x0  }
0x104: {  	v11 =	vmul.f32 v11, v10  }
0x105: {  	v13 =	vmul.f32 v59, v10  }
0x106: {  	v10 =	vmul.f32 v60, v10;
	[tilespmem:s20+$0x90] =	vst v11  }
0x107: {  	[tilespmem:s20+$0xB0] =	vst v13  }
0x108: {  	[tilespmem:s20+$0xA0] =	vst v10;
	v10 =	vld [tilespmem:s20+$0xC0]  }
0x109: {  	v11 =	vld.idx.msk [tilespmem:v12+s0+$0x0], $0xffff;
	_ =	sdelay $0x1  }
0x10a: {  	s22 =	simm.s32 $0xD  }
0x10b: {  	v61 =	vld [tilespmem:s20+$0xD0];
	v63 =	vmov s22  }
0x10c: {  	v14 =	vshrl.u32 v63, $0x3  }
0x10d: {  	s16 =	sand.u32 $0x3, s16;
	v62 =	vld [tilespmem:s20+$0xE0];
	v14 =	vshll.u32 v14, v1;
	v10 =	vmul.f32 v10, v11  }
0x10e: {  	s16 =	smul.u32 $0x7800, s16;
	v14 =	vadd.s32 v14, v7  }
0x10f: {  	[tilespmem:s20+$0xC0] =	vst v10;
	v10 =	vbroadcast v14, $0x0  }
0x110: {  	s16 =	sshrl.u32 s16, $0x2;
	v12 =	vmul.f32 v61, v11  }
0x111: {  	s17 =	sadd.s32 $0xF00, s16  }
0x112: {  	s16 =	smov.u32 s20;
	s18 =	simm.s32 $0xF;
	s19 =	simm.s32 $0x1F;
	v11 =	vmul.f32 v62, v11;
	[tilespmem:s20+$0xD0] =	vst v12  }
.LBB2_6:
0x113: {  	p0 =	sne.s32 s19, $0x9F  }
0x114: {  	[tilespmem:s20+$0xE0] =	vst v11;
	v11 =	vld [tilespmem:s20+$0xF0];
	s16 =	sadd.s32 $0x300, s16;
	s21 =	smov.u32 s19;
	s19 =	sadd.s32 $0x10, s19  }
0x115: {  	s22 =	sadd.s32 $0xFFFFFFFF, s18;
	v10 =	vld.idx.msk [tilespmem:v10+s0+$0x0], $0xffff  }
0x116: {  	v13 =	vmov s22;
	v12 =	vld [tilespmem:s20+$0x100]  }
0x117: {  	v13 =	vshrl.u32 v13, $0x3;
	v14 =	vld [tilespmem:s20+$0x110]  }
0x118: {  	v13 =	vshll.u32 v13, v1  }
0x119: {  	v13 =	vadd.s32 v13, v8  }
0x11a: {  	v13 =	vbroadcast v13, $0x0  }
0x11b: {  	v11 =	vmul.f32 v11, v10;
	v12 =	vmul.f32 v12, v10  }
0x11c: {  	v10 =	vmul.f32 v14, v10  }
0x11d: {  	[tilespmem:s20+$0xF0] =	vst v11  }
0x11e: {  	[tilespmem:s20+$0x100] =	vst v12  }
0x11f: {  	[tilespmem:s20+$0x110] =	vst v10;
	v10 =	vld [tilespmem:s20+$0x120]  }
0x120: {  	v11 =	vld.idx.msk [tilespmem:v13+s0+$0x0], $0xffff  }
0x121: {  	v13 =	vmov s18;
	s18 =	smov.u32 s21;
	v12 =	vld [tilespmem:s20+$0x130]  }
0x122: {  	v13 =	vshrl.u32 v13, $0x3;
	v14 =	vld [tilespmem:s20+$0x140]  }
0x123: {  	v13 =	vshll.u32 v13, v1  }
0x124: {  	v13 =	vadd.s32 v13, v9  }
0x125: {  	v13 =	vbroadcast v13, $0x0  }
0x126: {  	v10 =	vmul.f32 v10, v11;
	v12 =	vmul.f32 v12, v11  }
0x127: {  	v11 =	vmul.f32 v14, v11  }
0x128: {  	[tilespmem:s20+$0x120] =	vst v10  }
0x129: {  	[tilespmem:s20+$0x130] =	vst v12  }
0x12a: {  	s21 =	sadd.s32 $0xFFFFFFF1, s18;
	[tilespmem:s20+$0x140] =	vst v11;
	v10 =	vld [tilespmem:s20+$0x150]  }
0x12b: {  	v11 =	vmov s21;
	v12 =	vld.idx.msk [tilespmem:v13+s0+$0x0], $0xffff  }
0x12c: {  	v11 =	vshrl.u32 v11, $0x3;
	v13 =	vld [tilespmem:s20+$0x160]  }
0x12d: {  	v11 =	vshll.u32 v11, v1;
	v14 =	vld [tilespmem:s20+$0x170]  }
0x12e: {  	v11 =	vadd.s32 v2, v11  }
0x12f: {  	v11 =	vbroadcast v11, $0x0;
	_ =	sdelay $0x1  }
0x130: {  	v10 =	vmul.f32 v10, v12;
	v13 =	vmul.f32 v13, v12  }
0x131: {  	v12 =	vmul.f32 v14, v12  }
0x132: {  	[tilespmem:s20+$0x150] =	vst v10  }
0x133: {  	[tilespmem:s20+$0x160] =	vst v13  }
0x134: {  	v10 =	vld [tilespmem:s16+$0xFFFFFEA0];
	[tilespmem:s20+$0x170] =	vst v12;
	s20 =	smov.u32 s16  }
0x135: {  	s21 =	sadd.s32 $0xFFFFFFF2, s18;
	v11 =	vld.idx.msk [tilespmem:v11+s0+$0x0], $0xffff  }
0x136: {  	v13 =	vmov s21;
	v12 =	vld [tilespmem:s16+$0xFFFFFE80]  }
0x137: {  	v13 =	vshrl.u32 v13, $0x3;
	v14 =	vld [tilespmem:s16+$0xFFFFFE90]  }
0x138: {  	v13 =	vshll.u32 v13, v1  }
0x139: {  	v13 =	vadd.s32 v13, v3  }
0x13a: {  	v13 =	vbroadcast v13, $0x0  }
0x13b: {  	v10 =	vmul.f32 v10, v11;
	v12 =	vmul.f32 v12, v11  }
0x13c: {  	v11 =	vmul.f32 v14, v11  }
0x13d: {  	[tilespmem:s16+$0xFFFFFE80] =	vst v12  }
0x13e: {  	[tilespmem:s16+$0xFFFFFEA0] =	vst v10  }
0x13f: {  	[tilespmem:s16+$0xFFFFFE90] =	vst v11;
	v10 =	vld [tilespmem:s16+$0xFFFFFEC0]  }
0x140: {  	s21 =	sadd.s32 $0xFFFFFFF3, s18;
	v11 =	vld.idx.msk [tilespmem:v13+s0+$0x0], $0xffff  }
0x141: {  	v13 =	vmov s21;
	v12 =	vld [tilespmem:s16+$0xFFFFFEB0]  }
0x142: {  	v13 =	vshrl.u32 v13, $0x3;
	v14 =	vld [tilespmem:s16+$0xFFFFFED0]  }
0x143: {  	v13 =	vshll.u32 v13, v1  }
0x144: {  	v13 =	vadd.s32 v13, v4  }
0x145: {  	v13 =	vbroadcast v13, $0x0  }
0x146: {  	v10 =	vmul.f32 v10, v11;
	v12 =	vmul.f32 v12, v11  }
0x147: {  	v11 =	vmul.f32 v14, v11  }
0x148: {  	[tilespmem:s16+$0xFFFFFEB0] =	vst v12  }
0x149: {  	[tilespmem:s16+$0xFFFFFEC0] =	vst v10  }
0x14a: {  	[tilespmem:s16+$0xFFFFFED0] =	vst v11;
	v10 =	vld [tilespmem:s16+$0xFFFFFEF0]  }
0x14b: {  	s21 =	sadd.s32 $0xFFFFFFF4, s18;
	v11 =	vld.idx.msk [tilespmem:v13+s0+$0x0], $0xffff  }
0x14c: {  	v13 =	vmov s21;
	v12 =	vld [tilespmem:s16+$0xFFFFFEE0]  }
0x14d: {  	v13 =	vshrl.u32 v13, $0x3;
	v14 =	vld [tilespmem:s16+$0xFFFFFF00]  }
0x14e: {  	v13 =	vshll.u32 v13, v1  }
0x14f: {  	v13 =	vadd.s32 v13, v5  }
0x150: {  	v13 =	vbroadcast v13, $0x0  }
0x151: {  	v10 =	vmul.f32 v10, v11;
	v12 =	vmul.f32 v12, v11  }
0x152: {  	v11 =	vmul.f32 v14, v11  }
0x153: {  	[tilespmem:s16+$0xFFFFFEE0] =	vst v12  }
0x154: {  	[tilespmem:s16+$0xFFFFFEF0] =	vst v10  }
0x155: {  	[tilespmem:s16+$0xFFFFFF00] =	vst v11;
	v10 =	vld [tilespmem:s16+$0xFFFFFF20]  }
0x156: {  	s21 =	sadd.s32 $0xFFFFFFF5, s18;
	v11 =	vld.idx.msk [tilespmem:v13+s0+$0x0], $0xffff  }
0x157: {  	v13 =	vmov s21;
	v12 =	vld [tilespmem:s16+$0xFFFFFF10]  }
0x158: {  	v13 =	vshrl.u32 v13, $0x3;
	v14 =	vld [tilespmem:s16+$0xFFFFFF30]  }
0x159: {  	v13 =	vshll.u32 v13, v1  }
0x15a: {  	v13 =	vadd.s32 v13, v6  }
0x15b: {  	v13 =	vbroadcast v13, $0x0  }
0x15c: {  	v10 =	vmul.f32 v10, v11;
	v12 =	vmul.f32 v12, v11  }
0x15d: {  	v11 =	vmul.f32 v14, v11  }
0x15e: {  	[tilespmem:s16+$0xFFFFFF10] =	vst v12  }
0x15f: {  	[tilespmem:s16+$0xFFFFFF20] =	vst v10  }
0x160: {  	[tilespmem:s16+$0xFFFFFF30] =	vst v11;
	v10 =	vld [tilespmem:s16+$0xFFFFFF50]  }
0x161: {  	s21 =	sadd.s32 $0xFFFFFFF6, s18;
	v11 =	vld.idx.msk [tilespmem:v13+s0+$0x0], $0xffff  }
0x162: {  	v13 =	vmov s21;
	v12 =	vld [tilespmem:s16+$0xFFFFFF40]  }
0x163: {  	v13 =	vshrl.u32 v13, $0x3;
	v14 =	vld [tilespmem:s16+$0xFFFFFF60]  }
0x164: {  	v13 =	vshll.u32 v13, v1  }
0x165: {  	v13 =	vadd.s32 v13, v7  }
0x166: {  	v13 =	vbroadcast v13, $0x0  }
0x167: {  	v10 =	vmul.f32 v10, v11;
	v12 =	vmul.f32 v12, v11  }
0x168: {  	v11 =	vmul.f32 v14, v11  }
0x169: {  	[tilespmem:s16+$0xFFFFFF40] =	vst v12  }
0x16a: {  	[tilespmem:s16+$0xFFFFFF50] =	vst v10  }
0x16b: {  	[tilespmem:s16+$0xFFFFFF60] =	vst v11;
	v10 =	vld [tilespmem:s16+$0xFFFFFF80]  }
0x16c: {  	s21 =	sadd.s32 $0xFFFFFFF7, s18;
	v11 =	vld.idx.msk [tilespmem:v13+s0+$0x0], $0xffff  }
0x16d: {  	v13 =	vmov s21;
	v12 =	vld [tilespmem:s16+$0xFFFFFF70]  }
0x16e: {  	v13 =	vshrl.u32 v13, $0x3;
	v14 =	vld [tilespmem:s16+$0xFFFFFF90]  }
0x16f: {  	v13 =	vshll.u32 v13, v1  }
0x170: {  	v13 =	vadd.s32 v13, v8  }
0x171: {  	v13 =	vbroadcast v13, $0x0  }
0x172: {  	v10 =	vmul.f32 v10, v11;
	v12 =	vmul.f32 v12, v11  }
0x173: {  	v11 =	vmul.f32 v14, v11  }
0x174: {  	[tilespmem:s16+$0xFFFFFF70] =	vst v12  }
0x175: {  	[tilespmem:s16+$0xFFFFFF80] =	vst v10  }
0x176: {  	[tilespmem:s16+$0xFFFFFF90] =	vst v11;
	v10 =	vld [tilespmem:s16+$0xFFFFFFB0]  }
0x177: {  	s21 =	sadd.s32 $0xFFFFFFF8, s18;
	v11 =	vld.idx.msk [tilespmem:v13+s0+$0x0], $0xffff  }
0x178: {  	v13 =	vmov s21;
	v12 =	vld [tilespmem:s16+$0xFFFFFFA0]  }
0x179: {  	v13 =	vshrl.u32 v13, $0x3;
	v14 =	vld [tilespmem:s16+$0xFFFFFFC0]  }
0x17a: {  	v13 =	vshll.u32 v13, v1  }
0x17b: {  	v13 =	vadd.s32 v13, v9  }
0x17c: {  	v13 =	vbroadcast v13, $0x0  }
0x17d: {  	v10 =	vmul.f32 v10, v11;
	v12 =	vmul.f32 v12, v11  }
0x17e: {  	v11 =	vmul.f32 v14, v11  }
0x17f: {  	[tilespmem:s16+$0xFFFFFFA0] =	vst v12  }
0x180: {  	[tilespmem:s16+$0xFFFFFFC0] =	vst v11  }
0x181: {  	[tilespmem:s16+$0xFFFFFFB0] =	vst v10;
	v10 =	vld [tilespmem:s16+$0xFFFFFFE0]  }
0x182: {  	s21 =	sadd.s32 $0xFFFFFFF9, s18;
	v11 =	vld.idx.msk [tilespmem:v13+s0+$0x0], $0xffff  }
0x183: {  	v13 =	vmov s21;
	v12 =	vld [tilespmem:s16+$0xFFFFFFD0]  }
0x184: {  	v13 =	vshrl.u32 v13, $0x3;
	v14 =	vld [tilespmem:s16+$0xFFFFFFF0]  }
0x185: {  	v13 =	vshll.u32 v13, v1  }
0x186: {  	v13 =	vadd.s32 v2, v13  }
0x187: {  	v13 =	vbroadcast v13, $0x0  }
0x188: {  	v10 =	vmul.f32 v10, v11;
	v12 =	vmul.f32 v12, v11  }
0x189: {  	v11 =	vmul.f32 v14, v11  }
0x18a: {  	[tilespmem:s16+$0xFFFFFFD0] =	vst v12  }
0x18b: {  	[tilespmem:s16+$0xFFFFFFF0] =	vst v11  }
0x18c: {  	[tilespmem:s16+$0xFFFFFFE0] =	vst v10;
	v10 =	vld [tilespmem:s16+$0x10]  }
0x18d: {  	s21 =	sadd.s32 $0xFFFFFFFA, s18;
	v11 =	vld.idx.msk [tilespmem:v13+s0+$0x0], $0xffff  }
0x18e: {  	v13 =	vmov s21;
	v12 =	vld [tilespmem:s16+$0x0]  }
0x18f: {  	v13 =	vshrl.u32 v13, $0x3;
	v14 =	vld [tilespmem:s16+$0x20]  }
0x190: {  	v13 =	vshll.u32 v13, v1  }
0x191: {  	v13 =	vadd.s32 v13, v3  }
0x192: {  	v13 =	vbroadcast v13, $0x0  }
0x193: {  	v10 =	vmul.f32 v10, v11;
	v12 =	vmul.f32 v12, v11  }
0x194: {  	v11 =	vmul.f32 v14, v11  }
0x195: {  	[tilespmem:s16+$0x0] =	vst v12  }
0x196: {  	[tilespmem:s16+$0x20] =	vst v11  }
0x197: {  	[tilespmem:s16+$0x10] =	vst v10;
	v10 =	vld [tilespmem:s16+$0x40]  }
0x198: {  	s21 =	sadd.s32 $0xFFFFFFFB, s18;
	v11 =	vld.idx.msk [tilespmem:v13+s0+$0x0], $0xffff  }
0x199: {  	v13 =	vmov s21;
	v12 =	vld [tilespmem:s16+$0x30]  }
0x19a: {  	v13 =	vshrl.u32 v13, $0x3;
	v14 =	vld [tilespmem:s16+$0x50]  }
0x19b: {  	v13 =	vshll.u32 v13, v1  }
0x19c: {  	v13 =	vadd.s32 v13, v4  }
0x19d: {  	v13 =	vbroadcast v13, $0x0  }
0x19e: {  	v10 =	vmul.f32 v10, v11;
	v12 =	vmul.f32 v12, v11  }
0x19f: {  	v11 =	vmul.f32 v14, v11  }
0x1a0: {  	[tilespmem:s16+$0x30] =	vst v12  }
0x1a1: {  	[tilespmem:s16+$0x40] =	vst v10  }
0x1a2: {  	[tilespmem:s16+$0x50] =	vst v11;
	v10 =	vld [tilespmem:s16+$0x70]  }
0x1a3: {  	s21 =	sadd.s32 $0xFFFFFFFC, s18;
	v11 =	vld.idx.msk [tilespmem:v13+s0+$0x0], $0xffff  }
0x1a4: {  	v13 =	vmov s21;
	v12 =	vld [tilespmem:s16+$0x60]  }
0x1a5: {  	v13 =	vshrl.u32 v13, $0x3;
	v14 =	vld [tilespmem:s16+$0x80]  }
0x1a6: {  	v13 =	vshll.u32 v13, v1  }
0x1a7: {  	v13 =	vadd.s32 v13, v5  }
0x1a8: {  	v13 =	vbroadcast v13, $0x0  }
0x1a9: {  	v10 =	vmul.f32 v10, v11;
	v12 =	vmul.f32 v12, v11  }
0x1aa: {  	v11 =	vmul.f32 v14, v11  }
0x1ab: {  	[tilespmem:s16+$0x60] =	vst v12  }
0x1ac: {  	[tilespmem:s16+$0x70] =	vst v10  }
0x1ad: {  	[tilespmem:s16+$0x80] =	vst v11;
	v10 =	vld [tilespmem:s16+$0xA0]  }
0x1ae: {  	s21 =	sadd.s32 $0xFFFFFFFD, s18;
	v11 =	vld.idx.msk [tilespmem:v13+s0+$0x0], $0xffff  }
0x1af: {  	v13 =	vmov s21;
	v12 =	vld [tilespmem:s16+$0x90]  }
0x1b0: {  	v13 =	vshrl.u32 v13, $0x3;
	v14 =	vld [tilespmem:s16+$0xB0]  }
0x1b1: {  	v13 =	vshll.u32 v13, v1  }
0x1b2: {  	v13 =	vadd.s32 v13, v6  }
0x1b3: {  	v13 =	vbroadcast v13, $0x0  }
0x1b4: {  	v10 =	vmul.f32 v10, v11;
	v12 =	vmul.f32 v12, v11  }
0x1b5: {  	v11 =	vmul.f32 v14, v11  }
0x1b6: {  	[tilespmem:s16+$0x90] =	vst v12  }
0x1b7: {  	[tilespmem:s16+$0xB0] =	vst v11  }
0x1b8: {  	[tilespmem:s16+$0xA0] =	vst v10;
	v11 =	vld [tilespmem:s16+$0xD0]  }
0x1b9: {  	s21 =	sadd.s32 $0xFFFFFFFE, s18;
	v12 =	vld.idx.msk [tilespmem:v13+s0+$0x0], $0xffff  }
0x1ba: {  	v10 =	vmov s21;
	v13 =	vld [tilespmem:s16+$0xC0]  }
0x1bb: {  	v10 =	vshrl.u32 v10, $0x3;
	v14 =	vld [tilespmem:s16+$0xE0]  }
0x1bc: {  	v10 =	vshll.u32 v10, v1  }
0x1bd: {  	v10 =	vadd.s32 v10, v7  }
.Ltmp6:
0x1be: {  	v10 =	vbroadcast v10, $0x0;
	(pc) =	sbr.rel @p0 .LBB2_6-.Ltmp6, $4  }
0x1bf: {  	v15 =	vmul.f32 v11, v12;
	v13 =	vmul.f32 v13, v12  }
0x1c0: {  	v11 =	vmul.f32 v14, v12  }
0x1c1: {  	[tilespmem:s16+$0xC0] =	vst v13  }
0x1c2: {  	[tilespmem:s16+$0xD0] =	vst v15  }
0x1c3: {  	_ =	sdelay $0x2  }
0x1c4: {  	[tilespmem:s20+$0xE0] =	vst v11;
	v2 =	vld [tilespmem:s20+$0xF0];
	s16 =	sadd.s32 $0xFFFFFFFF, s18  }
0x1c5: {  	v3 =	vld.idx.msk [tilespmem:v10+s0+$0x0], $0xffff;
	v5 =	vmov s16  }
0x1c6: {  	v4 =	vld [tilespmem:s20+$0x100];
	v5 =	vshrl.u32 v5, $0x3  }
0x1c7: {  	v6 =	vld [tilespmem:s20+$0x110];
	v5 =	vshll.u32 v5, v1  }
0x1c8: {  	v5 =	vadd.s32 v5, v8  }
0x1c9: {  	v5 =	vbroadcast v5, $0x0  }
0x1ca: {  	v2 =	vmul.f32 v2, v3  }
0x1cb: {  	v4 =	vmul.f32 v4, v3  }
0x1cc: {  	v3 =	vmul.f32 v6, v3;
	[tilespmem:s20+$0xF0] =	vst v2  }
0x1cd: {  	[tilespmem:s20+$0x100] =	vst v4  }
0x1ce: {  	[tilespmem:s20+$0x110] =	vst v3;
	v2 =	vld [tilespmem:s20+$0x120]  }
0x1cf: {  	v60 =	vmov s18;
	v3 =	vld.idx.msk [tilespmem:v5+s0+$0x0], $0xffff  }
0x1d0: {  	v59 =	vld [tilespmem:s20+$0x130];
	v5 =	vshrl.u32 v60, $0x3  }
0x1d1: {  	v61 =	vld [tilespmem:s20+$0x140];
	v5 =	vshll.u32 v5, v1  }
0x1d2: {  	v5 =	vadd.s32 v5, v9  }
0x1d3: {  	v5 =	vbroadcast v5, $0x0  }
0x1d4: {  	v2 =	vmul.f32 v2, v3  }
0x1d5: {  	v4 =	vmul.f32 v59, v3  }
0x1d6: {  	v3 =	vmul.f32 v61, v3;
	[tilespmem:s20+$0x120] =	vst v2  }
0x1d7: {  	[tilespmem:s20+$0x130] =	vst v4  }
0x1d8: {  	[tilespmem:s20+$0x140] =	vst v3;
	v2 =	vld [tilespmem:s20+$0x150]  }
0x1d9: {  	v3 =	vld.idx.msk [tilespmem:v5+s0+$0x0], $0xffff  }
0x1da: {  	v62 =	vld [tilespmem:s20+$0x160]  }
0x1db: {  	v63 =	vld [tilespmem:s20+$0x170];
	_ =	sdelay $0x2  }
0x1dc: {  	s15 =	smul.u32 $0x280, s15;
	v2 =	vmul.f32 v2, v3  }
.Ltmp7:
0x1dd: {  	v4 =	vmul.f32 v62, v3;
	(pc) =	sbr.rel .LBB2_8-.Ltmp7, $4  }
0x1de: {  	v3 =	vmul.f32 v63, v3;
	[tilespmem:s20+$0x150] =	vst v2  }
0x1df: {  	s15 =	sshrl.u32 s15, $0x2;
	[tilespmem:s20+$0x160] =	vst v4  }
0x1e0: {  	s15 =	sadd.s32 $0x500, s15;
	[tilespmem:s20+$0x170] =	vst v3  }
0x1e1: {  	[spmem:s4] =	stream.indirect.scatter.add.f32 [tilespmem:s17], [sflag:$0x2], $0x30, s15, s1, $0xb8;
	[tilespmem:$0x17700] =	vst v63  }
.LBB2_10:
0x1e2: {  	_ =	sfence.sel $0x180000  }
0x1e3: {  	[bflag:$0x0] =	sbarrier.arrive $0xFFFF  }
0x1e4: {  	_ =	strace $0x9000004A  }
0x1e5: {  	s0 =	stileid.u32;
	[bflag:$0x2] =	sbarrier.arrive $0xFFFF  }
0x1e6: {  	p0 =	sne.s32 s0, $0x0;
	s0 =	rddreg [dreg:$0x4]  }
0x1e7: {  	s0 =	sadd.s32 @!p0 $0x100000, s0  }
0x1e8: {  	[sflag:s0] =	ssyncadd.tile.s32 @!p0 $0x1;
	_ =	shalt  }
.Lfunc_end2:
_tile_overlayer_lowered:
.L_overlay_start_2:
0x1e9: {  	(tag) =	ssettag $0x2  }
0x1ea: {  	s0 =	rddreg [dreg:$0x0];
	s2 =	stileid.u32  }
0x1eb: {  	s1 =	rddreg [dreg:$0x1];
	p0 =	sne.s32 s2, $0x0  }
0x1ec: {  	s3 =	rddreg [dreg:$0x2];
	[bflag:$0x3] =	sbarrier.arrive $0xFFFF;
	s2 =	simm.s32 @!p0 $0x1C04  }
0x1ed: {  	[timem:s3], [sflag:s2] =	dma.local @!p0 [hbm:s0], s1  }
0x1ee: {  	s0 =	simm.s32 @!p0 $0x4  }
0x1ef: {  	_ =	swait.ge @!p0 [sflag:s0], s1  }
0x1f0: {  	s1 =	ssub.s32 @!p0 $0x0, s1;
	[sflag:s0] =	ssyncset.done @!p0 $0x0  }
0x1f1: {  	[sflag:s0] =	ssyncadd.s32 @!p0 s1  }
0x1f2: {  	[bflag:$0x3] =	sbarrier.arrive $0xFFFF  }
0x1f3: {  	_ =	shalt  }

// kernel: kernel.7.cloned.1.call-start
scs
__scs_entry_jumppad:
0x0: {  	(pc) =	sbr.rel $0x88, $3  }
0x1: {  	(tag) =	ssettag $0x0;
	lr =	simm.s32 $0x1  }
0x2: {  	[smem:$0x3F9A] =	sst lr;
	_ =	strace $0xD0000000  }
0x3: {  	_ = 	snop  }
0x4: {  	_ = 	snop  }
0x5: {  	_ = 	snop  }
0x6: {  	_ = 	snop  }
0x7: {  	_ = 	snop  }
__scs_overlays_trampoline_lowered:
0x8: {  	[smem:$0x3FA9] =	sst s0  }
0x9: {  	[smem:$0x3FAA] =	sst s1  }
0xa: {  	[smem:$0x3FAB] =	sst s2  }
0xb: {  	[smem:$0x3FAC] =	sst s3  }
0xc: {  	[smem:$0x3FAD] =	sst s4  }
0xd: {  	[smem:$0x3FAE] =	sst s5  }
0xe: {  	[smem:$0x3FAF] =	sst s6  }
0xf: {  	[smem:$0x3FB0] =	sst s7  }
0x10: {  	[smem:$0x3FB1] =	sst s8  }
0x11: {  	[smem:$0x3FB2] =	sst s9;
	s0 =	simm.s32 @!p0 $0x0  }
0x12: {  	s1 =	sld [smem:$0x3F98];
	s0 =	simm.s32 @p0 $0x1  }
0x13: {  	[smem:$0x3FB3] =	sst s0;
	s0 =	simm.s32 @!p1 $0x0  }
0x14: {  	s2 =	sld [smem:$0x3F97];
	s0 =	simm.s32 @p1 $0x1  }
0x15: {  	[smem:$0x3FB4] =	sst s0;
	s0 =	simm.s32 @!p2 $0x0  }
0x16: {  	s3 =	sld [smem:$0x3FDB];
	s0 =	simm.s32 @p2 $0x1  }
0x17: {  	s4 =	simm.s32 $0x1BF5;
	[smem:$0x3FB6] =	sst s0  }
0x18: {  	s0 =	sld [smem:$0x3F99];
	_ =	swait.ge [sflag:s4], $0x0  }
0x19: {  	s7 =	sld [smem:$0x3F9A]  }
0x1a: {  	s8 =	sadd.s32 $0xFFFFE003, lr  }
0x1b: {  	s9 =	sadd.s32 $0xFFFFFEF7, lr;
	s5 =	simm.s32 $0xFFFFFFFF;
	p2 =	slt.u32 s8, $0xFFFFF086  }
0x1c: {  	p1 =	slt.u32 s9, $0xF7A;
	s5 =	simm.s32 @!p2 $0x0  }
0x1d: {  	s5 =	simm.s32 @p1 $0x1;
	p0 =	seq.s32 s7, s2  }
0x1e: {  	s7 =	smul.u32 @!p0 $0xF7A, s2;
	p2 =	seq.s32 @!p0 s5, $0x0  }
0x1f: {  	s9 =	smul.u32 $0xF7A, s1;
	s8 =	simm.s32 @!p0 $0x1BF5;
	p2 =	por !p2, p0  }
0x20: {  	[sflag:s8] =	ssyncset.s32 @!p0 $0xFFFFF086;
	s6 =	sadd.s32 @!p0 s3, s7;
	s7 =	simm.s32 @!p0 $0x108  }
0x21: {  	s3 =	sadd.s32 s3, s9;
	s6 =	sadd.s32 @!p0 $0x88, s6;
	s7 =	simm.s32 @p2 $0x1082  }
0x22: {  	[simem:s7], [sflag:s8] =	dma.local @!p0 [hbm:s6], $0xF7A  }
0x23: {  	s9 =	sor.u32 $0xD0000000, s2;
	s6 =	simm.s32 $0x108;
	_ =	swait.ge @!p0 [sflag:s8], $0x0  }
0x24: {  	s3 =	sadd.s32 $0x88, s3;
	s6 =	simm.s32 @!p1 $0x1082;
	[sflag:s4] =	ssyncset.s32 $0xFFFFF086  }
0x25: {  	[simem:s6], [sflag:s4] =	dma.local [hbm:s3], $0xF7A  }
0x26: {  	[smem:$0x3F9A] =	sst s1;
	(tag) =	ssettag s2;
	_ =	strace s9  }
0x27: {  	s1 =	sld [smem:$0x3FAA]  }
0x28: {  	s2 =	sld [smem:$0x3FAB]  }
0x29: {  	s4 =	sld [smem:$0x3FAD]  }
0x2a: {  	p0 =	seq.s32 s5, $0x0;
	s5 =	sld [smem:$0x3FAE]  }
0x2b: {  	s6 =	sld [smem:$0x3FAF]  }
0x2c: {  	s7 =	sld [smem:$0x3FB0]  }
0x2d: {  	s3 =	simm.s32 $0x108;
	s8 =	sld [smem:$0x3FB1]  }
0x2e: {  	s3 =	simm.s32 @!p0 $0x1082;
	s9 =	sld [smem:$0x3FB2]  }
0x2f: {  	lr =	sadd.s32 s0, s3;
	s0 =	sld [smem:$0x3FA9]  }
0x30: {  	s3 =	sld [smem:$0x3FAC]  }
0x31: {  	[smem:$0x3FB5] =	sst s10  }
0x32: {  	s10 =	sld [smem:$0x3FB3];
	_ =	sdelay $0x3  }
0x33: {  	p0 =	seq.s32 s10, $0x1;
	s10 =	sld [smem:$0x3FB5];
	_ =	sdelay $0x3  }
0x34: {  	[smem:$0x3FB5] =	sst s10  }
0x35: {  	s10 =	sld [smem:$0x3FB4];
	_ =	sdelay $0x3  }
0x36: {  	p1 =	seq.s32 s10, $0x1;
	s10 =	sld [smem:$0x3FB5];
	_ =	sdelay $0x3  }
0x37: {  	[smem:$0x3FB5] =	sst s10  }
0x38: {  	s10 =	sld [smem:$0x3FB6]  }
0x39: {  	_ = 	snop;
	(pc) =	sbr.ind lr, $3  }
0x3a: {  	_ = 	snop  }
0x3b: {  	_ = 	snop  }
0x3c: {  	p2 =	seq.s32 s10, $0x1;
	s10 =	sld [smem:$0x3FB5]  }
0x3d: {  	_ =	shalt  }
0x3e: {  	_ =	shalt  }
0x3f: {  	_ =	shalt  }
0x40: {  	_ =	shalt  }
0x41: {  	_ =	shalt  }
0x42: {  	_ =	shalt  }
0x43: {  	_ =	shalt  }
0x44: {  	_ =	shalt  }
0x45: {  	_ =	shalt  }
0x46: {  	_ =	shalt  }
0x47: {  	_ =	shalt  }
0x48: {  	_ =	shalt  }
0x49: {  	_ =	shalt  }
0x4a: {  	_ =	shalt  }
0x4b: {  	_ =	shalt  }
0x4c: {  	_ =	shalt  }
0x4d: {  	_ =	shalt  }
0x4e: {  	_ =	shalt  }
0x4f: {  	_ =	shalt  }
0x50: {  	_ =	shalt  }
0x51: {  	_ =	shalt  }
0x52: {  	_ =	shalt  }
0x53: {  	_ =	shalt  }
0x54: {  	_ =	shalt  }
0x55: {  	_ =	shalt  }
0x56: {  	_ =	shalt  }
0x57: {  	_ =	shalt  }
0x58: {  	_ =	shalt  }
0x59: {  	_ =	shalt  }
0x5a: {  	_ =	shalt  }
0x5b: {  	_ =	shalt  }
0x5c: {  	_ =	shalt  }
0x5d: {  	_ =	shalt  }
0x5e: {  	_ =	shalt  }
0x5f: {  	_ =	shalt  }
0x60: {  	_ =	shalt  }
0x61: {  	_ =	shalt  }
0x62: {  	_ =	shalt  }
0x63: {  	_ =	shalt  }
0x64: {  	_ =	shalt  }
0x65: {  	_ =	shalt  }
0x66: {  	_ =	shalt  }
0x67: {  	_ =	shalt  }
0x68: {  	_ =	shalt  }
0x69: {  	_ =	shalt  }
0x6a: {  	_ =	shalt  }
0x6b: {  	_ =	shalt  }
0x6c: {  	_ =	shalt  }
0x6d: {  	_ =	shalt  }
0x6e: {  	_ =	shalt  }
0x6f: {  	_ =	shalt  }
0x70: {  	_ =	shalt  }
0x71: {  	_ =	shalt  }
0x72: {  	_ =	shalt  }
0x73: {  	_ =	shalt  }
0x74: {  	_ =	shalt  }
0x75: {  	_ =	shalt  }
0x76: {  	_ =	shalt  }
0x77: {  	_ =	shalt  }
0x78: {  	_ =	shalt  }
0x79: {  	_ =	shalt  }
0x7a: {  	_ =	shalt  }
0x7b: {  	_ =	shalt  }
0x7c: {  	_ =	shalt  }
0x7d: {  	_ =	shalt  }
0x7e: {  	_ =	shalt  }
0x7f: {  	_ =	shalt  }
0x80: {  	_ =	shalt  }
0x81: {  	_ =	shalt  }
0x82: {  	_ =	shalt  }
0x83: {  	_ =	shalt  }
0x84: {  	_ =	shalt  }
0x85: {  	_ =	shalt  }
0x86: {  	_ =	shalt  }
0x87: {  	_ =	shalt  }
.Lfunc_end0:
.L_simem_size_0:
called_computation_lowered:
.L_overlay_start_0:
0x88: {  	s2 =	sld [smem:$0x3FD9]  }
0x89: {  	s3 =	sld [smem:$0x3FFE];
	_ =	sdelay $0x1  }
0x8a: {  	s1 =	srdreg.scid  }
0x8b: {  	s0 =	sand.u32 $0x1, s1  }
0x8c: {  	s17 =	sshll.u32 s0, $0xA;
	s2 =	sadd.s32 s3, s2  }
0x8d: {  	s2 =	sadd.s32 s2, s17  }
0x8e: {  	[smem:$0x3FC1] =	sst s2  }
0x8f: {  	_ = 	snop  }
0x90: {  	s2 =	sld [smem:$0x3FC7];
	(tm) =	ssettm $0x1  }
0x91: {  	s18 =	sld [smem:$0x3FFB];
	_ =	sdelay $0x3  }
0x92: {  	_ =	strace s18  }
0x93: {  	s3 =	sld [smem:$0x3FFC];
	_ =	sdelay $0x3  }
0x94: {  	_ =	strace s3  }
0x95: {  	s3 =	sld [smem:$0x3FFD];
	_ =	sdelay $0x3  }
0x96: {  	_ =	strace s3  }
0x97: {  	_ =	strace $0x8FFFFFFF  }
0x98: {  	s19 =	sld [smem:$0x3FDB];
	_ =	sdelay $0x1  }
0x99: {  	s4 =	simm.s32 $_scs_section_size  }
0x9a: {  	s5 =	simm.s32 $_size__tile_overlayer_lowered;
	s6 =	simm.s32 $_tile_overlayer_lowered  }
0x9b: {  	s22 =	simm.s32 $0x1BFF;
	s21 =	sshll.u32 s6, $0x1;
	s3 =	sadd.s32 s4, s19  }
0x9c: {  	s7 =	simm.s32 $0x0;
	s20 =	sshll.u32 s5, $0x1;
	s5 =	sadd.s32 s21, s3  }
0x9d: {  	[timem:s7], [sflag:s22] =	dma.local [hbm:s5], s20  }
0x9e: {  	_ =	swait.ge [sflag:s22], s20  }
0x9f: {  	s4 =	ssub.s32 $0x0, s20;
	[sflag:s22] =	ssyncset.done $0x0  }
0xa0: {  	[sflag:s22] =	ssyncadd.s32 s4;
	_ =	sdelay $0x1  }
0xa1: {  	s23 =	simm.s32 $0x1B8B  }
0xa2: {  	_ =	swait.ge [sflag:s23], $0x1  }
0xa3: {  	[sflag:s23] =	ssyncset.done $0x0  }
0xa4: {  	s25 =	simm.s32 $0x1B8E;
	s24 =	sld [smem:$0x3FFE];
	[sflag:s23] =	ssyncadd.s32 $0xFFFFFFFF  }
0xa5: {  	s26 =	simm.s32 $execute0_lowered;
	[smem:$0x3FD2] =	sst s25  }
0xa6: {  	s5 =	sshll.u32 s26, $0x1;
	_ =	strace $0x80000046;
	[dreg:$0x1] =	wrdreg $0xFFFFFFFF  }
0xa7: {  	s28 =	simm.s32 $_size_execute0_lowered;
	s3 =	sadd.s32 s3, s5;
	[dreg:$0x0] =	wrdreg $0x0  }
0xa8: {  	s5 =	sshll.u32 s28, $0x1;
	[dreg:$0x2] =	wrdreg s3  }
0xa9: {  	[dreg:$0x3] =	wrdreg s5  }
0xaa: {  	[dreg:$0x4] =	wrdreg $0xC0  }
0xab: {  	_ =	task [dreg:s7], $0x5FFFF  }
0xac: {  	[dreg:$0x1] =	wrdreg $0xFFFFFFFF  }
0xad: {  	[dreg:$0x0] =	wrdreg $0x60  }
0xae: {  	[dreg:$0x2] =	wrdreg s24  }
0xaf: {  	[dreg:$0x3] =	wrdreg s2  }
0xb0: {  	[dreg:$0x4] =	wrdreg $0xAF000  }
0xb1: {  	[dreg:$0x5] =	wrdreg $0x14F000  }
0xb2: {  	[dreg:$0x6] =	wrdreg $0x9  }
0xb3: {  	_ =	task.clear_ibuf [dreg:s7], $0x7FFFF;
	_ =	strace $0x90000046  }
0xb4: {  	s29 =	simm.s32 $0x9;
	_ =	strace $0x80000048  }
0xb5: {  	_ =	swait.ge [sflag:s29], $0x1  }
0xb6: {  	[sflag:s29] =	ssyncadd.s32 $0xFFFFFFFF  }
0xb7: {  	_ =	strace $0x90000048  }
0xb8: {  	_ =	sfence  }
0xb9: {  	s30 =	sld [smem:$0x0];
	_ =	sdelay $0x2  }
0xba: {  	s31 =	sshll.u32 s1, $0xD;
	s1 =	sshrl.u32 s1, $0x2  }
0xbb: {  	s3 =	sand.u32 $0x4000, s31;
	s1 =	sadd.s32 s1, s30  }
0xbc: {  	s0 =	sor.u32 s3, s0;
	s1 =	sshll.u32 s1, $0x11  }
0xbd: {  	s0 =	sor.u32 s1, s0  }
0xbe: {  	s0 =	sadd.s32 $0x8F2B, s0  }
0xbf: {  	[sflag:s0] =	ssyncadd.remote.s32 $0x1  }
0xc0: {  	_ =	sfence.sel $0xFFFF  }
0xc1: {  	[dreg:$0x0] =	wrdreg $0xFFFFFFFF;
	(pc) =	sbr.abs _section_cstart, $3  }
0xc2: {  	[dreg:$0x1] =	wrdreg $0xFFFFFFFF  }
0xc3: {  	_ =	task.clear_ibuf [dreg:s7], $0x2FFFF;
	_ =	strace $0x9FFFFFFF  }
0xc4: {  	(tm) =	ssettm $0x7FFFFFFF  }
0xc5: {  	_ =	shalt  }
tec
execute0_lowered:
.L_overlay_start_1:
0x0: {  	(tag) =	ssettag $0x1  }
0x1: {  	s0 =	rddreg [dreg:$0x0]  }
0x2: {  	s2 =	rddreg [dreg:$0x1]  }
0x3: {  	s1 =	srdreg.scid;
	s3 =	rddreg [dreg:$0x2]  }
0x4: {  	s19 =	stileid.u32;
	s4 =	rddreg [dreg:$0x3];
	s5 =	simm.s32 $0x0  }
0x5: {  	s31 =	simm.s32 $0x4;
	s1 =	sand.u32 $0x1, s1;
	s9 =	smul.u32 $0xA000, s19  }
0x6: {  	[smem:$0x7FF] =	sst s5;
	s7 =	sadd.s32 $0x32E00, s0;
	s8 =	sadd.s32 $0x29000, s0  }
0x7: {  	s10 =	smul.u32 $0xA0000, s1;
	_ =	strace $0x80000047;
	s1 =	ssub.s32 $0x2, s1  }
0x8: {  	s13 =	sshrl.u32 s1, $0x1;
	s16 =	sadd.s32 $0x5000, s9;
	s17 =	sadd.s32 $0x7800, s9  }
0x9: {  	s6 =	sadd.s32 s9, s10;
	s1 =	ssub.s32 s1, s13;
	s18 =	sadd.s32 s10, s16  }
0xa: {  	s28 =	sadd.s32 s17, s4;
	s11 =	sshrl.u32 s6, $0x3;
	s6 =	smul.u32 $0x4E20, s19  }
0xb: {  	s18 =	sshrl.u32 s18, $0x3;
	s12 =	sadd.s32 s11, s0;
	s0 =	sadd.s32 $0x3CC00, s0  }
0xc: {  	s29 =	smax.u32 s1, $0x1;
	s1 =	simm.s32 $0xA00;
	s11 =	sadd.s32 s0, s11  }
0xd: {  	s14 =	sshrl.u32 s6, $0x3;
	s26 =	sadd.s32 s0, s18;
	[dreg:$0x9] =	wrdreg s11  }
0xe: {  	s18 =	sshll.u32 s19, $0x6;
	s21 =	sadd.s32 s7, s14;
	[dreg:$0xb] =	wrdreg s26  }
0xf: {  	s19 =	sadd.s32 s9, s3;
	s15 =	sadd.s32 s8, s14;
	[dreg:$0x5] =	wrdreg s21  }
0x10: {  	s22 =	sadd.s32 $0x14, s14;
	s23 =	sadd.s32 s2, s14;
	[dreg:$0x6] =	wrdreg s15  }
0x11: {  	s26 =	sadd.s32 s16, s4;
	s30 =	sshrl.u32 s19, $0x3;
	[dreg:$0x7] =	wrdreg s23  }
0x12: {  	s24 =	sadd.s32 s7, s22;
	s15 =	sadd.s32 $0x2800, s9;
	s13 =	sadd.s32 s2, s22  }
0x13: {  	s23 =	sor.u32 $0x1C04, s18;
	[dreg:$0x8] =	wrdreg s24;
	s25 =	sadd.s32 s10, s15  }
0x14: {  	s10 =	sadd.s32 s10, s17;
	[dreg:$0xe] =	wrdreg s13;
	s24 =	sadd.s32 s9, s4  }
0x15: {  	s9 =	simm.s32 $0xF00;
	s11 =	sshrl.u32 s25, $0x3;
	s10 =	sshrl.u32 s10, $0x3  }
0x16: {  	s25 =	sadd.s32 s15, s4;
	s11 =	sadd.s32 s0, s11;
	s0 =	sadd.s32 s0, s10  }
.Ltmp0:
0x17: {  	s10 =	sadd.s32 s8, s22;
	[dreg:$0xa] =	wrdreg s11;
	(pc) =	sbr.rel .LBB2_1-.Ltmp0, $4  }
0x18: {  	s22 =	sadd.s32 $0x1000, s12;
	s12 =	simm.s32 $0x0;
	[dreg:$0xc] =	wrdreg s0  }
0x19: {  	[dreg:$0xd] =	wrdreg s10;
	s11 =	sadd.s32 $0x28, s14;
	s0 =	simm.s32 $0xA0  }
0x1a: {  	v1 =	vimm.s32 $0x0;
	vm0 =	vcmask $0x300;
	s10 =	simm.s32 $0x1;
	s14 =	sadd.s32 s7, s11;
	s20 =	sadd.s32 s8, s11  }
0x1b: {  	v0 =	vimm.f32 $0.0e+00;
	v1 =	vsel vm0, $0x3, v1;
	s21 =	sadd.s32 s2, s11;
	s11 =	simm.s32 $0x2;
	[dreg:$0xf] =	wrdreg s14  }
.LBB2_9:
0x1c: {  	_ =	swait.ge [sflag:s11], $0x2800  }
0x1d: {  	[sflag:s11] =	ssyncset.done $0x0  }
0x1e: {  	[sflag:s11] =	ssyncadd.s32 $0xFFFFD800  }
0x1f: {  	_ =	swait.ge [sflag:s11], $0x2800  }
0x20: {  	[sflag:s11] =	ssyncset.done $0x0  }
0x21: {  	[sflag:s11] =	ssyncadd.s32 $0xFFFFD800  }
0x22: {  	[bflag:$0x0] =	sbarrier.arrive $0xFFFF  }
0x23: {  	s13 =	sshrl.u32 s24, $0x3;
	s14 =	rddreg [dreg:$0x9]  }
0x24: {  	[hbm:s14], [sflag:s23] =	dma.local [spmem:s13], $0x500  }
0x25: {  	_ =	swait.ge [sflag:s31], $0x500  }
0x26: {  	[sflag:s31] =	ssyncset.done $0x0  }
0x27: {  	s14 =	sshrl.u32 s25, $0x3;
	s15 =	rddreg [dreg:$0xa];
	[sflag:s31] =	ssyncadd.s32 $0xFFFFFB00  }
0x28: {  	[hbm:s15], [sflag:s23] =	dma.local [spmem:s14], $0x500  }
0x29: {  	_ =	swait.ge [sflag:s31], $0x500  }
0x2a: {  	[sflag:s31] =	ssyncset.done $0x0  }
0x2b: {  	s16 =	sshrl.u32 s26, $0x3;
	s17 =	rddreg [dreg:$0xb];
	[sflag:s31] =	ssyncadd.s32 $0xFFFFFB00  }
0x2c: {  	[hbm:s17], [sflag:s23] =	dma.local [spmem:s16], $0x500  }
0x2d: {  	s12 =	sadd.s32 $0x1, s12;
	_ =	swait.ge [sflag:s31], $0x500  }
0x2e: {  	s18 =	sshrl.u32 s28, $0x3;
	p0 =	sne.s32 s12, s29;
	[sflag:s31] =	ssyncset.done $0x0  }
.Ltmp1:
0x2f: {  	s19 =	rddreg [dreg:$0xc];
	[sflag:s31] =	ssyncadd.s32 $0xFFFFFB00;
	(pc) =	sbr.rel @!p0 .LBB2_10-.Ltmp1, $4  }
0x30: {  	[hbm:s19], [sflag:s23] =	dma.local [spmem:s18], $0x500  }
0x31: {  	_ =	swait.ge [sflag:s31], $0x500  }
0x32: {  	[sflag:s31] =	ssyncset.done $0x0  }
0x33: {  	[sflag:s31] =	ssyncadd.s32 $0xFFFFFB00  }
.LBB2_1:
0x34: {  	s13 =	rddreg [dreg:$0x5]  }
0x35: {  	[tilespmem:s5], [sflag:$0x3] =	stream.linear.gather [hbm4b:s13+s5], $0xA0, $0x38;
	[tilespmem:$0x1EF00] =	vst v63  }
0x36: {  	s15 =	rddreg [dreg:$0x6];
	s14 =	simm.s32 $0x500  }
0x37: {  	[tilespmem:s14], [sflag:$0x3] =	stream.linear.gather [hbm4b:s15+s5], $0xA0, $0x38;
	[tilespmem:$0x1EF00] =	vst v63  }
0x38: {  	s16 =	rddreg [dreg:$0x7]  }
0x39: {  	[tilespmem:s1], [sflag:$0x3] =	stream.linear.gather [hbm4b:s16+s5], $0xA0, $0x38;
	[tilespmem:$0x1EF00] =	vst v63  }
0x3a: {  	s17 =	rddreg [dreg:$0x8]  }
0x3b: {  	[tilespmem:s0], [sflag:$0x3] =	stream.linear.gather [hbm4b:s17+s5], $0xA0, $0x38;
	[tilespmem:$0x1EF00] =	vst v63  }
0x3c: {  	s18 =	rddreg [dreg:$0xd];
	s19 =	simm.s32 $0x5A0  }
0x3d: {  	[tilespmem:s19], [sflag:$0x3] =	stream.linear.gather [hbm4b:s18+s5], $0xA0, $0x38;
	[tilespmem:$0x1EF00] =	vst v63  }
0x3e: {  	s14 =	rddreg [dreg:$0xe];
	s15 =	simm.s32 $0xAA0  }
0x3f: {  	[tilespmem:s15], [sflag:$0x3] =	stream.linear.gather [hbm4b:s14+s5], $0xA0, $0x38;
	[tilespmem:$0x1EF00] =	vst v63  }
0x40: {  	s16 =	rddreg [dreg:$0xf];
	s17 =	simm.s32 $0x140  }
0x41: {  	[tilespmem:s17], [sflag:$0x3] =	stream.linear.gather [hbm4b:s16+s5], $0xA0, $0x38;
	[tilespmem:$0x1EF00] =	vst v63  }
0x42: {  	s18 =	simm.s32 $0x640  }
0x43: {  	[tilespmem:s18], [sflag:$0x3] =	stream.linear.gather [hbm4b:s20+s5], $0xA0, $0x38;
	[tilespmem:$0x1EF00] =	vst v63  }
0x44: {  	s19 =	simm.s32 $0xB40  }
0x45: {  	[tilespmem:s19], [sflag:$0x3] =	stream.linear.gather [hbm4b:s21+s5], $0xA0, $0x38;
	[tilespmem:$0x1EF00] =	vst v63  }
0x46: {  	[spmem:s30], [sflag:s23] =	dma.local [hbm:s22], $0x1400  }
0x47: {  	_ =	swait.ge [sflag:s31], $0x1400  }
0x48: {  	[sflag:s31] =	ssyncset.done $0x0  }
0x49: {  	s13 =	simm.s32 $0x0;
	s14 =	simm.s32 $0x100;
	[sflag:s31] =	ssyncadd.s32 $0xFFFFEC00  }
.LBB2_2:
0x4a: {  	p0 =	sne.s32 s14, $0x9F00;
	[tilespmem:s13+$0xF30] =	vst v0;
	s15 =	smov.u32 s14;
	s14 =	sadd.s32 $0x100, s14  }
.Ltmp2:
0x4b: {  	[tilespmem:s13+$0xF20] =	vst v0;
	(pc) =	sbr.rel @p0 .LBB2_2-.Ltmp2, $3  }
0x4c: {  	[tilespmem:s13+$0xF00] =	vst v0  }
0x4d: {  	[tilespmem:s13+$0xF10] =	vst v0;
	_ =	sdelay $0x1  }
0x4e: {  	s13 =	sshra.s32 s15, $0x2  }
0x4f: {  	[tilespmem:s13+$0xF30] =	vst v0  }
0x50: {  	[tilespmem:s13+$0xF20] =	vst v0  }
0x51: {  	[tilespmem:s13+$0xF00] =	vst v0  }
0x52: {  	[tilespmem:s13+$0xF10] =	vst v0  }
0x53: {  	[spmem:s24] =	stream.linear.scatter [tilespmem:s9], [sflag:$0x4], $0x2800, $0x38;
	[tilespmem:$0x1EF00] =	vst v63  }
0x54: {  	_ =	swait.ge [sflag:s31], $0x2800  }
0x55: {  	[sflag:s31] =	ssyncset.done $0x0  }
0x56: {  	[sflag:s31] =	ssyncadd.s32 $0xFFFFD800  }
0x57: {  	[spmem:s25] =	stream.linear.scatter [tilespmem:s9], [sflag:$0x4], $0x2800, $0x38;
	[tilespmem:$0x1EF00] =	vst v63  }
0x58: {  	_ =	swait.ge [sflag:s31], $0x2800  }
0x59: {  	[sflag:s31] =	ssyncset.done $0x0  }
0x5a: {  	[sflag:s31] =	ssyncadd.s32 $0xFFFFD800  }
0x5b: {  	[spmem:s26] =	stream.linear.scatter [tilespmem:s9], [sflag:$0x4], $0x2800, $0x38;
	[tilespmem:$0x1EF00] =	vst v63  }
0x5c: {  	_ =	swait.ge [sflag:s31], $0x2800  }
0x5d: {  	[sflag:s31] =	ssyncset.done $0x0  }
0x5e: {  	[sflag:s31] =	ssyncadd.s32 $0xFFFFD800  }
0x5f: {  	[spmem:s28] =	stream.linear.scatter [tilespmem:s9], [sflag:$0x4], $0x2800, $0x38;
	[tilespmem:$0x1EF00] =	vst v63  }
.Ltmp3:
0x60: {  	_ =	swait.ge [sflag:s31], $0x2800;
	(pc) =	sbr.rel .LBB2_4-.Ltmp3, $4  }
0x61: {  	[sflag:s31] =	ssyncset.done $0x0  }
0x62: {  	[sflag:s31] =	ssyncadd.s32 $0xFFFFD800  }
0x63: {  	[bflag:$0x0] =	sbarrier.arrive $0xFFFF  }
0x64: {  	s13 =	simm.s32 $0x0;
	s14 =	simm.s32 $0x2  }
.LBB2_8:
0x65: {  	s13 =	sadd.s32 $0x1, s13  }
0x66: {  	p0 =	sne.s32 s13, $0x7F  }
.Ltmp4:
0x67: {  	_ = 	snop;
	(pc) =	sbr.rel @!p0 .LBB2_9-.Ltmp4, $2  }
0x68: {  	_ =	sdelay $0x2  }
0x69: {  	s14 =	sadd.s32 $0x1, s14  }
.LBB2_4:
0x6a: {  	p1 =	slt.u32 s13, $0x4  }
0x6b: {  	s15 =	simm.s32 @!p1 $0x2  }
0x6c: {  	p0 =	sgt.u32 @!p1 s13, $0x7C;
	_ =	swait.ge @!p1 [sflag:s15], $0x2800  }
0x6d: {  	p0 =	por p1, !p0;
	[sflag:s15] =	ssyncset.done @!p1 $0x0  }
0x6e: {  	[sflag:s15] =	ssyncadd.s32 @!p1 $0xFFFFD800;
	s15 =	simm.s32 @p0 $0x3  }
0x6f: {  	_ =	swait.ge @p0 [sflag:s15], $0xA0  }
0x70: {  	[sflag:s15] =	ssyncset.done @p0 $0x0  }
0x71: {  	[sflag:s15] =	ssyncadd.s32 @p0 $0xFFFFFF60  }
0x72: {  	_ =	swait.ge @p0 [sflag:s15], $0xA0  }
0x73: {  	s16 =	sand.u32 @p0 $0x7, s13;
	[sflag:s15] =	ssyncset.done @p0 $0x0  }
0x74: {  	s17 =	sand.u32 @p0 $0x3, s13;
	s18 =	simm.s32 @p0 $0xA0;
	[sflag:s15] =	ssyncadd.s32 @p0 $0xFFFFFF60  }
0x75: {  	s17 =	smul.u32 @p0 $0xA000, s17;
	p1 =	sgt.u32 @p0 s13, $0x79;
	_ =	swait.ge @p0 [sflag:s15], $0xA0  }
0x76: {  	s16 =	smul.u32 @p0 $0x280, s16;
	p1 =	por !p0, p1;
	[sflag:s15] =	ssyncset.done @p0 $0x0  }
0x77: {  	[sflag:s15] =	ssyncadd.s32 @p0 $0xFFFFFF60;
	s15 =	sshrl.u32 @p0 s17, $0x2;
	s17 =	sadd.s32 @!p1 $0x3, s13  }
0x78: {  	s16 =	sshrl.u32 @p0 s16, $0x2;
	s15 =	sadd.s32 @p0 $0xF00, s15;
	s19 =	smul.u32 @!p1 $0xA0, s17  }
0x79: {  	[tilespmem:s15], [sflag:$0x1] =	stream.indirect.gather @p0 [spmem:s3], $0x40, s16, s18, $0xb8;
	[tilespmem:$0x1EF00] =	vst v63  }
0x7a: {  	s15 =	sand.u32 @!p1 $0x7, s17;
	s16 =	sadd.s32 @!p1 s6, s19  }
0x7b: {  	p0 =	slt.u32 @!p1 s13, $0x2;
	s15 =	smul.u32 @!p1 $0xA0, s15;
	s16 =	sshrl.u32 @!p1 s16, $0x3  }
0x7c: {  	s18 =	simm.s32 @!p1 $0x0;
	p0 =	por p1, !p0;
	s17 =	sadd.s32 @!p1 s7, s16  }
0x7d: {  	[tilespmem:s15], [sflag:$0x3] =	stream.linear.gather @!p1 [hbm4b:s17+s18], $0xA0, $0x38;
	[tilespmem:$0x1EF00] =	vst v63  }
.Ltmp5:
0x7e: {  	_ = 	snop;
	(pc) =	sbr.rel @!p0 .LBB2_8-.Ltmp5, $4  }
0x7f: {  	s19 =	sadd.s32 @!p1 s8, s16;
	s17 =	sadd.s32 @!p1 $0x500, s15  }
0x80: {  	[tilespmem:s17], [sflag:$0x3] =	stream.linear.gather @!p1 [hbm4b:s19+s18], $0xA0, $0x38;
	[tilespmem:$0x1EF00] =	vst v63  }
0x81: {  	s16 =	sadd.s32 @!p1 s2, s16;
	s15 =	sadd.s32 @!p1 $0xA00, s15  }
0x82: {  	[tilespmem:s15], [sflag:$0x3] =	stream.linear.gather @!p1 [hbm4b:s16+s18], $0xA0, $0x38;
	[tilespmem:$0x1EF00] =	vst v63  }
0x83: {  	s16 =	sadd.s32 $0xFFFFFFFE, s13  }
0x84: {  	s15 =	sand.u32 $0x7, s16  }
0x85: {  	s17 =	sand.u32 $0x3, s14;
	v2 =	vmov s15  }
0x86: {  	s17 =	smul.u32 $0xA000, s17;
	s16 =	sand.u32 $0x3, s16;
	v2 =	vmul.u32 $0xA0, v2  }
0x87: {  	_ =	swait.ge [sflag:s10], $0x2800;
	s18 =	smul.u32 $0xA000, s16  }
0x88: {  	[sflag:s10] =	ssyncset.done $0x0;
	v3 =	vor.u32 $0x1, v2  }
0x89: {  	[sflag:s10] =	ssyncadd.s32 $0xFFFFD800;
	s17 =	sshrl.u32 s17, $0x2;
	s19 =	sshrl.u32 s18, $0x2;
	v4 =	vor.u32 $0x2, v2;
	v5 =	vor.u32 $0x3, v2;
	v6 =	vor.u32 $0x4, v2  }
0x8a: {  	s16 =	sadd.s32 $0x1100, s17;
	s18 =	simm.s32 $0xF;
	s17 =	sadd.s32 $0xF00, s19;
	v7 =	vor.u32 $0x5, v2;
	v8 =	vor.u32 $0x6, v2;
	v9 =	vor.u32 $0x7, v2  }
.LBB2_6:
0x8b: {  	s19 =	sadd.s32 $0xFFFFFFF1, s18  }
0x8c: {  	v10 =	vmov s19  }
0x8d: {  	v10 =	vshrl.u32 v10, $0x3  }
0x8e: {  	v10 =	vshll.u32 v10, v1  }
0x8f: {  	v10 =	vadd.s32 v2, v10  }
0x90: {  	v10 =	vbroadcast v10, $0x0;
	_ =	sdelay $0x4  }
0x91: {  	v11 =	vld [tilespmem:s16+$0xFFFFFE00]  }
0x92: {  	v10 =	vld.idx.msk [tilespmem:v10+s1+$0x0], $0xffff;
	_ =	sdelay $0x4  }
0x93: {  	v11 =	vmul.f32 v11, v10;
	_ =	sdelay $0x1  }
0x94: {  	[tilespmem:s16+$0xFFFFFE00] =	vst v11;
	v11 =	vld [tilespmem:s16+$0xFFFFFE10];
	_ =	sdelay $0x4  }
0x95: {  	v11 =	vmul.f32 v11, v10;
	_ =	sdelay $0x1  }
0x96: {  	[tilespmem:s16+$0xFFFFFE10] =	vst v11;
	v11 =	vld [tilespmem:s16+$0xFFFFFE20];
	_ =	sdelay $0x4  }
0x97: {  	s19 =	sadd.s32 $0xFFFFFFF2, s18;
	v11 =	vmul.f32 v11, v10  }
0x98: {  	v12 =	vmov s19  }
0x99: {  	[tilespmem:s16+$0xFFFFFE20] =	vst v11;
	v11 =	vshrl.u32 v12, $0x3  }
0x9a: {  	v35 =	vld [tilespmem:s16+$0xFFFFFE30];
	v11 =	vshll.u32 v11, v1  }
0x9b: {  	v11 =	vadd.s32 v11, v3  }
0x9c: {  	v11 =	vbroadcast v11, $0x0;
	_ =	sdelay $0x2  }
0x9d: {  	v10 =	vmul.f32 v35, v10;
	_ =	sdelay $0x1  }
0x9e: {  	[tilespmem:s16+$0xFFFFFE30] =	vst v10  }
0x9f: {  	v10 =	vld.idx.msk [tilespmem:v11+s1+$0x0], $0xffff  }
0xa0: {  	v11 =	vld [tilespmem:s16+$0xFFFFFE40];
	_ =	sdelay $0x4  }
0xa1: {  	v11 =	vmul.f32 v11, v10;
	_ =	sdelay $0x1  }
0xa2: {  	[tilespmem:s16+$0xFFFFFE40] =	vst v11;
	v11 =	vld [tilespmem:s16+$0xFFFFFE50];
	_ =	sdelay $0x4  }
0xa3: {  	v11 =	vmul.f32 v11, v10;
	_ =	sdelay $0x1  }
0xa4: {  	[tilespmem:s16+$0xFFFFFE50] =	vst v11;
	v11 =	vld [tilespmem:s16+$0xFFFFFE60];
	_ =	sdelay $0x4  }
0xa5: {  	s19 =	sadd.s32 $0xFFFFFFF3, s18;
	v11 =	vmul.f32 v11, v10  }
0xa6: {  	v36 =	vmov s19  }
0xa7: {  	[tilespmem:s16+$0xFFFFFE60] =	vst v11;
	v11 =	vshrl.u32 v36, $0x3  }
0xa8: {  	v37 =	vld [tilespmem:s16+$0xFFFFFE70];
	v11 =	vshll.u32 v11, v1  }
0xa9: {  	v11 =	vadd.s32 v11, v4  }
0xaa: {  	v11 =	vbroadcast v11, $0x0;
	_ =	sdelay $0x2  }
0xab: {  	v10 =	vmul.f32 v37, v10;
	_ =	sdelay $0x1  }
0xac: {  	[tilespmem:s16+$0xFFFFFE70] =	vst v10  }
0xad: {  	v10 =	vld.idx.msk [tilespmem:v11+s1+$0x0], $0xffff  }
0xae: {  	v11 =	vld [tilespmem:s16+$0xFFFFFE80];
	_ =	sdelay $0x4  }
0xaf: {  	v11 =	vmul.f32 v11, v10;
	_ =	sdelay $0x1  }
0xb0: {  	[tilespmem:s16+$0xFFFFFE80] =	vst v11;
	v11 =	vld [tilespmem:s16+$0xFFFFFE90];
	_ =	sdelay $0x4  }
0xb1: {  	v11 =	vmul.f32 v11, v10;
	_ =	sdelay $0x1  }
0xb2: {  	[tilespmem:s16+$0xFFFFFE90] =	vst v11;
	v11 =	vld [tilespmem:s16+$0xFFFFFEA0];
	_ =	sdelay $0x4  }
0xb3: {  	s19 =	sadd.s32 $0xFFFFFFF4, s18;
	v11 =	vmul.f32 v11, v10  }
0xb4: {  	v38 =	vmov s19  }
0xb5: {  	[tilespmem:s16+$0xFFFFFEA0] =	vst v11;
	v11 =	vshrl.u32 v38, $0x3  }
0xb6: {  	v39 =	vld [tilespmem:s16+$0xFFFFFEB0];
	v11 =	vshll.u32 v11, v1  }
0xb7: {  	v11 =	vadd.s32 v11, v5  }
0xb8: {  	v11 =	vbroadcast v11, $0x0;
	_ =	sdelay $0x2  }
0xb9: {  	v10 =	vmul.f32 v39, v10;
	_ =	sdelay $0x1  }
0xba: {  	[tilespmem:s16+$0xFFFFFEB0] =	vst v10  }
0xbb: {  	v10 =	vld.idx.msk [tilespmem:v11+s1+$0x0], $0xffff  }
0xbc: {  	v11 =	vld [tilespmem:s16+$0xFFFFFEC0];
	_ =	sdelay $0x4  }
0xbd: {  	v11 =	vmul.f32 v11, v10;
	_ =	sdelay $0x1  }
0xbe: {  	[tilespmem:s16+$0xFFFFFEC0] =	vst v11;
	v11 =	vld [tilespmem:s16+$0xFFFFFED0];
	_ =	sdelay $0x4  }
0xbf: {  	v11 =	vmul.f32 v11, v10;
	_ =	sdelay $0x1  }
0xc0: {  	[tilespmem:s16+$0xFFFFFED0] =	vst v11;
	v11 =	vld [tilespmem:s16+$0xFFFFFEE0];
	_ =	sdelay $0x4  }
0xc1: {  	s19 =	sadd.s32 $0xFFFFFFF5, s18;
	v11 =	vmul.f32 v11, v10  }
0xc2: {  	v40 =	vmov s19  }
0xc3: {  	[tilespmem:s16+$0xFFFFFEE0] =	vst v11;
	v11 =	vshrl.u32 v40, $0x3  }
0xc4: {  	v41 =	vld [tilespmem:s16+$0xFFFFFEF0];
	v11 =	vshll.u32 v11, v1  }
0xc5: {  	v11 =	vadd.s32 v11, v6  }
0xc6: {  	v11 =	vbroadcast v11, $0x0;
	_ =	sdelay $0x2  }
0xc7: {  	v10 =	vmul.f32 v41, v10;
	_ =	sdelay $0x1  }
0xc8: {  	[tilespmem:s16+$0xFFFFFEF0] =	vst v10  }
0xc9: {  	v10 =	vld.idx.msk [tilespmem:v11+s1+$0x0], $0xffff  }
0xca: {  	v11 =	vld [tilespmem:s16+$0xFFFFFF00];
	_ =	sdelay $0x4  }
0xcb: {  	v11 =	vmul.f32 v11, v10;
	_ =	sdelay $0x1  }
0xcc: {  	[tilespmem:s16+$0xFFFFFF00] =	vst v11;
	v11 =	vld [tilespmem:s16+$0xFFFFFF10];
	_ =	sdelay $0x4  }
0xcd: {  	v11 =	vmul.f32 v11, v10;
	_ =	sdelay $0x1  }
0xce: {  	[tilespmem:s16+$0xFFFFFF10] =	vst v11;
	v11 =	vld [tilespmem:s16+$0xFFFFFF20];
	_ =	sdelay $0x4  }
0xcf: {  	s19 =	sadd.s32 $0xFFFFFFF6, s18;
	v11 =	vmul.f32 v11, v10  }
0xd0: {  	v42 =	vmov s19  }
0xd1: {  	[tilespmem:s16+$0xFFFFFF20] =	vst v11;
	v11 =	vshrl.u32 v42, $0x3  }
0xd2: {  	v43 =	vld [tilespmem:s16+$0xFFFFFF30];
	v11 =	vshll.u32 v11, v1  }
0xd3: {  	v11 =	vadd.s32 v11, v7  }
0xd4: {  	v11 =	vbroadcast v11, $0x0;
	_ =	sdelay $0x2  }
0xd5: {  	v10 =	vmul.f32 v43, v10;
	_ =	sdelay $0x1  }
0xd6: {  	[tilespmem:s16+$0xFFFFFF30] =	vst v10  }
0xd7: {  	v10 =	vld.idx.msk [tilespmem:v11+s1+$0x0], $0xffff  }
0xd8: {  	v11 =	vld [tilespmem:s16+$0xFFFFFF40];
	_ =	sdelay $0x4  }
0xd9: {  	v11 =	vmul.f32 v11, v10;
	_ =	sdelay $0x1  }
0xda: {  	[tilespmem:s16+$0xFFFFFF40] =	vst v11;
	v11 =	vld [tilespmem:s16+$0xFFFFFF50];
	_ =	sdelay $0x4  }
0xdb: {  	v11 =	vmul.f32 v11, v10;
	_ =	sdelay $0x1  }
0xdc: {  	[tilespmem:s16+$0xFFFFFF50] =	vst v11;
	v11 =	vld [tilespmem:s16+$0xFFFFFF60];
	_ =	sdelay $0x4  }
0xdd: {  	s19 =	sadd.s32 $0xFFFFFFF7, s18;
	v11 =	vmul.f32 v11, v10  }
0xde: {  	v44 =	vmov s19  }
0xdf: {  	[tilespmem:s16+$0xFFFFFF60] =	vst v11;
	v11 =	vshrl.u32 v44, $0x3  }
0xe0: {  	v45 =	vld [tilespmem:s16+$0xFFFFFF70];
	v11 =	vshll.u32 v11, v1  }
0xe1: {  	v11 =	vadd.s32 v11, v8  }
0xe2: {  	v11 =	vbroadcast v11, $0x0;
	_ =	sdelay $0x2  }
0xe3: {  	v10 =	vmul.f32 v45, v10;
	_ =	sdelay $0x1  }
0xe4: {  	[tilespmem:s16+$0xFFFFFF70] =	vst v10  }
0xe5: {  	v10 =	vld.idx.msk [tilespmem:v11+s1+$0x0], $0xffff  }
0xe6: {  	v11 =	vld [tilespmem:s16+$0xFFFFFF80];
	_ =	sdelay $0x4  }
0xe7: {  	v11 =	vmul.f32 v11, v10;
	_ =	sdelay $0x1  }
0xe8: {  	[tilespmem:s16+$0xFFFFFF80] =	vst v11;
	v11 =	vld [tilespmem:s16+$0xFFFFFF90];
	_ =	sdelay $0x4  }
0xe9: {  	v11 =	vmul.f32 v11, v10;
	_ =	sdelay $0x1  }
0xea: {  	[tilespmem:s16+$0xFFFFFF90] =	vst v11;
	v11 =	vld [tilespmem:s16+$0xFFFFFFA0];
	_ =	sdelay $0x4  }
0xeb: {  	s19 =	sadd.s32 $0xFFFFFFF8, s18;
	v11 =	vmul.f32 v11, v10  }
0xec: {  	v46 =	vmov s19  }
0xed: {  	[tilespmem:s16+$0xFFFFFFA0] =	vst v11;
	v11 =	vshrl.u32 v46, $0x3  }
0xee: {  	v47 =	vld [tilespmem:s16+$0xFFFFFFB0];
	v11 =	vshll.u32 v11, v1  }
0xef: {  	v11 =	vadd.s32 v11, v9  }
0xf0: {  	v11 =	vbroadcast v11, $0x0;
	_ =	sdelay $0x2  }
0xf1: {  	v10 =	vmul.f32 v47, v10;
	_ =	sdelay $0x1  }
0xf2: {  	[tilespmem:s16+$0xFFFFFFB0] =	vst v10  }
0xf3: {  	v10 =	vld.idx.msk [tilespmem:v11+s1+$0x0], $0xffff  }
0xf4: {  	v11 =	vld [tilespmem:s16+$0xFFFFFFC0];
	_ =	sdelay $0x4  }
0xf5: {  	v11 =	vmul.f32 v11, v10;
	_ =	sdelay $0x1  }
0xf6: {  	[tilespmem:s16+$0xFFFFFFC0] =	vst v11;
	v11 =	vld [tilespmem:s16+$0xFFFFFFD0];
	_ =	sdelay $0x4  }
0xf7: {  	v11 =	vmul.f32 v11, v10;
	_ =	sdelay $0x1  }
0xf8: {  	[tilespmem:s16+$0xFFFFFFD0] =	vst v11;
	v11 =	vld [tilespmem:s16+$0xFFFFFFE0];
	_ =	sdelay $0x4  }
0xf9: {  	s19 =	sadd.s32 $0xFFFFFFF9, s18;
	v11 =	vmul.f32 v11, v10  }
0xfa: {  	v48 =	vmov s19  }
0xfb: {  	[tilespmem:s16+$0xFFFFFFE0] =	vst v11;
	v11 =	vshrl.u32 v48, $0x3  }
0xfc: {  	v49 =	vld [tilespmem:s16+$0xFFFFFFF0];
	v11 =	vshll.u32 v11, v1  }
0xfd: {  	v11 =	vadd.s32 v2, v11  }
0xfe: {  	v11 =	vbroadcast v11, $0x0;
	_ =	sdelay $0x2  }
0xff: {  	v10 =	vmul.f32 v49, v10;
	_ =	sdelay $0x1  }
0x100: {  	[tilespmem:s16+$0xFFFFFFF0] =	vst v10  }
0x101: {  	v10 =	vld.idx.msk [tilespmem:v11+s1+$0x0], $0xffff  }
0x102: {  	v11 =	vld [tilespmem:s16+$0x0];
	_ =	sdelay $0x4  }
0x103: {  	v11 =	vmul.f32 v11, v10;
	_ =	sdelay $0x1  }
0x104: {  	[tilespmem:s16+$0x0] =	vst v11;
	v11 =	vld [tilespmem:s16+$0x10];
	_ =	sdelay $0x4  }
0x105: {  	v11 =	vmul.f32 v11, v10;
	_ =	sdelay $0x1  }
0x106: {  	[tilespmem:s16+$0x10] =	vst v11;
	v11 =	vld [tilespmem:s16+$0x20];
	_ =	sdelay $0x4  }
0x107: {  	s19 =	sadd.s32 $0xFFFFFFFA, s18;
	v11 =	vmul.f32 v11, v10  }
0x108: {  	v50 =	vmov s19  }
0x109: {  	[tilespmem:s16+$0x20] =	vst v11;
	v11 =	vshrl.u32 v50, $0x3  }
0x10a: {  	v51 =	vld [tilespmem:s16+$0x30];
	v11 =	vshll.u32 v11, v1  }
0x10b: {  	v11 =	vadd.s32 v11, v3  }
0x10c: {  	v11 =	vbroadcast v11, $0x0;
	_ =	sdelay $0x2  }
0x10d: {  	v10 =	vmul.f32 v51, v10;
	_ =	sdelay $0x1  }
0x10e: {  	[tilespmem:s16+$0x30] =	vst v10  }
0x10f: {  	v10 =	vld.idx.msk [tilespmem:v11+s1+$0x0], $0xffff  }
0x110: {  	v11 =	vld [tilespmem:s16+$0x40];
	_ =	sdelay $0x4  }
0x111: {  	v11 =	vmul.f32 v11, v10;
	_ =	sdelay $0x1  }
0x112: {  	[tilespmem:s16+$0x40] =	vst v11;
	v11 =	vld [tilespmem:s16+$0x50];
	_ =	sdelay $0x4  }
0x113: {  	v11 =	vmul.f32 v11, v10;
	_ =	sdelay $0x1  }
0x114: {  	[tilespmem:s16+$0x50] =	vst v11;
	v11 =	vld [tilespmem:s16+$0x60];
	_ =	sdelay $0x4  }
0x115: {  	s19 =	sadd.s32 $0xFFFFFFFB, s18;
	v11 =	vmul.f32 v11, v10  }
0x116: {  	v52 =	vmov s19  }
0x117: {  	[tilespmem:s16+$0x60] =	vst v11;
	v11 =	vshrl.u32 v52, $0x3  }
0x118: {  	v53 =	vld [tilespmem:s16+$0x70];
	v11 =	vshll.u32 v11, v1  }
0x119: {  	v11 =	vadd.s32 v11, v4  }
0x11a: {  	v11 =	vbroadcast v11, $0x0;
	_ =	sdelay $0x2  }
0x11b: {  	v10 =	vmul.f32 v53, v10;
	_ =	sdelay $0x1  }
0x11c: {  	[tilespmem:s16+$0x70] =	vst v10  }
0x11d: {  	v10 =	vld.idx.msk [tilespmem:v11+s1+$0x0], $0xffff  }
0x11e: {  	v11 =	vld [tilespmem:s16+$0x80];
	_ =	sdelay $0x4  }
0x11f: {  	v11 =	vmul.f32 v11, v10;
	_ =	sdelay $0x1  }
0x120: {  	[tilespmem:s16+$0x80] =	vst v11;
	v11 =	vld [tilespmem:s16+$0x90];
	_ =	sdelay $0x4  }
0x121: {  	v11 =	vmul.f32 v11, v10;
	_ =	sdelay $0x1  }
0x122: {  	[tilespmem:s16+$0x90] =	vst v11;
	v11 =	vld [tilespmem:s16+$0xA0];
	_ =	sdelay $0x4  }
0x123: {  	s19 =	sadd.s32 $0xFFFFFFFC, s18;
	v11 =	vmul.f32 v11, v10  }
0x124: {  	v54 =	vmov s19  }
0x125: {  	[tilespmem:s16+$0xA0] =	vst v11;
	v11 =	vshrl.u32 v54, $0x3  }
0x126: {  	v55 =	vld [tilespmem:s16+$0xB0];
	v11 =	vshll.u32 v11, v1  }
0x127: {  	v11 =	vadd.s32 v11, v5  }
0x128: {  	v11 =	vbroadcast v11, $0x0;
	_ =	sdelay $0x2  }
0x129: {  	v10 =	vmul.f32 v55, v10;
	_ =	sdelay $0x1  }
0x12a: {  	[tilespmem:s16+$0xB0] =	vst v10  }
0x12b: {  	v10 =	vld.idx.msk [tilespmem:v11+s1+$0x0], $0xffff  }
0x12c: {  	v11 =	vld [tilespmem:s16+$0xC0];
	_ =	sdelay $0x4  }
0x12d: {  	v11 =	vmul.f32 v11, v10;
	_ =	sdelay $0x1  }
0x12e: {  	[tilespmem:s16+$0xC0] =	vst v11;
	v11 =	vld [tilespmem:s16+$0xD0];
	_ =	sdelay $0x4  }
0x12f: {  	v11 =	vmul.f32 v11, v10;
	_ =	sdelay $0x1  }
0x130: {  	[tilespmem:s16+$0xD0] =	vst v11;
	v11 =	vld [tilespmem:s16+$0xE0];
	_ =	sdelay $0x4  }
0x131: {  	s19 =	sadd.s32 $0xFFFFFFFD, s18;
	v11 =	vmul.f32 v11, v10  }
0x132: {  	v56 =	vmov s19  }
0x133: {  	[tilespmem:s16+$0xE0] =	vst v11;
	v11 =	vshrl.u32 v56, $0x3  }
0x134: {  	v57 =	vld [tilespmem:s16+$0xF0];
	v11 =	vshll.u32 v11, v1  }
0x135: {  	v11 =	vadd.s32 v11, v6  }
0x136: {  	v11 =	vbroadcast v11, $0x0;
	_ =	sdelay $0x2  }
0x137: {  	v10 =	vmul.f32 v57, v10;
	_ =	sdelay $0x1  }
0x138: {  	[tilespmem:s16+$0xF0] =	vst v10  }
0x139: {  	v10 =	vld.idx.msk [tilespmem:v11+s1+$0x0], $0xffff  }
0x13a: {  	v11 =	vld [tilespmem:s16+$0x100];
	_ =	sdelay $0x4  }
0x13b: {  	v11 =	vmul.f32 v11, v10;
	_ =	sdelay $0x1  }
0x13c: {  	[tilespmem:s16+$0x100] =	vst v11;
	v11 =	vld [tilespmem:s16+$0x110];
	_ =	sdelay $0x4  }
0x13d: {  	v11 =	vmul.f32 v11, v10;
	_ =	sdelay $0x1  }
0x13e: {  	[tilespmem:s16+$0x110] =	vst v11;
	v11 =	vld [tilespmem:s16+$0x120];
	_ =	sdelay $0x4  }
0x13f: {  	s19 =	sadd.s32 $0xFFFFFFFE, s18;
	v11 =	vmul.f32 v11, v10  }
0x140: {  	v58 =	vmov s19  }
0x141: {  	[tilespmem:s16+$0x120] =	vst v11;
	v11 =	vshrl.u32 v58, $0x3  }
0x142: {  	v59 =	vld [tilespmem:s16+$0x130];
	v11 =	vshll.u32 v11, v1  }
0x143: {  	v11 =	vadd.s32 v11, v7  }
0x144: {  	v11 =	vbroadcast v11, $0x0;
	_ =	sdelay $0x2  }
0x145: {  	v10 =	vmul.f32 v59, v10;
	_ =	sdelay $0x1  }
0x146: {  	[tilespmem:s16+$0x130] =	vst v10  }
0x147: {  	v10 =	vld.idx.msk [tilespmem:v11+s1+$0x0], $0xffff  }
0x148: {  	v11 =	vld [tilespmem:s16+$0x140];
	_ =	sdelay $0x4  }
0x149: {  	v11 =	vmul.f32 v11, v10;
	_ =	sdelay $0x1  }
0x14a: {  	[tilespmem:s16+$0x140] =	vst v11;
	v11 =	vld [tilespmem:s16+$0x150];
	_ =	sdelay $0x4  }
0x14b: {  	v11 =	vmul.f32 v11, v10;
	_ =	sdelay $0x1  }
0x14c: {  	[tilespmem:s16+$0x150] =	vst v11;
	v11 =	vld [tilespmem:s16+$0x160];
	_ =	sdelay $0x4  }
0x14d: {  	s19 =	sadd.s32 $0xFFFFFFFF, s18;
	v11 =	vmul.f32 v11, v10  }
0x14e: {  	v60 =	vmov s19  }
0x14f: {  	[tilespmem:s16+$0x160] =	vst v11;
	v11 =	vshrl.u32 v60, $0x3  }
0x150: {  	v61 =	vld [tilespmem:s16+$0x170];
	v11 =	vshll.u32 v11, v1  }
0x151: {  	v11 =	vadd.s32 v11, v8  }
0x152: {  	v11 =	vbroadcast v11, $0x0;
	_ =	sdelay $0x2  }
0x153: {  	v10 =	vmul.f32 v61, v10;
	_ =	sdelay $0x1  }
0x154: {  	[tilespmem:s16+$0x170] =	vst v10  }
0x155: {  	v10 =	vld.idx.msk [tilespmem:v11+s1+$0x0], $0xffff  }
0x156: {  	v11 =	vld [tilespmem:s16+$0x180];
	_ =	sdelay $0x4  }
0x157: {  	v11 =	vmul.f32 v11, v10;
	_ =	sdelay $0x1  }
0x158: {  	[tilespmem:s16+$0x180] =	vst v11;
	v11 =	vld [tilespmem:s16+$0x190];
	_ =	sdelay $0x4  }
0x159: {  	v11 =	vmul.f32 v11, v10;
	_ =	sdelay $0x1  }
0x15a: {  	[tilespmem:s16+$0x190] =	vst v11;
	v11 =	vld [tilespmem:s16+$0x1A0];
	_ =	sdelay $0x4  }
0x15b: {  	v11 =	vmul.f32 v11, v10  }
0x15c: {  	v62 =	vmov s18  }
0x15d: {  	[tilespmem:s16+$0x1A0] =	vst v11;
	v11 =	vshrl.u32 v62, $0x3  }
0x15e: {  	v63 =	vld [tilespmem:s16+$0x1B0];
	v11 =	vshll.u32 v11, v1  }
0x15f: {  	v11 =	vadd.s32 v11, v9  }
0x160: {  	v11 =	vbroadcast v11, $0x0;
	_ =	sdelay $0x2  }
0x161: {  	v10 =	vmul.f32 v63, v10;
	_ =	sdelay $0x1  }
0x162: {  	[tilespmem:s16+$0x1B0] =	vst v10  }
0x163: {  	v10 =	vld.idx.msk [tilespmem:v11+s1+$0x0], $0xffff  }
0x164: {  	v11 =	vld [tilespmem:s16+$0x1C0];
	_ =	sdelay $0x4  }
0x165: {  	v11 =	vmul.f32 v11, v10;
	_ =	sdelay $0x1  }
0x166: {  	[tilespmem:s16+$0x1C0] =	vst v11;
	v11 =	vld [tilespmem:s16+$0x1D0];
	_ =	sdelay $0x4  }
0x167: {  	v11 =	vmul.f32 v11, v10;
	_ =	sdelay $0x1  }
0x168: {  	[tilespmem:s16+$0x1D0] =	vst v11;
	v11 =	vld [tilespmem:s16+$0x1E0];
	_ =	sdelay $0x4  }
0x169: {  	v11 =	vmul.f32 v11, v10;
	_ =	sdelay $0x1  }
0x16a: {  	[tilespmem:s16+$0x1E0] =	vst v11;
	v11 =	vld [tilespmem:s16+$0x1F0];
	_ =	sdelay $0x1  }
0x16b: {  	p0 =	sne.s32 s18, $0x9F  }
.Ltmp6:
0x16c: {  	_ = 	snop;
	(pc) =	sbr.rel @p0 .LBB2_6-.Ltmp6, $3  }
0x16d: {  	_ = 	snop  }
0x16e: {  	v10 =	vmul.f32 v11, v10;
	_ =	sdelay $0x1  }
0x16f: {  	s18 =	sadd.s32 $0x10, s18;
	[tilespmem:s16+$0x1F0] =	vst v10;
	s16 =	sadd.s32 $0x400, s16  }
0x170: {  	s15 =	smul.u32 $0x280, s15  }
.Ltmp7:
0x171: {  	_ = 	snop;
	(pc) =	sbr.rel .LBB2_8-.Ltmp7, $4  }
0x172: {  	_ = 	snop  }
0x173: {  	s15 =	sshrl.u32 s15, $0x2  }
0x174: {  	s15 =	sadd.s32 $0x500, s15  }
0x175: {  	[spmem:s4] =	stream.indirect.scatter.add.f32 [tilespmem:s17], [sflag:$0x2], $0x40, s15, s0, $0xb8;
	[tilespmem:$0x1EF00] =	vst v63  }
.LBB2_10:
0x176: {  	_ =	sfence.sel $0x180000  }
0x177: {  	[bflag:$0x0] =	sbarrier.arrive $0xFFFF  }
0x178: {  	_ =	strace $0x90000047  }
0x179: {  	s0 =	stileid.u32;
	[bflag:$0x2] =	sbarrier.arrive $0xFFFF  }
0x17a: {  	p0 =	sne.s32 s0, $0x0;
	s0 =	rddreg [dreg:$0x4]  }
0x17b: {  	s0 =	sadd.s32 @!p0 $0x100000, s0  }
0x17c: {  	[sflag:s0] =	ssyncadd.tile.s32 @!p0 $0x1;
	_ =	shalt  }
.Lfunc_end2:
_tile_overlayer_lowered:
.L_overlay_start_2:
0x17d: {  	(tag) =	ssettag $0x2  }
0x17e: {  	s0 =	rddreg [dreg:$0x0];
	s2 =	stileid.u32  }
0x17f: {  	s1 =	rddreg [dreg:$0x1];
	p0 =	sne.s32 s2, $0x0  }
0x180: {  	s3 =	rddreg [dreg:$0x2];
	[bflag:$0x3] =	sbarrier.arrive $0xFFFF;
	s2 =	simm.s32 @!p0 $0x1C04  }
0x181: {  	[timem:s3], [sflag:s2] =	dma.local @!p0 [hbm:s0], s1  }
0x182: {  	s0 =	simm.s32 @!p0 $0x4  }
0x183: {  	_ =	swait.ge @!p0 [sflag:s0], s1  }
0x184: {  	s1 =	ssub.s32 @!p0 $0x0, s1;
	[sflag:s0] =	ssyncset.done @!p0 $0x0  }
0x185: {  	[sflag:s0] =	ssyncadd.s32 @!p0 s1  }
0x186: {  	[bflag:$0x3] =	sbarrier.arrive $0xFFFF  }
0x187: {  	_ =	shalt  }

</sc_bundles>
